<compile_context>
chip_gen: v7x
topology: tpu7x:2x2x1
jax: 0.10.2.dev20260603
libtpu: 0.0.44.dev20260713+nightly
codegen_flags: <defaults>
</compile_context>

<pallas_src>
import functools

import jax
import jax.numpy as jnp
from jax import lax
from jax.experimental import pallas as pl
from jax.experimental.pallas import tpu as pltpu
from jax.experimental.pallas import tpu_sc as plsc

NC = 2
NS = 16
NW = NC * NS
IB = 128
IXR = 16


def _mesh():
    return plsc.VectorSubcoreMesh(
        core_axis_name="c", subcore_axis_name="s",
        num_cores=NC, num_subcores=NS)


@functools.lru_cache(maxsize=None)
def _make_agg(D, EW, NP):
    NO = EW // (IB * IXR)
    ZR = NP // NS

    def body(y_hbm, srcr_hbm, dstr_hbm, zero_hbm, out_hbm,
             src_v, dst_v, rows0, rows1, acc_sh, sem0, sem1):
        c = lax.axis_index("c")
        s = lax.axis_index("s")
        wid = s * NC + c
        pltpu.sync_copy(zero_hbm, acc_sh.at[pl.ds(s * ZR, ZR)])
        plsc.subcore_barrier()

        row_base = wid * (EW // IB)
        bufs = (rows0, rows1)
        sems = (sem0, sem1)

        @pl.loop(0, NO)
        def _blk(o):
            r0 = row_base + o * IXR
            pltpu.sync_copy(srcr_hbm.at[pl.ds(r0, IXR)], src_v)
            pltpu.sync_copy(dstr_hbm.at[pl.ds(r0, IXR)], dst_v)
            cps = [None] * IXR
            cps[0] = pltpu.async_copy(y_hbm.at[src_v.at[0]], bufs[0], sem0)
            for j in range(IXR):
                if j + 1 < IXR:
                    k = (j + 1) % 2
                    cps[j + 1] = pltpu.async_copy(
                        y_hbm.at[src_v.at[j + 1]], bufs[k], sems[k])
                cps[j].wait()
                pltpu.sync_copy(bufs[j % 2], acc_sh.at[dst_v.at[j]],
                                add=True)

        plsc.subcore_barrier()
        pltpu.sync_copy(acc_sh.at[pl.ds(s * ZR, ZR)],
                        out_hbm.at[c, pl.ds(s * ZR, ZR)])

    return pl.kernel(
        body,
        out_type=jax.ShapeDtypeStruct((NC, NP, D), jnp.float32),
        mesh=_mesh(),
        scratch_types=[
            pltpu.VMEM((IXR, IB), jnp.int32),
            pltpu.VMEM((IXR, IB), jnp.int32),
            pltpu.VMEM((IB, D), jnp.float32),
            pltpu.VMEM((IB, D), jnp.float32),
            pltpu.VMEM_SHARED((NP, D), jnp.float32),
            pltpu.SemaphoreType.DMA,
            pltpu.SemaphoreType.DMA,
        ],
    )


@functools.lru_cache(maxsize=None)
def _make_count(D, EW, NP):
    CH = 256
    SUB = CH // IB
    NCH = EW // CH
    ZR = NP // NS

    def body(dstr_hbm, ones_hbm, zero_hbm, out_hbm, dst_v, ones_v, cnt_sh):
        c = lax.axis_index("c")
        s = lax.axis_index("s")
        wid = s * NC + c
        pltpu.sync_copy(zero_hbm, cnt_sh.at[pl.ds(s * ZR, ZR)])
        pltpu.sync_copy(ones_hbm, ones_v)
        plsc.subcore_barrier()

        row_base = wid * (EW // IB)

        @pl.loop(0, NCH)
        def _chunk(i):
            r0 = row_base + i * SUB
            pltpu.sync_copy(dstr_hbm.at[pl.ds(r0, SUB)], dst_v)
            for j in range(SUB):
                pltpu.sync_copy(ones_v, cnt_sh.at[dst_v.at[j]], add=True)

        plsc.subcore_barrier()
        pltpu.sync_copy(cnt_sh.at[pl.ds(s * ZR, ZR)],
                        out_hbm.at[c, pl.ds(s * ZR, ZR)])

    return pl.kernel(
        body,
        out_type=jax.ShapeDtypeStruct((NC, NP, D), jnp.float32),
        mesh=_mesh(),
        scratch_types=[
            pltpu.VMEM((SUB, IB), jnp.int32),
            pltpu.VMEM((IB, D), jnp.float32),
            pltpu.VMEM_SHARED((NP, D), jnp.float32),
        ],
    )


BR = 2000


def _tc_pre(x, Wl, Wr, b):
    N_, D = x.shape

    def body(x_ref, wl_ref, wr_ref, b_ref, yl_ref, yr_ref):
        xb = x_ref[...]
        yl_ref[...] = jnp.dot(xb, wl_ref[...],
                              preferred_element_type=jnp.float32)
        yr_ref[...] = jnp.dot(xb, wr_ref[...],
                              preferred_element_type=jnp.float32) + b_ref[...]

    return pl.pallas_call(
        body,
        grid=(N_ // BR,),
        in_specs=[
            pl.BlockSpec((BR, D), lambda i: (i, 0)),
            pl.BlockSpec((D, D), lambda i: (0, 0)),
            pl.BlockSpec((D, D), lambda i: (0, 0)),
            pl.BlockSpec((1, D), lambda i: (0, 0)),
        ],
        out_specs=[pl.BlockSpec((BR, D), lambda i: (i, 0))] * 2,
        out_shape=[jax.ShapeDtypeStruct((N_, D), jnp.float32)] * 2,
    )(x, Wl, Wr, b.reshape(1, D))


def _tc_mid(a0, a1, cnt0, cnt1, yrp, Wl, Wr, b):
    N_, D = a0.shape

    def body(a0_ref, a1_ref, c0_ref, c1_ref, yrp_ref, wl_ref, wr_ref, b_ref,
             yl_ref, yr_ref):
        cnt = c0_ref[...] + c1_ref[...]
        inv = 1.0 / jnp.maximum(cnt[:, 0:1], 1.0)
        h = jnp.maximum((a0_ref[...] + a1_ref[...]) * inv + yrp_ref[...], 0.0)
        yl_ref[...] = jnp.dot(h, wl_ref[...],
                              preferred_element_type=jnp.float32)
        yr_ref[...] = jnp.dot(h, wr_ref[...],
                              preferred_element_type=jnp.float32) + b_ref[...]

    return pl.pallas_call(
        body,
        grid=(N_ // BR,),
        in_specs=[
            pl.BlockSpec((BR, D), lambda i: (i, 0)),
            pl.BlockSpec((BR, D), lambda i: (i, 0)),
            pl.BlockSpec((BR, D), lambda i: (i, 0)),
            pl.BlockSpec((BR, D), lambda i: (i, 0)),
            pl.BlockSpec((BR, D), lambda i: (i, 0)),
            pl.BlockSpec((D, D), lambda i: (0, 0)),
            pl.BlockSpec((D, D), lambda i: (0, 0)),
            pl.BlockSpec((1, D), lambda i: (0, 0)),
        ],
        out_specs=[pl.BlockSpec((BR, D), lambda i: (i, 0))] * 2,
        out_shape=[jax.ShapeDtypeStruct((N_, D), jnp.float32)] * 2,
    )(a0, a1, cnt0, cnt1, yrp, Wl, Wr, b.reshape(1, D))


def _tc_post(a0, a1, cnt0, cnt1, yrp):
    N_, D = a0.shape

    def body(a0_ref, a1_ref, c0_ref, c1_ref, yrp_ref, out_ref):
        cnt = c0_ref[...] + c1_ref[...]
        inv = 1.0 / jnp.maximum(cnt[:, 0:1], 1.0)
        out_ref[...] = (a0_ref[...] + a1_ref[...]) * inv + yrp_ref[...]

    return pl.pallas_call(
        body,
        grid=(N_ // BR,),
        in_specs=[
            pl.BlockSpec((BR, D), lambda i: (i, 0)),
            pl.BlockSpec((BR, D), lambda i: (i, 0)),
            pl.BlockSpec((BR, D), lambda i: (i, 0)),
            pl.BlockSpec((BR, D), lambda i: (i, 0)),
            pl.BlockSpec((BR, D), lambda i: (i, 0)),
        ],
        out_specs=pl.BlockSpec((BR, D), lambda i: (i, 0)),
        out_shape=jax.ShapeDtypeStruct((N_, D), jnp.float32),
    )(a0, a1, cnt0, cnt1, yrp)


def kernel(x, edge_index, Wl0, Wr0, b0, Wl1, Wr1, b1, Wl2, Wr2, b2):
    N_, D = x.shape
    E_ = edge_index.shape[1]
    src = edge_index[0]
    dst = edge_index[1]

    EW = -(-E_ // (NW * IB * IXR)) * (IB * IXR)
    E_pad = EW * NW
    NP = -(-(N_ + 1) // (NS * 8)) * (NS * 8)

    pad = E_pad - E_
    src_p = jnp.concatenate([src, jnp.zeros((pad,), jnp.int32)])
    dst_p = jnp.concatenate([dst, jnp.full((pad,), N_, jnp.int32)])
    srcr = src_p.reshape(E_pad // IB, IB)
    dstr = dst_p.reshape(E_pad // IB, IB)
    ZR = NP // NS
    zeroD = jnp.zeros((ZR, D), jnp.float32)
    onesD = jnp.ones((IB, D), jnp.float32)

    agg = _make_agg(D, EW, NP)
    cntp = _make_count(D, EW, NP)(dstr, onesD, zeroD)
    cnt0 = cntp[0, :N_]
    cnt1 = cntp[1, :N_]

    yl, yr = _tc_pre(x, Wl0, Wr0, b0)
    s = agg(yl, srcr, dstr, zeroD)
    yl, yr = _tc_mid(s[0, :N_], s[1, :N_], cnt0, cnt1, yr, Wl1, Wr1, b1)
    s = agg(yl, srcr, dstr, zeroD)
    yl, yr = _tc_mid(s[0, :N_], s[1, :N_], cnt0, cnt1, yr, Wl2, Wr2, b2)
    s = agg(yl, srcr, dstr, zeroD)
    return _tc_post(s[0, :N_], s[1, :N_], cnt0, cnt1, yr)

# --- scband reference (transcript-rebuilt; emitter-appended) ---
"""Pipeline reference for scband-graph-sage-20598663152071 (READ-ONLY COPY).

The authoritative reference and input builder live on the scoring server;
editing this copy changes nothing except your own understanding.
"""

import jax, jax.numpy as jnp
import numpy as np

N = 10000
E = 320000
D = 128


def setup_inputs(seed: int = 0) -> dict:
    key = jax.random.key(seed)
    ks = jax.random.split(key, 12)
    x = jax.random.normal(ks[0], (N, D), dtype=jnp.float32)
    edge_index = jax.random.randint(ks[1], (2, E), 0, N, dtype=jnp.int32)
    s = 1.0 / np.sqrt(D)
    inp = {"x": x, "edge_index": edge_index}
    for i in range(3):
        inp[f"Wl{i}"] = jax.random.normal(ks[2 + 3 * i], (D, D), dtype=jnp.float32) * s
        inp[f"Wr{i}"] = jax.random.normal(ks[3 + 3 * i], (D, D), dtype=jnp.float32) * s
        inp[f"b{i}"] = jnp.zeros((D,), dtype=jnp.float32)
    return inp


def reference(x, edge_index, Wl0, Wr0, b0, Wl1, Wr1, b1, Wl2, Wr2, b2):
    # Eval-mode GraphSAGE: dropout_edge and feature dropout are identity.
    src = edge_index[0]
    dst = edge_index[1]

    def sage_conv(h, Wl, Wr, b):
        # mean aggregation of source-node features at destination nodes
        msgs = jnp.take(h, src, axis=0)
        agg = jax.ops.segment_sum(msgs, dst, num_segments=N)
        cnt = jax.ops.segment_sum(jnp.ones((E,), dtype=h.dtype), dst, num_segments=N)
        agg = agg / jnp.clip(cnt, 1.0)[:, None]
        # PyG SAGEConv: lin_l(aggregated) + lin_r(root)
        return agg @ Wl + h @ Wr + b

    h = jax.nn.relu(sage_conv(x, Wl0, Wr0, b0))
    h = jax.nn.relu(sage_conv(h, Wl1, Wr1, b1))
    out = sage_conv(h, Wl2, Wr2, b2)
    return out

if __name__ == "__main__":
    import jax
    _d = setup_inputs()
    print(jax.jit(kernel)(*tuple(_d.values())))

</pallas_src>

<mosaic_0001>
#map = affine_map<(d0, d1) -> (0, 0)>
#map1 = affine_map<(d0, d1) -> (0, 0, 0)>
module attributes {stable_mosaic.version = 14 : i64} {
  func.func @body(%arg0: i32, %arg1: i32, %arg2: memref<10000x128xf32, #tpu.memory_space<hbm>>, %arg3: memref<2560x128xi32, #tpu.memory_space<hbm>>, %arg4: memref<2560x128xi32, #tpu.memory_space<hbm>>, %arg5: memref<632x128xf32, #tpu.memory_space<hbm>>, %arg6: memref<2x10112x128xf32, #tpu.memory_space<hbm>>, %arg7: memref<16x128xi32, #tpu.memory_space<vmem>>, %arg8: memref<16x128xi32, #tpu.memory_space<vmem>>, %arg9: memref<128x128xf32, #tpu.memory_space<vmem>>, %arg10: memref<128x128xf32, #tpu.memory_space<vmem>>, %arg11: memref<10112x128xf32, #tpu.memory_space<vmem_shared>>, %arg12: memref<!tpu.dma_semaphore, #tpu.memory_space<semaphore_mem>>, %arg13: memref<!tpu.dma_semaphore, #tpu.memory_space<semaphore_mem>>) attributes {dimension_semantics = [#tpu.dimension_semantics<core_parallel>, #tpu.dimension_semantics<subcore_parallel>], iteration_bounds = array<i64: 2, 16>, scalar_prefetch = 0 : i64, scratch_operands = 7 : i64, tpu.core_type = #tpu.core_type<sc_vector_subcore>, window_params = [{transform_indices = #map}, {transform_indices = #map}, {transform_indices = #map}, {transform_indices = #map}, {transform_indices = #map1}]} {
    %mul3A = arith.constant 2 : i32
    %mul3A_0 = arith.muli %arg1, %mul3A : i32
    %add3A = arith.addi %mul3A_0, %arg0 : i32
    %mul3A_1 = arith.constant 632 : i32
    %mul3A_2 = arith.muli %arg1, %mul3A_1 : i32
    "tpu.region"() ({
      %run_scoped3A = tpu.sem_alloc : memref<!tpu.dma_semaphore, #tpu.memory_space<semaphore_mem>>
      %dma_start3A = arith.constant 0 : i32
      %dma_start3A_14 = tpu.memref_slice %arg11[%mul3A_2, %dma_start3A] : memref<10112x128xf32, #tpu.memory_space<vmem_shared>> -> memref<632x128xf32, #tpu.memory_space<vmem_shared>>
      tpu.enqueue_dma source(%arg5 : memref<632x128xf32, #tpu.memory_space<hbm>>) target(%dma_start3A_14 : memref<632x128xf32, #tpu.memory_space<vmem_shared>>) target_semaphore(%run_scoped3A : memref<!tpu.dma_semaphore, #tpu.memory_space<semaphore_mem>>)
      %dma_wait3A = arith.constant 0 : i32
      %dma_wait3A_15 = tpu.memref_slice %arg11[%mul3A_2, %dma_wait3A] : memref<10112x128xf32, #tpu.memory_space<vmem_shared>> -> memref<632x128xf32, #tpu.memory_space<vmem_shared>>
      tpu.wait_dma2 semaphore(%run_scoped3A : memref<!tpu.dma_semaphore, #tpu.memory_space<semaphore_mem>>) src(%arg5 : memref<632x128xf32, #tpu.memory_space<hbm>>) dst(%dma_wait3A_15 : memref<632x128xf32, #tpu.memory_space<vmem_shared>>)
      tpu.yield
    }) : () -> ()
    %barrier3A = arith.constant 0 : index
    tpu.barrier barrier_id(%barrier3A)
    %mul3A_3 = arith.constant 80 : i32
    %mul3A_4 = arith.muli %add3A, %mul3A_3 : i32
    %scan3A = arith.constant 0 : i32
    %scan3A_5 = arith.constant 5 : i32
    %scan3A_6 = arith.addi %scan3A, %scan3A_5 : i32
    %scan3A_7 = arith.constant 1 : i32
    scf.for %scan3A_14 = %scan3A to %scan3A_6 step %scan3A_7  : i32 {
      %mul3A_15 = arith.constant 1 : i32
      %mul3A_16 = arith.muli %scan3A_14, %mul3A_15 : i32
      %add3A_17 = arith.constant 0 : i32
      %add3A_18 = arith.addi %add3A_17, %mul3A_16 : i32
      %mul3A_19 = arith.constant 16 : i32
      %mul3A_20 = arith.muli %add3A_18, %mul3A_19 : i32
      %add3A_21 = arith.addi %mul3A_4, %mul3A_20 : i32
      "tpu.region"() ({
        %run_scoped3A_259 = tpu.sem_alloc : memref<!tpu.dma_semaphore, #tpu.memory_space<semaphore_mem>>
        %dma_start3A_260 = arith.constant 0 : i32
        %dma_start3A_261 = tpu.memref_slice %arg3[%add3A_21, %dma_start3A_260] : memref<2560x128xi32, #tpu.memory_space<hbm>> -> memref<16x128xi32, #tpu.memory_space<hbm>>
        %dma_start3A_262 = arith.constant 0 : i32
        %dma_start3A_263 = tpu.memref_slice %arg3[%add3A_21, %dma_start3A_262] : memref<2560x128xi32, #tpu.memory_space<hbm>> -> memref<16x128xi32, #tpu.memory_space<hbm>>
        tpu.enqueue_dma source(%dma_start3A_263 : memref<16x128xi32, #tpu.memory_space<hbm>>) target(%arg7 : memref<16x128xi32, #tpu.memory_space<vmem>>) target_semaphore(%run_scoped3A_259 : memref<!tpu.dma_semaphore, #tpu.memory_space<semaphore_mem>>)
        %dma_wait3A_264 = arith.constant 0 : i32
        %dma_wait3A_265 = tpu.memref_slice %arg3[%add3A_21, %dma_wait3A_264] : memref<2560x128xi32, #tpu.memory_space<hbm>> -> memref<16x128xi32, #tpu.memory_space<hbm>>
        %dma_wait3A_266 = arith.constant 0 : i32
        %dma_wait3A_267 = tpu.memref_slice %arg3[%add3A_21, %dma_wait3A_266] : memref<2560x128xi32, #tpu.memory_space<hbm>> -> memref<16x128xi32, #tpu.memory_space<hbm>>
        tpu.wait_dma2 semaphore(%run_scoped3A_259 : memref<!tpu.dma_semaphore, #tpu.memory_space<semaphore_mem>>) src(%dma_wait3A_267 : memref<16x128xi32, #tpu.memory_space<hbm>>) dst(%arg7 : memref<16x128xi32, #tpu.memory_space<vmem>>)
        tpu.yield
      }) : () -> ()
      "tpu.region"() ({
        %run_scoped3A_259 = tpu.sem_alloc : memref<!tpu.dma_semaphore, #tpu.memory_space<semaphore_mem>>
        %dma_start3A_260 = arith.constant 0 : i32
        %dma_start3A_261 = tpu.memref_slice %arg4[%add3A_21, %dma_start3A_260] : memref<2560x128xi32, #tpu.memory_space<hbm>> -> memref<16x128xi32, #tpu.memory_space<hbm>>
        %dma_start3A_262 = arith.constant 0 : i32
        %dma_start3A_263 = tpu.memref_slice %arg4[%add3A_21, %dma_start3A_262] : memref<2560x128xi32, #tpu.memory_space<hbm>> -> memref<16x128xi32, #tpu.memory_space<hbm>>
        tpu.enqueue_dma source(%dma_start3A_263 : memref<16x128xi32, #tpu.memory_space<hbm>>) target(%arg8 : memref<16x128xi32, #tpu.memory_space<vmem>>) target_semaphore(%run_scoped3A_259 : memref<!tpu.dma_semaphore, #tpu.memory_space<semaphore_mem>>)
        %dma_wait3A_264 = arith.constant 0 : i32
        %dma_wait3A_265 = tpu.memref_slice %arg4[%add3A_21, %dma_wait3A_264] : memref<2560x128xi32, #tpu.memory_space<hbm>> -> memref<16x128xi32, #tpu.memory_space<hbm>>
        %dma_wait3A_266 = arith.constant 0 : i32
        %dma_wait3A_267 = tpu.memref_slice %arg4[%add3A_21, %dma_wait3A_266] : memref<2560x128xi32, #tpu.memory_space<hbm>> -> memref<16x128xi32, #tpu.memory_space<hbm>>
        tpu.wait_dma2 semaphore(%run_scoped3A_259 : memref<!tpu.dma_semaphore, #tpu.memory_space<semaphore_mem>>) src(%dma_wait3A_267 : memref<16x128xi32, #tpu.memory_space<hbm>>) dst(%arg8 : memref<16x128xi32, #tpu.memory_space<vmem>>)
        tpu.yield
      }) : () -> ()
      %dma_start3A = arith.constant 0 : i32
      %dma_start3A_22 = arith.constant 0 : i32
      %dma_start3A_23 = tpu.memref_slice %arg7[%dma_start3A, %dma_start3A_22] : memref<16x128xi32, #tpu.memory_space<vmem>> -> memref<1x128xi32, #tpu.memory_space<vmem>>
      %dma_start3A_24 = tpu.memref_squeeze %dma_start3A_23 : memref<1x128xi32, #tpu.memory_space<vmem>> -> memref<128xi32, #tpu.memory_space<vmem>>
      %dma_start3A_25 = arith.constant 0 : i32
      %dma_start3A_26 = arith.constant 0 : i32
      %dma_start3A_27 = tpu.memref_slice %arg2[%dma_start3A_25, %dma_start3A_26] : memref<10000x128xf32, #tpu.memory_space<hbm>> -> memref<10000x128xf32, #tpu.memory_space<hbm>>
      tpu.enqueue_indirect_dma source(%dma_start3A_27 : memref<10000x128xf32, #tpu.memory_space<hbm>>) target(%arg9 : memref<128x128xf32, #tpu.memory_space<vmem>>) offsets(%dma_start3A_24 : memref<128xi32, #tpu.memory_space<vmem>>) semaphore(%arg12 : memref<!tpu.dma_semaphore, #tpu.memory_space<semaphore_mem>>)
      %dma_start3A_28 = arith.constant 1 : i32
      %dma_start3A_29 = arith.constant 0 : i32
      %dma_start3A_30 = tpu.memref_slice %arg7[%dma_start3A_28, %dma_start3A_29] : memref<16x128xi32, #tpu.memory_space<vmem>> -> memref<1x128xi32, #tpu.memory_space<vmem>>
      %dma_start3A_31 = tpu.memref_squeeze %dma_start3A_30 : memref<1x128xi32, #tpu.memory_space<vmem>> -> memref<128xi32, #tpu.memory_space<vmem>>
      %dma_start3A_32 = arith.constant 0 : i32
      %dma_start3A_33 = arith.constant 0 : i32
      %dma_start3A_34 = tpu.memref_slice %arg2[%dma_start3A_32, %dma_start3A_33] : memref<10000x128xf32, #tpu.memory_space<hbm>> -> memref<10000x128xf32, #tpu.memory_space<hbm>>
      tpu.enqueue_indirect_dma source(%dma_start3A_34 : memref<10000x128xf32, #tpu.memory_space<hbm>>) target(%arg10 : memref<128x128xf32, #tpu.memory_space<vmem>>) offsets(%dma_start3A_31 : memref<128xi32, #tpu.memory_space<vmem>>) semaphore(%arg13 : memref<!tpu.dma_semaphore, #tpu.memory_space<semaphore_mem>>)
      %dma_wait3A = arith.constant 0 : i32
      %dma_wait3A_35 = arith.constant 0 : i32
      %dma_wait3A_36 = tpu.memref_slice %arg7[%dma_wait3A, %dma_wait3A_35] : memref<16x128xi32, #tpu.memory_space<vmem>> -> memref<1x128xi32, #tpu.memory_space<vmem>>
      %dma_wait3A_37 = tpu.memref_squeeze %dma_wait3A_36 : memref<1x128xi32, #tpu.memory_space<vmem>> -> memref<128xi32, #tpu.memory_space<vmem>>
      %dma_wait3A_38 = arith.constant 0 : i32
      %dma_wait3A_39 = arith.constant 0 : i32
      %dma_wait3A_40 = tpu.memref_slice %arg2[%dma_wait3A_38, %dma_wait3A_39] : memref<10000x128xf32, #tpu.memory_space<hbm>> -> memref<10000x128xf32, #tpu.memory_space<hbm>>
      tpu.wait_indirect_dma semaphore(%arg12 : memref<!tpu.dma_semaphore, #tpu.memory_space<semaphore_mem>>) src(%dma_wait3A_40 : memref<10000x128xf32, #tpu.memory_space<hbm>>) dst(%arg9 : memref<128x128xf32, #tpu.memory_space<vmem>>)
      %run_scoped3A = arith.constant 0 : i32
      "tpu.region"() ({
        %run_scoped3A_259 = tpu.sem_alloc : memref<!tpu.dma_semaphore, #tpu.memory_space<semaphore_mem>>
        %dma_start3A_260 = arith.constant 0 : i32
        %dma_start3A_261 = tpu.memref_slice %arg8[%run_scoped3A, %dma_start3A_260] : memref<16x128xi32, #tpu.memory_space<vmem>> -> memref<1x128xi32, #tpu.memory_space<vmem>>
        %dma_start3A_262 = tpu.memref_squeeze %dma_start3A_261 : memref<1x128xi32, #tpu.memory_space<vmem>> -> memref<128xi32, #tpu.memory_space<vmem>>
        %dma_start3A_263 = arith.constant 0 : i32
        %dma_start3A_264 = arith.constant 0 : i32
        %dma_start3A_265 = tpu.memref_slice %arg11[%dma_start3A_263, %dma_start3A_264] : memref<10112x128xf32, #tpu.memory_space<vmem_shared>> -> memref<10112x128xf32, #tpu.memory_space<vmem_shared>>
        tpu.enqueue_indirect_dma source(%arg9 : memref<128x128xf32, #tpu.memory_space<vmem>>) target(%dma_start3A_265 : memref<10112x128xf32, #tpu.memory_space<vmem_shared>>) offsets(%dma_start3A_262 : memref<128xi32, #tpu.memory_space<vmem>>) semaphore(%run_scoped3A_259 : memref<!tpu.dma_semaphore, #tpu.memory_space<semaphore_mem>>) {add = true}
        %dma_wait3A_266 = arith.constant 0 : i32
        %dma_wait3A_267 = tpu.memref_slice %arg8[%run_scoped3A, %dma_wait3A_266] : memref<16x128xi32, #tpu.memory_space<vmem>> -> memref<1x128xi32, #tpu.memory_space<vmem>>
        %dma_wait3A_268 = tpu.memref_squeeze %dma_wait3A_267 : memref<1x128xi32, #tpu.memory_space<vmem>> -> memref<128xi32, #tpu.memory_space<vmem>>
        %dma_wait3A_269 = arith.constant 0 : i32
        %dma_wait3A_270 = arith.constant 0 : i32
        %dma_wait3A_271 = tpu.memref_slice %arg11[%dma_wait3A_269, %dma_wait3A_270] : memref<10112x128xf32, #tpu.memory_space<vmem_shared>> -> memref<10112x128xf32, #tpu.memory_space<vmem_shared>>
        tpu.wait_indirect_dma semaphore(%run_scoped3A_259 : memref<!tpu.dma_semaphore, #tpu.memory_space<semaphore_mem>>) src(%arg9 : memref<128x128xf32, #tpu.memory_space<vmem>>) dst(%dma_wait3A_271 : memref<10112x128xf32, #tpu.memory_space<vmem_shared>>)
        tpu.yield
      }) : () -> ()
      %dma_start3A_41 = arith.constant 2 : i32
      %dma_start3A_42 = arith.constant 0 : i32
      %dma_start3A_43 = tpu.memref_slice %arg7[%dma_start3A_41, %dma_start3A_42] : memref<16x128xi32, #tpu.memory_space<vmem>> -> memref<1x128xi32, #tpu.memory_space<vmem>>
      %dma_start3A_44 = tpu.memref_squeeze %dma_start3A_43 : memref<1x128xi32, #tpu.memory_space<vmem>> -> memref<128xi32, #tpu.memory_space<vmem>>
      %dma_start3A_45 = arith.constant 0 : i32
      %dma_start3A_46 = arith.constant 0 : i32
      %dma_start3A_47 = tpu.memref_slice %arg2[%dma_start3A_45, %dma_start3A_46] : memref<10000x128xf32, #tpu.memory_space<hbm>> -> memref<10000x128xf32, #tpu.memory_space<hbm>>
      tpu.enqueue_indirect_dma source(%dma_start3A_47 : memref<10000x128xf32, #tpu.memory_space<hbm>>) target(%arg9 : memref<128x128xf32, #tpu.memory_space<vmem>>) offsets(%dma_start3A_44 : memref<128xi32, #tpu.memory_space<vmem>>) semaphore(%arg12 : memref<!tpu.dma_semaphore, #tpu.memory_space<semaphore_mem>>)
      %dma_wait3A_48 = arith.constant 1 : i32
      %dma_wait3A_49 = arith.constant 0 : i32
      %dma_wait3A_50 = tpu.memref_slice %arg7[%dma_wait3A_48, %dma_wait3A_49] : memref<16x128xi32, #tpu.memory_space<vmem>> -> memref<1x128xi32, #tpu.memory_space<vmem>>
      %dma_wait3A_51 = tpu.memref_squeeze %dma_wait3A_50 : memref<1x128xi32, #tpu.memory_space<vmem>> -> memref<128xi32, #tpu.memory_space<vmem>>
      %dma_wait3A_52 = arith.constant 0 : i32
      %dma_wait3A_53 = arith.constant 0 : i32
      %dma_wait3A_54 = tpu.memref_slice %arg2[%dma_wait3A_52, %dma_wait3A_53] : memref<10000x128xf32, #tpu.memory_space<hbm>> -> memref<10000x128xf32, #tpu.memory_space<hbm>>
      tpu.wait_indirect_dma semaphore(%arg13 : memref<!tpu.dma_semaphore, #tpu.memory_space<semaphore_mem>>) src(%dma_wait3A_54 : memref<10000x128xf32, #tpu.memory_space<hbm>>) dst(%arg10 : memref<128x128xf32, #tpu.memory_space<vmem>>)
      %run_scoped3A_55 = arith.constant 1 : i32
      "tpu.region"() ({
        %run_scoped3A_259 = tpu.sem_alloc : memref<!tpu.dma_semaphore, #tpu.memory_space<semaphore_mem>>
        %dma_start3A_260 = arith.constant 0 : i32
        %dma_start3A_261 = tpu.memref_slice %arg8[%run_scoped3A_55, %dma_start3A_260] : memref<16x128xi32, #tpu.memory_space<vmem>> -> memref<1x128xi32, #tpu.memory_space<vmem>>
        %dma_start3A_262 = tpu.memref_squeeze %dma_start3A_261 : memref<1x128xi32, #tpu.memory_space<vmem>> -> memref<128xi32, #tpu.memory_space<vmem>>
        %dma_start3A_263 = arith.constant 0 : i32
        %dma_start3A_264 = arith.constant 0 : i32
        %dma_start3A_265 = tpu.memref_slice %arg11[%dma_start3A_263, %dma_start3A_264] : memref<10112x128xf32, #tpu.memory_space<vmem_shared>> -> memref<10112x128xf32, #tpu.memory_space<vmem_shared>>
        tpu.enqueue_indirect_dma source(%arg10 : memref<128x128xf32, #tpu.memory_space<vmem>>) target(%dma_start3A_265 : memref<10112x128xf32, #tpu.memory_space<vmem_shared>>) offsets(%dma_start3A_262 : memref<128xi32, #tpu.memory_space<vmem>>) semaphore(%run_scoped3A_259 : memref<!tpu.dma_semaphore, #tpu.memory_space<semaphore_mem>>) {add = true}
        %dma_wait3A_266 = arith.constant 0 : i32
        %dma_wait3A_267 = tpu.memref_slice %arg8[%run_scoped3A_55, %dma_wait3A_266] : memref<16x128xi32, #tpu.memory_space<vmem>> -> memref<1x128xi32, #tpu.memory_space<vmem>>
        %dma_wait3A_268 = tpu.memref_squeeze %dma_wait3A_267 : memref<1x128xi32, #tpu.memory_space<vmem>> -> memref<128xi32, #tpu.memory_space<vmem>>
        %dma_wait3A_269 = arith.constant 0 : i32
        %dma_wait3A_270 = arith.constant 0 : i32
        %dma_wait3A_271 = tpu.memref_slice %arg11[%dma_wait3A_269, %dma_wait3A_270] : memref<10112x128xf32, #tpu.memory_space<vmem_shared>> -> memref<10112x128xf32, #tpu.memory_space<vmem_shared>>
        tpu.wait_indirect_dma semaphore(%run_scoped3A_259 : memref<!tpu.dma_semaphore, #tpu.memory_space<semaphore_mem>>) src(%arg10 : memref<128x128xf32, #tpu.memory_space<vmem>>) dst(%dma_wait3A_271 : memref<10112x128xf32, #tpu.memory_space<vmem_shared>>)
        tpu.yield
      }) : () -> ()
      %dma_start3A_56 = arith.constant 3 : i32
      %dma_start3A_57 = arith.constant 0 : i32
      %dma_start3A_58 = tpu.memref_slice %arg7[%dma_start3A_56, %dma_start3A_57] : memref<16x128xi32, #tpu.memory_space<vmem>> -> memref<1x128xi32, #tpu.memory_space<vmem>>
      %dma_start3A_59 = tpu.memref_squeeze %dma_start3A_58 : memref<1x128xi32, #tpu.memory_space<vmem>> -> memref<128xi32, #tpu.memory_space<vmem>>
      %dma_start3A_60 = arith.constant 0 : i32
      %dma_start3A_61 = arith.constant 0 : i32
      %dma_start3A_62 = tpu.memref_slice %arg2[%dma_start3A_60, %dma_start3A_61] : memref<10000x128xf32, #tpu.memory_space<hbm>> -> memref<10000x128xf32, #tpu.memory_space<hbm>>
      tpu.enqueue_indirect_dma source(%dma_start3A_62 : memref<10000x128xf32, #tpu.memory_space<hbm>>) target(%arg10 : memref<128x128xf32, #tpu.memory_space<vmem>>) offsets(%dma_start3A_59 : memref<128xi32, #tpu.memory_space<vmem>>) semaphore(%arg13 : memref<!tpu.dma_semaphore, #tpu.memory_space<semaphore_mem>>)
      %dma_wait3A_63 = arith.constant 2 : i32
      %dma_wait3A_64 = arith.constant 0 : i32
      %dma_wait3A_65 = tpu.memref_slice %arg7[%dma_wait3A_63, %dma_wait3A_64] : memref<16x128xi32, #tpu.memory_space<vmem>> -> memref<1x128xi32, #tpu.memory_space<vmem>>
      %dma_wait3A_66 = tpu.memref_squeeze %dma_wait3A_65 : memref<1x128xi32, #tpu.memory_space<vmem>> -> memref<128xi32, #tpu.memory_space<vmem>>
      %dma_wait3A_67 = arith.constant 0 : i32
      %dma_wait3A_68 = arith.constant 0 : i32
      %dma_wait3A_69 = tpu.memref_slice %arg2[%dma_wait3A_67, %dma_wait3A_68] : memref<10000x128xf32, #tpu.memory_space<hbm>> -> memref<10000x128xf32, #tpu.memory_space<hbm>>
      tpu.wait_indirect_dma semaphore(%arg12 : memref<!tpu.dma_semaphore, #tpu.memory_space<semaphore_mem>>) src(%dma_wait3A_69 : memref<10000x128xf32, #tpu.memory_space<hbm>>) dst(%arg9 : memref<128x128xf32, #tpu.memory_space<vmem>>)
      %run_scoped3A_70 = arith.constant 2 : i32
      "tpu.region"() ({
        %run_scoped3A_259 = tpu.sem_alloc : memref<!tpu.dma_semaphore, #tpu.memory_space<semaphore_mem>>
        %dma_start3A_260 = arith.constant 0 : i32
        %dma_start3A_261 = tpu.memref_slice %arg8[%run_scoped3A_70, %dma_start3A_260] : memref<16x128xi32, #tpu.memory_space<vmem>> -> memref<1x128xi32, #tpu.memory_space<vmem>>
        %dma_start3A_262 = tpu.memref_squeeze %dma_start3A_261 : memref<1x128xi32, #tpu.memory_space<vmem>> -> memref<128xi32, #tpu.memory_space<vmem>>
        %dma_start3A_263 = arith.constant 0 : i32
        %dma_start3A_264 = arith.constant 0 : i32
        %dma_start3A_265 = tpu.memref_slice %arg11[%dma_start3A_263, %dma_start3A_264] : memref<10112x128xf32, #tpu.memory_space<vmem_shared>> -> memref<10112x128xf32, #tpu.memory_space<vmem_shared>>
        tpu.enqueue_indirect_dma source(%arg9 : memref<128x128xf32, #tpu.memory_space<vmem>>) target(%dma_start3A_265 : memref<10112x128xf32, #tpu.memory_space<vmem_shared>>) offsets(%dma_start3A_262 : memref<128xi32, #tpu.memory_space<vmem>>) semaphore(%run_scoped3A_259 : memref<!tpu.dma_semaphore, #tpu.memory_space<semaphore_mem>>) {add = true}
        %dma_wait3A_266 = arith.constant 0 : i32
        %dma_wait3A_267 = tpu.memref_slice %arg8[%run_scoped3A_70, %dma_wait3A_266] : memref<16x128xi32, #tpu.memory_space<vmem>> -> memref<1x128xi32, #tpu.memory_space<vmem>>
        %dma_wait3A_268 = tpu.memref_squeeze %dma_wait3A_267 : memref<1x128xi32, #tpu.memory_space<vmem>> -> memref<128xi32, #tpu.memory_space<vmem>>
        %dma_wait3A_269 = arith.constant 0 : i32
        %dma_wait3A_270 = arith.constant 0 : i32
        %dma_wait3A_271 = tpu.memref_slice %arg11[%dma_wait3A_269, %dma_wait3A_270] : memref<10112x128xf32, #tpu.memory_space<vmem_shared>> -> memref<10112x128xf32, #tpu.memory_space<vmem_shared>>
        tpu.wait_indirect_dma semaphore(%run_scoped3A_259 : memref<!tpu.dma_semaphore, #tpu.memory_space<semaphore_mem>>) src(%arg9 : memref<128x128xf32, #tpu.memory_space<vmem>>) dst(%dma_wait3A_271 : memref<10112x128xf32, #tpu.memory_space<vmem_shared>>)
        tpu.yield
      }) : () -> ()
      %dma_start3A_71 = arith.constant 4 : i32
      %dma_start3A_72 = arith.constant 0 : i32
      %dma_start3A_73 = tpu.memref_slice %arg7[%dma_start3A_71, %dma_start3A_72] : memref<16x128xi32, #tpu.memory_space<vmem>> -> memref<1x128xi32, #tpu.memory_space<vmem>>
      %dma_start3A_74 = tpu.memref_squeeze %dma_start3A_73 : memref<1x128xi32, #tpu.memory_space<vmem>> -> memref<128xi32, #tpu.memory_space<vmem>>
      %dma_start3A_75 = arith.constant 0 : i32
      %dma_start3A_76 = arith.constant 0 : i32
      %dma_start3A_77 = tpu.memref_slice %arg2[%dma_start3A_75, %dma_start3A_76] : memref<10000x128xf32, #tpu.memory_space<hbm>> -> memref<10000x128xf32, #tpu.memory_space<hbm>>
      tpu.enqueue_indirect_dma source(%dma_start3A_77 : memref<10000x128xf32, #tpu.memory_space<hbm>>) target(%arg9 : memref<128x128xf32, #tpu.memory_space<vmem>>) offsets(%dma_start3A_74 : memref<128xi32, #tpu.memory_space<vmem>>) semaphore(%arg12 : memref<!tpu.dma_semaphore, #tpu.memory_space<semaphore_mem>>)
      %dma_wait3A_78 = arith.constant 3 : i32
      %dma_wait3A_79 = arith.constant 0 : i32
      %dma_wait3A_80 = tpu.memref_slice %arg7[%dma_wait3A_78, %dma_wait3A_79] : memref<16x128xi32, #tpu.memory_space<vmem>> -> memref<1x128xi32, #tpu.memory_space<vmem>>
      %dma_wait3A_81 = tpu.memref_squeeze %dma_wait3A_80 : memref<1x128xi32, #tpu.memory_space<vmem>> -> memref<128xi32, #tpu.memory_space<vmem>>
      %dma_wait3A_82 = arith.constant 0 : i32
      %dma_wait3A_83 = arith.constant 0 : i32
      %dma_wait3A_84 = tpu.memref_slice %arg2[%dma_wait3A_82, %dma_wait3A_83] : memref<10000x128xf32, #tpu.memory_space<hbm>> -> memref<10000x128xf32, #tpu.memory_space<hbm>>
      tpu.wait_indirect_dma semaphore(%arg13 : memref<!tpu.dma_semaphore, #tpu.memory_space<semaphore_mem>>) src(%dma_wait3A_84 : memref<10000x128xf32, #tpu.memory_space<hbm>>) dst(%arg10 : memref<128x128xf32, #tpu.memory_space<vmem>>)
      %run_scoped3A_85 = arith.constant 3 : i32
      "tpu.region"() ({
        %run_scoped3A_259 = tpu.sem_alloc : memref<!tpu.dma_semaphore, #tpu.memory_space<semaphore_mem>>
        %dma_start3A_260 = arith.constant 0 : i32
        %dma_start3A_261 = tpu.memref_slice %arg8[%run_scoped3A_85, %dma_start3A_260] : memref<16x128xi32, #tpu.memory_space<vmem>> -> memref<1x128xi32, #tpu.memory_space<vmem>>
        %dma_start3A_262 = tpu.memref_squeeze %dma_start3A_261 : memref<1x128xi32, #tpu.memory_space<vmem>> -> memref<128xi32, #tpu.memory_space<vmem>>
        %dma_start3A_263 = arith.constant 0 : i32
        %dma_start3A_264 = arith.constant 0 : i32
        %dma_start3A_265 = tpu.memref_slice %arg11[%dma_start3A_263, %dma_start3A_264] : memref<10112x128xf32, #tpu.memory_space<vmem_shared>> -> memref<10112x128xf32, #tpu.memory_space<vmem_shared>>
        tpu.enqueue_indirect_dma source(%arg10 : memref<128x128xf32, #tpu.memory_space<vmem>>) target(%dma_start3A_265 : memref<10112x128xf32, #tpu.memory_space<vmem_shared>>) offsets(%dma_start3A_262 : memref<128xi32, #tpu.memory_space<vmem>>) semaphore(%run_scoped3A_259 : memref<!tpu.dma_semaphore, #tpu.memory_space<semaphore_mem>>) {add = true}
        %dma_wait3A_266 = arith.constant 0 : i32
        %dma_wait3A_267 = tpu.memref_slice %arg8[%run_scoped3A_85, %dma_wait3A_266] : memref<16x128xi32, #tpu.memory_space<vmem>> -> memref<1x128xi32, #tpu.memory_space<vmem>>
        %dma_wait3A_268 = tpu.memref_squeeze %dma_wait3A_267 : memref<1x128xi32, #tpu.memory_space<vmem>> -> memref<128xi32, #tpu.memory_space<vmem>>
        %dma_wait3A_269 = arith.constant 0 : i32
        %dma_wait3A_270 = arith.constant 0 : i32
        %dma_wait3A_271 = tpu.memref_slice %arg11[%dma_wait3A_269, %dma_wait3A_270] : memref<10112x128xf32, #tpu.memory_space<vmem_shared>> -> memref<10112x128xf32, #tpu.memory_space<vmem_shared>>
        tpu.wait_indirect_dma semaphore(%run_scoped3A_259 : memref<!tpu.dma_semaphore, #tpu.memory_space<semaphore_mem>>) src(%arg10 : memref<128x128xf32, #tpu.memory_space<vmem>>) dst(%dma_wait3A_271 : memref<10112x128xf32, #tpu.memory_space<vmem_shared>>)
        tpu.yield
      }) : () -> ()
      %dma_start3A_86 = arith.constant 5 : i32
      %dma_start3A_87 = arith.constant 0 : i32
      %dma_start3A_88 = tpu.memref_slice %arg7[%dma_start3A_86, %dma_start3A_87] : memref<16x128xi32, #tpu.memory_space<vmem>> -> memref<1x128xi32, #tpu.memory_space<vmem>>
      %dma_start3A_89 = tpu.memref_squeeze %dma_start3A_88 : memref<1x128xi32, #tpu.memory_space<vmem>> -> memref<128xi32, #tpu.memory_space<vmem>>
      %dma_start3A_90 = arith.constant 0 : i32
      %dma_start3A_91 = arith.constant 0 : i32
      %dma_start3A_92 = tpu.memref_slice %arg2[%dma_start3A_90, %dma_start3A_91] : memref<10000x128xf32, #tpu.memory_space<hbm>> -> memref<10000x128xf32, #tpu.memory_space<hbm>>
      tpu.enqueue_indirect_dma source(%dma_start3A_92 : memref<10000x128xf32, #tpu.memory_space<hbm>>) target(%arg10 : memref<128x128xf32, #tpu.memory_space<vmem>>) offsets(%dma_start3A_89 : memref<128xi32, #tpu.memory_space<vmem>>) semaphore(%arg13 : memref<!tpu.dma_semaphore, #tpu.memory_space<semaphore_mem>>)
      %dma_wait3A_93 = arith.constant 4 : i32
      %dma_wait3A_94 = arith.constant 0 : i32
      %dma_wait3A_95 = tpu.memref_slice %arg7[%dma_wait3A_93, %dma_wait3A_94] : memref<16x128xi32, #tpu.memory_space<vmem>> -> memref<1x128xi32, #tpu.memory_space<vmem>>
      %dma_wait3A_96 = tpu.memref_squeeze %dma_wait3A_95 : memref<1x128xi32, #tpu.memory_space<vmem>> -> memref<128xi32, #tpu.memory_space<vmem>>
      %dma_wait3A_97 = arith.constant 0 : i32
      %dma_wait3A_98 = arith.constant 0 : i32
      %dma_wait3A_99 = tpu.memref_slice %arg2[%dma_wait3A_97, %dma_wait3A_98] : memref<10000x128xf32, #tpu.memory_space<hbm>> -> memref<10000x128xf32, #tpu.memory_space<hbm>>
      tpu.wait_indirect_dma semaphore(%arg12 : memref<!tpu.dma_semaphore, #tpu.memory_space<semaphore_mem>>) src(%dma_wait3A_99 : memref<10000x128xf32, #tpu.memory_space<hbm>>) dst(%arg9 : memref<128x128xf32, #tpu.memory_space<vmem>>)
      %run_scoped3A_100 = arith.constant 4 : i32
      "tpu.region"() ({
        %run_scoped3A_259 = tpu.sem_alloc : memref<!tpu.dma_semaphore, #tpu.memory_space<semaphore_mem>>
        %dma_start3A_260 = arith.constant 0 : i32
        %dma_start3A_261 = tpu.memref_slice %arg8[%run_scoped3A_100, %dma_start3A_260] : memref<16x128xi32, #tpu.memory_space<vmem>> -> memref<1x128xi32, #tpu.memory_space<vmem>>
        %dma_start3A_262 = tpu.memref_squeeze %dma_start3A_261 : memref<1x128xi32, #tpu.memory_space<vmem>> -> memref<128xi32, #tpu.memory_space<vmem>>
        %dma_start3A_263 = arith.constant 0 : i32
        %dma_start3A_264 = arith.constant 0 : i32
        %dma_start3A_265 = tpu.memref_slice %arg11[%dma_start3A_263, %dma_start3A_264] : memref<10112x128xf32, #tpu.memory_space<vmem_shared>> -> memref<10112x128xf32, #tpu.memory_space<vmem_shared>>
        tpu.enqueue_indirect_dma source(%arg9 : memref<128x128xf32, #tpu.memory_space<vmem>>) target(%dma_start3A_265 : memref<10112x128xf32, #tpu.memory_space<vmem_shared>>) offsets(%dma_start3A_262 : memref<128xi32, #tpu.memory_space<vmem>>) semaphore(%run_scoped3A_259 : memref<!tpu.dma_semaphore, #tpu.memory_space<semaphore_mem>>) {add = true}
        %dma_wait3A_266 = arith.constant 0 : i32
        %dma_wait3A_267 = tpu.memref_slice %arg8[%run_scoped3A_100, %dma_wait3A_266] : memref<16x128xi32, #tpu.memory_space<vmem>> -> memref<1x128xi32, #tpu.memory_space<vmem>>
        %dma_wait3A_268 = tpu.memref_squeeze %dma_wait3A_267 : memref<1x128xi32, #tpu.memory_space<vmem>> -> memref<128xi32, #tpu.memory_space<vmem>>
        %dma_wait3A_269 = arith.constant 0 : i32
        %dma_wait3A_270 = arith.constant 0 : i32
        %dma_wait3A_271 = tpu.memref_slice %arg11[%dma_wait3A_269, %dma_wait3A_270] : memref<10112x128xf32, #tpu.memory_space<vmem_shared>> -> memref<10112x128xf32, #tpu.memory_space<vmem_shared>>
        tpu.wait_indirect_dma semaphore(%run_scoped3A_259 : memref<!tpu.dma_semaphore, #tpu.memory_space<semaphore_mem>>) src(%arg9 : memref<128x128xf32, #tpu.memory_space<vmem>>) dst(%dma_wait3A_271 : memref<10112x128xf32, #tpu.memory_space<vmem_shared>>)
        tpu.yield
      }) : () -> ()
      %dma_start3A_101 = arith.constant 6 : i32
      %dma_start3A_102 = arith.constant 0 : i32
      %dma_start3A_103 = tpu.memref_slice %arg7[%dma_start3A_101, %dma_start3A_102] : memref<16x128xi32, #tpu.memory_space<vmem>> -> memref<1x128xi32, #tpu.memory_space<vmem>>
      %dma_start3A_104 = tpu.memref_squeeze %dma_start3A_103 : memref<1x128xi32, #tpu.memory_space<vmem>> -> memref<128xi32, #tpu.memory_space<vmem>>
      %dma_start3A_105 = arith.constant 0 : i32
      %dma_start3A_106 = arith.constant 0 : i32
      %dma_start3A_107 = tpu.memref_slice %arg2[%dma_start3A_105, %dma_start3A_106] : memref<10000x128xf32, #tpu.memory_space<hbm>> -> memref<10000x128xf32, #tpu.memory_space<hbm>>
      tpu.enqueue_indirect_dma source(%dma_start3A_107 : memref<10000x128xf32, #tpu.memory_space<hbm>>) target(%arg9 : memref<128x128xf32, #tpu.memory_space<vmem>>) offsets(%dma_start3A_104 : memref<128xi32, #tpu.memory_space<vmem>>) semaphore(%arg12 : memref<!tpu.dma_semaphore, #tpu.memory_space<semaphore_mem>>)
      %dma_wait3A_108 = arith.constant 5 : i32
      %dma_wait3A_109 = arith.constant 0 : i32
      %dma_wait3A_110 = tpu.memref_slice %arg7[%dma_wait3A_108, %dma_wait3A_109] : memref<16x128xi32, #tpu.memory_space<vmem>> -> memref<1x128xi32, #tpu.memory_space<vmem>>
      %dma_wait3A_111 = tpu.memref_squeeze %dma_wait3A_110 : memref<1x128xi32, #tpu.memory_space<vmem>> -> memref<128xi32, #tpu.memory_space<vmem>>
      %dma_wait3A_112 = arith.constant 0 : i32
      %dma_wait3A_113 = arith.constant 0 : i32
      %dma_wait3A_114 = tpu.memref_slice %arg2[%dma_wait3A_112, %dma_wait3A_113] : memref<10000x128xf32, #tpu.memory_space<hbm>> -> memref<10000x128xf32, #tpu.memory_space<hbm>>
      tpu.wait_indirect_dma semaphore(%arg13 : memref<!tpu.dma_semaphore, #tpu.memory_space<semaphore_mem>>) src(%dma_wait3A_114 : memref<10000x128xf32, #tpu.memory_space<hbm>>) dst(%arg10 : memref<128x128xf32, #tpu.memory_space<vmem>>)
      %run_scoped3A_115 = arith.constant 5 : i32
      "tpu.region"() ({
        %run_scoped3A_259 = tpu.sem_alloc : memref<!tpu.dma_semaphore, #tpu.memory_space<semaphore_mem>>
        %dma_start3A_260 = arith.constant 0 : i32
        %dma_start3A_261 = tpu.memref_slice %arg8[%run_scoped3A_115, %dma_start3A_260] : memref<16x128xi32, #tpu.memory_space<vmem>> -> memref<1x128xi32, #tpu.memory_space<vmem>>
        %dma_start3A_262 = tpu.memref_squeeze %dma_start3A_261 : memref<1x128xi32, #tpu.memory_space<vmem>> -> memref<128xi32, #tpu.memory_space<vmem>>
        %dma_start3A_263 = arith.constant 0 : i32
        %dma_start3A_264 = arith.constant 0 : i32
        %dma_start3A_265 = tpu.memref_slice %arg11[%dma_start3A_263, %dma_start3A_264] : memref<10112x128xf32, #tpu.memory_space<vmem_shared>> -> memref<10112x128xf32, #tpu.memory_space<vmem_shared>>
        tpu.enqueue_indirect_dma source(%arg10 : memref<128x128xf32, #tpu.memory_space<vmem>>) target(%dma_start3A_265 : memref<10112x128xf32, #tpu.memory_space<vmem_shared>>) offsets(%dma_start3A_262 : memref<128xi32, #tpu.memory_space<vmem>>) semaphore(%run_scoped3A_259 : memref<!tpu.dma_semaphore, #tpu.memory_space<semaphore_mem>>) {add = true}
        %dma_wait3A_266 = arith.constant 0 : i32
        %dma_wait3A_267 = tpu.memref_slice %arg8[%run_scoped3A_115, %dma_wait3A_266] : memref<16x128xi32, #tpu.memory_space<vmem>> -> memref<1x128xi32, #tpu.memory_space<vmem>>
        %dma_wait3A_268 = tpu.memref_squeeze %dma_wait3A_267 : memref<1x128xi32, #tpu.memory_space<vmem>> -> memref<128xi32, #tpu.memory_space<vmem>>
        %dma_wait3A_269 = arith.constant 0 : i32
        %dma_wait3A_270 = arith.constant 0 : i32
        %dma_wait3A_271 = tpu.memref_slice %arg11[%dma_wait3A_269, %dma_wait3A_270] : memref<10112x128xf32, #tpu.memory_space<vmem_shared>> -> memref<10112x128xf32, #tpu.memory_space<vmem_shared>>
        tpu.wait_indirect_dma semaphore(%run_scoped3A_259 : memref<!tpu.dma_semaphore, #tpu.memory_space<semaphore_mem>>) src(%arg10 : memref<128x128xf32, #tpu.memory_space<vmem>>) dst(%dma_wait3A_271 : memref<10112x128xf32, #tpu.memory_space<vmem_shared>>)
        tpu.yield
      }) : () -> ()
      %dma_start3A_116 = arith.constant 7 : i32
      %dma_start3A_117 = arith.constant 0 : i32
      %dma_start3A_118 = tpu.memref_slice %arg7[%dma_start3A_116, %dma_start3A_117] : memref<16x128xi32, #tpu.memory_space<vmem>> -> memref<1x128xi32, #tpu.memory_space<vmem>>
      %dma_start3A_119 = tpu.memref_squeeze %dma_start3A_118 : memref<1x128xi32, #tpu.memory_space<vmem>> -> memref<128xi32, #tpu.memory_space<vmem>>
      %dma_start3A_120 = arith.constant 0 : i32
      %dma_start3A_121 = arith.constant 0 : i32
      %dma_start3A_122 = tpu.memref_slice %arg2[%dma_start3A_120, %dma_start3A_121] : memref<10000x128xf32, #tpu.memory_space<hbm>> -> memref<10000x128xf32, #tpu.memory_space<hbm>>
      tpu.enqueue_indirect_dma source(%dma_start3A_122 : memref<10000x128xf32, #tpu.memory_space<hbm>>) target(%arg10 : memref<128x128xf32, #tpu.memory_space<vmem>>) offsets(%dma_start3A_119 : memref<128xi32, #tpu.memory_space<vmem>>) semaphore(%arg13 : memref<!tpu.dma_semaphore, #tpu.memory_space<semaphore_mem>>)
      %dma_wait3A_123 = arith.constant 6 : i32
      %dma_wait3A_124 = arith.constant 0 : i32
      %dma_wait3A_125 = tpu.memref_slice %arg7[%dma_wait3A_123, %dma_wait3A_124] : memref<16x128xi32, #tpu.memory_space<vmem>> -> memref<1x128xi32, #tpu.memory_space<vmem>>
      %dma_wait3A_126 = tpu.memref_squeeze %dma_wait3A_125 : memref<1x128xi32, #tpu.memory_space<vmem>> -> memref<128xi32, #tpu.memory_space<vmem>>
      %dma_wait3A_127 = arith.constant 0 : i32
      %dma_wait3A_128 = arith.constant 0 : i32
      %dma_wait3A_129 = tpu.memref_slice %arg2[%dma_wait3A_127, %dma_wait3A_128] : memref<10000x128xf32, #tpu.memory_space<hbm>> -> memref<10000x128xf32, #tpu.memory_space<hbm>>
      tpu.wait_indirect_dma semaphore(%arg12 : memref<!tpu.dma_semaphore, #tpu.memory_space<semaphore_mem>>) src(%dma_wait3A_129 : memref<10000x128xf32, #tpu.memory_space<hbm>>) dst(%arg9 : memref<128x128xf32, #tpu.memory_space<vmem>>)
      %run_scoped3A_130 = arith.constant 6 : i32
      "tpu.region"() ({
        %run_scoped3A_259 = tpu.sem_alloc : memref<!tpu.dma_semaphore, #tpu.memory_space<semaphore_mem>>
        %dma_start3A_260 = arith.constant 0 : i32
        %dma_start3A_261 = tpu.memref_slice %arg8[%run_scoped3A_130, %dma_start3A_260] : memref<16x128xi32, #tpu.memory_space<vmem>> -> memref<1x128xi32, #tpu.memory_space<vmem>>
        %dma_start3A_262 = tpu.memref_squeeze %dma_start3A_261 : memref<1x128xi32, #tpu.memory_space<vmem>> -> memref<128xi32, #tpu.memory_space<vmem>>
        %dma_start3A_263 = arith.constant 0 : i32
        %dma_start3A_264 = arith.constant 0 : i32
        %dma_start3A_265 = tpu.memref_slice %arg11[%dma_start3A_263, %dma_start3A_264] : memref<10112x128xf32, #tpu.memory_space<vmem_shared>> -> memref<10112x128xf32, #tpu.memory_space<vmem_shared>>
        tpu.enqueue_indirect_dma source(%arg9 : memref<128x128xf32, #tpu.memory_space<vmem>>) target(%dma_start3A_265 : memref<10112x128xf32, #tpu.memory_space<vmem_shared>>) offsets(%dma_start3A_262 : memref<128xi32, #tpu.memory_space<vmem>>) semaphore(%run_scoped3A_259 : memref<!tpu.dma_semaphore, #tpu.memory_space<semaphore_mem>>) {add = true}
        %dma_wait3A_266 = arith.constant 0 : i32
        %dma_wait3A_267 = tpu.memref_slice %arg8[%run_scoped3A_130, %dma_wait3A_266] : memref<16x128xi32, #tpu.memory_space<vmem>> -> memref<1x128xi32, #tpu.memory_space<vmem>>
        %dma_wait3A_268 = tpu.memref_squeeze %dma_wait3A_267 : memref<1x128xi32, #tpu.memory_space<vmem>> -> memref<128xi32, #tpu.memory_space<vmem>>
        %dma_wait3A_269 = arith.constant 0 : i32
        %dma_wait3A_270 = arith.constant 0 : i32
        %dma_wait3A_271 = tpu.memref_slice %arg11[%dma_wait3A_269, %dma_wait3A_270] : memref<10112x128xf32, #tpu.memory_space<vmem_shared>> -> memref<10112x128xf32, #tpu.memory_space<vmem_shared>>
        tpu.wait_indirect_dma semaphore(%run_scoped3A_259 : memref<!tpu.dma_semaphore, #tpu.memory_space<semaphore_mem>>) src(%arg9 : memref<128x128xf32, #tpu.memory_space<vmem>>) dst(%dma_wait3A_271 : memref<10112x128xf32, #tpu.memory_space<vmem_shared>>)
        tpu.yield
      }) : () -> ()
      %dma_start3A_131 = arith.constant 8 : i32
      %dma_start3A_132 = arith.constant 0 : i32
      %dma_start3A_133 = tpu.memref_slice %arg7[%dma_start3A_131, %dma_start3A_132] : memref<16x128xi32, #tpu.memory_space<vmem>> -> memref<1x128xi32, #tpu.memory_space<vmem>>
      %dma_start3A_134 = tpu.memref_squeeze %dma_start3A_133 : memref<1x128xi32, #tpu.memory_space<vmem>> -> memref<128xi32, #tpu.memory_space<vmem>>
      %dma_start3A_135 = arith.constant 0 : i32
      %dma_start3A_136 = arith.constant 0 : i32
      %dma_start3A_137 = tpu.memref_slice %arg2[%dma_start3A_135, %dma_start3A_136] : memref<10000x128xf32, #tpu.memory_space<hbm>> -> memref<10000x128xf32, #tpu.memory_space<hbm>>
      tpu.enqueue_indirect_dma source(%dma_start3A_137 : memref<10000x128xf32, #tpu.memory_space<hbm>>) target(%arg9 : memref<128x128xf32, #tpu.memory_space<vmem>>) offsets(%dma_start3A_134 : memref<128xi32, #tpu.memory_space<vmem>>) semaphore(%arg12 : memref<!tpu.dma_semaphore, #tpu.memory_space<semaphore_mem>>)
      %dma_wait3A_138 = arith.constant 7 : i32
      %dma_wait3A_139 = arith.constant 0 : i32
      %dma_wait3A_140 = tpu.memref_slice %arg7[%dma_wait3A_138, %dma_wait3A_139] : memref<16x128xi32, #tpu.memory_space<vmem>> -> memref<1x128xi32, #tpu.memory_space<vmem>>
      %dma_wait3A_141 = tpu.memref_squeeze %dma_wait3A_140 : memref<1x128xi32, #tpu.memory_space<vmem>> -> memref<128xi32, #tpu.memory_space<vmem>>
      %dma_wait3A_142 = arith.constant 0 : i32
      %dma_wait3A_143 = arith.constant 0 : i32
      %dma_wait3A_144 = tpu.memref_slice %arg2[%dma_wait3A_142, %dma_wait3A_143] : memref<10000x128xf32, #tpu.memory_space<hbm>> -> memref<10000x128xf32, #tpu.memory_space<hbm>>
      tpu.wait_indirect_dma semaphore(%arg13 : memref<!tpu.dma_semaphore, #tpu.memory_space<semaphore_mem>>) src(%dma_wait3A_144 : memref<10000x128xf32, #tpu.memory_space<hbm>>) dst(%arg10 : memref<128x128xf32, #tpu.memory_space<vmem>>)
      %run_scoped3A_145 = arith.constant 7 : i32
      "tpu.region"() ({
        %run_scoped3A_259 = tpu.sem_alloc : memref<!tpu.dma_semaphore, #tpu.memory_space<semaphore_mem>>
        %dma_start3A_260 = arith.constant 0 : i32
        %dma_start3A_261 = tpu.memref_slice %arg8[%run_scoped3A_145, %dma_start3A_260] : memref<16x128xi32, #tpu.memory_space<vmem>> -> memref<1x128xi32, #tpu.memory_space<vmem>>
        %dma_start3A_262 = tpu.memref_squeeze %dma_start3A_261 : memref<1x128xi32, #tpu.memory_space<vmem>> -> memref<128xi32, #tpu.memory_space<vmem>>
        %dma_start3A_263 = arith.constant 0 : i32
        %dma_start3A_264 = arith.constant 0 : i32
        %dma_start3A_265 = tpu.memref_slice %arg11[%dma_start3A_263, %dma_start3A_264] : memref<10112x128xf32, #tpu.memory_space<vmem_shared>> -> memref<10112x128xf32, #tpu.memory_space<vmem_shared>>
        tpu.enqueue_indirect_dma source(%arg10 : memref<128x128xf32, #tpu.memory_space<vmem>>) target(%dma_start3A_265 : memref<10112x128xf32, #tpu.memory_space<vmem_shared>>) offsets(%dma_start3A_262 : memref<128xi32, #tpu.memory_space<vmem>>) semaphore(%run_scoped3A_259 : memref<!tpu.dma_semaphore, #tpu.memory_space<semaphore_mem>>) {add = true}
        %dma_wait3A_266 = arith.constant 0 : i32
        %dma_wait3A_267 = tpu.memref_slice %arg8[%run_scoped3A_145, %dma_wait3A_266] : memref<16x128xi32, #tpu.memory_space<vmem>> -> memref<1x128xi32, #tpu.memory_space<vmem>>
        %dma_wait3A_268 = tpu.memref_squeeze %dma_wait3A_267 : memref<1x128xi32, #tpu.memory_space<vmem>> -> memref<128xi32, #tpu.memory_space<vmem>>
        %dma_wait3A_269 = arith.constant 0 : i32
        %dma_wait3A_270 = arith.constant 0 : i32
        %dma_wait3A_271 = tpu.memref_slice %arg11[%dma_wait3A_269, %dma_wait3A_270] : memref<10112x128xf32, #tpu.memory_space<vmem_shared>> -> memref<10112x128xf32, #tpu.memory_space<vmem_shared>>
        tpu.wait_indirect_dma semaphore(%run_scoped3A_259 : memref<!tpu.dma_semaphore, #tpu.memory_space<semaphore_mem>>) src(%arg10 : memref<128x128xf32, #tpu.memory_space<vmem>>) dst(%dma_wait3A_271 : memref<10112x128xf32, #tpu.memory_space<vmem_shared>>)
        tpu.yield
      }) : () -> ()
      %dma_start3A_146 = arith.constant 9 : i32
      %dma_start3A_147 = arith.constant 0 : i32
      %dma_start3A_148 = tpu.memref_slice %arg7[%dma_start3A_146, %dma_start3A_147] : memref<16x128xi32, #tpu.memory_space<vmem>> -> memref<1x128xi32, #tpu.memory_space<vmem>>
      %dma_start3A_149 = tpu.memref_squeeze %dma_start3A_148 : memref<1x128xi32, #tpu.memory_space<vmem>> -> memref<128xi32, #tpu.memory_space<vmem>>
      %dma_start3A_150 = arith.constant 0 : i32
      %dma_start3A_151 = arith.constant 0 : i32
      %dma_start3A_152 = tpu.memref_slice %arg2[%dma_start3A_150, %dma_start3A_151] : memref<10000x128xf32, #tpu.memory_space<hbm>> -> memref<10000x128xf32, #tpu.memory_space<hbm>>
      tpu.enqueue_indirect_dma source(%dma_start3A_152 : memref<10000x128xf32, #tpu.memory_space<hbm>>) target(%arg10 : memref<128x128xf32, #tpu.memory_space<vmem>>) offsets(%dma_start3A_149 : memref<128xi32, #tpu.memory_space<vmem>>) semaphore(%arg13 : memref<!tpu.dma_semaphore, #tpu.memory_space<semaphore_mem>>)
      %dma_wait3A_153 = arith.constant 8 : i32
      %dma_wait3A_154 = arith.constant 0 : i32
      %dma_wait3A_155 = tpu.memref_slice %arg7[%dma_wait3A_153, %dma_wait3A_154] : memref<16x128xi32, #tpu.memory_space<vmem>> -> memref<1x128xi32, #tpu.memory_space<vmem>>
      %dma_wait3A_156 = tpu.memref_squeeze %dma_wait3A_155 : memref<1x128xi32, #tpu.memory_space<vmem>> -> memref<128xi32, #tpu.memory_space<vmem>>
      %dma_wait3A_157 = arith.constant 0 : i32
      %dma_wait3A_158 = arith.constant 0 : i32
      %dma_wait3A_159 = tpu.memref_slice %arg2[%dma_wait3A_157, %dma_wait3A_158] : memref<10000x128xf32, #tpu.memory_space<hbm>> -> memref<10000x128xf32, #tpu.memory_space<hbm>>
      tpu.wait_indirect_dma semaphore(%arg12 : memref<!tpu.dma_semaphore, #tpu.memory_space<semaphore_mem>>) src(%dma_wait3A_159 : memref<10000x128xf32, #tpu.memory_space<hbm>>) dst(%arg9 : memref<128x128xf32, #tpu.memory_space<vmem>>)
      %run_scoped3A_160 = arith.constant 8 : i32
      "tpu.region"() ({
        %run_scoped3A_259 = tpu.sem_alloc : memref<!tpu.dma_semaphore, #tpu.memory_space<semaphore_mem>>
        %dma_start3A_260 = arith.constant 0 : i32
        %dma_start3A_261 = tpu.memref_slice %arg8[%run_scoped3A_160, %dma_start3A_260] : memref<16x128xi32, #tpu.memory_space<vmem>> -> memref<1x128xi32, #tpu.memory_space<vmem>>
        %dma_start3A_262 = tpu.memref_squeeze %dma_start3A_261 : memref<1x128xi32, #tpu.memory_space<vmem>> -> memref<128xi32, #tpu.memory_space<vmem>>
        %dma_start3A_263 = arith.constant 0 : i32
        %dma_start3A_264 = arith.constant 0 : i32
        %dma_start3A_265 = tpu.memref_slice %arg11[%dma_start3A_263, %dma_start3A_264] : memref<10112x128xf32, #tpu.memory_space<vmem_shared>> -> memref<10112x128xf32, #tpu.memory_space<vmem_shared>>
        tpu.enqueue_indirect_dma source(%arg9 : memref<128x128xf32, #tpu.memory_space<vmem>>) target(%dma_start3A_265 : memref<10112x128xf32, #tpu.memory_space<vmem_shared>>) offsets(%dma_start3A_262 : memref<128xi32, #tpu.memory_space<vmem>>) semaphore(%run_scoped3A_259 : memref<!tpu.dma_semaphore, #tpu.memory_space<semaphore_mem>>) {add = true}
        %dma_wait3A_266 = arith.constant 0 : i32
        %dma_wait3A_267 = tpu.memref_slice %arg8[%run_scoped3A_160, %dma_wait3A_266] : memref<16x128xi32, #tpu.memory_space<vmem>> -> memref<1x128xi32, #tpu.memory_space<vmem>>
        %dma_wait3A_268 = tpu.memref_squeeze %dma_wait3A_267 : memref<1x128xi32, #tpu.memory_space<vmem>> -> memref<128xi32, #tpu.memory_space<vmem>>
        %dma_wait3A_269 = arith.constant 0 : i32
        %dma_wait3A_270 = arith.constant 0 : i32
        %dma_wait3A_271 = tpu.memref_slice %arg11[%dma_wait3A_269, %dma_wait3A_270] : memref<10112x128xf32, #tpu.memory_space<vmem_shared>> -> memref<10112x128xf32, #tpu.memory_space<vmem_shared>>
        tpu.wait_indirect_dma semaphore(%run_scoped3A_259 : memref<!tpu.dma_semaphore, #tpu.memory_space<semaphore_mem>>) src(%arg9 : memref<128x128xf32, #tpu.memory_space<vmem>>) dst(%dma_wait3A_271 : memref<10112x128xf32, #tpu.memory_space<vmem_shared>>)
        tpu.yield
      }) : () -> ()
      %dma_start3A_161 = arith.constant 10 : i32
      %dma_start3A_162 = arith.constant 0 : i32
      %dma_start3A_163 = tpu.memref_slice %arg7[%dma_start3A_161, %dma_start3A_162] : memref<16x128xi32, #tpu.memory_space<vmem>> -> memref<1x128xi32, #tpu.memory_space<vmem>>
      %dma_start3A_164 = tpu.memref_squeeze %dma_start3A_163 : memref<1x128xi32, #tpu.memory_space<vmem>> -> memref<128xi32, #tpu.memory_space<vmem>>
      %dma_start3A_165 = arith.constant 0 : i32
      %dma_start3A_166 = arith.constant 0 : i32
      %dma_start3A_167 = tpu.memref_slice %arg2[%dma_start3A_165, %dma_start3A_166] : memref<10000x128xf32, #tpu.memory_space<hbm>> -> memref<10000x128xf32, #tpu.memory_space<hbm>>
      tpu.enqueue_indirect_dma source(%dma_start3A_167 : memref<10000x128xf32, #tpu.memory_space<hbm>>) target(%arg9 : memref<128x128xf32, #tpu.memory_space<vmem>>) offsets(%dma_start3A_164 : memref<128xi32, #tpu.memory_space<vmem>>) semaphore(%arg12 : memref<!tpu.dma_semaphore, #tpu.memory_space<semaphore_mem>>)
      %dma_wait3A_168 = arith.constant 9 : i32
      %dma_wait3A_169 = arith.constant 0 : i32
      %dma_wait3A_170 = tpu.memref_slice %arg7[%dma_wait3A_168, %dma_wait3A_169] : memref<16x128xi32, #tpu.memory_space<vmem>> -> memref<1x128xi32, #tpu.memory_space<vmem>>
      %dma_wait3A_171 = tpu.memref_squeeze %dma_wait3A_170 : memref<1x128xi32, #tpu.memory_space<vmem>> -> memref<128xi32, #tpu.memory_space<vmem>>
      %dma_wait3A_172 = arith.constant 0 : i32
      %dma_wait3A_173 = arith.constant 0 : i32
      %dma_wait3A_174 = tpu.memref_slice %arg2[%dma_wait3A_172, %dma_wait3A_173] : memref<10000x128xf32, #tpu.memory_space<hbm>> -> memref<10000x128xf32, #tpu.memory_space<hbm>>
      tpu.wait_indirect_dma semaphore(%arg13 : memref<!tpu.dma_semaphore, #tpu.memory_space<semaphore_mem>>) src(%dma_wait3A_174 : memref<10000x128xf32, #tpu.memory_space<hbm>>) dst(%arg10 : memref<128x128xf32, #tpu.memory_space<vmem>>)
      %run_scoped3A_175 = arith.constant 9 : i32
      "tpu.region"() ({
        %run_scoped3A_259 = tpu.sem_alloc : memref<!tpu.dma_semaphore, #tpu.memory_space<semaphore_mem>>
        %dma_start3A_260 = arith.constant 0 : i32
        %dma_start3A_261 = tpu.memref_slice %arg8[%run_scoped3A_175, %dma_start3A_260] : memref<16x128xi32, #tpu.memory_space<vmem>> -> memref<1x128xi32, #tpu.memory_space<vmem>>
        %dma_start3A_262 = tpu.memref_squeeze %dma_start3A_261 : memref<1x128xi32, #tpu.memory_space<vmem>> -> memref<128xi32, #tpu.memory_space<vmem>>
        %dma_start3A_263 = arith.constant 0 : i32
        %dma_start3A_264 = arith.constant 0 : i32
        %dma_start3A_265 = tpu.memref_slice %arg11[%dma_start3A_263, %dma_start3A_264] : memref<10112x128xf32, #tpu.memory_space<vmem_shared>> -> memref<10112x128xf32, #tpu.memory_space<vmem_shared>>
        tpu.enqueue_indirect_dma source(%arg10 : memref<128x128xf32, #tpu.memory_space<vmem>>) target(%dma_start3A_265 : memref<10112x128xf32, #tpu.memory_space<vmem_shared>>) offsets(%dma_start3A_262 : memref<128xi32, #tpu.memory_space<vmem>>) semaphore(%run_scoped3A_259 : memref<!tpu.dma_semaphore, #tpu.memory_space<semaphore_mem>>) {add = true}
        %dma_wait3A_266 = arith.constant 0 : i32
        %dma_wait3A_267 = tpu.memref_slice %arg8[%run_scoped3A_175, %dma_wait3A_266] : memref<16x128xi32, #tpu.memory_space<vmem>> -> memref<1x128xi32, #tpu.memory_space<vmem>>
        %dma_wait3A_268 = tpu.memref_squeeze %dma_wait3A_267 : memref<1x128xi32, #tpu.memory_space<vmem>> -> memref<128xi32, #tpu.memory_space<vmem>>
        %dma_wait3A_269 = arith.constant 0 : i32
        %dma_wait3A_270 = arith.constant 0 : i32
        %dma_wait3A_271 = tpu.memref_slice %arg11[%dma_wait3A_269, %dma_wait3A_270] : memref<10112x128xf32, #tpu.memory_space<vmem_shared>> -> memref<10112x128xf32, #tpu.memory_space<vmem_shared>>
        tpu.wait_indirect_dma semaphore(%run_scoped3A_259 : memref<!tpu.dma_semaphore, #tpu.memory_space<semaphore_mem>>) src(%arg10 : memref<128x128xf32, #tpu.memory_space<vmem>>) dst(%dma_wait3A_271 : memref<10112x128xf32, #tpu.memory_space<vmem_shared>>)
        tpu.yield
      }) : () -> ()
      %dma_start3A_176 = arith.constant 11 : i32
      %dma_start3A_177 = arith.constant 0 : i32
      %dma_start3A_178 = tpu.memref_slice %arg7[%dma_start3A_176, %dma_start3A_177] : memref<16x128xi32, #tpu.memory_space<vmem>> -> memref<1x128xi32, #tpu.memory_space<vmem>>
      %dma_start3A_179 = tpu.memref_squeeze %dma_start3A_178 : memref<1x128xi32, #tpu.memory_space<vmem>> -> memref<128xi32, #tpu.memory_space<vmem>>
      %dma_start3A_180 = arith.constant 0 : i32
      %dma_start3A_181 = arith.constant 0 : i32
      %dma_start3A_182 = tpu.memref_slice %arg2[%dma_start3A_180, %dma_start3A_181] : memref<10000x128xf32, #tpu.memory_space<hbm>> -> memref<10000x128xf32, #tpu.memory_space<hbm>>
      tpu.enqueue_indirect_dma source(%dma_start3A_182 : memref<10000x128xf32, #tpu.memory_space<hbm>>) target(%arg10 : memref<128x128xf32, #tpu.memory_space<vmem>>) offsets(%dma_start3A_179 : memref<128xi32, #tpu.memory_space<vmem>>) semaphore(%arg13 : memref<!tpu.dma_semaphore, #tpu.memory_space<semaphore_mem>>)
      %dma_wait3A_183 = arith.constant 10 : i32
      %dma_wait3A_184 = arith.constant 0 : i32
      %dma_wait3A_185 = tpu.memref_slice %arg7[%dma_wait3A_183, %dma_wait3A_184] : memref<16x128xi32, #tpu.memory_space<vmem>> -> memref<1x128xi32, #tpu.memory_space<vmem>>
      %dma_wait3A_186 = tpu.memref_squeeze %dma_wait3A_185 : memref<1x128xi32, #tpu.memory_space<vmem>> -> memref<128xi32, #tpu.memory_space<vmem>>
      %dma_wait3A_187 = arith.constant 0 : i32
      %dma_wait3A_188 = arith.constant 0 : i32
      %dma_wait3A_189 = tpu.memref_slice %arg2[%dma_wait3A_187, %dma_wait3A_188] : memref<10000x128xf32, #tpu.memory_space<hbm>> -> memref<10000x128xf32, #tpu.memory_space<hbm>>
      tpu.wait_indirect_dma semaphore(%arg12 : memref<!tpu.dma_semaphore, #tpu.memory_space<semaphore_mem>>) src(%dma_wait3A_189 : memref<10000x128xf32, #tpu.memory_space<hbm>>) dst(%arg9 : memref<128x128xf32, #tpu.memory_space<vmem>>)
      %run_scoped3A_190 = arith.constant 10 : i32
      "tpu.region"() ({
        %run_scoped3A_259 = tpu.sem_alloc : memref<!tpu.dma_semaphore, #tpu.memory_space<semaphore_mem>>
        %dma_start3A_260 = arith.constant 0 : i32
        %dma_start3A_261 = tpu.memref_slice %arg8[%run_scoped3A_190, %dma_start3A_260] : memref<16x128xi32, #tpu.memory_space<vmem>> -> memref<1x128xi32, #tpu.memory_space<vmem>>
        %dma_start3A_262 = tpu.memref_squeeze %dma_start3A_261 : memref<1x128xi32, #tpu.memory_space<vmem>> -> memref<128xi32, #tpu.memory_space<vmem>>
        %dma_start3A_263 = arith.constant 0 : i32
        %dma_start3A_264 = arith.constant 0 : i32
        %dma_start3A_265 = tpu.memref_slice %arg11[%dma_start3A_263, %dma_start3A_264] : memref<10112x128xf32, #tpu.memory_space<vmem_shared>> -> memref<10112x128xf32, #tpu.memory_space<vmem_shared>>
        tpu.enqueue_indirect_dma source(%arg9 : memref<128x128xf32, #tpu.memory_space<vmem>>) target(%dma_start3A_265 : memref<10112x128xf32, #tpu.memory_space<vmem_shared>>) offsets(%dma_start3A_262 : memref<128xi32, #tpu.memory_space<vmem>>) semaphore(%run_scoped3A_259 : memref<!tpu.dma_semaphore, #tpu.memory_space<semaphore_mem>>) {add = true}
        %dma_wait3A_266 = arith.constant 0 : i32
        %dma_wait3A_267 = tpu.memref_slice %arg8[%run_scoped3A_190, %dma_wait3A_266] : memref<16x128xi32, #tpu.memory_space<vmem>> -> memref<1x128xi32, #tpu.memory_space<vmem>>
        %dma_wait3A_268 = tpu.memref_squeeze %dma_wait3A_267 : memref<1x128xi32, #tpu.memory_space<vmem>> -> memref<128xi32, #tpu.memory_space<vmem>>
        %dma_wait3A_269 = arith.constant 0 : i32
        %dma_wait3A_270 = arith.constant 0 : i32
        %dma_wait3A_271 = tpu.memref_slice %arg11[%dma_wait3A_269, %dma_wait3A_270] : memref<10112x128xf32, #tpu.memory_space<vmem_shared>> -> memref<10112x128xf32, #tpu.memory_space<vmem_shared>>
        tpu.wait_indirect_dma semaphore(%run_scoped3A_259 : memref<!tpu.dma_semaphore, #tpu.memory_space<semaphore_mem>>) src(%arg9 : memref<128x128xf32, #tpu.memory_space<vmem>>) dst(%dma_wait3A_271 : memref<10112x128xf32, #tpu.memory_space<vmem_shared>>)
        tpu.yield
      }) : () -> ()
      %dma_start3A_191 = arith.constant 12 : i32
      %dma_start3A_192 = arith.constant 0 : i32
      %dma_start3A_193 = tpu.memref_slice %arg7[%dma_start3A_191, %dma_start3A_192] : memref<16x128xi32, #tpu.memory_space<vmem>> -> memref<1x128xi32, #tpu.memory_space<vmem>>
      %dma_start3A_194 = tpu.memref_squeeze %dma_start3A_193 : memref<1x128xi32, #tpu.memory_space<vmem>> -> memref<128xi32, #tpu.memory_space<vmem>>
      %dma_start3A_195 = arith.constant 0 : i32
      %dma_start3A_196 = arith.constant 0 : i32
      %dma_start3A_197 = tpu.memref_slice %arg2[%dma_start3A_195, %dma_start3A_196] : memref<10000x128xf32, #tpu.memory_space<hbm>> -> memref<10000x128xf32, #tpu.memory_space<hbm>>
      tpu.enqueue_indirect_dma source(%dma_start3A_197 : memref<10000x128xf32, #tpu.memory_space<hbm>>) target(%arg9 : memref<128x128xf32, #tpu.memory_space<vmem>>) offsets(%dma_start3A_194 : memref<128xi32, #tpu.memory_space<vmem>>) semaphore(%arg12 : memref<!tpu.dma_semaphore, #tpu.memory_space<semaphore_mem>>)
      %dma_wait3A_198 = arith.constant 11 : i32
      %dma_wait3A_199 = arith.constant 0 : i32
      %dma_wait3A_200 = tpu.memref_slice %arg7[%dma_wait3A_198, %dma_wait3A_199] : memref<16x128xi32, #tpu.memory_space<vmem>> -> memref<1x128xi32, #tpu.memory_space<vmem>>
      %dma_wait3A_201 = tpu.memref_squeeze %dma_wait3A_200 : memref<1x128xi32, #tpu.memory_space<vmem>> -> memref<128xi32, #tpu.memory_space<vmem>>
      %dma_wait3A_202 = arith.constant 0 : i32
      %dma_wait3A_203 = arith.constant 0 : i32
      %dma_wait3A_204 = tpu.memref_slice %arg2[%dma_wait3A_202, %dma_wait3A_203] : memref<10000x128xf32, #tpu.memory_space<hbm>> -> memref<10000x128xf32, #tpu.memory_space<hbm>>
      tpu.wait_indirect_dma semaphore(%arg13 : memref<!tpu.dma_semaphore, #tpu.memory_space<semaphore_mem>>) src(%dma_wait3A_204 : memref<10000x128xf32, #tpu.memory_space<hbm>>) dst(%arg10 : memref<128x128xf32, #tpu.memory_space<vmem>>)
      %run_scoped3A_205 = arith.constant 11 : i32
      "tpu.region"() ({
        %run_scoped3A_259 = tpu.sem_alloc : memref<!tpu.dma_semaphore, #tpu.memory_space<semaphore_mem>>
        %dma_start3A_260 = arith.constant 0 : i32
        %dma_start3A_261 = tpu.memref_slice %arg8[%run_scoped3A_205, %dma_start3A_260] : memref<16x128xi32, #tpu.memory_space<vmem>> -> memref<1x128xi32, #tpu.memory_space<vmem>>
        %dma_start3A_262 = tpu.memref_squeeze %dma_start3A_261 : memref<1x128xi32, #tpu.memory_space<vmem>> -> memref<128xi32, #tpu.memory_space<vmem>>
        %dma_start3A_263 = arith.constant 0 : i32
        %dma_start3A_264 = arith.constant 0 : i32
        %dma_start3A_265 = tpu.memref_slice %arg11[%dma_start3A_263, %dma_start3A_264] : memref<10112x128xf32, #tpu.memory_space<vmem_shared>> -> memref<10112x128xf32, #tpu.memory_space<vmem_shared>>
        tpu.enqueue_indirect_dma source(%arg10 : memref<128x128xf32, #tpu.memory_space<vmem>>) target(%dma_start3A_265 : memref<10112x128xf32, #tpu.memory_space<vmem_shared>>) offsets(%dma_start3A_262 : memref<128xi32, #tpu.memory_space<vmem>>) semaphore(%run_scoped3A_259 : memref<!tpu.dma_semaphore, #tpu.memory_space<semaphore_mem>>) {add = true}
        %dma_wait3A_266 = arith.constant 0 : i32
        %dma_wait3A_267 = tpu.memref_slice %arg8[%run_scoped3A_205, %dma_wait3A_266] : memref<16x128xi32, #tpu.memory_space<vmem>> -> memref<1x128xi32, #tpu.memory_space<vmem>>
        %dma_wait3A_268 = tpu.memref_squeeze %dma_wait3A_267 : memref<1x128xi32, #tpu.memory_space<vmem>> -> memref<128xi32, #tpu.memory_space<vmem>>
        %dma_wait3A_269 = arith.constant 0 : i32
        %dma_wait3A_270 = arith.constant 0 : i32
        %dma_wait3A_271 = tpu.memref_slice %arg11[%dma_wait3A_269, %dma_wait3A_270] : memref<10112x128xf32, #tpu.memory_space<vmem_shared>> -> memref<10112x128xf32, #tpu.memory_space<vmem_shared>>
        tpu.wait_indirect_dma semaphore(%run_scoped3A_259 : memref<!tpu.dma_semaphore, #tpu.memory_space<semaphore_mem>>) src(%arg10 : memref<128x128xf32, #tpu.memory_space<vmem>>) dst(%dma_wait3A_271 : memref<10112x128xf32, #tpu.memory_space<vmem_shared>>)
        tpu.yield
      }) : () -> ()
      %dma_start3A_206 = arith.constant 13 : i32
      %dma_start3A_207 = arith.constant 0 : i32
      %dma_start3A_208 = tpu.memref_slice %arg7[%dma_start3A_206, %dma_start3A_207] : memref<16x128xi32, #tpu.memory_space<vmem>> -> memref<1x128xi32, #tpu.memory_space<vmem>>
      %dma_start3A_209 = tpu.memref_squeeze %dma_start3A_208 : memref<1x128xi32, #tpu.memory_space<vmem>> -> memref<128xi32, #tpu.memory_space<vmem>>
      %dma_start3A_210 = arith.constant 0 : i32
      %dma_start3A_211 = arith.constant 0 : i32
      %dma_start3A_212 = tpu.memref_slice %arg2[%dma_start3A_210, %dma_start3A_211] : memref<10000x128xf32, #tpu.memory_space<hbm>> -> memref<10000x128xf32, #tpu.memory_space<hbm>>
      tpu.enqueue_indirect_dma source(%dma_start3A_212 : memref<10000x128xf32, #tpu.memory_space<hbm>>) target(%arg10 : memref<128x128xf32, #tpu.memory_space<vmem>>) offsets(%dma_start3A_209 : memref<128xi32, #tpu.memory_space<vmem>>) semaphore(%arg13 : memref<!tpu.dma_semaphore, #tpu.memory_space<semaphore_mem>>)
      %dma_wait3A_213 = arith.constant 12 : i32
      %dma_wait3A_214 = arith.constant 0 : i32
      %dma_wait3A_215 = tpu.memref_slice %arg7[%dma_wait3A_213, %dma_wait3A_214] : memref<16x128xi32, #tpu.memory_space<vmem>> -> memref<1x128xi32, #tpu.memory_space<vmem>>
      %dma_wait3A_216 = tpu.memref_squeeze %dma_wait3A_215 : memref<1x128xi32, #tpu.memory_space<vmem>> -> memref<128xi32, #tpu.memory_space<vmem>>
      %dma_wait3A_217 = arith.constant 0 : i32
      %dma_wait3A_218 = arith.constant 0 : i32
      %dma_wait3A_219 = tpu.memref_slice %arg2[%dma_wait3A_217, %dma_wait3A_218] : memref<10000x128xf32, #tpu.memory_space<hbm>> -> memref<10000x128xf32, #tpu.memory_space<hbm>>
      tpu.wait_indirect_dma semaphore(%arg12 : memref<!tpu.dma_semaphore, #tpu.memory_space<semaphore_mem>>) src(%dma_wait3A_219 : memref<10000x128xf32, #tpu.memory_space<hbm>>) dst(%arg9 : memref<128x128xf32, #tpu.memory_space<vmem>>)
      %run_scoped3A_220 = arith.constant 12 : i32
      "tpu.region"() ({
        %run_scoped3A_259 = tpu.sem_alloc : memref<!tpu.dma_semaphore, #tpu.memory_space<semaphore_mem>>
        %dma_start3A_260 = arith.constant 0 : i32
        %dma_start3A_261 = tpu.memref_slice %arg8[%run_scoped3A_220, %dma_start3A_260] : memref<16x128xi32, #tpu.memory_space<vmem>> -> memref<1x128xi32, #tpu.memory_space<vmem>>
        %dma_start3A_262 = tpu.memref_squeeze %dma_start3A_261 : memref<1x128xi32, #tpu.memory_space<vmem>> -> memref<128xi32, #tpu.memory_space<vmem>>
        %dma_start3A_263 = arith.constant 0 : i32
        %dma_start3A_264 = arith.constant 0 : i32
        %dma_start3A_265 = tpu.memref_slice %arg11[%dma_start3A_263, %dma_start3A_264] : memref<10112x128xf32, #tpu.memory_space<vmem_shared>> -> memref<10112x128xf32, #tpu.memory_space<vmem_shared>>
        tpu.enqueue_indirect_dma source(%arg9 : memref<128x128xf32, #tpu.memory_space<vmem>>) target(%dma_start3A_265 : memref<10112x128xf32, #tpu.memory_space<vmem_shared>>) offsets(%dma_start3A_262 : memref<128xi32, #tpu.memory_space<vmem>>) semaphore(%run_scoped3A_259 : memref<!tpu.dma_semaphore, #tpu.memory_space<semaphore_mem>>) {add = true}
        %dma_wait3A_266 = arith.constant 0 : i32
        %dma_wait3A_267 = tpu.memref_slice %arg8[%run_scoped3A_220, %dma_wait3A_266] : memref<16x128xi32, #tpu.memory_space<vmem>> -> memref<1x128xi32, #tpu.memory_space<vmem>>
        %dma_wait3A_268 = tpu.memref_squeeze %dma_wait3A_267 : memref<1x128xi32, #tpu.memory_space<vmem>> -> memref<128xi32, #tpu.memory_space<vmem>>
        %dma_wait3A_269 = arith.constant 0 : i32
        %dma_wait3A_270 = arith.constant 0 : i32
        %dma_wait3A_271 = tpu.memref_slice %arg11[%dma_wait3A_269, %dma_wait3A_270] : memref<10112x128xf32, #tpu.memory_space<vmem_shared>> -> memref<10112x128xf32, #tpu.memory_space<vmem_shared>>
        tpu.wait_indirect_dma semaphore(%run_scoped3A_259 : memref<!tpu.dma_semaphore, #tpu.memory_space<semaphore_mem>>) src(%arg9 : memref<128x128xf32, #tpu.memory_space<vmem>>) dst(%dma_wait3A_271 : memref<10112x128xf32, #tpu.memory_space<vmem_shared>>)
        tpu.yield
      }) : () -> ()
      %dma_start3A_221 = arith.constant 14 : i32
      %dma_start3A_222 = arith.constant 0 : i32
      %dma_start3A_223 = tpu.memref_slice %arg7[%dma_start3A_221, %dma_start3A_222] : memref<16x128xi32, #tpu.memory_space<vmem>> -> memref<1x128xi32, #tpu.memory_space<vmem>>
      %dma_start3A_224 = tpu.memref_squeeze %dma_start3A_223 : memref<1x128xi32, #tpu.memory_space<vmem>> -> memref<128xi32, #tpu.memory_space<vmem>>
      %dma_start3A_225 = arith.constant 0 : i32
      %dma_start3A_226 = arith.constant 0 : i32
      %dma_start3A_227 = tpu.memref_slice %arg2[%dma_start3A_225, %dma_start3A_226] : memref<10000x128xf32, #tpu.memory_space<hbm>> -> memref<10000x128xf32, #tpu.memory_space<hbm>>
      tpu.enqueue_indirect_dma source(%dma_start3A_227 : memref<10000x128xf32, #tpu.memory_space<hbm>>) target(%arg9 : memref<128x128xf32, #tpu.memory_space<vmem>>) offsets(%dma_start3A_224 : memref<128xi32, #tpu.memory_space<vmem>>) semaphore(%arg12 : memref<!tpu.dma_semaphore, #tpu.memory_space<semaphore_mem>>)
      %dma_wait3A_228 = arith.constant 13 : i32
      %dma_wait3A_229 = arith.constant 0 : i32
      %dma_wait3A_230 = tpu.memref_slice %arg7[%dma_wait3A_228, %dma_wait3A_229] : memref<16x128xi32, #tpu.memory_space<vmem>> -> memref<1x128xi32, #tpu.memory_space<vmem>>
      %dma_wait3A_231 = tpu.memref_squeeze %dma_wait3A_230 : memref<1x128xi32, #tpu.memory_space<vmem>> -> memref<128xi32, #tpu.memory_space<vmem>>
      %dma_wait3A_232 = arith.constant 0 : i32
      %dma_wait3A_233 = arith.constant 0 : i32
      %dma_wait3A_234 = tpu.memref_slice %arg2[%dma_wait3A_232, %dma_wait3A_233] : memref<10000x128xf32, #tpu.memory_space<hbm>> -> memref<10000x128xf32, #tpu.memory_space<hbm>>
      tpu.wait_indirect_dma semaphore(%arg13 : memref<!tpu.dma_semaphore, #tpu.memory_space<semaphore_mem>>) src(%dma_wait3A_234 : memref<10000x128xf32, #tpu.memory_space<hbm>>) dst(%arg10 : memref<128x128xf32, #tpu.memory_space<vmem>>)
      %run_scoped3A_235 = arith.constant 13 : i32
      "tpu.region"() ({
        %run_scoped3A_259 = tpu.sem_alloc : memref<!tpu.dma_semaphore, #tpu.memory_space<semaphore_mem>>
        %dma_start3A_260 = arith.constant 0 : i32
        %dma_start3A_261 = tpu.memref_slice %arg8[%run_scoped3A_235, %dma_start3A_260] : memref<16x128xi32, #tpu.memory_space<vmem>> -> memref<1x128xi32, #tpu.memory_space<vmem>>
        %dma_start3A_262 = tpu.memref_squeeze %dma_start3A_261 : memref<1x128xi32, #tpu.memory_space<vmem>> -> memref<128xi32, #tpu.memory_space<vmem>>
        %dma_start3A_263 = arith.constant 0 : i32
        %dma_start3A_264 = arith.constant 0 : i32
        %dma_start3A_265 = tpu.memref_slice %arg11[%dma_start3A_263, %dma_start3A_264] : memref<10112x128xf32, #tpu.memory_space<vmem_shared>> -> memref<10112x128xf32, #tpu.memory_space<vmem_shared>>
        tpu.enqueue_indirect_dma source(%arg10 : memref<128x128xf32, #tpu.memory_space<vmem>>) target(%dma_start3A_265 : memref<10112x128xf32, #tpu.memory_space<vmem_shared>>) offsets(%dma_start3A_262 : memref<128xi32, #tpu.memory_space<vmem>>) semaphore(%run_scoped3A_259 : memref<!tpu.dma_semaphore, #tpu.memory_space<semaphore_mem>>) {add = true}
        %dma_wait3A_266 = arith.constant 0 : i32
        %dma_wait3A_267 = tpu.memref_slice %arg8[%run_scoped3A_235, %dma_wait3A_266] : memref<16x128xi32, #tpu.memory_space<vmem>> -> memref<1x128xi32, #tpu.memory_space<vmem>>
        %dma_wait3A_268 = tpu.memref_squeeze %dma_wait3A_267 : memref<1x128xi32, #tpu.memory_space<vmem>> -> memref<128xi32, #tpu.memory_space<vmem>>
        %dma_wait3A_269 = arith.constant 0 : i32
        %dma_wait3A_270 = arith.constant 0 : i32
        %dma_wait3A_271 = tpu.memref_slice %arg11[%dma_wait3A_269, %dma_wait3A_270] : memref<10112x128xf32, #tpu.memory_space<vmem_shared>> -> memref<10112x128xf32, #tpu.memory_space<vmem_shared>>
        tpu.wait_indirect_dma semaphore(%run_scoped3A_259 : memref<!tpu.dma_semaphore, #tpu.memory_space<semaphore_mem>>) src(%arg10 : memref<128x128xf32, #tpu.memory_space<vmem>>) dst(%dma_wait3A_271 : memref<10112x128xf32, #tpu.memory_space<vmem_shared>>)
        tpu.yield
      }) : () -> ()
      %dma_start3A_236 = arith.constant 15 : i32
      %dma_start3A_237 = arith.constant 0 : i32
      %dma_start3A_238 = tpu.memref_slice %arg7[%dma_start3A_236, %dma_start3A_237] : memref<16x128xi32, #tpu.memory_space<vmem>> -> memref<1x128xi32, #tpu.memory_space<vmem>>
      %dma_start3A_239 = tpu.memref_squeeze %dma_start3A_238 : memref<1x128xi32, #tpu.memory_space<vmem>> -> memref<128xi32, #tpu.memory_space<vmem>>
      %dma_start3A_240 = arith.constant 0 : i32
      %dma_start3A_241 = arith.constant 0 : i32
      %dma_start3A_242 = tpu.memref_slice %arg2[%dma_start3A_240, %dma_start3A_241] : memref<10000x128xf32, #tpu.memory_space<hbm>> -> memref<10000x128xf32, #tpu.memory_space<hbm>>
      tpu.enqueue_indirect_dma source(%dma_start3A_242 : memref<10000x128xf32, #tpu.memory_space<hbm>>) target(%arg10 : memref<128x128xf32, #tpu.memory_space<vmem>>) offsets(%dma_start3A_239 : memref<128xi32, #tpu.memory_space<vmem>>) semaphore(%arg13 : memref<!tpu.dma_semaphore, #tpu.memory_space<semaphore_mem>>)
      %dma_wait3A_243 = arith.constant 14 : i32
      %dma_wait3A_244 = arith.constant 0 : i32
      %dma_wait3A_245 = tpu.memref_slice %arg7[%dma_wait3A_243, %dma_wait3A_244] : memref<16x128xi32, #tpu.memory_space<vmem>> -> memref<1x128xi32, #tpu.memory_space<vmem>>
      %dma_wait3A_246 = tpu.memref_squeeze %dma_wait3A_245 : memref<1x128xi32, #tpu.memory_space<vmem>> -> memref<128xi32, #tpu.memory_space<vmem>>
      %dma_wait3A_247 = arith.constant 0 : i32
      %dma_wait3A_248 = arith.constant 0 : i32
      %dma_wait3A_249 = tpu.memref_slice %arg2[%dma_wait3A_247, %dma_wait3A_248] : memref<10000x128xf32, #tpu.memory_space<hbm>> -> memref<10000x128xf32, #tpu.memory_space<hbm>>
      tpu.wait_indirect_dma semaphore(%arg12 : memref<!tpu.dma_semaphore, #tpu.memory_space<semaphore_mem>>) src(%dma_wait3A_249 : memref<10000x128xf32, #tpu.memory_space<hbm>>) dst(%arg9 : memref<128x128xf32, #tpu.memory_space<vmem>>)
      %run_scoped3A_250 = arith.constant 14 : i32
      "tpu.region"() ({
        %run_scoped3A_259 = tpu.sem_alloc : memref<!tpu.dma_semaphore, #tpu.memory_space<semaphore_mem>>
        %dma_start3A_260 = arith.constant 0 : i32
        %dma_start3A_261 = tpu.memref_slice %arg8[%run_scoped3A_250, %dma_start3A_260] : memref<16x128xi32, #tpu.memory_space<vmem>> -> memref<1x128xi32, #tpu.memory_space<vmem>>
        %dma_start3A_262 = tpu.memref_squeeze %dma_start3A_261 : memref<1x128xi32, #tpu.memory_space<vmem>> -> memref<128xi32, #tpu.memory_space<vmem>>
        %dma_start3A_263 = arith.constant 0 : i32
        %dma_start3A_264 = arith.constant 0 : i32
        %dma_start3A_265 = tpu.memref_slice %arg11[%dma_start3A_263, %dma_start3A_264] : memref<10112x128xf32, #tpu.memory_space<vmem_shared>> -> memref<10112x128xf32, #tpu.memory_space<vmem_shared>>
        tpu.enqueue_indirect_dma source(%arg9 : memref<128x128xf32, #tpu.memory_space<vmem>>) target(%dma_start3A_265 : memref<10112x128xf32, #tpu.memory_space<vmem_shared>>) offsets(%dma_start3A_262 : memref<128xi32, #tpu.memory_space<vmem>>) semaphore(%run_scoped3A_259 : memref<!tpu.dma_semaphore, #tpu.memory_space<semaphore_mem>>) {add = true}
        %dma_wait3A_266 = arith.constant 0 : i32
        %dma_wait3A_267 = tpu.memref_slice %arg8[%run_scoped3A_250, %dma_wait3A_266] : memref<16x128xi32, #tpu.memory_space<vmem>> -> memref<1x128xi32, #tpu.memory_space<vmem>>
        %dma_wait3A_268 = tpu.memref_squeeze %dma_wait3A_267 : memref<1x128xi32, #tpu.memory_space<vmem>> -> memref<128xi32, #tpu.memory_space<vmem>>
        %dma_wait3A_269 = arith.constant 0 : i32
        %dma_wait3A_270 = arith.constant 0 : i32
        %dma_wait3A_271 = tpu.memref_slice %arg11[%dma_wait3A_269, %dma_wait3A_270] : memref<10112x128xf32, #tpu.memory_space<vmem_shared>> -> memref<10112x128xf32, #tpu.memory_space<vmem_shared>>
        tpu.wait_indirect_dma semaphore(%run_scoped3A_259 : memref<!tpu.dma_semaphore, #tpu.memory_space<semaphore_mem>>) src(%arg9 : memref<128x128xf32, #tpu.memory_space<vmem>>) dst(%dma_wait3A_271 : memref<10112x128xf32, #tpu.memory_space<vmem_shared>>)
        tpu.yield
      }) : () -> ()
      %dma_wait3A_251 = arith.constant 15 : i32
      %dma_wait3A_252 = arith.constant 0 : i32
      %dma_wait3A_253 = tpu.memref_slice %arg7[%dma_wait3A_251, %dma_wait3A_252] : memref<16x128xi32, #tpu.memory_space<vmem>> -> memref<1x128xi32, #tpu.memory_space<vmem>>
      %dma_wait3A_254 = tpu.memref_squeeze %dma_wait3A_253 : memref<1x128xi32, #tpu.memory_space<vmem>> -> memref<128xi32, #tpu.memory_space<vmem>>
      %dma_wait3A_255 = arith.constant 0 : i32
      %dma_wait3A_256 = arith.constant 0 : i32
      %dma_wait3A_257 = tpu.memref_slice %arg2[%dma_wait3A_255, %dma_wait3A_256] : memref<10000x128xf32, #tpu.memory_space<hbm>> -> memref<10000x128xf32, #tpu.memory_space<hbm>>
      tpu.wait_indirect_dma semaphore(%arg13 : memref<!tpu.dma_semaphore, #tpu.memory_space<semaphore_mem>>) src(%dma_wait3A_257 : memref<10000x128xf32, #tpu.memory_space<hbm>>) dst(%arg10 : memref<128x128xf32, #tpu.memory_space<vmem>>)
      %run_scoped3A_258 = arith.constant 15 : i32
      "tpu.region"() ({
        %run_scoped3A_259 = tpu.sem_alloc : memref<!tpu.dma_semaphore, #tpu.memory_space<semaphore_mem>>
        %dma_start3A_260 = arith.constant 0 : i32
        %dma_start3A_261 = tpu.memref_slice %arg8[%run_scoped3A_258, %dma_start3A_260] : memref<16x128xi32, #tpu.memory_space<vmem>> -> memref<1x128xi32, #tpu.memory_space<vmem>>
        %dma_start3A_262 = tpu.memref_squeeze %dma_start3A_261 : memref<1x128xi32, #tpu.memory_space<vmem>> -> memref<128xi32, #tpu.memory_space<vmem>>
        %dma_start3A_263 = arith.constant 0 : i32
        %dma_start3A_264 = arith.constant 0 : i32
        %dma_start3A_265 = tpu.memref_slice %arg11[%dma_start3A_263, %dma_start3A_264] : memref<10112x128xf32, #tpu.memory_space<vmem_shared>> -> memref<10112x128xf32, #tpu.memory_space<vmem_shared>>
        tpu.enqueue_indirect_dma source(%arg10 : memref<128x128xf32, #tpu.memory_space<vmem>>) target(%dma_start3A_265 : memref<10112x128xf32, #tpu.memory_space<vmem_shared>>) offsets(%dma_start3A_262 : memref<128xi32, #tpu.memory_space<vmem>>) semaphore(%run_scoped3A_259 : memref<!tpu.dma_semaphore, #tpu.memory_space<semaphore_mem>>) {add = true}
        %dma_wait3A_266 = arith.constant 0 : i32
        %dma_wait3A_267 = tpu.memref_slice %arg8[%run_scoped3A_258, %dma_wait3A_266] : memref<16x128xi32, #tpu.memory_space<vmem>> -> memref<1x128xi32, #tpu.memory_space<vmem>>
        %dma_wait3A_268 = tpu.memref_squeeze %dma_wait3A_267 : memref<1x128xi32, #tpu.memory_space<vmem>> -> memref<128xi32, #tpu.memory_space<vmem>>
        %dma_wait3A_269 = arith.constant 0 : i32
        %dma_wait3A_270 = arith.constant 0 : i32
        %dma_wait3A_271 = tpu.memref_slice %arg11[%dma_wait3A_269, %dma_wait3A_270] : memref<10112x128xf32, #tpu.memory_space<vmem_shared>> -> memref<10112x128xf32, #tpu.memory_space<vmem_shared>>
        tpu.wait_indirect_dma semaphore(%run_scoped3A_259 : memref<!tpu.dma_semaphore, #tpu.memory_space<semaphore_mem>>) src(%arg10 : memref<128x128xf32, #tpu.memory_space<vmem>>) dst(%dma_wait3A_271 : memref<10112x128xf32, #tpu.memory_space<vmem_shared>>)
        tpu.yield
      }) : () -> ()
    }
    %scan3A_8 = arith.constant 5 : i32
    %barrier3A_9 = arith.constant 0 : index
    tpu.barrier barrier_id(%barrier3A_9)
    %mul3A_10 = arith.constant 632 : i32
    %mul3A_11 = arith.muli %arg1, %mul3A_10 : i32
    %mul3A_12 = arith.constant 632 : i32
    %mul3A_13 = arith.muli %arg1, %mul3A_12 : i32
    "tpu.region"() ({
      %run_scoped3A = tpu.sem_alloc : memref<!tpu.dma_semaphore, #tpu.memory_space<semaphore_mem>>
      %dma_start3A = arith.constant 0 : i32
      %dma_start3A_14 = tpu.memref_slice %arg6[%arg0, %mul3A_13, %dma_start3A] : memref<2x10112x128xf32, #tpu.memory_space<hbm>> -> memref<1x632x128xf32, #tpu.memory_space<hbm>>
      %dma_start3A_15 = tpu.memref_squeeze %dma_start3A_14 : memref<1x632x128xf32, #tpu.memory_space<hbm>> -> memref<632x128xf32, #tpu.memory_space<hbm>>
      %dma_start3A_16 = arith.constant 0 : i32
      %dma_start3A_17 = tpu.memref_slice %arg11[%mul3A_11, %dma_start3A_16] : memref<10112x128xf32, #tpu.memory_space<vmem_shared>> -> memref<632x128xf32, #tpu.memory_space<vmem_shared>>
      tpu.enqueue_dma source(%dma_start3A_17 : memref<632x128xf32, #tpu.memory_space<vmem_shared>>) target(%dma_start3A_15 : memref<632x128xf32, #tpu.memory_space<hbm>>) target_semaphore(%run_scoped3A : memref<!tpu.dma_semaphore, #tpu.memory_space<semaphore_mem>>)
      %dma_wait3A = arith.constant 0 : i32
      %dma_wait3A_18 = tpu.memref_slice %arg6[%arg0, %mul3A_13, %dma_wait3A] : memref<2x10112x128xf32, #tpu.memory_space<hbm>> -> memref<1x632x128xf32, #tpu.memory_space<hbm>>
      %dma_wait3A_19 = tpu.memref_squeeze %dma_wait3A_18 : memref<1x632x128xf32, #tpu.memory_space<hbm>> -> memref<632x128xf32, #tpu.memory_space<hbm>>
      %dma_wait3A_20 = arith.constant 0 : i32
      %dma_wait3A_21 = tpu.memref_slice %arg11[%mul3A_11, %dma_wait3A_20] : memref<10112x128xf32, #tpu.memory_space<vmem_shared>> -> memref<632x128xf32, #tpu.memory_space<vmem_shared>>
      tpu.wait_dma2 semaphore(%run_scoped3A : memref<!tpu.dma_semaphore, #tpu.memory_space<semaphore_mem>>) src(%dma_wait3A_21 : memref<632x128xf32, #tpu.memory_space<vmem_shared>>) dst(%dma_wait3A_19 : memref<632x128xf32, #tpu.memory_space<hbm>>)
      tpu.yield
    }) : () -> ()
    return
  }
}

#map = affine_map<(d0, d1) -> (0, 0)>
#map1 = affine_map<(d0, d1) -> (0, 0, 0)>
module attributes {stable_mosaic.version = 14 : i64} {
  func.func @body(%arg0: i32, %arg1: i32, %arg2: memref<10000x128xf32, #tpu.memory_space<hbm>>, %arg3: memref<2560x128xi32, #tpu.memory_space<hbm>>, %arg4: memref<2560x128xi32, #tpu.memory_space<hbm>>, %arg5: memref<632x128xf32, #tpu.memory_space<hbm>>, %arg6: memref<2x10112x128xf32, #tpu.memory_space<hbm>>, %arg7: memref<16x128xi32, #tpu.memory_space<vmem>>, %arg8: memref<16x128xi32, #tpu.memory_space<vmem>>, %arg9: memref<128x128xf32, #tpu.memory_space<vmem>>, %arg10: memref<128x128xf32, #tpu.memory_space<vmem>>, %arg11: memref<10112x128xf32, #tpu.memory_space<vmem_shared>>, %arg12: memref<!tpu.dma_semaphore, #tpu.memory_space<semaphore_mem>>, %arg13: memref<!tpu.dma_semaphore, #tpu.memory_space<semaphore_mem>>) attributes {dimension_semantics = [#tpu.dimension_semantics<core_parallel>, #tpu.dimension_semantics<subcore_parallel>], iteration_bounds = array<i64: 2, 16>, scalar_prefetch = 0 : i64, scratch_operands = 7 : i64, tpu.core_type = #tpu.core_type<sc_vector_subcore>, window_params = [{transform_indices = #map}, {transform_indices = #map}, {transform_indices = #map}, {transform_indices = #map}, {transform_indices = #map1}]} {
    %mul3A = arith.constant 2 : i32
    %mul3A_0 = arith.muli %arg1, %mul3A : i32
    %add3A = arith.addi %mul3A_0, %arg0 : i32
    %mul3A_1 = arith.constant 632 : i32
    %mul3A_2 = arith.muli %arg1, %mul3A_1 : i32
    "tpu.region"() ({
      %run_scoped3A = tpu.sem_alloc : memref<!tpu.dma_semaphore, #tpu.memory_space<semaphore_mem>>
      %dma_start3A = arith.constant 0 : i32
      %dma_start3A_14 = tpu.memref_slice %arg11[%mul3A_2, %dma_start3A] : memref<10112x128xf32, #tpu.memory_space<vmem_shared>> -> memref<632x128xf32, #tpu.memory_space<vmem_shared>>
      tpu.enqueue_dma source(%arg5 : memref<632x128xf32, #tpu.memory_space<hbm>>) target(%dma_start3A_14 : memref<632x128xf32, #tpu.memory_space<vmem_shared>>) target_semaphore(%run_scoped3A : memref<!tpu.dma_semaphore, #tpu.memory_space<semaphore_mem>>)
      %dma_wait3A = arith.constant 0 : i32
      %dma_wait3A_15 = tpu.memref_slice %arg11[%mul3A_2, %dma_wait3A] : memref<10112x128xf32, #tpu.memory_space<vmem_shared>> -> memref<632x128xf32, #tpu.memory_space<vmem_shared>>
      tpu.wait_dma2 semaphore(%run_scoped3A : memref<!tpu.dma_semaphore, #tpu.memory_space<semaphore_mem>>) src(%arg5 : memref<632x128xf32, #tpu.memory_space<hbm>>) dst(%dma_wait3A_15 : memref<632x128xf32, #tpu.memory_space<vmem_shared>>)
      tpu.yield
    }) : () -> ()
    %barrier3A = arith.constant 0 : index
    tpu.barrier barrier_id(%barrier3A)
    %mul3A_3 = arith.constant 80 : i32
    %mul3A_4 = arith.muli %add3A, %mul3A_3 : i32
    %scan3A = arith.constant 0 : i32
    %scan3A_5 = arith.constant 5 : i32
    %scan3A_6 = arith.addi %scan3A, %scan3A_5 : i32
    %scan3A_7 = arith.constant 1 : i32
    scf.for %scan3A_14 = %scan3A to %scan3A_6 step %scan3A_7  : i32 {
      %mul3A_15 = arith.constant 1 : i32
      %mul3A_16 = arith.muli %scan3A_14, %mul3A_15 : i32
      %add3A_17 = arith.constant 0 : i32
      %add3A_18 = arith.addi %add3A_17, %mul3A_16 : i32
      %mul3A_19 = arith.constant 16 : i32
      %mul3A_20 = arith.muli %add3A_18, %mul3A_19 : i32
      %add3A_21 = arith.addi %mul3A_4, %mul3A_20 : i32
      "tpu.region"() ({
        %run_scoped3A_259 = tpu.sem_alloc : memref<!tpu.dma_semaphore, #tpu.memory_space<semaphore_mem>>
        %dma_start3A_260 = arith.constant 0 : i32
        %dma_start3A_261 = tpu.memref_slice %arg3[%add3A_21, %dma_start3A_260] : memref<2560x128xi32, #tpu.memory_space<hbm>> -> memref<16x128xi32, #tpu.memory_space<hbm>>
        %dma_start3A_262 = arith.constant 0 : i32
        %dma_start3A_263 = tpu.memref_slice %arg3[%add3A_21, %dma_start3A_262] : memref<2560x128xi32, #tpu.memory_space<hbm>> -> memref<16x128xi32, #tpu.memory_space<hbm>>
        tpu.enqueue_dma source(%dma_start3A_263 : memref<16x128xi32, #tpu.memory_space<hbm>>) target(%arg7 : memref<16x128xi32, #tpu.memory_space<vmem>>) target_semaphore(%run_scoped3A_259 : memref<!tpu.dma_semaphore, #tpu.memory_space<semaphore_mem>>)
        %dma_wait3A_264 = arith.constant 0 : i32
        %dma_wait3A_265 = tpu.memref_slice %arg3[%add3A_21, %dma_wait3A_264] : memref<2560x128xi32, #tpu.memory_space<hbm>> -> memref<16x128xi32, #tpu.memory_space<hbm>>
        %dma_wait3A_266 = arith.constant 0 : i32
        %dma_wait3A_267 = tpu.memref_slice %arg3[%add3A_21, %dma_wait3A_266] : memref<2560x128xi32, #tpu.memory_space<hbm>> -> memref<16x128xi32, #tpu.memory_space<hbm>>
        tpu.wait_dma2 semaphore(%run_scoped3A_259 : memref<!tpu.dma_semaphore, #tpu.memory_space<semaphore_mem>>) src(%dma_wait3A_267 : memref<16x128xi32, #tpu.memory_space<hbm>>) dst(%arg7 : memref<16x128xi32, #tpu.memory_space<vmem>>)
        tpu.yield
      }) : () -> ()
      "tpu.region"() ({
        %run_scoped3A_259 = tpu.sem_alloc : memref<!tpu.dma_semaphore, #tpu.memory_space<semaphore_mem>>
        %dma_start3A_260 = arith.constant 0 : i32
        %dma_start3A_261 = tpu.memref_slice %arg4[%add3A_21, %dma_start3A_260] : memref<2560x128xi32, #tpu.memory_space<hbm>> -> memref<16x128xi32, #tpu.memory_space<hbm>>
        %dma_start3A_262 = arith.constant 0 : i32
        %dma_start3A_263 = tpu.memref_slice %arg4[%add3A_21, %dma_start3A_262] : memref<2560x128xi32, #tpu.memory_space<hbm>> -> memref<16x128xi32, #tpu.memory_space<hbm>>
        tpu.enqueue_dma source(%dma_start3A_263 : memref<16x128xi32, #tpu.memory_space<hbm>>) target(%arg8 : memref<16x128xi32, #tpu.memory_space<vmem>>) target_semaphore(%run_scoped3A_259 : memref<!tpu.dma_semaphore, #tpu.memory_space<semaphore_mem>>)
        %dma_wait3A_264 = arith.constant 0 : i32
        %dma_wait3A_265 = tpu.memref_slice %arg4[%add3A_21, %dma_wait3A_264] : memref<2560x128xi32, #tpu.memory_space<hbm>> -> memref<16x128xi32, #tpu.memory_space<hbm>>
        %dma_wait3A_266 = arith.constant 0 : i32
        %dma_wait3A_267 = tpu.memref_slice %arg4[%add3A_21, %dma_wait3A_266] : memref<2560x128xi32, #tpu.memory_space<hbm>> -> memref<16x128xi32, #tpu.memory_space<hbm>>
        tpu.wait_dma2 semaphore(%run_scoped3A_259 : memref<!tpu.dma_semaphore, #tpu.memory_space<semaphore_mem>>) src(%dma_wait3A_267 : memref<16x128xi32, #tpu.memory_space<hbm>>) dst(%arg8 : memref<16x128xi32, #tpu.memory_space<vmem>>)
        tpu.yield
      }) : () -> ()
      %dma_start3A = arith.constant 0 : i32
      %dma_start3A_22 = arith.constant 0 : i32
      %dma_start3A_23 = tpu.memref_slice %arg7[%dma_start3A, %dma_start3A_22] : memref<16x128xi32, #tpu.memory_space<vmem>> -> memref<1x128xi32, #tpu.memory_space<vmem>>
      %dma_start3A_24 = tpu.memref_squeeze %dma_start3A_23 : memref<1x128xi32, #tpu.memory_space<vmem>> -> memref<128xi32, #tpu.memory_space<vmem>>
      %dma_start3A_25 = arith.constant 0 : i32
      %dma_start3A_26 = arith.constant 0 : i32
      %dma_start3A_27 = tpu.memref_slice %arg2[%dma_start3A_25, %dma_start3A_26] : memref<10000x128xf32, #tpu.memory_space<hbm>> -> memref<10000x128xf32, #tpu.memory_space<hbm>>
      tpu.enqueue_indirect_dma source(%dma_start3A_27 : memref<10000x128xf32, #tpu.memory_space<hbm>>) target(%arg9 : memref<128x128xf32, #tpu.memory_space<vmem>>) offsets(%dma_start3A_24 : memref<128xi32, #tpu.memory_space<vmem>>) semaphore(%arg12 : memref<!tpu.dma_semaphore, #tpu.memory_space<semaphore_mem>>)
      %dma_start3A_28 = arith.constant 1 : i32
      %dma_start3A_29 = arith.constant 0 : i32
      %dma_start3A_30 = tpu.memref_slice %arg7[%dma_start3A_28, %dma_start3A_29] : memref<16x128xi32, #tpu.memory_space<vmem>> -> memref<1x128xi32, #tpu.memory_space<vmem>>
      %dma_start3A_31 = tpu.memref_squeeze %dma_start3A_30 : memref<1x128xi32, #tpu.memory_space<vmem>> -> memref<128xi32, #tpu.memory_space<vmem>>
      %dma_start3A_32 = arith.constant 0 : i32
      %dma_start3A_33 = arith.constant 0 : i32
      %dma_start3A_34 = tpu.memref_slice %arg2[%dma_start3A_32, %dma_start3A_33] : memref<10000x128xf32, #tpu.memory_space<hbm>> -> memref<10000x128xf32, #tpu.memory_space<hbm>>
      tpu.enqueue_indirect_dma source(%dma_start3A_34 : memref<10000x128xf32, #tpu.memory_space<hbm>>) target(%arg10 : memref<128x128xf32, #tpu.memory_space<vmem>>) offsets(%dma_start3A_31 : memref<128xi32, #tpu.memory_space<vmem>>) semaphore(%arg13 : memref<!tpu.dma_semaphore, #tpu.memory_space<semaphore_mem>>)
      %dma_wait3A = arith.constant 0 : i32
      %dma_wait3A_35 = arith.constant 0 : i32
      %dma_wait3A_36 = tpu.memref_slice %arg7[%dma_wait3A, %dma_wait3A_35] : memref<16x128xi32, #tpu.memory_space<vmem>> -> memref<1x128xi32, #tpu.memory_space<vmem>>
      %dma_wait3A_37 = tpu.memref_squeeze %dma_wait3A_36 : memref<1x128xi32, #tpu.memory_space<vmem>> -> memref<128xi32, #tpu.memory_space<vmem>>
      %dma_wait3A_38 = arith.constant 0 : i32
      %dma_wait3A_39 = arith.constant 0 : i32
      %dma_wait3A_40 = tpu.memref_slice %arg2[%dma_wait3A_38, %dma_wait3A_39] : memref<10000x128xf32, #tpu.memory_space<hbm>> -> memref<10000x128xf32, #tpu.memory_space<hbm>>
      tpu.wait_indirect_dma semaphore(%arg12 : memref<!tpu.dma_semaphore, #tpu.memory_space<semaphore_mem>>) src(%dma_wait3A_40 : memref<10000x128xf32, #tpu.memory_space<hbm>>) dst(%arg9 : memref<128x128xf32, #tpu.memory_space<vmem>>)
      %run_scoped3A = arith.constant 0 : i32
      "tpu.region"() ({
        %run_scoped3A_259 = tpu.sem_alloc : memref<!tpu.dma_semaphore, #tpu.memory_space<semaphore_mem>>
        %dma_start3A_260 = arith.constant 0 : i32
        %dma_start3A_261 = tpu.memref_slice %arg8[%run_scoped3A, %dma_start3A_260] : memref<16x128xi32, #tpu.memory_space<vmem>> -> memref<1x128xi32, #tpu.memory_space<vmem>>
        %dma_start3A_262 = tpu.memref_squeeze %dma_start3A_261 : memref<1x128xi32, #tpu.memory_space<vmem>> -> memref<128xi32, #tpu.memory_space<vmem>>
        %dma_start3A_263 = arith.constant 0 : i32
        %dma_start3A_264 = arith.constant 0 : i32
        %dma_start3A_265 = tpu.memref_slice %arg11[%dma_start3A_263, %dma_start3A_264] : memref<10112x128xf32, #tpu.memory_space<vmem_shared>> -> memref<10112x128xf32, #tpu.memory_space<vmem_shared>>
        tpu.enqueue_indirect_dma source(%arg9 : memref<128x128xf32, #tpu.memory_space<vmem>>) target(%dma_start3A_265 : memref<10112x128xf32, #tpu.memory_space<vmem_shared>>) offsets(%dma_start3A_262 : memref<128xi32, #tpu.memory_space<vmem>>) semaphore(%run_scoped3A_259 : memref<!tpu.dma_semaphore, #tpu.memory_space<semaphore_mem>>) {add = true}
        %dma_wait3A_266 = arith.constant 0 : i32
        %dma_wait3A_267 = tpu.memref_slice %arg8[%run_scoped3A, %dma_wait3A_266] : memref<16x128xi32, #tpu.memory_space<vmem>> -> memref<1x128xi32, #tpu.memory_space<vmem>>
        %dma_wait3A_268 = tpu.memref_squeeze %dma_wait3A_267 : memref<1x128xi32, #tpu.memory_space<vmem>> -> memref<128xi32, #tpu.memory_space<vmem>>
        %dma_wait3A_269 = arith.constant 0 : i32
        %dma_wait3A_270 = arith.constant 0 : i32
        %dma_wait3A_271 = tpu.memref_slice %arg11[%dma_wait3A_269, %dma_wait3A_270] : memref<10112x128xf32, #tpu.memory_space<vmem_shared>> -> memref<10112x128xf32, #tpu.memory_space<vmem_shared>>
        tpu.wait_indirect_dma semaphore(%run_scoped3A_259 : memref<!tpu.dma_semaphore, #tpu.memory_space<semaphore_mem>>) src(%arg9 : memref<128x128xf32, #tpu.memory_space<vmem>>) dst(%dma_wait3A_271 : memref<10112x128xf32, #tpu.memory_space<vmem_shared>>)
        tpu.yield
      }) : () -> ()
      %dma_start3A_41 = arith.constant 2 : i32
      %dma_start3A_42 = arith.constant 0 : i32
      %dma_start3A_43 = tpu.memref_slice %arg7[%dma_start3A_41, %dma_start3A_42] : memref<16x128xi32, #tpu.memory_space<vmem>> -> memref<1x128xi32, #tpu.memory_space<vmem>>
      %dma_start3A_44 = tpu.memref_squeeze %dma_start3A_43 : memref<1x128xi32, #tpu.memory_space<vmem>> -> memref<128xi32, #tpu.memory_space<vmem>>
      %dma_start3A_45 = arith.constant 0 : i32
      %dma_start3A_46 = arith.constant 0 : i32
      %dma_start3A_47 = tpu.memref_slice %arg2[%dma_start3A_45, %dma_start3A_46] : memref<10000x128xf32, #tpu.memory_space<hbm>> -> memref<10000x128xf32, #tpu.memory_space<hbm>>
      tpu.enqueue_indirect_dma source(%dma_start3A_47 : memref<10000x128xf32, #tpu.memory_space<hbm>>) target(%arg9 : memref<128x128xf32, #tpu.memory_space<vmem>>) offsets(%dma_start3A_44 : memref<128xi32, #tpu.memory_space<vmem>>) semaphore(%arg12 : memref<!tpu.dma_semaphore, #tpu.memory_space<semaphore_mem>>)
      %dma_wait3A_48 = arith.constant 1 : i32
      %dma_wait3A_49 = arith.constant 0 : i32
      %dma_wait3A_50 = tpu.memref_slice %arg7[%dma_wait3A_48, %dma_wait3A_49] : memref<16x128xi32, #tpu.memory_space<vmem>> -> memref<1x128xi32, #tpu.memory_space<vmem>>
      %dma_wait3A_51 = tpu.memref_squeeze %dma_wait3A_50 : memref<1x128xi32, #tpu.memory_space<vmem>> -> memref<128xi32, #tpu.memory_space<vmem>>
      %dma_wait3A_52 = arith.constant 0 : i32
      %dma_wait3A_53 = arith.constant 0 : i32
      %dma_wait3A_54 = tpu.memref_slice %arg2[%dma_wait3A_52, %dma_wait3A_53] : memref<10000x128xf32, #tpu.memory_space<hbm>> -> memref<10000x128xf32, #tpu.memory_space<hbm>>
      tpu.wait_indirect_dma semaphore(%arg13 : memref<!tpu.dma_semaphore, #tpu.memory_space<semaphore_mem>>) src(%dma_wait3A_54 : memref<10000x128xf32, #tpu.memory_space<hbm>>) dst(%arg10 : memref<128x128xf32, #tpu.memory_space<vmem>>)
      %run_scoped3A_55 = arith.constant 1 : i32
      "tpu.region"() ({
        %run_scoped3A_259 = tpu.sem_alloc : memref<!tpu.dma_semaphore, #tpu.memory_space<semaphore_mem>>
        %dma_start3A_260 = arith.constant 0 : i32
        %dma_start3A_261 = tpu.memref_slice %arg8[%run_scoped3A_55, %dma_start3A_260] : memref<16x128xi32, #tpu.memory_space<vmem>> -> memref<1x128xi32, #tpu.memory_space<vmem>>
        %dma_start3A_262 = tpu.memref_squeeze %dma_start3A_261 : memref<1x128xi32, #tpu.memory_space<vmem>> -> memref<128xi32, #tpu.memory_space<vmem>>
        %dma_start3A_263 = arith.constant 0 : i32
        %dma_start3A_264 = arith.constant 0 : i32
        %dma_start3A_265 = tpu.memref_slice %arg11[%dma_start3A_263, %dma_start3A_264] : memref<10112x128xf32, #tpu.memory_space<vmem_shared>> -> memref<10112x128xf32, #tpu.memory_space<vmem_shared>>
        tpu.enqueue_indirect_dma source(%arg10 : memref<128x128xf32, #tpu.memory_space<vmem>>) target(%dma_start3A_265 : memref<10112x128xf32, #tpu.memory_space<vmem_shared>>) offsets(%dma_start3A_262 : memref<128xi32, #tpu.memory_space<vmem>>) semaphore(%run_scoped3A_259 : memref<!tpu.dma_semaphore, #tpu.memory_space<semaphore_mem>>) {add = true}
        %dma_wait3A_266 = arith.constant 0 : i32
        %dma_wait3A_267 = tpu.memref_slice %arg8[%run_scoped3A_55, %dma_wait3A_266] : memref<16x128xi32, #tpu.memory_space<vmem>> -> memref<1x128xi32, #tpu.memory_space<vmem>>
        %dma_wait3A_268 = tpu.memref_squeeze %dma_wait3A_267 : memref<1x128xi32, #tpu.memory_space<vmem>> -> memref<128xi32, #tpu.memory_space<vmem>>
        %dma_wait3A_269 = arith.constant 0 : i32
        %dma_wait3A_270 = arith.constant 0 : i32
        %dma_wait3A_271 = tpu.memref_slice %arg11[%dma_wait3A_269, %dma_wait3A_270] : memref<10112x128xf32, #tpu.memory_space<vmem_shared>> -> memref<10112x128xf32, #tpu.memory_space<vmem_shared>>
        tpu.wait_indirect_dma semaphore(%run_scoped3A_259 : memref<!tpu.dma_semaphore, #tpu.memory_space<semaphore_mem>>) src(%arg10 : memref<128x128xf32, #tpu.memory_space<vmem>>) dst(%dma_wait3A_271 : memref<10112x128xf32, #tpu.memory_space<vmem_shared>>)
        tpu.yield
      }) : () -> ()
      %dma_start3A_56 = arith.constant 3 : i32
      %dma_start3A_57 = arith.constant 0 : i32
      %dma_start3A_58 = tpu.memref_slice %arg7[%dma_start3A_56, %dma_start3A_57] : memref<16x128xi32, #tpu.memory_space<vmem>> -> memref<1x128xi32, #tpu.memory_space<vmem>>
      %dma_start3A_59 = tpu.memref_squeeze %dma_start3A_58 : memref<1x128xi32, #tpu.memory_space<vmem>> -> memref<128xi32, #tpu.memory_space<vmem>>
      %dma_start3A_60 = arith.constant 0 : i32
      %dma_start3A_61 = arith.constant 0 : i32
      %dma_start3A_62 = tpu.memref_slice %arg2[%dma_start3A_60, %dma_start3A_61] : memref<10000x128xf32, #tpu.memory_space<hbm>> -> memref<10000x128xf32, #tpu.memory_space<hbm>>
      tpu.enqueue_indirect_dma source(%dma_start3A_62 : memref<10000x128xf32, #tpu.memory_space<hbm>>) target(%arg10 : memref<128x128xf32, #tpu.memory_space<vmem>>) offsets(%dma_start3A_59 : memref<128xi32, #tpu.memory_space<vmem>>) semaphore(%arg13 : memref<!tpu.dma_semaphore, #tpu.memory_space<semaphore_mem>>)
      %dma_wait3A_63 = arith.constant 2 : i32
      %dma_wait3A_64 = arith.constant 0 : i32
      %dma_wait3A_65 = tpu.memref_slice %arg7[%dma_wait3A_63, %dma_wait3A_64] : memref<16x128xi32, #tpu.memory_space<vmem>> -> memref<1x128xi32, #tpu.memory_space<vmem>>
      %dma_wait3A_66 = tpu.memref_squeeze %dma_wait3A_65 : memref<1x128xi32, #tpu.memory_space<vmem>> -> memref<128xi32, #tpu.memory_space<vmem>>
      %dma_wait3A_67 = arith.constant 0 : i32
      %dma_wait3A_68 = arith.constant 0 : i32
      %dma_wait3A_69 = tpu.memref_slice %arg2[%dma_wait3A_67, %dma_wait3A_68] : memref<10000x128xf32, #tpu.memory_space<hbm>> -> memref<10000x128xf32, #tpu.memory_space<hbm>>
      tpu.wait_indirect_dma semaphore(%arg12 : memref<!tpu.dma_semaphore, #tpu.memory_space<semaphore_mem>>) src(%dma_wait3A_69 : memref<10000x128xf32, #tpu.memory_space<hbm>>) dst(%arg9 : memref<128x128xf32, #tpu.memory_space<vmem>>)
      %run_scoped3A_70 = arith.constant 2 : i32
      "tpu.region"() ({
        %run_scoped3A_259 = tpu.sem_alloc : memref<!tpu.dma_semaphore, #tpu.memory_space<semaphore_mem>>
        %dma_start3A_260 = arith.constant 0 : i32
        %dma_start3A_261 = tpu.memref_slice %arg8[%run_scoped3A_70, %dma_start3A_260] : memref<16x128xi32, #tpu.memory_space<vmem>> -> memref<1x128xi32, #tpu.memory_space<vmem>>
        %dma_start3A_262 = tpu.memref_squeeze %dma_start3A_261 : memref<1x128xi32, #tpu.memory_space<vmem>> -> memref<128xi32, #tpu.memory_space<vmem>>
        %dma_start3A_263 = arith.constant 0 : i32
        %dma_start3A_264 = arith.constant 0 : i32
        %dma_start3A_265 = tpu.memref_slice %arg11[%dma_start3A_263, %dma_start3A_264] : memref<10112x128xf32, #tpu.memory_space<vmem_shared>> -> memref<10112x128xf32, #tpu.memory_space<vmem_shared>>
        tpu.enqueue_indirect_dma source(%arg9 : memref<128x128xf32, #tpu.memory_space<vmem>>) target(%dma_start3A_265 : memref<10112x128xf32, #tpu.memory_space<vmem_shared>>) offsets(%dma_start3A_262 : memref<128xi32, #tpu.memory_space<vmem>>) semaphore(%run_scoped3A_259 : memref<!tpu.dma_semaphore, #tpu.memory_space<semaphore_mem>>) {add = true}
        %dma_wait3A_266 = arith.constant 0 : i32
        %dma_wait3A_267 = tpu.memref_slice %arg8[%run_scoped3A_70, %dma_wait3A_266] : memref<16x128xi32, #tpu.memory_space<vmem>> -> memref<1x128xi32, #tpu.memory_space<vmem>>
        %dma_wait3A_268 = tpu.memref_squeeze %dma_wait3A_267 : memref<1x128xi32, #tpu.memory_space<vmem>> -> memref<128xi32, #tpu.memory_space<vmem>>
        %dma_wait3A_269 = arith.constant 0 : i32
        %dma_wait3A_270 = arith.constant 0 : i32
        %dma_wait3A_271 = tpu.memref_slice %arg11[%dma_wait3A_269, %dma_wait3A_270] : memref<10112x128xf32, #tpu.memory_space<vmem_shared>> -> memref<10112x128xf32, #tpu.memory_space<vmem_shared>>
        tpu.wait_indirect_dma semaphore(%run_scoped3A_259 : memref<!tpu.dma_semaphore, #tpu.memory_space<semaphore_mem>>) src(%arg9 : memref<128x128xf32, #tpu.memory_space<vmem>>) dst(%dma_wait3A_271 : memref<10112x128xf32, #tpu.memory_space<vmem_shared>>)
        tpu.yield
      }) : () -> ()
      %dma_start3A_71 = arith.constant 4 : i32
      %dma_start3A_72 = arith.constant 0 : i32
      %dma_start3A_73 = tpu.memref_slice %arg7[%dma_start3A_71, %dma_start3A_72] : memref<16x128xi32, #tpu.memory_space<vmem>> -> memref<1x128xi32, #tpu.memory_space<vmem>>
      %dma_start3A_74 = tpu.memref_squeeze %dma_start3A_73 : memref<1x128xi32, #tpu.memory_space<vmem>> -> memref<128xi32, #tpu.memory_space<vmem>>
      %dma_start3A_75 = arith.constant 0 : i32
      %dma_start3A_76 = arith.constant 0 : i32
      %dma_start3A_77 = tpu.memref_slice %arg2[%dma_start3A_75, %dma_start3A_76] : memref<10000x128xf32, #tpu.memory_space<hbm>> -> memref<10000x128xf32, #tpu.memory_space<hbm>>
      tpu.enqueue_indirect_dma source(%dma_start3A_77 : memref<10000x128xf32, #tpu.memory_space<hbm>>) target(%arg9 : memref<128x128xf32, #tpu.memory_space<vmem>>) offsets(%dma_start3A_74 : memref<128xi32, #tpu.memory_space<vmem>>) semaphore(%arg12 : memref<!tpu.dma_semaphore, #tpu.memory_space<semaphore_mem>>)
      %dma_wait3A_78 = arith.constant 3 : i32
      %dma_wait3A_79 = arith.constant 0 : i32
      %dma_wait3A_80 = tpu.memref_slice %arg7[%dma_wait3A_78, %dma_wait3A_79] : memref<16x128xi32, #tpu.memory_space<vmem>> -> memref<1x128xi32, #tpu.memory_space<vmem>>
      %dma_wait3A_81 = tpu.memref_squeeze %dma_wait3A_80 : memref<1x128xi32, #tpu.memory_space<vmem>> -> memref<128xi32, #tpu.memory_space<vmem>>
      %dma_wait3A_82 = arith.constant 0 : i32
      %dma_wait3A_83 = arith.constant 0 : i32
      %dma_wait3A_84 = tpu.memref_slice %arg2[%dma_wait3A_82, %dma_wait3A_83] : memref<10000x128xf32, #tpu.memory_space<hbm>> -> memref<10000x128xf32, #tpu.memory_space<hbm>>
      tpu.wait_indirect_dma semaphore(%arg13 : memref<!tpu.dma_semaphore, #tpu.memory_space<semaphore_mem>>) src(%dma_wait3A_84 : memref<10000x128xf32, #tpu.memory_space<hbm>>) dst(%arg10 : memref<128x128xf32, #tpu.memory_space<vmem>>)
      %run_scoped3A_85 = arith.constant 3 : i32
      "tpu.region"() ({
        %run_scoped3A_259 = tpu.sem_alloc : memref<!tpu.dma_semaphore, #tpu.memory_space<semaphore_mem>>
        %dma_start3A_260 = arith.constant 0 : i32
        %dma_start3A_261 = tpu.memref_slice %arg8[%run_scoped3A_85, %dma_start3A_260] : memref<16x128xi32, #tpu.memory_space<vmem>> -> memref<1x128xi32, #tpu.memory_space<vmem>>
        %dma_start3A_262 = tpu.memref_squeeze %dma_start3A_261 : memref<1x128xi32, #tpu.memory_space<vmem>> -> memref<128xi32, #tpu.memory_space<vmem>>
        %dma_start3A_263 = arith.constant 0 : i32
        %dma_start3A_264 = arith.constant 0 : i32
        %dma_start3A_265 = tpu.memref_slice %arg11[%dma_start3A_263, %dma_start3A_264] : memref<10112x128xf32, #tpu.memory_space<vmem_shared>> -> memref<10112x128xf32, #tpu.memory_space<vmem_shared>>
        tpu.enqueue_indirect_dma source(%arg10 : memref<128x128xf32, #tpu.memory_space<vmem>>) target(%dma_start3A_265 : memref<10112x128xf32, #tpu.memory_space<vmem_shared>>) offsets(%dma_start3A_262 : memref<128xi32, #tpu.memory_space<vmem>>) semaphore(%run_scoped3A_259 : memref<!tpu.dma_semaphore, #tpu.memory_space<semaphore_mem>>) {add = true}
        %dma_wait3A_266 = arith.constant 0 : i32
        %dma_wait3A_267 = tpu.memref_slice %arg8[%run_scoped3A_85, %dma_wait3A_266] : memref<16x128xi32, #tpu.memory_space<vmem>> -> memref<1x128xi32, #tpu.memory_space<vmem>>
        %dma_wait3A_268 = tpu.memref_squeeze %dma_wait3A_267 : memref<1x128xi32, #tpu.memory_space<vmem>> -> memref<128xi32, #tpu.memory_space<vmem>>
        %dma_wait3A_269 = arith.constant 0 : i32
        %dma_wait3A_270 = arith.constant 0 : i32
        %dma_wait3A_271 = tpu.memref_slice %arg11[%dma_wait3A_269, %dma_wait3A_270] : memref<10112x128xf32, #tpu.memory_space<vmem_shared>> -> memref<10112x128xf32, #tpu.memory_space<vmem_shared>>
        tpu.wait_indirect_dma semaphore(%run_scoped3A_259 : memref<!tpu.dma_semaphore, #tpu.memory_space<semaphore_mem>>) src(%arg10 : memref<128x128xf32, #tpu.memory_space<vmem>>) dst(%dma_wait3A_271 : memref<10112x128xf32, #tpu.memory_space<vmem_shared>>)
        tpu.yield
      }) : () -> ()
      %dma_start3A_86 = arith.constant 5 : i32
      %dma_start3A_87 = arith.constant 0 : i32
      %dma_start3A_88 = tpu.memref_slice %arg7[%dma_start3A_86, %dma_start3A_87] : memref<16x128xi32, #tpu.memory_space<vmem>> -> memref<1x128xi32, #tpu.memory_space<vmem>>
      %dma_start3A_89 = tpu.memref_squeeze %dma_start3A_88 : memref<1x128xi32, #tpu.memory_space<vmem>> -> memref<128xi32, #tpu.memory_space<vmem>>
      %dma_start3A_90 = arith.constant 0 : i32
      %dma_start3A_91 = arith.constant 0 : i32
      %dma_start3A_92 = tpu.memref_slice %arg2[%dma_start3A_90, %dma_start3A_91] : memref<10000x128xf32, #tpu.memory_space<hbm>> -> memref<10000x128xf32, #tpu.memory_space<hbm>>
      tpu.enqueue_indirect_dma source(%dma_start3A_92 : memref<10000x128xf32, #tpu.memory_space<hbm>>) target(%arg10 : memref<128x128xf32, #tpu.memory_space<vmem>>) offsets(%dma_start3A_89 : memref<128xi32, #tpu.memory_space<vmem>>) semaphore(%arg13 : memref<!tpu.dma_semaphore, #tpu.memory_space<semaphore_mem>>)
      %dma_wait3A_93 = arith.constant 4 : i32
      %dma_wait3A_94 = arith.constant 0 : i32
      %dma_wait3A_95 = tpu.memref_slice %arg7[%dma_wait3A_93, %dma_wait3A_94] : memref<16x128xi32, #tpu.memory_space<vmem>> -> memref<1x128xi32, #tpu.memory_space<vmem>>
      %dma_wait3A_96 = tpu.memref_squeeze %dma_wait3A_95 : memref<1x128xi32, #tpu.memory_space<vmem>> -> memref<128xi32, #tpu.memory_space<vmem>>
      %dma_wait3A_97 = arith.constant 0 : i32
      %dma_wait3A_98 = arith.constant 0 : i32
      %dma_wait3A_99 = tpu.memref_slice %arg2[%dma_wait3A_97, %dma_wait3A_98] : memref<10000x128xf32, #tpu.memory_space<hbm>> -> memref<10000x128xf32, #tpu.memory_space<hbm>>
      tpu.wait_indirect_dma semaphore(%arg12 : memref<!tpu.dma_semaphore, #tpu.memory_space<semaphore_mem>>) src(%dma_wait3A_99 : memref<10000x128xf32, #tpu.memory_space<hbm>>) dst(%arg9 : memref<128x128xf32, #tpu.memory_space<vmem>>)
      %run_scoped3A_100 = arith.constant 4 : i32
      "tpu.region"() ({
        %run_scoped3A_259 = tpu.sem_alloc : memref<!tpu.dma_semaphore, #tpu.memory_space<semaphore_mem>>
        %dma_start3A_260 = arith.constant 0 : i32
        %dma_start3A_261 = tpu.memref_slice %arg8[%run_scoped3A_100, %dma_start3A_260] : memref<16x128xi32, #tpu.memory_space<vmem>> -> memref<1x128xi32, #tpu.memory_space<vmem>>
        %dma_start3A_262 = tpu.memref_squeeze %dma_start3A_261 : memref<1x128xi32, #tpu.memory_space<vmem>> -> memref<128xi32, #tpu.memory_space<vmem>>
        %dma_start3A_263 = arith.constant 0 : i32
        %dma_start3A_264 = arith.constant 0 : i32
        %dma_start3A_265 = tpu.memref_slice %arg11[%dma_start3A_263, %dma_start3A_264] : memref<10112x128xf32, #tpu.memory_space<vmem_shared>> -> memref<10112x128xf32, #tpu.memory_space<vmem_shared>>
        tpu.enqueue_indirect_dma source(%arg9 : memref<128x128xf32, #tpu.memory_space<vmem>>) target(%dma_start3A_265 : memref<10112x128xf32, #tpu.memory_space<vmem_shared>>) offsets(%dma_start3A_262 : memref<128xi32, #tpu.memory_space<vmem>>) semaphore(%run_scoped3A_259 : memref<!tpu.dma_semaphore, #tpu.memory_space<semaphore_mem>>) {add = true}
        %dma_wait3A_266 = arith.constant 0 : i32
        %dma_wait3A_267 = tpu.memref_slice %arg8[%run_scoped3A_100, %dma_wait3A_266] : memref<16x128xi32, #tpu.memory_space<vmem>> -> memref<1x128xi32, #tpu.memory_space<vmem>>
        %dma_wait3A_268 = tpu.memref_squeeze %dma_wait3A_267 : memref<1x128xi32, #tpu.memory_space<vmem>> -> memref<128xi32, #tpu.memory_space<vmem>>
        %dma_wait3A_269 = arith.constant 0 : i32
        %dma_wait3A_270 = arith.constant 0 : i32
        %dma_wait3A_271 = tpu.memref_slice %arg11[%dma_wait3A_269, %dma_wait3A_270] : memref<10112x128xf32, #tpu.memory_space<vmem_shared>> -> memref<10112x128xf32, #tpu.memory_space<vmem_shared>>
        tpu.wait_indirect_dma semaphore(%run_scoped3A_259 : memref<!tpu.dma_semaphore, #tpu.memory_space<semaphore_mem>>) src(%arg9 : memref<128x128xf32, #tpu.memory_space<vmem>>) dst(%dma_wait3A_271 : memref<10112x128xf32, #tpu.memory_space<vmem_shared>>)
        tpu.yield
      }) : () -> ()
      %dma_start3A_101 = arith.constant 6 : i32
      %dma_start3A_102 = arith.constant 0 : i32
      %dma_start3A_103 = tpu.memref_slice %arg7[%dma_start3A_101, %dma_start3A_102] : memref<16x128xi32, #tpu.memory_space<vmem>> -> memref<1x128xi32, #tpu.memory_space<vmem>>
      %dma_start3A_104 = tpu.memref_squeeze %dma_start3A_103 : memref<1x128xi32, #tpu.memory_space<vmem>> -> memref<128xi32, #tpu.memory_space<vmem>>
      %dma_start3A_105 = arith.constant 0 : i32
      %dma_start3A_106 = arith.constant 0 : i32
      %dma_start3A_107 = tpu.memref_slice %arg2[%dma_start3A_105, %dma_start3A_106] : memref<10000x128xf32, #tpu.memory_space<hbm>> -> memref<10000x128xf32, #tpu.memory_space<hbm>>
      tpu.enqueue_indirect_dma source(%dma_start3A_107 : memref<10000x128xf32, #tpu.memory_space<hbm>>) target(%arg9 : memref<128x128xf32, #tpu.memory_space<vmem>>) offsets(%dma_start3A_104 : memref<128xi32, #tpu.memory_space<vmem>>) semaphore(%arg12 : memref<!tpu.dma_semaphore, #tpu.memory_space<semaphore_mem>>)
      %dma_wait3A_108 = arith.constant 5 : i32
      %dma_wait3A_109 = arith.constant 0 : i32
      %dma_wait3A_110 = tpu.memref_slice %arg7[%dma_wait3A_108, %dma_wait3A_109] : memref<16x128xi32, #tpu.memory_space<vmem>> -> memref<1x128xi32, #tpu.memory_space<vmem>>
      %dma_wait3A_111 = tpu.memref_squeeze %dma_wait3A_110 : memref<1x128xi32, #tpu.memory_space<vmem>> -> memref<128xi32, #tpu.memory_space<vmem>>
      %dma_wait3A_112 = arith.constant 0 : i32
      %dma_wait3A_113 = arith.constant 0 : i32
      %dma_wait3A_114 = tpu.memref_slice %arg2[%dma_wait3A_112, %dma_wait3A_113] : memref<10000x128xf32, #tpu.memory_space<hbm>> -> memref<10000x128xf32, #tpu.memory_space<hbm>>
      tpu.wait_indirect_dma semaphore(%arg13 : memref<!tpu.dma_semaphore, #tpu.memory_space<semaphore_mem>>) src(%dma_wait3A_114 : memref<10000x128xf32, #tpu.memory_space<hbm>>) dst(%arg10 : memref<128x128xf32, #tpu.memory_space<vmem>>)
      %run_scoped3A_115 = arith.constant 5 : i32
      "tpu.region"() ({
        %run_scoped3A_259 = tpu.sem_alloc : memref<!tpu.dma_semaphore, #tpu.memory_space<semaphore_mem>>
        %dma_start3A_260 = arith.constant 0 : i32
        %dma_start3A_261 = tpu.memref_slice %arg8[%run_scoped3A_115, %dma_start3A_260] : memref<16x128xi32, #tpu.memory_space<vmem>> -> memref<1x128xi32, #tpu.memory_space<vmem>>
        %dma_start3A_262 = tpu.memref_squeeze %dma_start3A_261 : memref<1x128xi32, #tpu.memory_space<vmem>> -> memref<128xi32, #tpu.memory_space<vmem>>
        %dma_start3A_263 = arith.constant 0 : i32
        %dma_start3A_264 = arith.constant 0 : i32
        %dma_start3A_265 = tpu.memref_slice %arg11[%dma_start3A_263, %dma_start3A_264] : memref<10112x128xf32, #tpu.memory_space<vmem_shared>> -> memref<10112x128xf32, #tpu.memory_space<vmem_shared>>
        tpu.enqueue_indirect_dma source(%arg10 : memref<128x128xf32, #tpu.memory_space<vmem>>) target(%dma_start3A_265 : memref<10112x128xf32, #tpu.memory_space<vmem_shared>>) offsets(%dma_start3A_262 : memref<128xi32, #tpu.memory_space<vmem>>) semaphore(%run_scoped3A_259 : memref<!tpu.dma_semaphore, #tpu.memory_space<semaphore_mem>>) {add = true}
        %dma_wait3A_266 = arith.constant 0 : i32
        %dma_wait3A_267 = tpu.memref_slice %arg8[%run_scoped3A_115, %dma_wait3A_266] : memref<16x128xi32, #tpu.memory_space<vmem>> -> memref<1x128xi32, #tpu.memory_space<vmem>>
        %dma_wait3A_268 = tpu.memref_squeeze %dma_wait3A_267 : memref<1x128xi32, #tpu.memory_space<vmem>> -> memref<128xi32, #tpu.memory_space<vmem>>
        %dma_wait3A_269 = arith.constant 0 : i32
        %dma_wait3A_270 = arith.constant 0 : i32
        %dma_wait3A_271 = tpu.memref_slice %arg11[%dma_wait3A_269, %dma_wait3A_270] : memref<10112x128xf32, #tpu.memory_space<vmem_shared>> -> memref<10112x128xf32, #tpu.memory_space<vmem_shared>>
        tpu.wait_indirect_dma semaphore(%run_scoped3A_259 : memref<!tpu.dma_semaphore, #tpu.memory_space<semaphore_mem>>) src(%arg10 : memref<128x128xf32, #tpu.memory_space<vmem>>) dst(%dma_wait3A_271 : memref<10112x128xf32, #tpu.memory_space<vmem_shared>>)
        tpu.yield
      }) : () -> ()
      %dma_start3A_116 = arith.constant 7 : i32
      %dma_start3A_117 = arith.constant 0 : i32
      %dma_start3A_118 = tpu.memref_slice %arg7[%dma_start3A_116, %dma_start3A_117] : memref<16x128xi32, #tpu.memory_space<vmem>> -> memref<1x128xi32, #tpu.memory_space<vmem>>
      %dma_start3A_119 = tpu.memref_squeeze %dma_start3A_118 : memref<1x128xi32, #tpu.memory_space<vmem>> -> memref<128xi32, #tpu.memory_space<vmem>>
      %dma_start3A_120 = arith.constant 0 : i32
      %dma_start3A_121 = arith.constant 0 : i32
      %dma_start3A_122 = tpu.memref_slice %arg2[%dma_start3A_120, %dma_start3A_121] : memref<10000x128xf32, #tpu.memory_space<hbm>> -> memref<10000x128xf32, #tpu.memory_space<hbm>>
      tpu.enqueue_indirect_dma source(%dma_start3A_122 : memref<10000x128xf32, #tpu.memory_space<hbm>>) target(%arg10 : memref<128x128xf32, #tpu.memory_space<vmem>>) offsets(%dma_start3A_119 : memref<128xi32, #tpu.memory_space<vmem>>) semaphore(%arg13 : memref<!tpu.dma_semaphore, #tpu.memory_space<semaphore_mem>>)
      %dma_wait3A_123 = arith.constant 6 : i32
      %dma_wait3A_124 = arith.constant 0 : i32
      %dma_wait3A_125 = tpu.memref_slice %arg7[%dma_wait3A_123, %dma_wait3A_124] : memref<16x128xi32, #tpu.memory_space<vmem>> -> memref<1x128xi32, #tpu.memory_space<vmem>>
      %dma_wait3A_126 = tpu.memref_squeeze %dma_wait3A_125 : memref<1x128xi32, #tpu.memory_space<vmem>> -> memref<128xi32, #tpu.memory_space<vmem>>
      %dma_wait3A_127 = arith.constant 0 : i32
      %dma_wait3A_128 = arith.constant 0 : i32
      %dma_wait3A_129 = tpu.memref_slice %arg2[%dma_wait3A_127, %dma_wait3A_128] : memref<10000x128xf32, #tpu.memory_space<hbm>> -> memref<10000x128xf32, #tpu.memory_space<hbm>>
      tpu.wait_indirect_dma semaphore(%arg12 : memref<!tpu.dma_semaphore, #tpu.memory_space<semaphore_mem>>) src(%dma_wait3A_129 : memref<10000x128xf32, #tpu.memory_space<hbm>>) dst(%arg9 : memref<128x128xf32, #tpu.memory_space<vmem>>)
      %run_scoped3A_130 = arith.constant 6 : i32
      "tpu.region"() ({
        %run_scoped3A_259 = tpu.sem_alloc : memref<!tpu.dma_semaphore, #tpu.memory_space<semaphore_mem>>
        %dma_start3A_260 = arith.constant 0 : i32
        %dma_start3A_261 = tpu.memref_slice %arg8[%run_scoped3A_130, %dma_start3A_260] : memref<16x128xi32, #tpu.memory_space<vmem>> -> memref<1x128xi32, #tpu.memory_space<vmem>>
        %dma_start3A_262 = tpu.memref_squeeze %dma_start3A_261 : memref<1x128xi32, #tpu.memory_space<vmem>> -> memref<128xi32, #tpu.memory_space<vmem>>
        %dma_start3A_263 = arith.constant 0 : i32
        %dma_start3A_264 = arith.constant 0 : i32
        %dma_start3A_265 = tpu.memref_slice %arg11[%dma_start3A_263, %dma_start3A_264] : memref<10112x128xf32, #tpu.memory_space<vmem_shared>> -> memref<10112x128xf32, #tpu.memory_space<vmem_shared>>
        tpu.enqueue_indirect_dma source(%arg9 : memref<128x128xf32, #tpu.memory_space<vmem>>) target(%dma_start3A_265 : memref<10112x128xf32, #tpu.memory_space<vmem_shared>>) offsets(%dma_start3A_262 : memref<128xi32, #tpu.memory_space<vmem>>) semaphore(%run_scoped3A_259 : memref<!tpu.dma_semaphore, #tpu.memory_space<semaphore_mem>>) {add = true}
        %dma_wait3A_266 = arith.constant 0 : i32
        %dma_wait3A_267 = tpu.memref_slice %arg8[%run_scoped3A_130, %dma_wait3A_266] : memref<16x128xi32, #tpu.memory_space<vmem>> -> memref<1x128xi32, #tpu.memory_space<vmem>>
        %dma_wait3A_268 = tpu.memref_squeeze %dma_wait3A_267 : memref<1x128xi32, #tpu.memory_space<vmem>> -> memref<128xi32, #tpu.memory_space<vmem>>
        %dma_wait3A_269 = arith.constant 0 : i32
        %dma_wait3A_270 = arith.constant 0 : i32
        %dma_wait3A_271 = tpu.memref_slice %arg11[%dma_wait3A_269, %dma_wait3A_270] : memref<10112x128xf32, #tpu.memory_space<vmem_shared>> -> memref<10112x128xf32, #tpu.memory_space<vmem_shared>>
        tpu.wait_indirect_dma semaphore(%run_scoped3A_259 : memref<!tpu.dma_semaphore, #tpu.memory_space<semaphore_mem>>) src(%arg9 : memref<128x128xf32, #tpu.memory_space<vmem>>) dst(%dma_wait3A_271 : memref<10112x128xf32, #tpu.memory_space<vmem_shared>>)
        tpu.yield
      }) : () -> ()
      %dma_start3A_131 = arith.constant 8 : i32
      %dma_start3A_132 = arith.constant 0 : i32
      %dma_start3A_133 = tpu.memref_slice %arg7[%dma_start3A_131, %dma_start3A_132] : memref<16x128xi32, #tpu.memory_space<vmem>> -> memref<1x128xi32, #tpu.memory_space<vmem>>
      %dma_start3A_134 = tpu.memref_squeeze %dma_start3A_133 : memref<1x128xi32, #tpu.memory_space<vmem>> -> memref<128xi32, #tpu.memory_space<vmem>>
      %dma_start3A_135 = arith.constant 0 : i32
      %dma_start3A_136 = arith.constant 0 : i32
      %dma_start3A_137 = tpu.memref_slice %arg2[%dma_start3A_135, %dma_start3A_136] : memref<10000x128xf32, #tpu.memory_space<hbm>> -> memref<10000x128xf32, #tpu.memory_space<hbm>>
      tpu.enqueue_indirect_dma source(%dma_start3A_137 : memref<10000x128xf32, #tpu.memory_space<hbm>>) target(%arg9 : memref<128x128xf32, #tpu.memory_space<vmem>>) offsets(%dma_start3A_134 : memref<128xi32, #tpu.memory_space<vmem>>) semaphore(%arg12 : memref<!tpu.dma_semaphore, #tpu.memory_space<semaphore_mem>>)
      %dma_wait3A_138 = arith.constant 7 : i32
      %dma_wait3A_139 = arith.constant 0 : i32
      %dma_wait3A_140 = tpu.memref_slice %arg7[%dma_wait3A_138, %dma_wait3A_139] : memref<16x128xi32, #tpu.memory_space<vmem>> -> memref<1x128xi32, #tpu.memory_space<vmem>>
      %dma_wait3A_141 = tpu.memref_squeeze %dma_wait3A_140 : memref<1x128xi32, #tpu.memory_space<vmem>> -> memref<128xi32, #tpu.memory_space<vmem>>
      %dma_wait3A_142 = arith.constant 0 : i32
      %dma_wait3A_143 = arith.constant 0 : i32
      %dma_wait3A_144 = tpu.memref_slice %arg2[%dma_wait3A_142, %dma_wait3A_143] : memref<10000x128xf32, #tpu.memory_space<hbm>> -> memref<10000x128xf32, #tpu.memory_space<hbm>>
      tpu.wait_indirect_dma semaphore(%arg13 : memref<!tpu.dma_semaphore, #tpu.memory_space<semaphore_mem>>) src(%dma_wait3A_144 : memref<10000x128xf32, #tpu.memory_space<hbm>>) dst(%arg10 : memref<128x128xf32, #tpu.memory_space<vmem>>)
      %run_scoped3A_145 = arith.constant 7 : i32
      "tpu.region"() ({
        %run_scoped3A_259 = tpu.sem_alloc : memref<!tpu.dma_semaphore, #tpu.memory_space<semaphore_mem>>
        %dma_start3A_260 = arith.constant 0 : i32
        %dma_start3A_261 = tpu.memref_slice %arg8[%run_scoped3A_145, %dma_start3A_260] : memref<16x128xi32, #tpu.memory_space<vmem>> -> memref<1x128xi32, #tpu.memory_space<vmem>>
        %dma_start3A_262 = tpu.memref_squeeze %dma_start3A_261 : memref<1x128xi32, #tpu.memory_space<vmem>> -> memref<128xi32, #tpu.memory_space<vmem>>
        %dma_start3A_263 = arith.constant 0 : i32
        %dma_start3A_264 = arith.constant 0 : i32
        %dma_start3A_265 = tpu.memref_slice %arg11[%dma_start3A_263, %dma_start3A_264] : memref<10112x128xf32, #tpu.memory_space<vmem_shared>> -> memref<10112x128xf32, #tpu.memory_space<vmem_shared>>
        tpu.enqueue_indirect_dma source(%arg10 : memref<128x128xf32, #tpu.memory_space<vmem>>) target(%dma_start3A_265 : memref<10112x128xf32, #tpu.memory_space<vmem_shared>>) offsets(%dma_start3A_262 : memref<128xi32, #tpu.memory_space<vmem>>) semaphore(%run_scoped3A_259 : memref<!tpu.dma_semaphore, #tpu.memory_space<semaphore_mem>>) {add = true}
        %dma_wait3A_266 = arith.constant 0 : i32
        %dma_wait3A_267 = tpu.memref_slice %arg8[%run_scoped3A_145, %dma_wait3A_266] : memref<16x128xi32, #tpu.memory_space<vmem>> -> memref<1x128xi32, #tpu.memory_space<vmem>>
        %dma_wait3A_268 = tpu.memref_squeeze %dma_wait3A_267 : memref<1x128xi32, #tpu.memory_space<vmem>> -> memref<128xi32, #tpu.memory_space<vmem>>
        %dma_wait3A_269 = arith.constant 0 : i32
        %dma_wait3A_270 = arith.constant 0 : i32
        %dma_wait3A_271 = tpu.memref_slice %arg11[%dma_wait3A_269, %dma_wait3A_270] : memref<10112x128xf32, #tpu.memory_space<vmem_shared>> -> memref<10112x128xf32, #tpu.memory_space<vmem_shared>>
        tpu.wait_indirect_dma semaphore(%run_scoped3A_259 : memref<!tpu.dma_semaphore, #tpu.memory_space<semaphore_mem>>) src(%arg10 : memref<128x128xf32, #tpu.memory_space<vmem>>) dst(%dma_wait3A_271 : memref<10112x128xf32, #tpu.memory_space<vmem_shared>>)
        tpu.yield
      }) : () -> ()
      %dma_start3A_146 = arith.constant 9 : i32
      %dma_start3A_147 = arith.constant 0 : i32
      %dma_start3A_148 = tpu.memref_slice %arg7[%dma_start3A_146, %dma_start3A_147] : memref<16x128xi32, #tpu.memory_space<vmem>> -> memref<1x128xi32, #tpu.memory_space<vmem>>
      %dma_start3A_149 = tpu.memref_squeeze %dma_start3A_148 : memref<1x128xi32, #tpu.memory_space<vmem>> -> memref<128xi32, #tpu.memory_space<vmem>>
      %dma_start3A_150 = arith.constant 0 : i32
      %dma_start3A_151 = arith.constant 0 : i32
      %dma_start3A_152 = tpu.memref_slice %arg2[%dma_start3A_150, %dma_start3A_151] : memref<10000x128xf32, #tpu.memory_space<hbm>> -> memref<10000x128xf32, #tpu.memory_space<hbm>>
      tpu.enqueue_indirect_dma source(%dma_start3A_152 : memref<10000x128xf32, #tpu.memory_space<hbm>>) target(%arg10 : memref<128x128xf32, #tpu.memory_space<vmem>>) offsets(%dma_start3A_149 : memref<128xi32, #tpu.memory_space<vmem>>) semaphore(%arg13 : memref<!tpu.dma_semaphore, #tpu.memory_space<semaphore_mem>>)
      %dma_wait3A_153 = arith.constant 8 : i32
      %dma_wait3A_154 = arith.constant 0 : i32
      %dma_wait3A_155 = tpu.memref_slice %arg7[%dma_wait3A_153, %dma_wait3A_154] : memref<16x128xi32, #tpu.memory_space<vmem>> -> memref<1x128xi32, #tpu.memory_space<vmem>>
      %dma_wait3A_156 = tpu.memref_squeeze %dma_wait3A_155 : memref<1x128xi32, #tpu.memory_space<vmem>> -> memref<128xi32, #tpu.memory_space<vmem>>
      %dma_wait3A_157 = arith.constant 0 : i32
      %dma_wait3A_158 = arith.constant 0 : i32
      %dma_wait3A_159 = tpu.memref_slice %arg2[%dma_wait3A_157, %dma_wait3A_158] : memref<10000x128xf32, #tpu.memory_space<hbm>> -> memref<10000x128xf32, #tpu.memory_space<hbm>>
      tpu.wait_indirect_dma semaphore(%arg12 : memref<!tpu.dma_semaphore, #tpu.memory_space<semaphore_mem>>) src(%dma_wait3A_159 : memref<10000x128xf32, #tpu.memory_space<hbm>>) dst(%arg9 : memref<128x128xf32, #tpu.memory_space<vmem>>)
      %run_scoped3A_160 = arith.constant 8 : i32
      "tpu.region"() ({
        %run_scoped3A_259 = tpu.sem_alloc : memref<!tpu.dma_semaphore, #tpu.memory_space<semaphore_mem>>
        %dma_start3A_260 = arith.constant 0 : i32
        %dma_start3A_261 = tpu.memref_slice %arg8[%run_scoped3A_160, %dma_start3A_260] : memref<16x128xi32, #tpu.memory_space<vmem>> -> memref<1x128xi32, #tpu.memory_space<vmem>>
        %dma_start3A_262 = tpu.memref_squeeze %dma_start3A_261 : memref<1x128xi32, #tpu.memory_space<vmem>> -> memref<128xi32, #tpu.memory_space<vmem>>
        %dma_start3A_263 = arith.constant 0 : i32
        %dma_start3A_264 = arith.constant 0 : i32
        %dma_start3A_265 = tpu.memref_slice %arg11[%dma_start3A_263, %dma_start3A_264] : memref<10112x128xf32, #tpu.memory_space<vmem_shared>> -> memref<10112x128xf32, #tpu.memory_space<vmem_shared>>
        tpu.enqueue_indirect_dma source(%arg9 : memref<128x128xf32, #tpu.memory_space<vmem>>) target(%dma_start3A_265 : memref<10112x128xf32, #tpu.memory_space<vmem_shared>>) offsets(%dma_start3A_262 : memref<128xi32, #tpu.memory_space<vmem>>) semaphore(%run_scoped3A_259 : memref<!tpu.dma_semaphore, #tpu.memory_space<semaphore_mem>>) {add = true}
        %dma_wait3A_266 = arith.constant 0 : i32
        %dma_wait3A_267 = tpu.memref_slice %arg8[%run_scoped3A_160, %dma_wait3A_266] : memref<16x128xi32, #tpu.memory_space<vmem>> -> memref<1x128xi32, #tpu.memory_space<vmem>>
        %dma_wait3A_268 = tpu.memref_squeeze %dma_wait3A_267 : memref<1x128xi32, #tpu.memory_space<vmem>> -> memref<128xi32, #tpu.memory_space<vmem>>
        %dma_wait3A_269 = arith.constant 0 : i32
        %dma_wait3A_270 = arith.constant 0 : i32
        %dma_wait3A_271 = tpu.memref_slice %arg11[%dma_wait3A_269, %dma_wait3A_270] : memref<10112x128xf32, #tpu.memory_space<vmem_shared>> -> memref<10112x128xf32, #tpu.memory_space<vmem_shared>>
        tpu.wait_indirect_dma semaphore(%run_scoped3A_259 : memref<!tpu.dma_semaphore, #tpu.memory_space<semaphore_mem>>) src(%arg9 : memref<128x128xf32, #tpu.memory_space<vmem>>) dst(%dma_wait3A_271 : memref<10112x128xf32, #tpu.memory_space<vmem_shared>>)
        tpu.yield
      }) : () -> ()
      %dma_start3A_161 = arith.constant 10 : i32
      %dma_start3A_162 = arith.constant 0 : i32
      %dma_start3A_163 = tpu.memref_slice %arg7[%dma_start3A_161, %dma_start3A_162] : memref<16x128xi32, #tpu.memory_space<vmem>> -> memref<1x128xi32, #tpu.memory_space<vmem>>
      %dma_start3A_164 = tpu.memref_squeeze %dma_start3A_163 : memref<1x128xi32, #tpu.memory_space<vmem>> -> memref<128xi32, #tpu.memory_space<vmem>>
      %dma_start3A_165 = arith.constant 0 : i32
      %dma_start3A_166 = arith.constant 0 : i32
      %dma_start3A_167 = tpu.memref_slice %arg2[%dma_start3A_165, %dma_start3A_166] : memref<10000x128xf32, #tpu.memory_space<hbm>> -> memref<10000x128xf32, #tpu.memory_space<hbm>>
      tpu.enqueue_indirect_dma source(%dma_start3A_167 : memref<10000x128xf32, #tpu.memory_space<hbm>>) target(%arg9 : memref<128x128xf32, #tpu.memory_space<vmem>>) offsets(%dma_start3A_164 : memref<128xi32, #tpu.memory_space<vmem>>) semaphore(%arg12 : memref<!tpu.dma_semaphore, #tpu.memory_space<semaphore_mem>>)
      %dma_wait3A_168 = arith.constant 9 : i32
      %dma_wait3A_169 = arith.constant 0 : i32
      %dma_wait3A_170 = tpu.memref_slice %arg7[%dma_wait3A_168, %dma_wait3A_169] : memref<16x128xi32, #tpu.memory_space<vmem>> -> memref<1x128xi32, #tpu.memory_space<vmem>>
      %dma_wait3A_171 = tpu.memref_squeeze %dma_wait3A_170 : memref<1x128xi32, #tpu.memory_space<vmem>> -> memref<128xi32, #tpu.memory_space<vmem>>
      %dma_wait3A_172 = arith.constant 0 : i32
      %dma_wait3A_173 = arith.constant 0 : i32
      %dma_wait3A_174 = tpu.memref_slice %arg2[%dma_wait3A_172, %dma_wait3A_173] : memref<10000x128xf32, #tpu.memory_space<hbm>> -> memref<10000x128xf32, #tpu.memory_space<hbm>>
      tpu.wait_indirect_dma semaphore(%arg13 : memref<!tpu.dma_semaphore, #tpu.memory_space<semaphore_mem>>) src(%dma_wait3A_174 : memref<10000x128xf32, #tpu.memory_space<hbm>>) dst(%arg10 : memref<128x128xf32, #tpu.memory_space<vmem>>)
      %run_scoped3A_175 = arith.constant 9 : i32
      "tpu.region"() ({
        %run_scoped3A_259 = tpu.sem_alloc : memref<!tpu.dma_semaphore, #tpu.memory_space<semaphore_mem>>
        %dma_start3A_260 = arith.constant 0 : i32
        %dma_start3A_261 = tpu.memref_slice %arg8[%run_scoped3A_175, %dma_start3A_260] : memref<16x128xi32, #tpu.memory_space<vmem>> -> memref<1x128xi32, #tpu.memory_space<vmem>>
        %dma_start3A_262 = tpu.memref_squeeze %dma_start3A_261 : memref<1x128xi32, #tpu.memory_space<vmem>> -> memref<128xi32, #tpu.memory_space<vmem>>
        %dma_start3A_263 = arith.constant 0 : i32
        %dma_start3A_264 = arith.constant 0 : i32
        %dma_start3A_265 = tpu.memref_slice %arg11[%dma_start3A_263, %dma_start3A_264] : memref<10112x128xf32, #tpu.memory_space<vmem_shared>> -> memref<10112x128xf32, #tpu.memory_space<vmem_shared>>
        tpu.enqueue_indirect_dma source(%arg10 : memref<128x128xf32, #tpu.memory_space<vmem>>) target(%dma_start3A_265 : memref<10112x128xf32, #tpu.memory_space<vmem_shared>>) offsets(%dma_start3A_262 : memref<128xi32, #tpu.memory_space<vmem>>) semaphore(%run_scoped3A_259 : memref<!tpu.dma_semaphore, #tpu.memory_space<semaphore_mem>>) {add = true}
        %dma_wait3A_266 = arith.constant 0 : i32
        %dma_wait3A_267 = tpu.memref_slice %arg8[%run_scoped3A_175, %dma_wait3A_266] : memref<16x128xi32, #tpu.memory_space<vmem>> -> memref<1x128xi32, #tpu.memory_space<vmem>>
        %dma_wait3A_268 = tpu.memref_squeeze %dma_wait3A_267 : memref<1x128xi32, #tpu.memory_space<vmem>> -> memref<128xi32, #tpu.memory_space<vmem>>
        %dma_wait3A_269 = arith.constant 0 : i32
        %dma_wait3A_270 = arith.constant 0 : i32
        %dma_wait3A_271 = tpu.memref_slice %arg11[%dma_wait3A_269, %dma_wait3A_270] : memref<10112x128xf32, #tpu.memory_space<vmem_shared>> -> memref<10112x128xf32, #tpu.memory_space<vmem_shared>>
        tpu.wait_indirect_dma semaphore(%run_scoped3A_259 : memref<!tpu.dma_semaphore, #tpu.memory_space<semaphore_mem>>) src(%arg10 : memref<128x128xf32, #tpu.memory_space<vmem>>) dst(%dma_wait3A_271 : memref<10112x128xf32, #tpu.memory_space<vmem_shared>>)
        tpu.yield
      }) : () -> ()
      %dma_start3A_176 = arith.constant 11 : i32
      %dma_start3A_177 = arith.constant 0 : i32
      %dma_start3A_178 = tpu.memref_slice %arg7[%dma_start3A_176, %dma_start3A_177] : memref<16x128xi32, #tpu.memory_space<vmem>> -> memref<1x128xi32, #tpu.memory_space<vmem>>
      %dma_start3A_179 = tpu.memref_squeeze %dma_start3A_178 : memref<1x128xi32, #tpu.memory_space<vmem>> -> memref<128xi32, #tpu.memory_space<vmem>>
      %dma_start3A_180 = arith.constant 0 : i32
      %dma_start3A_181 = arith.constant 0 : i32
      %dma_start3A_182 = tpu.memref_slice %arg2[%dma_start3A_180, %dma_start3A_181] : memref<10000x128xf32, #tpu.memory_space<hbm>> -> memref<10000x128xf32, #tpu.memory_space<hbm>>
      tpu.enqueue_indirect_dma source(%dma_start3A_182 : memref<10000x128xf32, #tpu.memory_space<hbm>>) target(%arg10 : memref<128x128xf32, #tpu.memory_space<vmem>>) offsets(%dma_start3A_179 : memref<128xi32, #tpu.memory_space<vmem>>) semaphore(%arg13 : memref<!tpu.dma_semaphore, #tpu.memory_space<semaphore_mem>>)
      %dma_wait3A_183 = arith.constant 10 : i32
      %dma_wait3A_184 = arith.constant 0 : i32
      %dma_wait3A_185 = tpu.memref_slice %arg7[%dma_wait3A_183, %dma_wait3A_184] : memref<16x128xi32, #tpu.memory_space<vmem>> -> memref<1x128xi32, #tpu.memory_space<vmem>>
      %dma_wait3A_186 = tpu.memref_squeeze %dma_wait3A_185 : memref<1x128xi32, #tpu.memory_space<vmem>> -> memref<128xi32, #tpu.memory_space<vmem>>
      %dma_wait3A_187 = arith.constant 0 : i32
      %dma_wait3A_188 = arith.constant 0 : i32
      %dma_wait3A_189 = tpu.memref_slice %arg2[%dma_wait3A_187, %dma_wait3A_188] : memref<10000x128xf32, #tpu.memory_space<hbm>> -> memref<10000x128xf32, #tpu.memory_space<hbm>>
      tpu.wait_indirect_dma semaphore(%arg12 : memref<!tpu.dma_semaphore, #tpu.memory_space<semaphore_mem>>) src(%dma_wait3A_189 : memref<10000x128xf32, #tpu.memory_space<hbm>>) dst(%arg9 : memref<128x128xf32, #tpu.memory_space<vmem>>)
      %run_scoped3A_190 = arith.constant 10 : i32
      "tpu.region"() ({
        %run_scoped3A_259 = tpu.sem_alloc : memref<!tpu.dma_semaphore, #tpu.memory_space<semaphore_mem>>
        %dma_start3A_260 = arith.constant 0 : i32
        %dma_start3A_261 = tpu.memref_slice %arg8[%run_scoped3A_190, %dma_start3A_260] : memref<16x128xi32, #tpu.memory_space<vmem>> -> memref<1x128xi32, #tpu.memory_space<vmem>>
        %dma_start3A_262 = tpu.memref_squeeze %dma_start3A_261 : memref<1x128xi32, #tpu.memory_space<vmem>> -> memref<128xi32, #tpu.memory_space<vmem>>
        %dma_start3A_263 = arith.constant 0 : i32
        %dma_start3A_264 = arith.constant 0 : i32
        %dma_start3A_265 = tpu.memref_slice %arg11[%dma_start3A_263, %dma_start3A_264] : memref<10112x128xf32, #tpu.memory_space<vmem_shared>> -> memref<10112x128xf32, #tpu.memory_space<vmem_shared>>
        tpu.enqueue_indirect_dma source(%arg9 : memref<128x128xf32, #tpu.memory_space<vmem>>) target(%dma_start3A_265 : memref<10112x128xf32, #tpu.memory_space<vmem_shared>>) offsets(%dma_start3A_262 : memref<128xi32, #tpu.memory_space<vmem>>) semaphore(%run_scoped3A_259 : memref<!tpu.dma_semaphore, #tpu.memory_space<semaphore_mem>>) {add = true}
        %dma_wait3A_266 = arith.constant 0 : i32
        %dma_wait3A_267 = tpu.memref_slice %arg8[%run_scoped3A_190, %dma_wait3A_266] : memref<16x128xi32, #tpu.memory_space<vmem>> -> memref<1x128xi32, #tpu.memory_space<vmem>>
        %dma_wait3A_268 = tpu.memref_squeeze %dma_wait3A_267 : memref<1x128xi32, #tpu.memory_space<vmem>> -> memref<128xi32, #tpu.memory_space<vmem>>
        %dma_wait3A_269 = arith.constant 0 : i32
        %dma_wait3A_270 = arith.constant 0 : i32
        %dma_wait3A_271 = tpu.memref_slice %arg11[%dma_wait3A_269, %dma_wait3A_270] : memref<10112x128xf32, #tpu.memory_space<vmem_shared>> -> memref<10112x128xf32, #tpu.memory_space<vmem_shared>>
        tpu.wait_indirect_dma semaphore(%run_scoped3A_259 : memref<!tpu.dma_semaphore, #tpu.memory_space<semaphore_mem>>) src(%arg9 : memref<128x128xf32, #tpu.memory_space<vmem>>) dst(%dma_wait3A_271 : memref<10112x128xf32, #tpu.memory_space<vmem_shared>>)
        tpu.yield
      }) : () -> ()
      %dma_start3A_191 = arith.constant 12 : i32
      %dma_start3A_192 = arith.constant 0 : i32
      %dma_start3A_193 = tpu.memref_slice %arg7[%dma_start3A_191, %dma_start3A_192] : memref<16x128xi32, #tpu.memory_space<vmem>> -> memref<1x128xi32, #tpu.memory_space<vmem>>
      %dma_start3A_194 = tpu.memref_squeeze %dma_start3A_193 : memref<1x128xi32, #tpu.memory_space<vmem>> -> memref<128xi32, #tpu.memory_space<vmem>>
      %dma_start3A_195 = arith.constant 0 : i32
      %dma_start3A_196 = arith.constant 0 : i32
      %dma_start3A_197 = tpu.memref_slice %arg2[%dma_start3A_195, %dma_start3A_196] : memref<10000x128xf32, #tpu.memory_space<hbm>> -> memref<10000x128xf32, #tpu.memory_space<hbm>>
      tpu.enqueue_indirect_dma source(%dma_start3A_197 : memref<10000x128xf32, #tpu.memory_space<hbm>>) target(%arg9 : memref<128x128xf32, #tpu.memory_space<vmem>>) offsets(%dma_start3A_194 : memref<128xi32, #tpu.memory_space<vmem>>) semaphore(%arg12 : memref<!tpu.dma_semaphore, #tpu.memory_space<semaphore_mem>>)
      %dma_wait3A_198 = arith.constant 11 : i32
      %dma_wait3A_199 = arith.constant 0 : i32
      %dma_wait3A_200 = tpu.memref_slice %arg7[%dma_wait3A_198, %dma_wait3A_199] : memref<16x128xi32, #tpu.memory_space<vmem>> -> memref<1x128xi32, #tpu.memory_space<vmem>>
      %dma_wait3A_201 = tpu.memref_squeeze %dma_wait3A_200 : memref<1x128xi32, #tpu.memory_space<vmem>> -> memref<128xi32, #tpu.memory_space<vmem>>
      %dma_wait3A_202 = arith.constant 0 : i32
      %dma_wait3A_203 = arith.constant 0 : i32
      %dma_wait3A_204 = tpu.memref_slice %arg2[%dma_wait3A_202, %dma_wait3A_203] : memref<10000x128xf32, #tpu.memory_space<hbm>> -> memref<10000x128xf32, #tpu.memory_space<hbm>>
      tpu.wait_indirect_dma semaphore(%arg13 : memref<!tpu.dma_semaphore, #tpu.memory_space<semaphore_mem>>) src(%dma_wait3A_204 : memref<10000x128xf32, #tpu.memory_space<hbm>>) dst(%arg10 : memref<128x128xf32, #tpu.memory_space<vmem>>)
      %run_scoped3A_205 = arith.constant 11 : i32
      "tpu.region"() ({
        %run_scoped3A_259 = tpu.sem_alloc : memref<!tpu.dma_semaphore, #tpu.memory_space<semaphore_mem>>
        %dma_start3A_260 = arith.constant 0 : i32
        %dma_start3A_261 = tpu.memref_slice %arg8[%run_scoped3A_205, %dma_start3A_260] : memref<16x128xi32, #tpu.memory_space<vmem>> -> memref<1x128xi32, #tpu.memory_space<vmem>>
        %dma_start3A_262 = tpu.memref_squeeze %dma_start3A_261 : memref<1x128xi32, #tpu.memory_space<vmem>> -> memref<128xi32, #tpu.memory_space<vmem>>
        %dma_start3A_263 = arith.constant 0 : i32
        %dma_start3A_264 = arith.constant 0 : i32
        %dma_start3A_265 = tpu.memref_slice %arg11[%dma_start3A_263, %dma_start3A_264] : memref<10112x128xf32, #tpu.memory_space<vmem_shared>> -> memref<10112x128xf32, #tpu.memory_space<vmem_shared>>
        tpu.enqueue_indirect_dma source(%arg10 : memref<128x128xf32, #tpu.memory_space<vmem>>) target(%dma_start3A_265 : memref<10112x128xf32, #tpu.memory_space<vmem_shared>>) offsets(%dma_start3A_262 : memref<128xi32, #tpu.memory_space<vmem>>) semaphore(%run_scoped3A_259 : memref<!tpu.dma_semaphore, #tpu.memory_space<semaphore_mem>>) {add = true}
        %dma_wait3A_266 = arith.constant 0 : i32
        %dma_wait3A_267 = tpu.memref_slice %arg8[%run_scoped3A_205, %dma_wait3A_266] : memref<16x128xi32, #tpu.memory_space<vmem>> -> memref<1x128xi32, #tpu.memory_space<vmem>>
        %dma_wait3A_268 = tpu.memref_squeeze %dma_wait3A_267 : memref<1x128xi32, #tpu.memory_space<vmem>> -> memref<128xi32, #tpu.memory_space<vmem>>
        %dma_wait3A_269 = arith.constant 0 : i32
        %dma_wait3A_270 = arith.constant 0 : i32
        %dma_wait3A_271 = tpu.memref_slice %arg11[%dma_wait3A_269, %dma_wait3A_270] : memref<10112x128xf32, #tpu.memory_space<vmem_shared>> -> memref<10112x128xf32, #tpu.memory_space<vmem_shared>>
        tpu.wait_indirect_dma semaphore(%run_scoped3A_259 : memref<!tpu.dma_semaphore, #tpu.memory_space<semaphore_mem>>) src(%arg10 : memref<128x128xf32, #tpu.memory_space<vmem>>) dst(%dma_wait3A_271 : memref<10112x128xf32, #tpu.memory_space<vmem_shared>>)
        tpu.yield
      }) : () -> ()
      %dma_start3A_206 = arith.constant 13 : i32
      %dma_start3A_207 = arith.constant 0 : i32
      %dma_start3A_208 = tpu.memref_slice %arg7[%dma_start3A_206, %dma_start3A_207] : memref<16x128xi32, #tpu.memory_space<vmem>> -> memref<1x128xi32, #tpu.memory_space<vmem>>
      %dma_start3A_209 = tpu.memref_squeeze %dma_start3A_208 : memref<1x128xi32, #tpu.memory_space<vmem>> -> memref<128xi32, #tpu.memory_space<vmem>>
      %dma_start3A_210 = arith.constant 0 : i32
      %dma_start3A_211 = arith.constant 0 : i32
      %dma_start3A_212 = tpu.memref_slice %arg2[%dma_start3A_210, %dma_start3A_211] : memref<10000x128xf32, #tpu.memory_space<hbm>> -> memref<10000x128xf32, #tpu.memory_space<hbm>>
      tpu.enqueue_indirect_dma source(%dma_start3A_212 : memref<10000x128xf32, #tpu.memory_space<hbm>>) target(%arg10 : memref<128x128xf32, #tpu.memory_space<vmem>>) offsets(%dma_start3A_209 : memref<128xi32, #tpu.memory_space<vmem>>) semaphore(%arg13 : memref<!tpu.dma_semaphore, #tpu.memory_space<semaphore_mem>>)
      %dma_wait3A_213 = arith.constant 12 : i32
      %dma_wait3A_214 = arith.constant 0 : i32
      %dma_wait3A_215 = tpu.memref_slice %arg7[%dma_wait3A_213, %dma_wait3A_214] : memref<16x128xi32, #tpu.memory_space<vmem>> -> memref<1x128xi32, #tpu.memory_space<vmem>>
      %dma_wait3A_216 = tpu.memref_squeeze %dma_wait3A_215 : memref<1x128xi32, #tpu.memory_space<vmem>> -> memref<128xi32, #tpu.memory_space<vmem>>
      %dma_wait3A_217 = arith.constant 0 : i32
      %dma_wait3A_218 = arith.constant 0 : i32
      %dma_wait3A_219 = tpu.memref_slice %arg2[%dma_wait3A_217, %dma_wait3A_218] : memref<10000x128xf32, #tpu.memory_space<hbm>> -> memref<10000x128xf32, #tpu.memory_space<hbm>>
      tpu.wait_indirect_dma semaphore(%arg12 : memref<!tpu.dma_semaphore, #tpu.memory_space<semaphore_mem>>) src(%dma_wait3A_219 : memref<10000x128xf32, #tpu.memory_space<hbm>>) dst(%arg9 : memref<128x128xf32, #tpu.memory_space<vmem>>)
      %run_scoped3A_220 = arith.constant 12 : i32
      "tpu.region"() ({
        %run_scoped3A_259 = tpu.sem_alloc : memref<!tpu.dma_semaphore, #tpu.memory_space<semaphore_mem>>
        %dma_start3A_260 = arith.constant 0 : i32
        %dma_start3A_261 = tpu.memref_slice %arg8[%run_scoped3A_220, %dma_start3A_260] : memref<16x128xi32, #tpu.memory_space<vmem>> -> memref<1x128xi32, #tpu.memory_space<vmem>>
        %dma_start3A_262 = tpu.memref_squeeze %dma_start3A_261 : memref<1x128xi32, #tpu.memory_space<vmem>> -> memref<128xi32, #tpu.memory_space<vmem>>
        %dma_start3A_263 = arith.constant 0 : i32
        %dma_start3A_264 = arith.constant 0 : i32
        %dma_start3A_265 = tpu.memref_slice %arg11[%dma_start3A_263, %dma_start3A_264] : memref<10112x128xf32, #tpu.memory_space<vmem_shared>> -> memref<10112x128xf32, #tpu.memory_space<vmem_shared>>
        tpu.enqueue_indirect_dma source(%arg9 : memref<128x128xf32, #tpu.memory_space<vmem>>) target(%dma_start3A_265 : memref<10112x128xf32, #tpu.memory_space<vmem_shared>>) offsets(%dma_start3A_262 : memref<128xi32, #tpu.memory_space<vmem>>) semaphore(%run_scoped3A_259 : memref<!tpu.dma_semaphore, #tpu.memory_space<semaphore_mem>>) {add = true}
        %dma_wait3A_266 = arith.constant 0 : i32
        %dma_wait3A_267 = tpu.memref_slice %arg8[%run_scoped3A_220, %dma_wait3A_266] : memref<16x128xi32, #tpu.memory_space<vmem>> -> memref<1x128xi32, #tpu.memory_space<vmem>>
        %dma_wait3A_268 = tpu.memref_squeeze %dma_wait3A_267 : memref<1x128xi32, #tpu.memory_space<vmem>> -> memref<128xi32, #tpu.memory_space<vmem>>
        %dma_wait3A_269 = arith.constant 0 : i32
        %dma_wait3A_270 = arith.constant 0 : i32
        %dma_wait3A_271 = tpu.memref_slice %arg11[%dma_wait3A_269, %dma_wait3A_270] : memref<10112x128xf32, #tpu.memory_space<vmem_shared>> -> memref<10112x128xf32, #tpu.memory_space<vmem_shared>>
        tpu.wait_indirect_dma semaphore(%run_scoped3A_259 : memref<!tpu.dma_semaphore, #tpu.memory_space<semaphore_mem>>) src(%arg9 : memref<128x128xf32, #tpu.memory_space<vmem>>) dst(%dma_wait3A_271 : memref<10112x128xf32, #tpu.memory_space<vmem_shared>>)
        tpu.yield
      }) : () -> ()
      %dma_start3A_221 = arith.constant 14 : i32
      %dma_start3A_222 = arith.constant 0 : i32
      %dma_start3A_223 = tpu.memref_slice %arg7[%dma_start3A_221, %dma_start3A_222] : memref<16x128xi32, #tpu.memory_space<vmem>> -> memref<1x128xi32, #tpu.memory_space<vmem>>
      %dma_start3A_224 = tpu.memref_squeeze %dma_start3A_223 : memref<1x128xi32, #tpu.memory_space<vmem>> -> memref<128xi32, #tpu.memory_space<vmem>>
      %dma_start3A_225 = arith.constant 0 : i32
      %dma_start3A_226 = arith.constant 0 : i32
      %dma_start3A_227 = tpu.memref_slice %arg2[%dma_start3A_225, %dma_start3A_226] : memref<10000x128xf32, #tpu.memory_space<hbm>> -> memref<10000x128xf32, #tpu.memory_space<hbm>>
      tpu.enqueue_indirect_dma source(%dma_start3A_227 : memref<10000x128xf32, #tpu.memory_space<hbm>>) target(%arg9 : memref<128x128xf32, #tpu.memory_space<vmem>>) offsets(%dma_start3A_224 : memref<128xi32, #tpu.memory_space<vmem>>) semaphore(%arg12 : memref<!tpu.dma_semaphore, #tpu.memory_space<semaphore_mem>>)
      %dma_wait3A_228 = arith.constant 13 : i32
      %dma_wait3A_229 = arith.constant 0 : i32
      %dma_wait3A_230 = tpu.memref_slice %arg7[%dma_wait3A_228, %dma_wait3A_229] : memref<16x128xi32, #tpu.memory_space<vmem>> -> memref<1x128xi32, #tpu.memory_space<vmem>>
      %dma_wait3A_231 = tpu.memref_squeeze %dma_wait3A_230 : memref<1x128xi32, #tpu.memory_space<vmem>> -> memref<128xi32, #tpu.memory_space<vmem>>
      %dma_wait3A_232 = arith.constant 0 : i32
      %dma_wait3A_233 = arith.constant 0 : i32
      %dma_wait3A_234 = tpu.memref_slice %arg2[%dma_wait3A_232, %dma_wait3A_233] : memref<10000x128xf32, #tpu.memory_space<hbm>> -> memref<10000x128xf32, #tpu.memory_space<hbm>>
      tpu.wait_indirect_dma semaphore(%arg13 : memref<!tpu.dma_semaphore, #tpu.memory_space<semaphore_mem>>) src(%dma_wait3A_234 : memref<10000x128xf32, #tpu.memory_space<hbm>>) dst(%arg10 : memref<128x128xf32, #tpu.memory_space<vmem>>)
      %run_scoped3A_235 = arith.constant 13 : i32
      "tpu.region"() ({
        %run_scoped3A_259 = tpu.sem_alloc : memref<!tpu.dma_semaphore, #tpu.memory_space<semaphore_mem>>
        %dma_start3A_260 = arith.constant 0 : i32
        %dma_start3A_261 = tpu.memref_slice %arg8[%run_scoped3A_235, %dma_start3A_260] : memref<16x128xi32, #tpu.memory_space<vmem>> -> memref<1x128xi32, #tpu.memory_space<vmem>>
        %dma_start3A_262 = tpu.memref_squeeze %dma_start3A_261 : memref<1x128xi32, #tpu.memory_space<vmem>> -> memref<128xi32, #tpu.memory_space<vmem>>
        %dma_start3A_263 = arith.constant 0 : i32
        %dma_start3A_264 = arith.constant 0 : i32
        %dma_start3A_265 = tpu.memref_slice %arg11[%dma_start3A_263, %dma_start3A_264] : memref<10112x128xf32, #tpu.memory_space<vmem_shared>> -> memref<10112x128xf32, #tpu.memory_space<vmem_shared>>
        tpu.enqueue_indirect_dma source(%arg10 : memref<128x128xf32, #tpu.memory_space<vmem>>) target(%dma_start3A_265 : memref<10112x128xf32, #tpu.memory_space<vmem_shared>>) offsets(%dma_start3A_262 : memref<128xi32, #tpu.memory_space<vmem>>) semaphore(%run_scoped3A_259 : memref<!tpu.dma_semaphore, #tpu.memory_space<semaphore_mem>>) {add = true}
        %dma_wait3A_266 = arith.constant 0 : i32
        %dma_wait3A_267 = tpu.memref_slice %arg8[%run_scoped3A_235, %dma_wait3A_266] : memref<16x128xi32, #tpu.memory_space<vmem>> -> memref<1x128xi32, #tpu.memory_space<vmem>>
        %dma_wait3A_268 = tpu.memref_squeeze %dma_wait3A_267 : memref<1x128xi32, #tpu.memory_space<vmem>> -> memref<128xi32, #tpu.memory_space<vmem>>
        %dma_wait3A_269 = arith.constant 0 : i32
        %dma_wait3A_270 = arith.constant 0 : i32
        %dma_wait3A_271 = tpu.memref_slice %arg11[%dma_wait3A_269, %dma_wait3A_270] : memref<10112x128xf32, #tpu.memory_space<vmem_shared>> -> memref<10112x128xf32, #tpu.memory_space<vmem_shared>>
        tpu.wait_indirect_dma semaphore(%run_scoped3A_259 : memref<!tpu.dma_semaphore, #tpu.memory_space<semaphore_mem>>) src(%arg10 : memref<128x128xf32, #tpu.memory_space<vmem>>) dst(%dma_wait3A_271 : memref<10112x128xf32, #tpu.memory_space<vmem_shared>>)
        tpu.yield
      }) : () -> ()
      %dma_start3A_236 = arith.constant 15 : i32
      %dma_start3A_237 = arith.constant 0 : i32
      %dma_start3A_238 = tpu.memref_slice %arg7[%dma_start3A_236, %dma_start3A_237] : memref<16x128xi32, #tpu.memory_space<vmem>> -> memref<1x128xi32, #tpu.memory_space<vmem>>
      %dma_start3A_239 = tpu.memref_squeeze %dma_start3A_238 : memref<1x128xi32, #tpu.memory_space<vmem>> -> memref<128xi32, #tpu.memory_space<vmem>>
      %dma_start3A_240 = arith.constant 0 : i32
      %dma_start3A_241 = arith.constant 0 : i32
      %dma_start3A_242 = tpu.memref_slice %arg2[%dma_start3A_240, %dma_start3A_241] : memref<10000x128xf32, #tpu.memory_space<hbm>> -> memref<10000x128xf32, #tpu.memory_space<hbm>>
      tpu.enqueue_indirect_dma source(%dma_start3A_242 : memref<10000x128xf32, #tpu.memory_space<hbm>>) target(%arg10 : memref<128x128xf32, #tpu.memory_space<vmem>>) offsets(%dma_start3A_239 : memref<128xi32, #tpu.memory_space<vmem>>) semaphore(%arg13 : memref<!tpu.dma_semaphore, #tpu.memory_space<semaphore_mem>>)
      %dma_wait3A_243 = arith.constant 14 : i32
      %dma_wait3A_244 = arith.constant 0 : i32
      %dma_wait3A_245 = tpu.memref_slice %arg7[%dma_wait3A_243, %dma_wait3A_244] : memref<16x128xi32, #tpu.memory_space<vmem>> -> memref<1x128xi32, #tpu.memory_space<vmem>>
      %dma_wait3A_246 = tpu.memref_squeeze %dma_wait3A_245 : memref<1x128xi32, #tpu.memory_space<vmem>> -> memref<128xi32, #tpu.memory_space<vmem>>
      %dma_wait3A_247 = arith.constant 0 : i32
      %dma_wait3A_248 = arith.constant 0 : i32
      %dma_wait3A_249 = tpu.memref_slice %arg2[%dma_wait3A_247, %dma_wait3A_248] : memref<10000x128xf32, #tpu.memory_space<hbm>> -> memref<10000x128xf32, #tpu.memory_space<hbm>>
      tpu.wait_indirect_dma semaphore(%arg12 : memref<!tpu.dma_semaphore, #tpu.memory_space<semaphore_mem>>) src(%dma_wait3A_249 : memref<10000x128xf32, #tpu.memory_space<hbm>>) dst(%arg9 : memref<128x128xf32, #tpu.memory_space<vmem>>)
      %run_scoped3A_250 = arith.constant 14 : i32
      "tpu.region"() ({
        %run_scoped3A_259 = tpu.sem_alloc : memref<!tpu.dma_semaphore, #tpu.memory_space<semaphore_mem>>
        %dma_start3A_260 = arith.constant 0 : i32
        %dma_start3A_261 = tpu.memref_slice %arg8[%run_scoped3A_250, %dma_start3A_260] : memref<16x128xi32, #tpu.memory_space<vmem>> -> memref<1x128xi32, #tpu.memory_space<vmem>>
        %dma_start3A_262 = tpu.memref_squeeze %dma_start3A_261 : memref<1x128xi32, #tpu.memory_space<vmem>> -> memref<128xi32, #tpu.memory_space<vmem>>
        %dma_start3A_263 = arith.constant 0 : i32
        %dma_start3A_264 = arith.constant 0 : i32
        %dma_start3A_265 = tpu.memref_slice %arg11[%dma_start3A_263, %dma_start3A_264] : memref<10112x128xf32, #tpu.memory_space<vmem_shared>> -> memref<10112x128xf32, #tpu.memory_space<vmem_shared>>
        tpu.enqueue_indirect_dma source(%arg9 : memref<128x128xf32, #tpu.memory_space<vmem>>) target(%dma_start3A_265 : memref<10112x128xf32, #tpu.memory_space<vmem_shared>>) offsets(%dma_start3A_262 : memref<128xi32, #tpu.memory_space<vmem>>) semaphore(%run_scoped3A_259 : memref<!tpu.dma_semaphore, #tpu.memory_space<semaphore_mem>>) {add = true}
        %dma_wait3A_266 = arith.constant 0 : i32
        %dma_wait3A_267 = tpu.memref_slice %arg8[%run_scoped3A_250, %dma_wait3A_266] : memref<16x128xi32, #tpu.memory_space<vmem>> -> memref<1x128xi32, #tpu.memory_space<vmem>>
        %dma_wait3A_268 = tpu.memref_squeeze %dma_wait3A_267 : memref<1x128xi32, #tpu.memory_space<vmem>> -> memref<128xi32, #tpu.memory_space<vmem>>
        %dma_wait3A_269 = arith.constant 0 : i32
        %dma_wait3A_270 = arith.constant 0 : i32
        %dma_wait3A_271 = tpu.memref_slice %arg11[%dma_wait3A_269, %dma_wait3A_270] : memref<10112x128xf32, #tpu.memory_space<vmem_shared>> -> memref<10112x128xf32, #tpu.memory_space<vmem_shared>>
        tpu.wait_indirect_dma semaphore(%run_scoped3A_259 : memref<!tpu.dma_semaphore, #tpu.memory_space<semaphore_mem>>) src(%arg9 : memref<128x128xf32, #tpu.memory_space<vmem>>) dst(%dma_wait3A_271 : memref<10112x128xf32, #tpu.memory_space<vmem_shared>>)
        tpu.yield
      }) : () -> ()
      %dma_wait3A_251 = arith.constant 15 : i32
      %dma_wait3A_252 = arith.constant 0 : i32
      %dma_wait3A_253 = tpu.memref_slice %arg7[%dma_wait3A_251, %dma_wait3A_252] : memref<16x128xi32, #tpu.memory_space<vmem>> -> memref<1x128xi32, #tpu.memory_space<vmem>>
      %dma_wait3A_254 = tpu.memref_squeeze %dma_wait3A_253 : memref<1x128xi32, #tpu.memory_space<vmem>> -> memref<128xi32, #tpu.memory_space<vmem>>
      %dma_wait3A_255 = arith.constant 0 : i32
      %dma_wait3A_256 = arith.constant 0 : i32
      %dma_wait3A_257 = tpu.memref_slice %arg2[%dma_wait3A_255, %dma_wait3A_256] : memref<10000x128xf32, #tpu.memory_space<hbm>> -> memref<10000x128xf32, #tpu.memory_space<hbm>>
      tpu.wait_indirect_dma semaphore(%arg13 : memref<!tpu.dma_semaphore, #tpu.memory_space<semaphore_mem>>) src(%dma_wait3A_257 : memref<10000x128xf32, #tpu.memory_space<hbm>>) dst(%arg10 : memref<128x128xf32, #tpu.memory_space<vmem>>)
      %run_scoped3A_258 = arith.constant 15 : i32
      "tpu.region"() ({
        %run_scoped3A_259 = tpu.sem_alloc : memref<!tpu.dma_semaphore, #tpu.memory_space<semaphore_mem>>
        %dma_start3A_260 = arith.constant 0 : i32
        %dma_start3A_261 = tpu.memref_slice %arg8[%run_scoped3A_258, %dma_start3A_260] : memref<16x128xi32, #tpu.memory_space<vmem>> -> memref<1x128xi32, #tpu.memory_space<vmem>>
        %dma_start3A_262 = tpu.memref_squeeze %dma_start3A_261 : memref<1x128xi32, #tpu.memory_space<vmem>> -> memref<128xi32, #tpu.memory_space<vmem>>
        %dma_start3A_263 = arith.constant 0 : i32
        %dma_start3A_264 = arith.constant 0 : i32
        %dma_start3A_265 = tpu.memref_slice %arg11[%dma_start3A_263, %dma_start3A_264] : memref<10112x128xf32, #tpu.memory_space<vmem_shared>> -> memref<10112x128xf32, #tpu.memory_space<vmem_shared>>
        tpu.enqueue_indirect_dma source(%arg10 : memref<128x128xf32, #tpu.memory_space<vmem>>) target(%dma_start3A_265 : memref<10112x128xf32, #tpu.memory_space<vmem_shared>>) offsets(%dma_start3A_262 : memref<128xi32, #tpu.memory_space<vmem>>) semaphore(%run_scoped3A_259 : memref<!tpu.dma_semaphore, #tpu.memory_space<semaphore_mem>>) {add = true}
        %dma_wait3A_266 = arith.constant 0 : i32
        %dma_wait3A_267 = tpu.memref_slice %arg8[%run_scoped3A_258, %dma_wait3A_266] : memref<16x128xi32, #tpu.memory_space<vmem>> -> memref<1x128xi32, #tpu.memory_space<vmem>>
        %dma_wait3A_268 = tpu.memref_squeeze %dma_wait3A_267 : memref<1x128xi32, #tpu.memory_space<vmem>> -> memref<128xi32, #tpu.memory_space<vmem>>
        %dma_wait3A_269 = arith.constant 0 : i32
        %dma_wait3A_270 = arith.constant 0 : i32
        %dma_wait3A_271 = tpu.memref_slice %arg11[%dma_wait3A_269, %dma_wait3A_270] : memref<10112x128xf32, #tpu.memory_space<vmem_shared>> -> memref<10112x128xf32, #tpu.memory_space<vmem_shared>>
        tpu.wait_indirect_dma semaphore(%run_scoped3A_259 : memref<!tpu.dma_semaphore, #tpu.memory_space<semaphore_mem>>) src(%arg10 : memref<128x128xf32, #tpu.memory_space<vmem>>) dst(%dma_wait3A_271 : memref<10112x128xf32, #tpu.memory_space<vmem_shared>>)
        tpu.yield
      }) : () -> ()
    }
    %scan3A_8 = arith.constant 5 : i32
    %barrier3A_9 = arith.constant 0 : index
    tpu.barrier barrier_id(%barrier3A_9)
    %mul3A_10 = arith.constant 632 : i32
    %mul3A_11 = arith.muli %arg1, %mul3A_10 : i32
    %mul3A_12 = arith.constant 632 : i32
    %mul3A_13 = arith.muli %arg1, %mul3A_12 : i32
    "tpu.region"() ({
      %run_scoped3A = tpu.sem_alloc : memref<!tpu.dma_semaphore, #tpu.memory_space<semaphore_mem>>
      %dma_start3A = arith.constant 0 : i32
      %dma_start3A_14 = tpu.memref_slice %arg6[%arg0, %mul3A_13, %dma_start3A] : memref<2x10112x128xf32, #tpu.memory_space<hbm>> -> memref<1x632x128xf32, #tpu.memory_space<hbm>>
      %dma_start3A_15 = tpu.memref_squeeze %dma_start3A_14 : memref<1x632x128xf32, #tpu.memory_space<hbm>> -> memref<632x128xf32, #tpu.memory_space<hbm>>
      %dma_start3A_16 = arith.constant 0 : i32
      %dma_start3A_17 = tpu.memref_slice %arg11[%mul3A_11, %dma_start3A_16] : memref<10112x128xf32, #tpu.memory_space<vmem_shared>> -> memref<632x128xf32, #tpu.memory_space<vmem_shared>>
      tpu.enqueue_dma source(%dma_start3A_17 : memref<632x128xf32, #tpu.memory_space<vmem_shared>>) target(%dma_start3A_15 : memref<632x128xf32, #tpu.memory_space<hbm>>) target_semaphore(%run_scoped3A : memref<!tpu.dma_semaphore, #tpu.memory_space<semaphore_mem>>)
      %dma_wait3A = arith.constant 0 : i32
      %dma_wait3A_18 = tpu.memref_slice %arg6[%arg0, %mul3A_13, %dma_wait3A] : memref<2x10112x128xf32, #tpu.memory_space<hbm>> -> memref<1x632x128xf32, #tpu.memory_space<hbm>>
      %dma_wait3A_19 = tpu.memref_squeeze %dma_wait3A_18 : memref<1x632x128xf32, #tpu.memory_space<hbm>> -> memref<632x128xf32, #tpu.memory_space<hbm>>
      %dma_wait3A_20 = arith.constant 0 : i32
      %dma_wait3A_21 = tpu.memref_slice %arg11[%mul3A_11, %dma_wait3A_20] : memref<10112x128xf32, #tpu.memory_space<vmem_shared>> -> memref<632x128xf32, #tpu.memory_space<vmem_shared>>
      tpu.wait_dma2 semaphore(%run_scoped3A : memref<!tpu.dma_semaphore, #tpu.memory_space<semaphore_mem>>) src(%dma_wait3A_21 : memref<632x128xf32, #tpu.memory_space<vmem_shared>>) dst(%dma_wait3A_19 : memref<632x128xf32, #tpu.memory_space<hbm>>)
      tpu.yield
    }) : () -> ()
    return
  }
}

#map = affine_map<(d0, d1) -> (0, 0)>
#map1 = affine_map<(d0, d1) -> (0, 0, 0)>
module attributes {stable_mosaic.version = 14 : i64} {
  func.func @body(%arg0: i32, %arg1: i32, %arg2: memref<10000x128xf32, #tpu.memory_space<hbm>>, %arg3: memref<2560x128xi32, #tpu.memory_space<hbm>>, %arg4: memref<2560x128xi32, #tpu.memory_space<hbm>>, %arg5: memref<632x128xf32, #tpu.memory_space<hbm>>, %arg6: memref<2x10112x128xf32, #tpu.memory_space<hbm>>, %arg7: memref<16x128xi32, #tpu.memory_space<vmem>>, %arg8: memref<16x128xi32, #tpu.memory_space<vmem>>, %arg9: memref<128x128xf32, #tpu.memory_space<vmem>>, %arg10: memref<128x128xf32, #tpu.memory_space<vmem>>, %arg11: memref<10112x128xf32, #tpu.memory_space<vmem_shared>>, %arg12: memref<!tpu.dma_semaphore, #tpu.memory_space<semaphore_mem>>, %arg13: memref<!tpu.dma_semaphore, #tpu.memory_space<semaphore_mem>>) attributes {dimension_semantics = [#tpu.dimension_semantics<core_parallel>, #tpu.dimension_semantics<subcore_parallel>], iteration_bounds = array<i64: 2, 16>, scalar_prefetch = 0 : i64, scratch_operands = 7 : i64, tpu.core_type = #tpu.core_type<sc_vector_subcore>, window_params = [{transform_indices = #map}, {transform_indices = #map}, {transform_indices = #map}, {transform_indices = #map}, {transform_indices = #map1}]} {
    %mul3A = arith.constant 2 : i32
    %mul3A_0 = arith.muli %arg1, %mul3A : i32
    %add3A = arith.addi %mul3A_0, %arg0 : i32
    %mul3A_1 = arith.constant 632 : i32
    %mul3A_2 = arith.muli %arg1, %mul3A_1 : i32
    "tpu.region"() ({
      %run_scoped3A = tpu.sem_alloc : memref<!tpu.dma_semaphore, #tpu.memory_space<semaphore_mem>>
      %dma_start3A = arith.constant 0 : i32
      %dma_start3A_14 = tpu.memref_slice %arg11[%mul3A_2, %dma_start3A] : memref<10112x128xf32, #tpu.memory_space<vmem_shared>> -> memref<632x128xf32, #tpu.memory_space<vmem_shared>>
      tpu.enqueue_dma source(%arg5 : memref<632x128xf32, #tpu.memory_space<hbm>>) target(%dma_start3A_14 : memref<632x128xf32, #tpu.memory_space<vmem_shared>>) target_semaphore(%run_scoped3A : memref<!tpu.dma_semaphore, #tpu.memory_space<semaphore_mem>>)
      %dma_wait3A = arith.constant 0 : i32
      %dma_wait3A_15 = tpu.memref_slice %arg11[%mul3A_2, %dma_wait3A] : memref<10112x128xf32, #tpu.memory_space<vmem_shared>> -> memref<632x128xf32, #tpu.memory_space<vmem_shared>>
      tpu.wait_dma2 semaphore(%run_scoped3A : memref<!tpu.dma_semaphore, #tpu.memory_space<semaphore_mem>>) src(%arg5 : memref<632x128xf32, #tpu.memory_space<hbm>>) dst(%dma_wait3A_15 : memref<632x128xf32, #tpu.memory_space<vmem_shared>>)
      tpu.yield
    }) : () -> ()
    %barrier3A = arith.constant 0 : index
    tpu.barrier barrier_id(%barrier3A)
    %mul3A_3 = arith.constant 80 : i32
    %mul3A_4 = arith.muli %add3A, %mul3A_3 : i32
    %scan3A = arith.constant 0 : i32
    %scan3A_5 = arith.constant 5 : i32
    %scan3A_6 = arith.addi %scan3A, %scan3A_5 : i32
    %scan3A_7 = arith.constant 1 : i32
    scf.for %scan3A_14 = %scan3A to %scan3A_6 step %scan3A_7  : i32 {
      %mul3A_15 = arith.constant 1 : i32
      %mul3A_16 = arith.muli %scan3A_14, %mul3A_15 : i32
      %add3A_17 = arith.constant 0 : i32
      %add3A_18 = arith.addi %add3A_17, %mul3A_16 : i32
      %mul3A_19 = arith.constant 16 : i32
      %mul3A_20 = arith.muli %add3A_18, %mul3A_19 : i32
      %add3A_21 = arith.addi %mul3A_4, %mul3A_20 : i32
      "tpu.region"() ({
        %run_scoped3A_259 = tpu.sem_alloc : memref<!tpu.dma_semaphore, #tpu.memory_space<semaphore_mem>>
        %dma_start3A_260 = arith.constant 0 : i32
        %dma_start3A_261 = tpu.memref_slice %arg3[%add3A_21, %dma_start3A_260] : memref<2560x128xi32, #tpu.memory_space<hbm>> -> memref<16x128xi32, #tpu.memory_space<hbm>>
        %dma_start3A_262 = arith.constant 0 : i32
        %dma_start3A_263 = tpu.memref_slice %arg3[%add3A_21, %dma_start3A_262] : memref<2560x128xi32, #tpu.memory_space<hbm>> -> memref<16x128xi32, #tpu.memory_space<hbm>>
        tpu.enqueue_dma source(%dma_start3A_263 : memref<16x128xi32, #tpu.memory_space<hbm>>) target(%arg7 : memref<16x128xi32, #tpu.memory_space<vmem>>) target_semaphore(%run_scoped3A_259 : memref<!tpu.dma_semaphore, #tpu.memory_space<semaphore_mem>>)
        %dma_wait3A_264 = arith.constant 0 : i32
        %dma_wait3A_265 = tpu.memref_slice %arg3[%add3A_21, %dma_wait3A_264] : memref<2560x128xi32, #tpu.memory_space<hbm>> -> memref<16x128xi32, #tpu.memory_space<hbm>>
        %dma_wait3A_266 = arith.constant 0 : i32
        %dma_wait3A_267 = tpu.memref_slice %arg3[%add3A_21, %dma_wait3A_266] : memref<2560x128xi32, #tpu.memory_space<hbm>> -> memref<16x128xi32, #tpu.memory_space<hbm>>
        tpu.wait_dma2 semaphore(%run_scoped3A_259 : memref<!tpu.dma_semaphore, #tpu.memory_space<semaphore_mem>>) src(%dma_wait3A_267 : memref<16x128xi32, #tpu.memory_space<hbm>>) dst(%arg7 : memref<16x128xi32, #tpu.memory_space<vmem>>)
        tpu.yield
      }) : () -> ()
      "tpu.region"() ({
        %run_scoped3A_259 = tpu.sem_alloc : memref<!tpu.dma_semaphore, #tpu.memory_space<semaphore_mem>>
        %dma_start3A_260 = arith.constant 0 : i32
        %dma_start3A_261 = tpu.memref_slice %arg4[%add3A_21, %dma_start3A_260] : memref<2560x128xi32, #tpu.memory_space<hbm>> -> memref<16x128xi32, #tpu.memory_space<hbm>>
        %dma_start3A_262 = arith.constant 0 : i32
        %dma_start3A_263 = tpu.memref_slice %arg4[%add3A_21, %dma_start3A_262] : memref<2560x128xi32, #tpu.memory_space<hbm>> -> memref<16x128xi32, #tpu.memory_space<hbm>>
        tpu.enqueue_dma source(%dma_start3A_263 : memref<16x128xi32, #tpu.memory_space<hbm>>) target(%arg8 : memref<16x128xi32, #tpu.memory_space<vmem>>) target_semaphore(%run_scoped3A_259 : memref<!tpu.dma_semaphore, #tpu.memory_space<semaphore_mem>>)
        %dma_wait3A_264 = arith.constant 0 : i32
        %dma_wait3A_265 = tpu.memref_slice %arg4[%add3A_21, %dma_wait3A_264] : memref<2560x128xi32, #tpu.memory_space<hbm>> -> memref<16x128xi32, #tpu.memory_space<hbm>>
        %dma_wait3A_266 = arith.constant 0 : i32
        %dma_wait3A_267 = tpu.memref_slice %arg4[%add3A_21, %dma_wait3A_266] : memref<2560x128xi32, #tpu.memory_space<hbm>> -> memref<16x128xi32, #tpu.memory_space<hbm>>
        tpu.wait_dma2 semaphore(%run_scoped3A_259 : memref<!tpu.dma_semaphore, #tpu.memory_space<semaphore_mem>>) src(%dma_wait3A_267 : memref<16x128xi32, #tpu.memory_space<hbm>>) dst(%arg8 : memref<16x128xi32, #tpu.memory_space<vmem>>)
        tpu.yield
      }) : () -> ()
      %dma_start3A = arith.constant 0 : i32
      %dma_start3A_22 = arith.constant 0 : i32
      %dma_start3A_23 = tpu.memref_slice %arg7[%dma_start3A, %dma_start3A_22] : memref<16x128xi32, #tpu.memory_space<vmem>> -> memref<1x128xi32, #tpu.memory_space<vmem>>
      %dma_start3A_24 = tpu.memref_squeeze %dma_start3A_23 : memref<1x128xi32, #tpu.memory_space<vmem>> -> memref<128xi32, #tpu.memory_space<vmem>>
      %dma_start3A_25 = arith.constant 0 : i32
      %dma_start3A_26 = arith.constant 0 : i32
      %dma_start3A_27 = tpu.memref_slice %arg2[%dma_start3A_25, %dma_start3A_26] : memref<10000x128xf32, #tpu.memory_space<hbm>> -> memref<10000x128xf32, #tpu.memory_space<hbm>>
      tpu.enqueue_indirect_dma source(%dma_start3A_27 : memref<10000x128xf32, #tpu.memory_space<hbm>>) target(%arg9 : memref<128x128xf32, #tpu.memory_space<vmem>>) offsets(%dma_start3A_24 : memref<128xi32, #tpu.memory_space<vmem>>) semaphore(%arg12 : memref<!tpu.dma_semaphore, #tpu.memory_space<semaphore_mem>>)
      %dma_start3A_28 = arith.constant 1 : i32
      %dma_start3A_29 = arith.constant 0 : i32
      %dma_start3A_30 = tpu.memref_slice %arg7[%dma_start3A_28, %dma_start3A_29] : memref<16x128xi32, #tpu.memory_space<vmem>> -> memref<1x128xi32, #tpu.memory_space<vmem>>
      %dma_start3A_31 = tpu.memref_squeeze %dma_start3A_30 : memref<1x128xi32, #tpu.memory_space<vmem>> -> memref<128xi32, #tpu.memory_space<vmem>>
      %dma_start3A_32 = arith.constant 0 : i32
      %dma_start3A_33 = arith.constant 0 : i32
      %dma_start3A_34 = tpu.memref_slice %arg2[%dma_start3A_32, %dma_start3A_33] : memref<10000x128xf32, #tpu.memory_space<hbm>> -> memref<10000x128xf32, #tpu.memory_space<hbm>>
      tpu.enqueue_indirect_dma source(%dma_start3A_34 : memref<10000x128xf32, #tpu.memory_space<hbm>>) target(%arg10 : memref<128x128xf32, #tpu.memory_space<vmem>>) offsets(%dma_start3A_31 : memref<128xi32, #tpu.memory_space<vmem>>) semaphore(%arg13 : memref<!tpu.dma_semaphore, #tpu.memory_space<semaphore_mem>>)
      %dma_wait3A = arith.constant 0 : i32
      %dma_wait3A_35 = arith.constant 0 : i32
      %dma_wait3A_36 = tpu.memref_slice %arg7[%dma_wait3A, %dma_wait3A_35] : memref<16x128xi32, #tpu.memory_space<vmem>> -> memref<1x128xi32, #tpu.memory_space<vmem>>
      %dma_wait3A_37 = tpu.memref_squeeze %dma_wait3A_36 : memref<1x128xi32, #tpu.memory_space<vmem>> -> memref<128xi32, #tpu.memory_space<vmem>>
      %dma_wait3A_38 = arith.constant 0 : i32
      %dma_wait3A_39 = arith.constant 0 : i32
      %dma_wait3A_40 = tpu.memref_slice %arg2[%dma_wait3A_38, %dma_wait3A_39] : memref<10000x128xf32, #tpu.memory_space<hbm>> -> memref<10000x128xf32, #tpu.memory_space<hbm>>
      tpu.wait_indirect_dma semaphore(%arg12 : memref<!tpu.dma_semaphore, #tpu.memory_space<semaphore_mem>>) src(%dma_wait3A_40 : memref<10000x128xf32, #tpu.memory_space<hbm>>) dst(%arg9 : memref<128x128xf32, #tpu.memory_space<vmem>>)
      %run_scoped3A = arith.constant 0 : i32
      "tpu.region"() ({
        %run_scoped3A_259 = tpu.sem_alloc : memref<!tpu.dma_semaphore, #tpu.memory_space<semaphore_mem>>
        %dma_start3A_260 = arith.constant 0 : i32
        %dma_start3A_261 = tpu.memref_slice %arg8[%run_scoped3A, %dma_start3A_260] : memref<16x128xi32, #tpu.memory_space<vmem>> -> memref<1x128xi32, #tpu.memory_space<vmem>>
        %dma_start3A_262 = tpu.memref_squeeze %dma_start3A_261 : memref<1x128xi32, #tpu.memory_space<vmem>> -> memref<128xi32, #tpu.memory_space<vmem>>
        %dma_start3A_263 = arith.constant 0 : i32
        %dma_start3A_264 = arith.constant 0 : i32
        %dma_start3A_265 = tpu.memref_slice %arg11[%dma_start3A_263, %dma_start3A_264] : memref<10112x128xf32, #tpu.memory_space<vmem_shared>> -> memref<10112x128xf32, #tpu.memory_space<vmem_shared>>
        tpu.enqueue_indirect_dma source(%arg9 : memref<128x128xf32, #tpu.memory_space<vmem>>) target(%dma_start3A_265 : memref<10112x128xf32, #tpu.memory_space<vmem_shared>>) offsets(%dma_start3A_262 : memref<128xi32, #tpu.memory_space<vmem>>) semaphore(%run_scoped3A_259 : memref<!tpu.dma_semaphore, #tpu.memory_space<semaphore_mem>>) {add = true}
        %dma_wait3A_266 = arith.constant 0 : i32
        %dma_wait3A_267 = tpu.memref_slice %arg8[%run_scoped3A, %dma_wait3A_266] : memref<16x128xi32, #tpu.memory_space<vmem>> -> memref<1x128xi32, #tpu.memory_space<vmem>>
        %dma_wait3A_268 = tpu.memref_squeeze %dma_wait3A_267 : memref<1x128xi32, #tpu.memory_space<vmem>> -> memref<128xi32, #tpu.memory_space<vmem>>
        %dma_wait3A_269 = arith.constant 0 : i32
        %dma_wait3A_270 = arith.constant 0 : i32
        %dma_wait3A_271 = tpu.memref_slice %arg11[%dma_wait3A_269, %dma_wait3A_270] : memref<10112x128xf32, #tpu.memory_space<vmem_shared>> -> memref<10112x128xf32, #tpu.memory_space<vmem_shared>>
        tpu.wait_indirect_dma semaphore(%run_scoped3A_259 : memref<!tpu.dma_semaphore, #tpu.memory_space<semaphore_mem>>) src(%arg9 : memref<128x128xf32, #tpu.memory_space<vmem>>) dst(%dma_wait3A_271 : memref<10112x128xf32, #tpu.memory_space<vmem_shared>>)
        tpu.yield
      }) : () -> ()
      %dma_start3A_41 = arith.constant 2 : i32
      %dma_start3A_42 = arith.constant 0 : i32
      %dma_start3A_43 = tpu.memref_slice %arg7[%dma_start3A_41, %dma_start3A_42] : memref<16x128xi32, #tpu.memory_space<vmem>> -> memref<1x128xi32, #tpu.memory_space<vmem>>
      %dma_start3A_44 = tpu.memref_squeeze %dma_start3A_43 : memref<1x128xi32, #tpu.memory_space<vmem>> -> memref<128xi32, #tpu.memory_space<vmem>>
      %dma_start3A_45 = arith.constant 0 : i32
      %dma_start3A_46 = arith.constant 0 : i32
      %dma_start3A_47 = tpu.memref_slice %arg2[%dma_start3A_45, %dma_start3A_46] : memref<10000x128xf32, #tpu.memory_space<hbm>> -> memref<10000x128xf32, #tpu.memory_space<hbm>>
      tpu.enqueue_indirect_dma source(%dma_start3A_47 : memref<10000x128xf32, #tpu.memory_space<hbm>>) target(%arg9 : memref<128x128xf32, #tpu.memory_space<vmem>>) offsets(%dma_start3A_44 : memref<128xi32, #tpu.memory_space<vmem>>) semaphore(%arg12 : memref<!tpu.dma_semaphore, #tpu.memory_space<semaphore_mem>>)
      %dma_wait3A_48 = arith.constant 1 : i32
      %dma_wait3A_49 = arith.constant 0 : i32
      %dma_wait3A_50 = tpu.memref_slice %arg7[%dma_wait3A_48, %dma_wait3A_49] : memref<16x128xi32, #tpu.memory_space<vmem>> -> memref<1x128xi32, #tpu.memory_space<vmem>>
      %dma_wait3A_51 = tpu.memref_squeeze %dma_wait3A_50 : memref<1x128xi32, #tpu.memory_space<vmem>> -> memref<128xi32, #tpu.memory_space<vmem>>
      %dma_wait3A_52 = arith.constant 0 : i32
      %dma_wait3A_53 = arith.constant 0 : i32
      %dma_wait3A_54 = tpu.memref_slice %arg2[%dma_wait3A_52, %dma_wait3A_53] : memref<10000x128xf32, #tpu.memory_space<hbm>> -> memref<10000x128xf32, #tpu.memory_space<hbm>>
      tpu.wait_indirect_dma semaphore(%arg13 : memref<!tpu.dma_semaphore, #tpu.memory_space<semaphore_mem>>) src(%dma_wait3A_54 : memref<10000x128xf32, #tpu.memory_space<hbm>>) dst(%arg10 : memref<128x128xf32, #tpu.memory_space<vmem>>)
      %run_scoped3A_55 = arith.constant 1 : i32
      "tpu.region"() ({
        %run_scoped3A_259 = tpu.sem_alloc : memref<!tpu.dma_semaphore, #tpu.memory_space<semaphore_mem>>
        %dma_start3A_260 = arith.constant 0 : i32
        %dma_start3A_261 = tpu.memref_slice %arg8[%run_scoped3A_55, %dma_start3A_260] : memref<16x128xi32, #tpu.memory_space<vmem>> -> memref<1x128xi32, #tpu.memory_space<vmem>>
        %dma_start3A_262 = tpu.memref_squeeze %dma_start3A_261 : memref<1x128xi32, #tpu.memory_space<vmem>> -> memref<128xi32, #tpu.memory_space<vmem>>
        %dma_start3A_263 = arith.constant 0 : i32
        %dma_start3A_264 = arith.constant 0 : i32
        %dma_start3A_265 = tpu.memref_slice %arg11[%dma_start3A_263, %dma_start3A_264] : memref<10112x128xf32, #tpu.memory_space<vmem_shared>> -> memref<10112x128xf32, #tpu.memory_space<vmem_shared>>
        tpu.enqueue_indirect_dma source(%arg10 : memref<128x128xf32, #tpu.memory_space<vmem>>) target(%dma_start3A_265 : memref<10112x128xf32, #tpu.memory_space<vmem_shared>>) offsets(%dma_start3A_262 : memref<128xi32, #tpu.memory_space<vmem>>) semaphore(%run_scoped3A_259 : memref<!tpu.dma_semaphore, #tpu.memory_space<semaphore_mem>>) {add = true}
        %dma_wait3A_266 = arith.constant 0 : i32
        %dma_wait3A_267 = tpu.memref_slice %arg8[%run_scoped3A_55, %dma_wait3A_266] : memref<16x128xi32, #tpu.memory_space<vmem>> -> memref<1x128xi32, #tpu.memory_space<vmem>>
        %dma_wait3A_268 = tpu.memref_squeeze %dma_wait3A_267 : memref<1x128xi32, #tpu.memory_space<vmem>> -> memref<128xi32, #tpu.memory_space<vmem>>
        %dma_wait3A_269 = arith.constant 0 : i32
        %dma_wait3A_270 = arith.constant 0 : i32
        %dma_wait3A_271 = tpu.memref_slice %arg11[%dma_wait3A_269, %dma_wait3A_270] : memref<10112x128xf32, #tpu.memory_space<vmem_shared>> -> memref<10112x128xf32, #tpu.memory_space<vmem_shared>>
        tpu.wait_indirect_dma semaphore(%run_scoped3A_259 : memref<!tpu.dma_semaphore, #tpu.memory_space<semaphore_mem>>) src(%arg10 : memref<128x128xf32, #tpu.memory_space<vmem>>) dst(%dma_wait3A_271 : memref<10112x128xf32, #tpu.memory_space<vmem_shared>>)
        tpu.yield
      }) : () -> ()
      %dma_start3A_56 = arith.constant 3 : i32
      %dma_start3A_57 = arith.constant 0 : i32
      %dma_start3A_58 = tpu.memref_slice %arg7[%dma_start3A_56, %dma_start3A_57] : memref<16x128xi32, #tpu.memory_space<vmem>> -> memref<1x128xi32, #tpu.memory_space<vmem>>
      %dma_start3A_59 = tpu.memref_squeeze %dma_start3A_58 : memref<1x128xi32, #tpu.memory_space<vmem>> -> memref<128xi32, #tpu.memory_space<vmem>>
      %dma_start3A_60 = arith.constant 0 : i32
      %dma_start3A_61 = arith.constant 0 : i32
      %dma_start3A_62 = tpu.memref_slice %arg2[%dma_start3A_60, %dma_start3A_61] : memref<10000x128xf32, #tpu.memory_space<hbm>> -> memref<10000x128xf32, #tpu.memory_space<hbm>>
      tpu.enqueue_indirect_dma source(%dma_start3A_62 : memref<10000x128xf32, #tpu.memory_space<hbm>>) target(%arg10 : memref<128x128xf32, #tpu.memory_space<vmem>>) offsets(%dma_start3A_59 : memref<128xi32, #tpu.memory_space<vmem>>) semaphore(%arg13 : memref<!tpu.dma_semaphore, #tpu.memory_space<semaphore_mem>>)
      %dma_wait3A_63 = arith.constant 2 : i32
      %dma_wait3A_64 = arith.constant 0 : i32
      %dma_wait3A_65 = tpu.memref_slice %arg7[%dma_wait3A_63, %dma_wait3A_64] : memref<16x128xi32, #tpu.memory_space<vmem>> -> memref<1x128xi32, #tpu.memory_space<vmem>>
      %dma_wait3A_66 = tpu.memref_squeeze %dma_wait3A_65 : memref<1x128xi32, #tpu.memory_space<vmem>> -> memref<128xi32, #tpu.memory_space<vmem>>
      %dma_wait3A_67 = arith.constant 0 : i32
      %dma_wait3A_68 = arith.constant 0 : i32
      %dma_wait3A_69 = tpu.memref_slice %arg2[%dma_wait3A_67, %dma_wait3A_68] : memref<10000x128xf32, #tpu.memory_space<hbm>> -> memref<10000x128xf32, #tpu.memory_space<hbm>>
      tpu.wait_indirect_dma semaphore(%arg12 : memref<!tpu.dma_semaphore, #tpu.memory_space<semaphore_mem>>) src(%dma_wait3A_69 : memref<10000x128xf32, #tpu.memory_space<hbm>>) dst(%arg9 : memref<128x128xf32, #tpu.memory_space<vmem>>)
      %run_scoped3A_70 = arith.constant 2 : i32
      "tpu.region"() ({
        %run_scoped3A_259 = tpu.sem_alloc : memref<!tpu.dma_semaphore, #tpu.memory_space<semaphore_mem>>
        %dma_start3A_260 = arith.constant 0 : i32
        %dma_start3A_261 = tpu.memref_slice %arg8[%run_scoped3A_70, %dma_start3A_260] : memref<16x128xi32, #tpu.memory_space<vmem>> -> memref<1x128xi32, #tpu.memory_space<vmem>>
        %dma_start3A_262 = tpu.memref_squeeze %dma_start3A_261 : memref<1x128xi32, #tpu.memory_space<vmem>> -> memref<128xi32, #tpu.memory_space<vmem>>
        %dma_start3A_263 = arith.constant 0 : i32
        %dma_start3A_264 = arith.constant 0 : i32
        %dma_start3A_265 = tpu.memref_slice %arg11[%dma_start3A_263, %dma_start3A_264] : memref<10112x128xf32, #tpu.memory_space<vmem_shared>> -> memref<10112x128xf32, #tpu.memory_space<vmem_shared>>
        tpu.enqueue_indirect_dma source(%arg9 : memref<128x128xf32, #tpu.memory_space<vmem>>) target(%dma_start3A_265 : memref<10112x128xf32, #tpu.memory_space<vmem_shared>>) offsets(%dma_start3A_262 : memref<128xi32, #tpu.memory_space<vmem>>) semaphore(%run_scoped3A_259 : memref<!tpu.dma_semaphore, #tpu.memory_space<semaphore_mem>>) {add = true}
        %dma_wait3A_266 = arith.constant 0 : i32
        %dma_wait3A_267 = tpu.memref_slice %arg8[%run_scoped3A_70, %dma_wait3A_266] : memref<16x128xi32, #tpu.memory_space<vmem>> -> memref<1x128xi32, #tpu.memory_space<vmem>>
        %dma_wait3A_268 = tpu.memref_squeeze %dma_wait3A_267 : memref<1x128xi32, #tpu.memory_space<vmem>> -> memref<128xi32, #tpu.memory_space<vmem>>
        %dma_wait3A_269 = arith.constant 0 : i32
        %dma_wait3A_270 = arith.constant 0 : i32
        %dma_wait3A_271 = tpu.memref_slice %arg11[%dma_wait3A_269, %dma_wait3A_270] : memref<10112x128xf32, #tpu.memory_space<vmem_shared>> -> memref<10112x128xf32, #tpu.memory_space<vmem_shared>>
        tpu.wait_indirect_dma semaphore(%run_scoped3A_259 : memref<!tpu.dma_semaphore, #tpu.memory_space<semaphore_mem>>) src(%arg9 : memref<128x128xf32, #tpu.memory_space<vmem>>) dst(%dma_wait3A_271 : memref<10112x128xf32, #tpu.memory_space<vmem_shared>>)
        tpu.yield
      }) : () -> ()
      %dma_start3A_71 = arith.constant 4 : i32
      %dma_start3A_72 = arith.constant 0 : i32
      %dma_start3A_73 = tpu.memref_slice %arg7[%dma_start3A_71, %dma_start3A_72] : memref<16x128xi32, #tpu.memory_space<vmem>> -> memref<1x128xi32, #tpu.memory_space<vmem>>
      %dma_start3A_74 = tpu.memref_squeeze %dma_start3A_73 : memref<1x128xi32, #tpu.memory_space<vmem>> -> memref<128xi32, #tpu.memory_space<vmem>>
      %dma_start3A_75 = arith.constant 0 : i32
      %dma_start3A_76 = arith.constant 0 : i32
      %dma_start3A_77 = tpu.memref_slice %arg2[%dma_start3A_75, %dma_start3A_76] : memref<10000x128xf32, #tpu.memory_space<hbm>> -> memref<10000x128xf32, #tpu.memory_space<hbm>>
      tpu.enqueue_indirect_dma source(%dma_start3A_77 : memref<10000x128xf32, #tpu.memory_space<hbm>>) target(%arg9 : memref<128x128xf32, #tpu.memory_space<vmem>>) offsets(%dma_start3A_74 : memref<128xi32, #tpu.memory_space<vmem>>) semaphore(%arg12 : memref<!tpu.dma_semaphore, #tpu.memory_space<semaphore_mem>>)
      %dma_wait3A_78 = arith.constant 3 : i32
      %dma_wait3A_79 = arith.constant 0 : i32
      %dma_wait3A_80 = tpu.memref_slice %arg7[%dma_wait3A_78, %dma_wait3A_79] : memref<16x128xi32, #tpu.memory_space<vmem>> -> memref<1x128xi32, #tpu.memory_space<vmem>>
      %dma_wait3A_81 = tpu.memref_squeeze %dma_wait3A_80 : memref<1x128xi32, #tpu.memory_space<vmem>> -> memref<128xi32, #tpu.memory_space<vmem>>
      %dma_wait3A_82 = arith.constant 0 : i32
      %dma_wait3A_83 = arith.constant 0 : i32
      %dma_wait3A_84 = tpu.memref_slice %arg2[%dma_wait3A_82, %dma_wait3A_83] : memref<10000x128xf32, #tpu.memory_space<hbm>> -> memref<10000x128xf32, #tpu.memory_space<hbm>>
      tpu.wait_indirect_dma semaphore(%arg13 : memref<!tpu.dma_semaphore, #tpu.memory_space<semaphore_mem>>) src(%dma_wait3A_84 : memref<10000x128xf32, #tpu.memory_space<hbm>>) dst(%arg10 : memref<128x128xf32, #tpu.memory_space<vmem>>)
      %run_scoped3A_85 = arith.constant 3 : i32
      "tpu.region"() ({
        %run_scoped3A_259 = tpu.sem_alloc : memref<!tpu.dma_semaphore, #tpu.memory_space<semaphore_mem>>
        %dma_start3A_260 = arith.constant 0 : i32
        %dma_start3A_261 = tpu.memref_slice %arg8[%run_scoped3A_85, %dma_start3A_260] : memref<16x128xi32, #tpu.memory_space<vmem>> -> memref<1x128xi32, #tpu.memory_space<vmem>>
        %dma_start3A_262 = tpu.memref_squeeze %dma_start3A_261 : memref<1x128xi32, #tpu.memory_space<vmem>> -> memref<128xi32, #tpu.memory_space<vmem>>
        %dma_start3A_263 = arith.constant 0 : i32
        %dma_start3A_264 = arith.constant 0 : i32
        %dma_start3A_265 = tpu.memref_slice %arg11[%dma_start3A_263, %dma_start3A_264] : memref<10112x128xf32, #tpu.memory_space<vmem_shared>> -> memref<10112x128xf32, #tpu.memory_space<vmem_shared>>
        tpu.enqueue_indirect_dma source(%arg10 : memref<128x128xf32, #tpu.memory_space<vmem>>) target(%dma_start3A_265 : memref<10112x128xf32, #tpu.memory_space<vmem_shared>>) offsets(%dma_start3A_262 : memref<128xi32, #tpu.memory_space<vmem>>) semaphore(%run_scoped3A_259 : memref<!tpu.dma_semaphore, #tpu.memory_space<semaphore_mem>>) {add = true}
        %dma_wait3A_266 = arith.constant 0 : i32
        %dma_wait3A_267 = tpu.memref_slice %arg8[%run_scoped3A_85, %dma_wait3A_266] : memref<16x128xi32, #tpu.memory_space<vmem>> -> memref<1x128xi32, #tpu.memory_space<vmem>>
        %dma_wait3A_268 = tpu.memref_squeeze %dma_wait3A_267 : memref<1x128xi32, #tpu.memory_space<vmem>> -> memref<128xi32, #tpu.memory_space<vmem>>
        %dma_wait3A_269 = arith.constant 0 : i32
        %dma_wait3A_270 = arith.constant 0 : i32
        %dma_wait3A_271 = tpu.memref_slice %arg11[%dma_wait3A_269, %dma_wait3A_270] : memref<10112x128xf32, #tpu.memory_space<vmem_shared>> -> memref<10112x128xf32, #tpu.memory_space<vmem_shared>>
        tpu.wait_indirect_dma semaphore(%run_scoped3A_259 : memref<!tpu.dma_semaphore, #tpu.memory_space<semaphore_mem>>) src(%arg10 : memref<128x128xf32, #tpu.memory_space<vmem>>) dst(%dma_wait3A_271 : memref<10112x128xf32, #tpu.memory_space<vmem_shared>>)
        tpu.yield
      }) : () -> ()
      %dma_start3A_86 = arith.constant 5 : i32
      %dma_start3A_87 = arith.constant 0 : i32
      %dma_start3A_88 = tpu.memref_slice %arg7[%dma_start3A_86, %dma_start3A_87] : memref<16x128xi32, #tpu.memory_space<vmem>> -> memref<1x128xi32, #tpu.memory_space<vmem>>
      %dma_start3A_89 = tpu.memref_squeeze %dma_start3A_88 : memref<1x128xi32, #tpu.memory_space<vmem>> -> memref<128xi32, #tpu.memory_space<vmem>>
      %dma_start3A_90 = arith.constant 0 : i32
      %dma_start3A_91 = arith.constant 0 : i32
      %dma_start3A_92 = tpu.memref_slice %arg2[%dma_start3A_90, %dma_start3A_91] : memref<10000x128xf32, #tpu.memory_space<hbm>> -> memref<10000x128xf32, #tpu.memory_space<hbm>>
      tpu.enqueue_indirect_dma source(%dma_start3A_92 : memref<10000x128xf32, #tpu.memory_space<hbm>>) target(%arg10 : memref<128x128xf32, #tpu.memory_space<vmem>>) offsets(%dma_start3A_89 : memref<128xi32, #tpu.memory_space<vmem>>) semaphore(%arg13 : memref<!tpu.dma_semaphore, #tpu.memory_space<semaphore_mem>>)
      %dma_wait3A_93 = arith.constant 4 : i32
      %dma_wait3A_94 = arith.constant 0 : i32
      %dma_wait3A_95 = tpu.memref_slice %arg7[%dma_wait3A_93, %dma_wait3A_94] : memref<16x128xi32, #tpu.memory_space<vmem>> -> memref<1x128xi32, #tpu.memory_space<vmem>>
      %dma_wait3A_96 = tpu.memref_squeeze %dma_wait3A_95 : memref<1x128xi32, #tpu.memory_space<vmem>> -> memref<128xi32, #tpu.memory_space<vmem>>
      %dma_wait3A_97 = arith.constant 0 : i32
      %dma_wait3A_98 = arith.constant 0 : i32
      %dma_wait3A_99 = tpu.memref_slice %arg2[%dma_wait3A_97, %dma_wait3A_98] : memref<10000x128xf32, #tpu.memory_space<hbm>> -> memref<10000x128xf32, #tpu.memory_space<hbm>>
      tpu.wait_indirect_dma semaphore(%arg12 : memref<!tpu.dma_semaphore, #tpu.memory_space<semaphore_mem>>) src(%dma_wait3A_99 : memref<10000x128xf32, #tpu.memory_space<hbm>>) dst(%arg9 : memref<128x128xf32, #tpu.memory_space<vmem>>)
      %run_scoped3A_100 = arith.constant 4 : i32
      "tpu.region"() ({
        %run_scoped3A_259 = tpu.sem_alloc : memref<!tpu.dma_semaphore, #tpu.memory_space<semaphore_mem>>
        %dma_start3A_260 = arith.constant 0 : i32
        %dma_start3A_261 = tpu.memref_slice %arg8[%run_scoped3A_100, %dma_start3A_260] : memref<16x128xi32, #tpu.memory_space<vmem>> -> memref<1x128xi32, #tpu.memory_space<vmem>>
        %dma_start3A_262 = tpu.memref_squeeze %dma_start3A_261 : memref<1x128xi32, #tpu.memory_space<vmem>> -> memref<128xi32, #tpu.memory_space<vmem>>
        %dma_start3A_263 = arith.constant 0 : i32
        %dma_start3A_264 = arith.constant 0 : i32
        %dma_start3A_265 = tpu.memref_slice %arg11[%dma_start3A_263, %dma_start3A_264] : memref<10112x128xf32, #tpu.memory_space<vmem_shared>> -> memref<10112x128xf32, #tpu.memory_space<vmem_shared>>
        tpu.enqueue_indirect_dma source(%arg9 : memref<128x128xf32, #tpu.memory_space<vmem>>) target(%dma_start3A_265 : memref<10112x128xf32, #tpu.memory_space<vmem_shared>>) offsets(%dma_start3A_262 : memref<128xi32, #tpu.memory_space<vmem>>) semaphore(%run_scoped3A_259 : memref<!tpu.dma_semaphore, #tpu.memory_space<semaphore_mem>>) {add = true}
        %dma_wait3A_266 = arith.constant 0 : i32
        %dma_wait3A_267 = tpu.memref_slice %arg8[%run_scoped3A_100, %dma_wait3A_266] : memref<16x128xi32, #tpu.memory_space<vmem>> -> memref<1x128xi32, #tpu.memory_space<vmem>>
        %dma_wait3A_268 = tpu.memref_squeeze %dma_wait3A_267 : memref<1x128xi32, #tpu.memory_space<vmem>> -> memref<128xi32, #tpu.memory_space<vmem>>
        %dma_wait3A_269 = arith.constant 0 : i32
        %dma_wait3A_270 = arith.constant 0 : i32
        %dma_wait3A_271 = tpu.memref_slice %arg11[%dma_wait3A_269, %dma_wait3A_270] : memref<10112x128xf32, #tpu.memory_space<vmem_shared>> -> memref<10112x128xf32, #tpu.memory_space<vmem_shared>>
        tpu.wait_indirect_dma semaphore(%run_scoped3A_259 : memref<!tpu.dma_semaphore, #tpu.memory_space<semaphore_mem>>) src(%arg9 : memref<128x128xf32, #tpu.memory_space<vmem>>) dst(%dma_wait3A_271 : memref<10112x128xf32, #tpu.memory_space<vmem_shared>>)
        tpu.yield
      }) : () -> ()
      %dma_start3A_101 = arith.constant 6 : i32
      %dma_start3A_102 = arith.constant 0 : i32
      %dma_start3A_103 = tpu.memref_slice %arg7[%dma_start3A_101, %dma_start3A_102] : memref<16x128xi32, #tpu.memory_space<vmem>> -> memref<1x128xi32, #tpu.memory_space<vmem>>
      %dma_start3A_104 = tpu.memref_squeeze %dma_start3A_103 : memref<1x128xi32, #tpu.memory_space<vmem>> -> memref<128xi32, #tpu.memory_space<vmem>>
      %dma_start3A_105 = arith.constant 0 : i32
      %dma_start3A_106 = arith.constant 0 : i32
      %dma_start3A_107 = tpu.memref_slice %arg2[%dma_start3A_105, %dma_start3A_106] : memref<10000x128xf32, #tpu.memory_space<hbm>> -> memref<10000x128xf32, #tpu.memory_space<hbm>>
      tpu.enqueue_indirect_dma source(%dma_start3A_107 : memref<10000x128xf32, #tpu.memory_space<hbm>>) target(%arg9 : memref<128x128xf32, #tpu.memory_space<vmem>>) offsets(%dma_start3A_104 : memref<128xi32, #tpu.memory_space<vmem>>) semaphore(%arg12 : memref<!tpu.dma_semaphore, #tpu.memory_space<semaphore_mem>>)
      %dma_wait3A_108 = arith.constant 5 : i32
      %dma_wait3A_109 = arith.constant 0 : i32
      %dma_wait3A_110 = tpu.memref_slice %arg7[%dma_wait3A_108, %dma_wait3A_109] : memref<16x128xi32, #tpu.memory_space<vmem>> -> memref<1x128xi32, #tpu.memory_space<vmem>>
      %dma_wait3A_111 = tpu.memref_squeeze %dma_wait3A_110 : memref<1x128xi32, #tpu.memory_space<vmem>> -> memref<128xi32, #tpu.memory_space<vmem>>
      %dma_wait3A_112 = arith.constant 0 : i32
      %dma_wait3A_113 = arith.constant 0 : i32
      %dma_wait3A_114 = tpu.memref_slice %arg2[%dma_wait3A_112, %dma_wait3A_113] : memref<10000x128xf32, #tpu.memory_space<hbm>> -> memref<10000x128xf32, #tpu.memory_space<hbm>>
      tpu.wait_indirect_dma semaphore(%arg13 : memref<!tpu.dma_semaphore, #tpu.memory_space<semaphore_mem>>) src(%dma_wait3A_114 : memref<10000x128xf32, #tpu.memory_space<hbm>>) dst(%arg10 : memref<128x128xf32, #tpu.memory_space<vmem>>)
      %run_scoped3A_115 = arith.constant 5 : i32
      "tpu.region"() ({
        %run_scoped3A_259 = tpu.sem_alloc : memref<!tpu.dma_semaphore, #tpu.memory_space<semaphore_mem>>
        %dma_start3A_260 = arith.constant 0 : i32
        %dma_start3A_261 = tpu.memref_slice %arg8[%run_scoped3A_115, %dma_start3A_260] : memref<16x128xi32, #tpu.memory_space<vmem>> -> memref<1x128xi32, #tpu.memory_space<vmem>>
        %dma_start3A_262 = tpu.memref_squeeze %dma_start3A_261 : memref<1x128xi32, #tpu.memory_space<vmem>> -> memref<128xi32, #tpu.memory_space<vmem>>
        %dma_start3A_263 = arith.constant 0 : i32
        %dma_start3A_264 = arith.constant 0 : i32
        %dma_start3A_265 = tpu.memref_slice %arg11[%dma_start3A_263, %dma_start3A_264] : memref<10112x128xf32, #tpu.memory_space<vmem_shared>> -> memref<10112x128xf32, #tpu.memory_space<vmem_shared>>
        tpu.enqueue_indirect_dma source(%arg10 : memref<128x128xf32, #tpu.memory_space<vmem>>) target(%dma_start3A_265 : memref<10112x128xf32, #tpu.memory_space<vmem_shared>>) offsets(%dma_start3A_262 : memref<128xi32, #tpu.memory_space<vmem>>) semaphore(%run_scoped3A_259 : memref<!tpu.dma_semaphore, #tpu.memory_space<semaphore_mem>>) {add = true}
        %dma_wait3A_266 = arith.constant 0 : i32
        %dma_wait3A_267 = tpu.memref_slice %arg8[%run_scoped3A_115, %dma_wait3A_266] : memref<16x128xi32, #tpu.memory_space<vmem>> -> memref<1x128xi32, #tpu.memory_space<vmem>>
        %dma_wait3A_268 = tpu.memref_squeeze %dma_wait3A_267 : memref<1x128xi32, #tpu.memory_space<vmem>> -> memref<128xi32, #tpu.memory_space<vmem>>
        %dma_wait3A_269 = arith.constant 0 : i32
        %dma_wait3A_270 = arith.constant 0 : i32
        %dma_wait3A_271 = tpu.memref_slice %arg11[%dma_wait3A_269, %dma_wait3A_270] : memref<10112x128xf32, #tpu.memory_space<vmem_shared>> -> memref<10112x128xf32, #tpu.memory_space<vmem_shared>>
        tpu.wait_indirect_dma semaphore(%run_scoped3A_259 : memref<!tpu.dma_semaphore, #tpu.memory_space<semaphore_mem>>) src(%arg10 : memref<128x128xf32, #tpu.memory_space<vmem>>) dst(%dma_wait3A_271 : memref<10112x128xf32, #tpu.memory_space<vmem_shared>>)
        tpu.yield
      }) : () -> ()
      %dma_start3A_116 = arith.constant 7 : i32
      %dma_start3A_117 = arith.constant 0 : i32
      %dma_start3A_118 = tpu.memref_slice %arg7[%dma_start3A_116, %dma_start3A_117] : memref<16x128xi32, #tpu.memory_space<vmem>> -> memref<1x128xi32, #tpu.memory_space<vmem>>
      %dma_start3A_119 = tpu.memref_squeeze %dma_start3A_118 : memref<1x128xi32, #tpu.memory_space<vmem>> -> memref<128xi32, #tpu.memory_space<vmem>>
      %dma_start3A_120 = arith.constant 0 : i32
      %dma_start3A_121 = arith.constant 0 : i32
      %dma_start3A_122 = tpu.memref_slice %arg2[%dma_start3A_120, %dma_start3A_121] : memref<10000x128xf32, #tpu.memory_space<hbm>> -> memref<10000x128xf32, #tpu.memory_space<hbm>>
      tpu.enqueue_indirect_dma source(%dma_start3A_122 : memref<10000x128xf32, #tpu.memory_space<hbm>>) target(%arg10 : memref<128x128xf32, #tpu.memory_space<vmem>>) offsets(%dma_start3A_119 : memref<128xi32, #tpu.memory_space<vmem>>) semaphore(%arg13 : memref<!tpu.dma_semaphore, #tpu.memory_space<semaphore_mem>>)
      %dma_wait3A_123 = arith.constant 6 : i32
      %dma_wait3A_124 = arith.constant 0 : i32
      %dma_wait3A_125 = tpu.memref_slice %arg7[%dma_wait3A_123, %dma_wait3A_124] : memref<16x128xi32, #tpu.memory_space<vmem>> -> memref<1x128xi32, #tpu.memory_space<vmem>>
      %dma_wait3A_126 = tpu.memref_squeeze %dma_wait3A_125 : memref<1x128xi32, #tpu.memory_space<vmem>> -> memref<128xi32, #tpu.memory_space<vmem>>
      %dma_wait3A_127 = arith.constant 0 : i32
      %dma_wait3A_128 = arith.constant 0 : i32
      %dma_wait3A_129 = tpu.memref_slice %arg2[%dma_wait3A_127, %dma_wait3A_128] : memref<10000x128xf32, #tpu.memory_space<hbm>> -> memref<10000x128xf32, #tpu.memory_space<hbm>>
      tpu.wait_indirect_dma semaphore(%arg12 : memref<!tpu.dma_semaphore, #tpu.memory_space<semaphore_mem>>) src(%dma_wait3A_129 : memref<10000x128xf32, #tpu.memory_space<hbm>>) dst(%arg9 : memref<128x128xf32, #tpu.memory_space<vmem>>)
      %run_scoped3A_130 = arith.constant 6 : i32
      "tpu.region"() ({
        %run_scoped3A_259 = tpu.sem_alloc : memref<!tpu.dma_semaphore, #tpu.memory_space<semaphore_mem>>
        %dma_start3A_260 = arith.constant 0 : i32
        %dma_start3A_261 = tpu.memref_slice %arg8[%run_scoped3A_130, %dma_start3A_260] : memref<16x128xi32, #tpu.memory_space<vmem>> -> memref<1x128xi32, #tpu.memory_space<vmem>>
        %dma_start3A_262 = tpu.memref_squeeze %dma_start3A_261 : memref<1x128xi32, #tpu.memory_space<vmem>> -> memref<128xi32, #tpu.memory_space<vmem>>
        %dma_start3A_263 = arith.constant 0 : i32
        %dma_start3A_264 = arith.constant 0 : i32
        %dma_start3A_265 = tpu.memref_slice %arg11[%dma_start3A_263, %dma_start3A_264] : memref<10112x128xf32, #tpu.memory_space<vmem_shared>> -> memref<10112x128xf32, #tpu.memory_space<vmem_shared>>
        tpu.enqueue_indirect_dma source(%arg9 : memref<128x128xf32, #tpu.memory_space<vmem>>) target(%dma_start3A_265 : memref<10112x128xf32, #tpu.memory_space<vmem_shared>>) offsets(%dma_start3A_262 : memref<128xi32, #tpu.memory_space<vmem>>) semaphore(%run_scoped3A_259 : memref<!tpu.dma_semaphore, #tpu.memory_space<semaphore_mem>>) {add = true}
        %dma_wait3A_266 = arith.constant 0 : i32
        %dma_wait3A_267 = tpu.memref_slice %arg8[%run_scoped3A_130, %dma_wait3A_266] : memref<16x128xi32, #tpu.memory_space<vmem>> -> memref<1x128xi32, #tpu.memory_space<vmem>>
        %dma_wait3A_268 = tpu.memref_squeeze %dma_wait3A_267 : memref<1x128xi32, #tpu.memory_space<vmem>> -> memref<128xi32, #tpu.memory_space<vmem>>
        %dma_wait3A_269 = arith.constant 0 : i32
        %dma_wait3A_270 = arith.constant 0 : i32
        %dma_wait3A_271 = tpu.memref_slice %arg11[%dma_wait3A_269, %dma_wait3A_270] : memref<10112x128xf32, #tpu.memory_space<vmem_shared>> -> memref<10112x128xf32, #tpu.memory_space<vmem_shared>>
        tpu.wait_indirect_dma semaphore(%run_scoped3A_259 : memref<!tpu.dma_semaphore, #tpu.memory_space<semaphore_mem>>) src(%arg9 : memref<128x128xf32, #tpu.memory_space<vmem>>) dst(%dma_wait3A_271 : memref<10112x128xf32, #tpu.memory_space<vmem_shared>>)
        tpu.yield
      }) : () -> ()
      %dma_start3A_131 = arith.constant 8 : i32
      %dma_start3A_132 = arith.constant 0 : i32
      %dma_start3A_133 = tpu.memref_slice %arg7[%dma_start3A_131, %dma_start3A_132] : memref<16x128xi32, #tpu.memory_space<vmem>> -> memref<1x128xi32, #tpu.memory_space<vmem>>
      %dma_start3A_134 = tpu.memref_squeeze %dma_start3A_133 : memref<1x128xi32, #tpu.memory_space<vmem>> -> memref<128xi32, #tpu.memory_space<vmem>>
      %dma_start3A_135 = arith.constant 0 : i32
      %dma_start3A_136 = arith.constant 0 : i32
      %dma_start3A_137 = tpu.memref_slice %arg2[%dma_start3A_135, %dma_start3A_136] : memref<10000x128xf32, #tpu.memory_space<hbm>> -> memref<10000x128xf32, #tpu.memory_space<hbm>>
      tpu.enqueue_indirect_dma source(%dma_start3A_137 : memref<10000x128xf32, #tpu.memory_space<hbm>>) target(%arg9 : memref<128x128xf32, #tpu.memory_space<vmem>>) offsets(%dma_start3A_134 : memref<128xi32, #tpu.memory_space<vmem>>) semaphore(%arg12 : memref<!tpu.dma_semaphore, #tpu.memory_space<semaphore_mem>>)
      %dma_wait3A_138 = arith.constant 7 : i32
      %dma_wait3A_139 = arith.constant 0 : i32
      %dma_wait3A_140 = tpu.memref_slice %arg7[%dma_wait3A_138, %dma_wait3A_139] : memref<16x128xi32, #tpu.memory_space<vmem>> -> memref<1x128xi32, #tpu.memory_space<vmem>>
      %dma_wait3A_141 = tpu.memref_squeeze %dma_wait3A_140 : memref<1x128xi32, #tpu.memory_space<vmem>> -> memref<128xi32, #tpu.memory_space<vmem>>
      %dma_wait3A_142 = arith.constant 0 : i32
      %dma_wait3A_143 = arith.constant 0 : i32
      %dma_wait3A_144 = tpu.memref_slice %arg2[%dma_wait3A_142, %dma_wait3A_143] : memref<10000x128xf32, #tpu.memory_space<hbm>> -> memref<10000x128xf32, #tpu.memory_space<hbm>>
      tpu.wait_indirect_dma semaphore(%arg13 : memref<!tpu.dma_semaphore, #tpu.memory_space<semaphore_mem>>) src(%dma_wait3A_144 : memref<10000x128xf32, #tpu.memory_space<hbm>>) dst(%arg10 : memref<128x128xf32, #tpu.memory_space<vmem>>)
      %run_scoped3A_145 = arith.constant 7 : i32
      "tpu.region"() ({
        %run_scoped3A_259 = tpu.sem_alloc : memref<!tpu.dma_semaphore, #tpu.memory_space<semaphore_mem>>
        %dma_start3A_260 = arith.constant 0 : i32
        %dma_start3A_261 = tpu.memref_slice %arg8[%run_scoped3A_145, %dma_start3A_260] : memref<16x128xi32, #tpu.memory_space<vmem>> -> memref<1x128xi32, #tpu.memory_space<vmem>>
        %dma_start3A_262 = tpu.memref_squeeze %dma_start3A_261 : memref<1x128xi32, #tpu.memory_space<vmem>> -> memref<128xi32, #tpu.memory_space<vmem>>
        %dma_start3A_263 = arith.constant 0 : i32
        %dma_start3A_264 = arith.constant 0 : i32
        %dma_start3A_265 = tpu.memref_slice %arg11[%dma_start3A_263, %dma_start3A_264] : memref<10112x128xf32, #tpu.memory_space<vmem_shared>> -> memref<10112x128xf32, #tpu.memory_space<vmem_shared>>
        tpu.enqueue_indirect_dma source(%arg10 : memref<128x128xf32, #tpu.memory_space<vmem>>) target(%dma_start3A_265 : memref<10112x128xf32, #tpu.memory_space<vmem_shared>>) offsets(%dma_start3A_262 : memref<128xi32, #tpu.memory_space<vmem>>) semaphore(%run_scoped3A_259 : memref<!tpu.dma_semaphore, #tpu.memory_space<semaphore_mem>>) {add = true}
        %dma_wait3A_266 = arith.constant 0 : i32
        %dma_wait3A_267 = tpu.memref_slice %arg8[%run_scoped3A_145, %dma_wait3A_266] : memref<16x128xi32, #tpu.memory_space<vmem>> -> memref<1x128xi32, #tpu.memory_space<vmem>>
        %dma_wait3A_268 = tpu.memref_squeeze %dma_wait3A_267 : memref<1x128xi32, #tpu.memory_space<vmem>> -> memref<128xi32, #tpu.memory_space<vmem>>
        %dma_wait3A_269 = arith.constant 0 : i32
        %dma_wait3A_270 = arith.constant 0 : i32
        %dma_wait3A_271 = tpu.memref_slice %arg11[%dma_wait3A_269, %dma_wait3A_270] : memref<10112x128xf32, #tpu.memory_space<vmem_shared>> -> memref<10112x128xf32, #tpu.memory_space<vmem_shared>>
        tpu.wait_indirect_dma semaphore(%run_scoped3A_259 : memref<!tpu.dma_semaphore, #tpu.memory_space<semaphore_mem>>) src(%arg10 : memref<128x128xf32, #tpu.memory_space<vmem>>) dst(%dma_wait3A_271 : memref<10112x128xf32, #tpu.memory_space<vmem_shared>>)
        tpu.yield
      }) : () -> ()
      %dma_start3A_146 = arith.constant 9 : i32
      %dma_start3A_147 = arith.constant 0 : i32
      %dma_start3A_148 = tpu.memref_slice %arg7[%dma_start3A_146, %dma_start3A_147] : memref<16x128xi32, #tpu.memory_space<vmem>> -> memref<1x128xi32, #tpu.memory_space<vmem>>
      %dma_start3A_149 = tpu.memref_squeeze %dma_start3A_148 : memref<1x128xi32, #tpu.memory_space<vmem>> -> memref<128xi32, #tpu.memory_space<vmem>>
      %dma_start3A_150 = arith.constant 0 : i32
      %dma_start3A_151 = arith.constant 0 : i32
      %dma_start3A_152 = tpu.memref_slice %arg2[%dma_start3A_150, %dma_start3A_151] : memref<10000x128xf32, #tpu.memory_space<hbm>> -> memref<10000x128xf32, #tpu.memory_space<hbm>>
      tpu.enqueue_indirect_dma source(%dma_start3A_152 : memref<10000x128xf32, #tpu.memory_space<hbm>>) target(%arg10 : memref<128x128xf32, #tpu.memory_space<vmem>>) offsets(%dma_start3A_149 : memref<128xi32, #tpu.memory_space<vmem>>) semaphore(%arg13 : memref<!tpu.dma_semaphore, #tpu.memory_space<semaphore_mem>>)
      %dma_wait3A_153 = arith.constant 8 : i32
      %dma_wait3A_154 = arith.constant 0 : i32
      %dma_wait3A_155 = tpu.memref_slice %arg7[%dma_wait3A_153, %dma_wait3A_154] : memref<16x128xi32, #tpu.memory_space<vmem>> -> memref<1x128xi32, #tpu.memory_space<vmem>>
      %dma_wait3A_156 = tpu.memref_squeeze %dma_wait3A_155 : memref<1x128xi32, #tpu.memory_space<vmem>> -> memref<128xi32, #tpu.memory_space<vmem>>
      %dma_wait3A_157 = arith.constant 0 : i32
      %dma_wait3A_158 = arith.constant 0 : i32
      %dma_wait3A_159 = tpu.memref_slice %arg2[%dma_wait3A_157, %dma_wait3A_158] : memref<10000x128xf32, #tpu.memory_space<hbm>> -> memref<10000x128xf32, #tpu.memory_space<hbm>>
      tpu.wait_indirect_dma semaphore(%arg12 : memref<!tpu.dma_semaphore, #tpu.memory_space<semaphore_mem>>) src(%dma_wait3A_159 : memref<10000x128xf32, #tpu.memory_space<hbm>>) dst(%arg9 : memref<128x128xf32, #tpu.memory_space<vmem>>)
      %run_scoped3A_160 = arith.constant 8 : i32
      "tpu.region"() ({
        %run_scoped3A_259 = tpu.sem_alloc : memref<!tpu.dma_semaphore, #tpu.memory_space<semaphore_mem>>
        %dma_start3A_260 = arith.constant 0 : i32
        %dma_start3A_261 = tpu.memref_slice %arg8[%run_scoped3A_160, %dma_start3A_260] : memref<16x128xi32, #tpu.memory_space<vmem>> -> memref<1x128xi32, #tpu.memory_space<vmem>>
        %dma_start3A_262 = tpu.memref_squeeze %dma_start3A_261 : memref<1x128xi32, #tpu.memory_space<vmem>> -> memref<128xi32, #tpu.memory_space<vmem>>
        %dma_start3A_263 = arith.constant 0 : i32
        %dma_start3A_264 = arith.constant 0 : i32
        %dma_start3A_265 = tpu.memref_slice %arg11[%dma_start3A_263, %dma_start3A_264] : memref<10112x128xf32, #tpu.memory_space<vmem_shared>> -> memref<10112x128xf32, #tpu.memory_space<vmem_shared>>
        tpu.enqueue_indirect_dma source(%arg9 : memref<128x128xf32, #tpu.memory_space<vmem>>) target(%dma_start3A_265 : memref<10112x128xf32, #tpu.memory_space<vmem_shared>>) offsets(%dma_start3A_262 : memref<128xi32, #tpu.memory_space<vmem>>) semaphore(%run_scoped3A_259 : memref<!tpu.dma_semaphore, #tpu.memory_space<semaphore_mem>>) {add = true}
        %dma_wait3A_266 = arith.constant 0 : i32
        %dma_wait3A_267 = tpu.memref_slice %arg8[%run_scoped3A_160, %dma_wait3A_266] : memref<16x128xi32, #tpu.memory_space<vmem>> -> memref<1x128xi32, #tpu.memory_space<vmem>>
        %dma_wait3A_268 = tpu.memref_squeeze %dma_wait3A_267 : memref<1x128xi32, #tpu.memory_space<vmem>> -> memref<128xi32, #tpu.memory_space<vmem>>
        %dma_wait3A_269 = arith.constant 0 : i32
        %dma_wait3A_270 = arith.constant 0 : i32
        %dma_wait3A_271 = tpu.memref_slice %arg11[%dma_wait3A_269, %dma_wait3A_270] : memref<10112x128xf32, #tpu.memory_space<vmem_shared>> -> memref<10112x128xf32, #tpu.memory_space<vmem_shared>>
        tpu.wait_indirect_dma semaphore(%run_scoped3A_259 : memref<!tpu.dma_semaphore, #tpu.memory_space<semaphore_mem>>) src(%arg9 : memref<128x128xf32, #tpu.memory_space<vmem>>) dst(%dma_wait3A_271 : memref<10112x128xf32, #tpu.memory_space<vmem_shared>>)
        tpu.yield
      }) : () -> ()
      %dma_start3A_161 = arith.constant 10 : i32
      %dma_start3A_162 = arith.constant 0 : i32
      %dma_start3A_163 = tpu.memref_slice %arg7[%dma_start3A_161, %dma_start3A_162] : memref<16x128xi32, #tpu.memory_space<vmem>> -> memref<1x128xi32, #tpu.memory_space<vmem>>
      %dma_start3A_164 = tpu.memref_squeeze %dma_start3A_163 : memref<1x128xi32, #tpu.memory_space<vmem>> -> memref<128xi32, #tpu.memory_space<vmem>>
      %dma_start3A_165 = arith.constant 0 : i32
      %dma_start3A_166 = arith.constant 0 : i32
      %dma_start3A_167 = tpu.memref_slice %arg2[%dma_start3A_165, %dma_start3A_166] : memref<10000x128xf32, #tpu.memory_space<hbm>> -> memref<10000x128xf32, #tpu.memory_space<hbm>>
      tpu.enqueue_indirect_dma source(%dma_start3A_167 : memref<10000x128xf32, #tpu.memory_space<hbm>>) target(%arg9 : memref<128x128xf32, #tpu.memory_space<vmem>>) offsets(%dma_start3A_164 : memref<128xi32, #tpu.memory_space<vmem>>) semaphore(%arg12 : memref<!tpu.dma_semaphore, #tpu.memory_space<semaphore_mem>>)
      %dma_wait3A_168 = arith.constant 9 : i32
      %dma_wait3A_169 = arith.constant 0 : i32
      %dma_wait3A_170 = tpu.memref_slice %arg7[%dma_wait3A_168, %dma_wait3A_169] : memref<16x128xi32, #tpu.memory_space<vmem>> -> memref<1x128xi32, #tpu.memory_space<vmem>>
      %dma_wait3A_171 = tpu.memref_squeeze %dma_wait3A_170 : memref<1x128xi32, #tpu.memory_space<vmem>> -> memref<128xi32, #tpu.memory_space<vmem>>
      %dma_wait3A_172 = arith.constant 0 : i32
      %dma_wait3A_173 = arith.constant 0 : i32
      %dma_wait3A_174 = tpu.memref_slice %arg2[%dma_wait3A_172, %dma_wait3A_173] : memref<10000x128xf32, #tpu.memory_space<hbm>> -> memref<10000x128xf32, #tpu.memory_space<hbm>>
      tpu.wait_indirect_dma semaphore(%arg13 : memref<!tpu.dma_semaphore, #tpu.memory_space<semaphore_mem>>) src(%dma_wait3A_174 : memref<10000x128xf32, #tpu.memory_space<hbm>>) dst(%arg10 : memref<128x128xf32, #tpu.memory_space<vmem>>)
      %run_scoped3A_175 = arith.constant 9 : i32
      "tpu.region"() ({
        %run_scoped3A_259 = tpu.sem_alloc : memref<!tpu.dma_semaphore, #tpu.memory_space<semaphore_mem>>
        %dma_start3A_260 = arith.constant 0 : i32
        %dma_start3A_261 = tpu.memref_slice %arg8[%run_scoped3A_175, %dma_start3A_260] : memref<16x128xi32, #tpu.memory_space<vmem>> -> memref<1x128xi32, #tpu.memory_space<vmem>>
        %dma_start3A_262 = tpu.memref_squeeze %dma_start3A_261 : memref<1x128xi32, #tpu.memory_space<vmem>> -> memref<128xi32, #tpu.memory_space<vmem>>
        %dma_start3A_263 = arith.constant 0 : i32
        %dma_start3A_264 = arith.constant 0 : i32
        %dma_start3A_265 = tpu.memref_slice %arg11[%dma_start3A_263, %dma_start3A_264] : memref<10112x128xf32, #tpu.memory_space<vmem_shared>> -> memref<10112x128xf32, #tpu.memory_space<vmem_shared>>
        tpu.enqueue_indirect_dma source(%arg10 : memref<128x128xf32, #tpu.memory_space<vmem>>) target(%dma_start3A_265 : memref<10112x128xf32, #tpu.memory_space<vmem_shared>>) offsets(%dma_start3A_262 : memref<128xi32, #tpu.memory_space<vmem>>) semaphore(%run_scoped3A_259 : memref<!tpu.dma_semaphore, #tpu.memory_space<semaphore_mem>>) {add = true}
        %dma_wait3A_266 = arith.constant 0 : i32
        %dma_wait3A_267 = tpu.memref_slice %arg8[%run_scoped3A_175, %dma_wait3A_266] : memref<16x128xi32, #tpu.memory_space<vmem>> -> memref<1x128xi32, #tpu.memory_space<vmem>>
        %dma_wait3A_268 = tpu.memref_squeeze %dma_wait3A_267 : memref<1x128xi32, #tpu.memory_space<vmem>> -> memref<128xi32, #tpu.memory_space<vmem>>
        %dma_wait3A_269 = arith.constant 0 : i32
        %dma_wait3A_270 = arith.constant 0 : i32
        %dma_wait3A_271 = tpu.memref_slice %arg11[%dma_wait3A_269, %dma_wait3A_270] : memref<10112x128xf32, #tpu.memory_space<vmem_shared>> -> memref<10112x128xf32, #tpu.memory_space<vmem_shared>>
        tpu.wait_indirect_dma semaphore(%run_scoped3A_259 : memref<!tpu.dma_semaphore, #tpu.memory_space<semaphore_mem>>) src(%arg10 : memref<128x128xf32, #tpu.memory_space<vmem>>) dst(%dma_wait3A_271 : memref<10112x128xf32, #tpu.memory_space<vmem_shared>>)
        tpu.yield
      }) : () -> ()
      %dma_start3A_176 = arith.constant 11 : i32
      %dma_start3A_177 = arith.constant 0 : i32
      %dma_start3A_178 = tpu.memref_slice %arg7[%dma_start3A_176, %dma_start3A_177] : memref<16x128xi32, #tpu.memory_space<vmem>> -> memref<1x128xi32, #tpu.memory_space<vmem>>
      %dma_start3A_179 = tpu.memref_squeeze %dma_start3A_178 : memref<1x128xi32, #tpu.memory_space<vmem>> -> memref<128xi32, #tpu.memory_space<vmem>>
      %dma_start3A_180 = arith.constant 0 : i32
      %dma_start3A_181 = arith.constant 0 : i32
      %dma_start3A_182 = tpu.memref_slice %arg2[%dma_start3A_180, %dma_start3A_181] : memref<10000x128xf32, #tpu.memory_space<hbm>> -> memref<10000x128xf32, #tpu.memory_space<hbm>>
      tpu.enqueue_indirect_dma source(%dma_start3A_182 : memref<10000x128xf32, #tpu.memory_space<hbm>>) target(%arg10 : memref<128x128xf32, #tpu.memory_space<vmem>>) offsets(%dma_start3A_179 : memref<128xi32, #tpu.memory_space<vmem>>) semaphore(%arg13 : memref<!tpu.dma_semaphore, #tpu.memory_space<semaphore_mem>>)
      %dma_wait3A_183 = arith.constant 10 : i32
      %dma_wait3A_184 = arith.constant 0 : i32
      %dma_wait3A_185 = tpu.memref_slice %arg7[%dma_wait3A_183, %dma_wait3A_184] : memref<16x128xi32, #tpu.memory_space<vmem>> -> memref<1x128xi32, #tpu.memory_space<vmem>>
      %dma_wait3A_186 = tpu.memref_squeeze %dma_wait3A_185 : memref<1x128xi32, #tpu.memory_space<vmem>> -> memref<128xi32, #tpu.memory_space<vmem>>
      %dma_wait3A_187 = arith.constant 0 : i32
      %dma_wait3A_188 = arith.constant 0 : i32
      %dma_wait3A_189 = tpu.memref_slice %arg2[%dma_wait3A_187, %dma_wait3A_188] : memref<10000x128xf32, #tpu.memory_space<hbm>> -> memref<10000x128xf32, #tpu.memory_space<hbm>>
      tpu.wait_indirect_dma semaphore(%arg12 : memref<!tpu.dma_semaphore, #tpu.memory_space<semaphore_mem>>) src(%dma_wait3A_189 : memref<10000x128xf32, #tpu.memory_space<hbm>>) dst(%arg9 : memref<128x128xf32, #tpu.memory_space<vmem>>)
      %run_scoped3A_190 = arith.constant 10 : i32
      "tpu.region"() ({
        %run_scoped3A_259 = tpu.sem_alloc : memref<!tpu.dma_semaphore, #tpu.memory_space<semaphore_mem>>
        %dma_start3A_260 = arith.constant 0 : i32
        %dma_start3A_261 = tpu.memref_slice %arg8[%run_scoped3A_190, %dma_start3A_260] : memref<16x128xi32, #tpu.memory_space<vmem>> -> memref<1x128xi32, #tpu.memory_space<vmem>>
        %dma_start3A_262 = tpu.memref_squeeze %dma_start3A_261 : memref<1x128xi32, #tpu.memory_space<vmem>> -> memref<128xi32, #tpu.memory_space<vmem>>
        %dma_start3A_263 = arith.constant 0 : i32
        %dma_start3A_264 = arith.constant 0 : i32
        %dma_start3A_265 = tpu.memref_slice %arg11[%dma_start3A_263, %dma_start3A_264] : memref<10112x128xf32, #tpu.memory_space<vmem_shared>> -> memref<10112x128xf32, #tpu.memory_space<vmem_shared>>
        tpu.enqueue_indirect_dma source(%arg9 : memref<128x128xf32, #tpu.memory_space<vmem>>) target(%dma_start3A_265 : memref<10112x128xf32, #tpu.memory_space<vmem_shared>>) offsets(%dma_start3A_262 : memref<128xi32, #tpu.memory_space<vmem>>) semaphore(%run_scoped3A_259 : memref<!tpu.dma_semaphore, #tpu.memory_space<semaphore_mem>>) {add = true}
        %dma_wait3A_266 = arith.constant 0 : i32
        %dma_wait3A_267 = tpu.memref_slice %arg8[%run_scoped3A_190, %dma_wait3A_266] : memref<16x128xi32, #tpu.memory_space<vmem>> -> memref<1x128xi32, #tpu.memory_space<vmem>>
        %dma_wait3A_268 = tpu.memref_squeeze %dma_wait3A_267 : memref<1x128xi32, #tpu.memory_space<vmem>> -> memref<128xi32, #tpu.memory_space<vmem>>
        %dma_wait3A_269 = arith.constant 0 : i32
        %dma_wait3A_270 = arith.constant 0 : i32
        %dma_wait3A_271 = tpu.memref_slice %arg11[%dma_wait3A_269, %dma_wait3A_270] : memref<10112x128xf32, #tpu.memory_space<vmem_shared>> -> memref<10112x128xf32, #tpu.memory_space<vmem_shared>>
        tpu.wait_indirect_dma semaphore(%run_scoped3A_259 : memref<!tpu.dma_semaphore, #tpu.memory_space<semaphore_mem>>) src(%arg9 : memref<128x128xf32, #tpu.memory_space<vmem>>) dst(%dma_wait3A_271 : memref<10112x128xf32, #tpu.memory_space<vmem_shared>>)
        tpu.yield
      }) : () -> ()
      %dma_start3A_191 = arith.constant 12 : i32
      %dma_start3A_192 = arith.constant 0 : i32
      %dma_start3A_193 = tpu.memref_slice %arg7[%dma_start3A_191, %dma_start3A_192] : memref<16x128xi32, #tpu.memory_space<vmem>> -> memref<1x128xi32, #tpu.memory_space<vmem>>
      %dma_start3A_194 = tpu.memref_squeeze %dma_start3A_193 : memref<1x128xi32, #tpu.memory_space<vmem>> -> memref<128xi32, #tpu.memory_space<vmem>>
      %dma_start3A_195 = arith.constant 0 : i32
      %dma_start3A_196 = arith.constant 0 : i32
      %dma_start3A_197 = tpu.memref_slice %arg2[%dma_start3A_195, %dma_start3A_196] : memref<10000x128xf32, #tpu.memory_space<hbm>> -> memref<10000x128xf32, #tpu.memory_space<hbm>>
      tpu.enqueue_indirect_dma source(%dma_start3A_197 : memref<10000x128xf32, #tpu.memory_space<hbm>>) target(%arg9 : memref<128x128xf32, #tpu.memory_space<vmem>>) offsets(%dma_start3A_194 : memref<128xi32, #tpu.memory_space<vmem>>) semaphore(%arg12 : memref<!tpu.dma_semaphore, #tpu.memory_space<semaphore_mem>>)
      %dma_wait3A_198 = arith.constant 11 : i32
      %dma_wait3A_199 = arith.constant 0 : i32
      %dma_wait3A_200 = tpu.memref_slice %arg7[%dma_wait3A_198, %dma_wait3A_199] : memref<16x128xi32, #tpu.memory_space<vmem>> -> memref<1x128xi32, #tpu.memory_space<vmem>>
      %dma_wait3A_201 = tpu.memref_squeeze %dma_wait3A_200 : memref<1x128xi32, #tpu.memory_space<vmem>> -> memref<128xi32, #tpu.memory_space<vmem>>
      %dma_wait3A_202 = arith.constant 0 : i32
      %dma_wait3A_203 = arith.constant 0 : i32
      %dma_wait3A_204 = tpu.memref_slice %arg2[%dma_wait3A_202, %dma_wait3A_203] : memref<10000x128xf32, #tpu.memory_space<hbm>> -> memref<10000x128xf32, #tpu.memory_space<hbm>>
      tpu.wait_indirect_dma semaphore(%arg13 : memref<!tpu.dma_semaphore, #tpu.memory_space<semaphore_mem>>) src(%dma_wait3A_204 : memref<10000x128xf32, #tpu.memory_space<hbm>>) dst(%arg10 : memref<128x128xf32, #tpu.memory_space<vmem>>)
      %run_scoped3A_205 = arith.constant 11 : i32
      "tpu.region"() ({
        %run_scoped3A_259 = tpu.sem_alloc : memref<!tpu.dma_semaphore, #tpu.memory_space<semaphore_mem>>
        %dma_start3A_260 = arith.constant 0 : i32
        %dma_start3A_261 = tpu.memref_slice %arg8[%run_scoped3A_205, %dma_start3A_260] : memref<16x128xi32, #tpu.memory_space<vmem>> -> memref<1x128xi32, #tpu.memory_space<vmem>>
        %dma_start3A_262 = tpu.memref_squeeze %dma_start3A_261 : memref<1x128xi32, #tpu.memory_space<vmem>> -> memref<128xi32, #tpu.memory_space<vmem>>
        %dma_start3A_263 = arith.constant 0 : i32
        %dma_start3A_264 = arith.constant 0 : i32
        %dma_start3A_265 = tpu.memref_slice %arg11[%dma_start3A_263, %dma_start3A_264] : memref<10112x128xf32, #tpu.memory_space<vmem_shared>> -> memref<10112x128xf32, #tpu.memory_space<vmem_shared>>
        tpu.enqueue_indirect_dma source(%arg10 : memref<128x128xf32, #tpu.memory_space<vmem>>) target(%dma_start3A_265 : memref<10112x128xf32, #tpu.memory_space<vmem_shared>>) offsets(%dma_start3A_262 : memref<128xi32, #tpu.memory_space<vmem>>) semaphore(%run_scoped3A_259 : memref<!tpu.dma_semaphore, #tpu.memory_space<semaphore_mem>>) {add = true}
        %dma_wait3A_266 = arith.constant 0 : i32
        %dma_wait3A_267 = tpu.memref_slice %arg8[%run_scoped3A_205, %dma_wait3A_266] : memref<16x128xi32, #tpu.memory_space<vmem>> -> memref<1x128xi32, #tpu.memory_space<vmem>>
        %dma_wait3A_268 = tpu.memref_squeeze %dma_wait3A_267 : memref<1x128xi32, #tpu.memory_space<vmem>> -> memref<128xi32, #tpu.memory_space<vmem>>
        %dma_wait3A_269 = arith.constant 0 : i32
        %dma_wait3A_270 = arith.constant 0 : i32
        %dma_wait3A_271 = tpu.memref_slice %arg11[%dma_wait3A_269, %dma_wait3A_270] : memref<10112x128xf32, #tpu.memory_space<vmem_shared>> -> memref<10112x128xf32, #tpu.memory_space<vmem_shared>>
        tpu.wait_indirect_dma semaphore(%run_scoped3A_259 : memref<!tpu.dma_semaphore, #tpu.memory_space<semaphore_mem>>) src(%arg10 : memref<128x128xf32, #tpu.memory_space<vmem>>) dst(%dma_wait3A_271 : memref<10112x128xf32, #tpu.memory_space<vmem_shared>>)
        tpu.yield
      }) : () -> ()
      %dma_start3A_206 = arith.constant 13 : i32
      %dma_start3A_207 = arith.constant 0 : i32
      %dma_start3A_208 = tpu.memref_slice %arg7[%dma_start3A_206, %dma_start3A_207] : memref<16x128xi32, #tpu.memory_space<vmem>> -> memref<1x128xi32, #tpu.memory_space<vmem>>
      %dma_start3A_209 = tpu.memref_squeeze %dma_start3A_208 : memref<1x128xi32, #tpu.memory_space<vmem>> -> memref<128xi32, #tpu.memory_space<vmem>>
      %dma_start3A_210 = arith.constant 0 : i32
      %dma_start3A_211 = arith.constant 0 : i32
      %dma_start3A_212 = tpu.memref_slice %arg2[%dma_start3A_210, %dma_start3A_211] : memref<10000x128xf32, #tpu.memory_space<hbm>> -> memref<10000x128xf32, #tpu.memory_space<hbm>>
      tpu.enqueue_indirect_dma source(%dma_start3A_212 : memref<10000x128xf32, #tpu.memory_space<hbm>>) target(%arg10 : memref<128x128xf32, #tpu.memory_space<vmem>>) offsets(%dma_start3A_209 : memref<128xi32, #tpu.memory_space<vmem>>) semaphore(%arg13 : memref<!tpu.dma_semaphore, #tpu.memory_space<semaphore_mem>>)
      %dma_wait3A_213 = arith.constant 12 : i32
      %dma_wait3A_214 = arith.constant 0 : i32
      %dma_wait3A_215 = tpu.memref_slice %arg7[%dma_wait3A_213, %dma_wait3A_214] : memref<16x128xi32, #tpu.memory_space<vmem>> -> memref<1x128xi32, #tpu.memory_space<vmem>>
      %dma_wait3A_216 = tpu.memref_squeeze %dma_wait3A_215 : memref<1x128xi32, #tpu.memory_space<vmem>> -> memref<128xi32, #tpu.memory_space<vmem>>
      %dma_wait3A_217 = arith.constant 0 : i32
      %dma_wait3A_218 = arith.constant 0 : i32
      %dma_wait3A_219 = tpu.memref_slice %arg2[%dma_wait3A_217, %dma_wait3A_218] : memref<10000x128xf32, #tpu.memory_space<hbm>> -> memref<10000x128xf32, #tpu.memory_space<hbm>>
      tpu.wait_indirect_dma semaphore(%arg12 : memref<!tpu.dma_semaphore, #tpu.memory_space<semaphore_mem>>) src(%dma_wait3A_219 : memref<10000x128xf32, #tpu.memory_space<hbm>>) dst(%arg9 : memref<128x128xf32, #tpu.memory_space<vmem>>)
      %run_scoped3A_220 = arith.constant 12 : i32
      "tpu.region"() ({
        %run_scoped3A_259 = tpu.sem_alloc : memref<!tpu.dma_semaphore, #tpu.memory_space<semaphore_mem>>
        %dma_start3A_260 = arith.constant 0 : i32
        %dma_start3A_261 = tpu.memref_slice %arg8[%run_scoped3A_220, %dma_start3A_260] : memref<16x128xi32, #tpu.memory_space<vmem>> -> memref<1x128xi32, #tpu.memory_space<vmem>>
        %dma_start3A_262 = tpu.memref_squeeze %dma_start3A_261 : memref<1x128xi32, #tpu.memory_space<vmem>> -> memref<128xi32, #tpu.memory_space<vmem>>
        %dma_start3A_263 = arith.constant 0 : i32
        %dma_start3A_264 = arith.constant 0 : i32
        %dma_start3A_265 = tpu.memref_slice %arg11[%dma_start3A_263, %dma_start3A_264] : memref<10112x128xf32, #tpu.memory_space<vmem_shared>> -> memref<10112x128xf32, #tpu.memory_space<vmem_shared>>
        tpu.enqueue_indirect_dma source(%arg9 : memref<128x128xf32, #tpu.memory_space<vmem>>) target(%dma_start3A_265 : memref<10112x128xf32, #tpu.memory_space<vmem_shared>>) offsets(%dma_start3A_262 : memref<128xi32, #tpu.memory_space<vmem>>) semaphore(%run_scoped3A_259 : memref<!tpu.dma_semaphore, #tpu.memory_space<semaphore_mem>>) {add = true}
        %dma_wait3A_266 = arith.constant 0 : i32
        %dma_wait3A_267 = tpu.memref_slice %arg8[%run_scoped3A_220, %dma_wait3A_266] : memref<16x128xi32, #tpu.memory_space<vmem>> -> memref<1x128xi32, #tpu.memory_space<vmem>>
        %dma_wait3A_268 = tpu.memref_squeeze %dma_wait3A_267 : memref<1x128xi32, #tpu.memory_space<vmem>> -> memref<128xi32, #tpu.memory_space<vmem>>
        %dma_wait3A_269 = arith.constant 0 : i32
        %dma_wait3A_270 = arith.constant 0 : i32
        %dma_wait3A_271 = tpu.memref_slice %arg11[%dma_wait3A_269, %dma_wait3A_270] : memref<10112x128xf32, #tpu.memory_space<vmem_shared>> -> memref<10112x128xf32, #tpu.memory_space<vmem_shared>>
        tpu.wait_indirect_dma semaphore(%run_scoped3A_259 : memref<!tpu.dma_semaphore, #tpu.memory_space<semaphore_mem>>) src(%arg9 : memref<128x128xf32, #tpu.memory_space<vmem>>) dst(%dma_wait3A_271 : memref<10112x128xf32, #tpu.memory_space<vmem_shared>>)
        tpu.yield
      }) : () -> ()
      %dma_start3A_221 = arith.constant 14 : i32
      %dma_start3A_222 = arith.constant 0 : i32
      %dma_start3A_223 = tpu.memref_slice %arg7[%dma_start3A_221, %dma_start3A_222] : memref<16x128xi32, #tpu.memory_space<vmem>> -> memref<1x128xi32, #tpu.memory_space<vmem>>
      %dma_start3A_224 = tpu.memref_squeeze %dma_start3A_223 : memref<1x128xi32, #tpu.memory_space<vmem>> -> memref<128xi32, #tpu.memory_space<vmem>>
      %dma_start3A_225 = arith.constant 0 : i32
      %dma_start3A_226 = arith.constant 0 : i32
      %dma_start3A_227 = tpu.memref_slice %arg2[%dma_start3A_225, %dma_start3A_226] : memref<10000x128xf32, #tpu.memory_space<hbm>> -> memref<10000x128xf32, #tpu.memory_space<hbm>>
      tpu.enqueue_indirect_dma source(%dma_start3A_227 : memref<10000x128xf32, #tpu.memory_space<hbm>>) target(%arg9 : memref<128x128xf32, #tpu.memory_space<vmem>>) offsets(%dma_start3A_224 : memref<128xi32, #tpu.memory_space<vmem>>) semaphore(%arg12 : memref<!tpu.dma_semaphore, #tpu.memory_space<semaphore_mem>>)
      %dma_wait3A_228 = arith.constant 13 : i32
      %dma_wait3A_229 = arith.constant 0 : i32
      %dma_wait3A_230 = tpu.memref_slice %arg7[%dma_wait3A_228, %dma_wait3A_229] : memref<16x128xi32, #tpu.memory_space<vmem>> -> memref<1x128xi32, #tpu.memory_space<vmem>>
      %dma_wait3A_231 = tpu.memref_squeeze %dma_wait3A_230 : memref<1x128xi32, #tpu.memory_space<vmem>> -> memref<128xi32, #tpu.memory_space<vmem>>
      %dma_wait3A_232 = arith.constant 0 : i32
      %dma_wait3A_233 = arith.constant 0 : i32
      %dma_wait3A_234 = tpu.memref_slice %arg2[%dma_wait3A_232, %dma_wait3A_233] : memref<10000x128xf32, #tpu.memory_space<hbm>> -> memref<10000x128xf32, #tpu.memory_space<hbm>>
      tpu.wait_indirect_dma semaphore(%arg13 : memref<!tpu.dma_semaphore, #tpu.memory_space<semaphore_mem>>) src(%dma_wait3A_234 : memref<10000x128xf32, #tpu.memory_space<hbm>>) dst(%arg10 : memref<128x128xf32, #tpu.memory_space<vmem>>)
      %run_scoped3A_235 = arith.constant 13 : i32
      "tpu.region"() ({
        %run_scoped3A_259 = tpu.sem_alloc : memref<!tpu.dma_semaphore, #tpu.memory_space<semaphore_mem>>
        %dma_start3A_260 = arith.constant 0 : i32
        %dma_start3A_261 = tpu.memref_slice %arg8[%run_scoped3A_235, %dma_start3A_260] : memref<16x128xi32, #tpu.memory_space<vmem>> -> memref<1x128xi32, #tpu.memory_space<vmem>>
        %dma_start3A_262 = tpu.memref_squeeze %dma_start3A_261 : memref<1x128xi32, #tpu.memory_space<vmem>> -> memref<128xi32, #tpu.memory_space<vmem>>
        %dma_start3A_263 = arith.constant 0 : i32
        %dma_start3A_264 = arith.constant 0 : i32
        %dma_start3A_265 = tpu.memref_slice %arg11[%dma_start3A_263, %dma_start3A_264] : memref<10112x128xf32, #tpu.memory_space<vmem_shared>> -> memref<10112x128xf32, #tpu.memory_space<vmem_shared>>
        tpu.enqueue_indirect_dma source(%arg10 : memref<128x128xf32, #tpu.memory_space<vmem>>) target(%dma_start3A_265 : memref<10112x128xf32, #tpu.memory_space<vmem_shared>>) offsets(%dma_start3A_262 : memref<128xi32, #tpu.memory_space<vmem>>) semaphore(%run_scoped3A_259 : memref<!tpu.dma_semaphore, #tpu.memory_space<semaphore_mem>>) {add = true}
        %dma_wait3A_266 = arith.constant 0 : i32
        %dma_wait3A_267 = tpu.memref_slice %arg8[%run_scoped3A_235, %dma_wait3A_266] : memref<16x128xi32, #tpu.memory_space<vmem>> -> memref<1x128xi32, #tpu.memory_space<vmem>>
        %dma_wait3A_268 = tpu.memref_squeeze %dma_wait3A_267 : memref<1x128xi32, #tpu.memory_space<vmem>> -> memref<128xi32, #tpu.memory_space<vmem>>
        %dma_wait3A_269 = arith.constant 0 : i32
        %dma_wait3A_270 = arith.constant 0 : i32
        %dma_wait3A_271 = tpu.memref_slice %arg11[%dma_wait3A_269, %dma_wait3A_270] : memref<10112x128xf32, #tpu.memory_space<vmem_shared>> -> memref<10112x128xf32, #tpu.memory_space<vmem_shared>>
        tpu.wait_indirect_dma semaphore(%run_scoped3A_259 : memref<!tpu.dma_semaphore, #tpu.memory_space<semaphore_mem>>) src(%arg10 : memref<128x128xf32, #tpu.memory_space<vmem>>) dst(%dma_wait3A_271 : memref<10112x128xf32, #tpu.memory_space<vmem_shared>>)
        tpu.yield
      }) : () -> ()
      %dma_start3A_236 = arith.constant 15 : i32
      %dma_start3A_237 = arith.constant 0 : i32
      %dma_start3A_238 = tpu.memref_slice %arg7[%dma_start3A_236, %dma_start3A_237] : memref<16x128xi32, #tpu.memory_space<vmem>> -> memref<1x128xi32, #tpu.memory_space<vmem>>
      %dma_start3A_239 = tpu.memref_squeeze %dma_start3A_238 : memref<1x128xi32, #tpu.memory_space<vmem>> -> memref<128xi32, #tpu.memory_space<vmem>>
      %dma_start3A_240 = arith.constant 0 : i32
      %dma_start3A_241 = arith.constant 0 : i32
      %dma_start3A_242 = tpu.memref_slice %arg2[%dma_start3A_240, %dma_start3A_241] : memref<10000x128xf32, #tpu.memory_space<hbm>> -> memref<10000x128xf32, #tpu.memory_space<hbm>>
      tpu.enqueue_indirect_dma source(%dma_start3A_242 : memref<10000x128xf32, #tpu.memory_space<hbm>>) target(%arg10 : memref<128x128xf32, #tpu.memory_space<vmem>>) offsets(%dma_start3A_239 : memref<128xi32, #tpu.memory_space<vmem>>) semaphore(%arg13 : memref<!tpu.dma_semaphore, #tpu.memory_space<semaphore_mem>>)
      %dma_wait3A_243 = arith.constant 14 : i32
      %dma_wait3A_244 = arith.constant 0 : i32
      %dma_wait3A_245 = tpu.memref_slice %arg7[%dma_wait3A_243, %dma_wait3A_244] : memref<16x128xi32, #tpu.memory_space<vmem>> -> memref<1x128xi32, #tpu.memory_space<vmem>>
      %dma_wait3A_246 = tpu.memref_squeeze %dma_wait3A_245 : memref<1x128xi32, #tpu.memory_space<vmem>> -> memref<128xi32, #tpu.memory_space<vmem>>
      %dma_wait3A_247 = arith.constant 0 : i32
      %dma_wait3A_248 = arith.constant 0 : i32
      %dma_wait3A_249 = tpu.memref_slice %arg2[%dma_wait3A_247, %dma_wait3A_248] : memref<10000x128xf32, #tpu.memory_space<hbm>> -> memref<10000x128xf32, #tpu.memory_space<hbm>>
      tpu.wait_indirect_dma semaphore(%arg12 : memref<!tpu.dma_semaphore, #tpu.memory_space<semaphore_mem>>) src(%dma_wait3A_249 : memref<10000x128xf32, #tpu.memory_space<hbm>>) dst(%arg9 : memref<128x128xf32, #tpu.memory_space<vmem>>)
      %run_scoped3A_250 = arith.constant 14 : i32
      "tpu.region"() ({
        %run_scoped3A_259 = tpu.sem_alloc : memref<!tpu.dma_semaphore, #tpu.memory_space<semaphore_mem>>
        %dma_start3A_260 = arith.constant 0 : i32
        %dma_start3A_261 = tpu.memref_slice %arg8[%run_scoped3A_250, %dma_start3A_260] : memref<16x128xi32, #tpu.memory_space<vmem>> -> memref<1x128xi32, #tpu.memory_space<vmem>>
        %dma_start3A_262 = tpu.memref_squeeze %dma_start3A_261 : memref<1x128xi32, #tpu.memory_space<vmem>> -> memref<128xi32, #tpu.memory_space<vmem>>
        %dma_start3A_263 = arith.constant 0 : i32
        %dma_start3A_264 = arith.constant 0 : i32
        %dma_start3A_265 = tpu.memref_slice %arg11[%dma_start3A_263, %dma_start3A_264] : memref<10112x128xf32, #tpu.memory_space<vmem_shared>> -> memref<10112x128xf32, #tpu.memory_space<vmem_shared>>
        tpu.enqueue_indirect_dma source(%arg9 : memref<128x128xf32, #tpu.memory_space<vmem>>) target(%dma_start3A_265 : memref<10112x128xf32, #tpu.memory_space<vmem_shared>>) offsets(%dma_start3A_262 : memref<128xi32, #tpu.memory_space<vmem>>) semaphore(%run_scoped3A_259 : memref<!tpu.dma_semaphore, #tpu.memory_space<semaphore_mem>>) {add = true}
        %dma_wait3A_266 = arith.constant 0 : i32
        %dma_wait3A_267 = tpu.memref_slice %arg8[%run_scoped3A_250, %dma_wait3A_266] : memref<16x128xi32, #tpu.memory_space<vmem>> -> memref<1x128xi32, #tpu.memory_space<vmem>>
        %dma_wait3A_268 = tpu.memref_squeeze %dma_wait3A_267 : memref<1x128xi32, #tpu.memory_space<vmem>> -> memref<128xi32, #tpu.memory_space<vmem>>
        %dma_wait3A_269 = arith.constant 0 : i32
        %dma_wait3A_270 = arith.constant 0 : i32
        %dma_wait3A_271 = tpu.memref_slice %arg11[%dma_wait3A_269, %dma_wait3A_270] : memref<10112x128xf32, #tpu.memory_space<vmem_shared>> -> memref<10112x128xf32, #tpu.memory_space<vmem_shared>>
        tpu.wait_indirect_dma semaphore(%run_scoped3A_259 : memref<!tpu.dma_semaphore, #tpu.memory_space<semaphore_mem>>) src(%arg9 : memref<128x128xf32, #tpu.memory_space<vmem>>) dst(%dma_wait3A_271 : memref<10112x128xf32, #tpu.memory_space<vmem_shared>>)
        tpu.yield
      }) : () -> ()
      %dma_wait3A_251 = arith.constant 15 : i32
      %dma_wait3A_252 = arith.constant 0 : i32
      %dma_wait3A_253 = tpu.memref_slice %arg7[%dma_wait3A_251, %dma_wait3A_252] : memref<16x128xi32, #tpu.memory_space<vmem>> -> memref<1x128xi32, #tpu.memory_space<vmem>>
      %dma_wait3A_254 = tpu.memref_squeeze %dma_wait3A_253 : memref<1x128xi32, #tpu.memory_space<vmem>> -> memref<128xi32, #tpu.memory_space<vmem>>
      %dma_wait3A_255 = arith.constant 0 : i32
      %dma_wait3A_256 = arith.constant 0 : i32
      %dma_wait3A_257 = tpu.memref_slice %arg2[%dma_wait3A_255, %dma_wait3A_256] : memref<10000x128xf32, #tpu.memory_space<hbm>> -> memref<10000x128xf32, #tpu.memory_space<hbm>>
      tpu.wait_indirect_dma semaphore(%arg13 : memref<!tpu.dma_semaphore, #tpu.memory_space<semaphore_mem>>) src(%dma_wait3A_257 : memref<10000x128xf32, #tpu.memory_space<hbm>>) dst(%arg10 : memref<128x128xf32, #tpu.memory_space<vmem>>)
      %run_scoped3A_258 = arith.constant 15 : i32
      "tpu.region"() ({
        %run_scoped3A_259 = tpu.sem_alloc : memref<!tpu.dma_semaphore, #tpu.memory_space<semaphore_mem>>
        %dma_start3A_260 = arith.constant 0 : i32
        %dma_start3A_261 = tpu.memref_slice %arg8[%run_scoped3A_258, %dma_start3A_260] : memref<16x128xi32, #tpu.memory_space<vmem>> -> memref<1x128xi32, #tpu.memory_space<vmem>>
        %dma_start3A_262 = tpu.memref_squeeze %dma_start3A_261 : memref<1x128xi32, #tpu.memory_space<vmem>> -> memref<128xi32, #tpu.memory_space<vmem>>
        %dma_start3A_263 = arith.constant 0 : i32
        %dma_start3A_264 = arith.constant 0 : i32
        %dma_start3A_265 = tpu.memref_slice %arg11[%dma_start3A_263, %dma_start3A_264] : memref<10112x128xf32, #tpu.memory_space<vmem_shared>> -> memref<10112x128xf32, #tpu.memory_space<vmem_shared>>
        tpu.enqueue_indirect_dma source(%arg10 : memref<128x128xf32, #tpu.memory_space<vmem>>) target(%dma_start3A_265 : memref<10112x128xf32, #tpu.memory_space<vmem_shared>>) offsets(%dma_start3A_262 : memref<128xi32, #tpu.memory_space<vmem>>) semaphore(%run_scoped3A_259 : memref<!tpu.dma_semaphore, #tpu.memory_space<semaphore_mem>>) {add = true}
        %dma_wait3A_266 = arith.constant 0 : i32
        %dma_wait3A_267 = tpu.memref_slice %arg8[%run_scoped3A_258, %dma_wait3A_266] : memref<16x128xi32, #tpu.memory_space<vmem>> -> memref<1x128xi32, #tpu.memory_space<vmem>>
        %dma_wait3A_268 = tpu.memref_squeeze %dma_wait3A_267 : memref<1x128xi32, #tpu.memory_space<vmem>> -> memref<128xi32, #tpu.memory_space<vmem>>
        %dma_wait3A_269 = arith.constant 0 : i32
        %dma_wait3A_270 = arith.constant 0 : i32
        %dma_wait3A_271 = tpu.memref_slice %arg11[%dma_wait3A_269, %dma_wait3A_270] : memref<10112x128xf32, #tpu.memory_space<vmem_shared>> -> memref<10112x128xf32, #tpu.memory_space<vmem_shared>>
        tpu.wait_indirect_dma semaphore(%run_scoped3A_259 : memref<!tpu.dma_semaphore, #tpu.memory_space<semaphore_mem>>) src(%arg10 : memref<128x128xf32, #tpu.memory_space<vmem>>) dst(%dma_wait3A_271 : memref<10112x128xf32, #tpu.memory_space<vmem_shared>>)
        tpu.yield
      }) : () -> ()
    }
    %scan3A_8 = arith.constant 5 : i32
    %barrier3A_9 = arith.constant 0 : index
    tpu.barrier barrier_id(%barrier3A_9)
    %mul3A_10 = arith.constant 632 : i32
    %mul3A_11 = arith.muli %arg1, %mul3A_10 : i32
    %mul3A_12 = arith.constant 632 : i32
    %mul3A_13 = arith.muli %arg1, %mul3A_12 : i32
    "tpu.region"() ({
      %run_scoped3A = tpu.sem_alloc : memref<!tpu.dma_semaphore, #tpu.memory_space<semaphore_mem>>
      %dma_start3A = arith.constant 0 : i32
      %dma_start3A_14 = tpu.memref_slice %arg6[%arg0, %mul3A_13, %dma_start3A] : memref<2x10112x128xf32, #tpu.memory_space<hbm>> -> memref<1x632x128xf32, #tpu.memory_space<hbm>>
      %dma_start3A_15 = tpu.memref_squeeze %dma_start3A_14 : memref<1x632x128xf32, #tpu.memory_space<hbm>> -> memref<632x128xf32, #tpu.memory_space<hbm>>
      %dma_start3A_16 = arith.constant 0 : i32
      %dma_start3A_17 = tpu.memref_slice %arg11[%mul3A_11, %dma_start3A_16] : memref<10112x128xf32, #tpu.memory_space<vmem_shared>> -> memref<632x128xf32, #tpu.memory_space<vmem_shared>>
      tpu.enqueue_dma source(%dma_start3A_17 : memref<632x128xf32, #tpu.memory_space<vmem_shared>>) target(%dma_start3A_15 : memref<632x128xf32, #tpu.memory_space<hbm>>) target_semaphore(%run_scoped3A : memref<!tpu.dma_semaphore, #tpu.memory_space<semaphore_mem>>)
      %dma_wait3A = arith.constant 0 : i32
      %dma_wait3A_18 = tpu.memref_slice %arg6[%arg0, %mul3A_13, %dma_wait3A] : memref<2x10112x128xf32, #tpu.memory_space<hbm>> -> memref<1x632x128xf32, #tpu.memory_space<hbm>>
      %dma_wait3A_19 = tpu.memref_squeeze %dma_wait3A_18 : memref<1x632x128xf32, #tpu.memory_space<hbm>> -> memref<632x128xf32, #tpu.memory_space<hbm>>
      %dma_wait3A_20 = arith.constant 0 : i32
      %dma_wait3A_21 = tpu.memref_slice %arg11[%mul3A_11, %dma_wait3A_20] : memref<10112x128xf32, #tpu.memory_space<vmem_shared>> -> memref<632x128xf32, #tpu.memory_space<vmem_shared>>
      tpu.wait_dma2 semaphore(%run_scoped3A : memref<!tpu.dma_semaphore, #tpu.memory_space<semaphore_mem>>) src(%dma_wait3A_21 : memref<632x128xf32, #tpu.memory_space<vmem_shared>>) dst(%dma_wait3A_19 : memref<632x128xf32, #tpu.memory_space<hbm>>)
      tpu.yield
    }) : () -> ()
    return
  }
}

#map = affine_map<(d0, d1) -> (0, 0)>
#map1 = affine_map<(d0, d1) -> (0, 0, 0)>
module attributes {stable_mosaic.version = 14 : i64} {
  func.func @body(%arg0: i32, %arg1: i32, %arg2: memref<2560x128xi32, #tpu.memory_space<hbm>>, %arg3: memref<128x128xf32, #tpu.memory_space<hbm>>, %arg4: memref<632x128xf32, #tpu.memory_space<hbm>>, %arg5: memref<2x10112x128xf32, #tpu.memory_space<hbm>>, %arg6: memref<2x128xi32, #tpu.memory_space<vmem>>, %arg7: memref<128x128xf32, #tpu.memory_space<vmem>>, %arg8: memref<10112x128xf32, #tpu.memory_space<vmem_shared>>) attributes {dimension_semantics = [#tpu.dimension_semantics<core_parallel>, #tpu.dimension_semantics<subcore_parallel>], iteration_bounds = array<i64: 2, 16>, scalar_prefetch = 0 : i64, scratch_operands = 3 : i64, tpu.core_type = #tpu.core_type<sc_vector_subcore>, window_params = [{transform_indices = #map}, {transform_indices = #map}, {transform_indices = #map}, {transform_indices = #map1}]} {
    %mul3A = arith.constant 2 : i32
    %mul3A_0 = arith.muli %arg1, %mul3A : i32
    %add3A = arith.addi %mul3A_0, %arg0 : i32
    %mul3A_1 = arith.constant 632 : i32
    %mul3A_2 = arith.muli %arg1, %mul3A_1 : i32
    "tpu.region"() ({
      %run_scoped3A = tpu.sem_alloc : memref<!tpu.dma_semaphore, #tpu.memory_space<semaphore_mem>>
      %dma_start3A = arith.constant 0 : i32
      %dma_start3A_14 = tpu.memref_slice %arg8[%mul3A_2, %dma_start3A] : memref<10112x128xf32, #tpu.memory_space<vmem_shared>> -> memref<632x128xf32, #tpu.memory_space<vmem_shared>>
      tpu.enqueue_dma source(%arg4 : memref<632x128xf32, #tpu.memory_space<hbm>>) target(%dma_start3A_14 : memref<632x128xf32, #tpu.memory_space<vmem_shared>>) target_semaphore(%run_scoped3A : memref<!tpu.dma_semaphore, #tpu.memory_space<semaphore_mem>>)
      %dma_wait3A = arith.constant 0 : i32
      %dma_wait3A_15 = tpu.memref_slice %arg8[%mul3A_2, %dma_wait3A] : memref<10112x128xf32, #tpu.memory_space<vmem_shared>> -> memref<632x128xf32, #tpu.memory_space<vmem_shared>>
      tpu.wait_dma2 semaphore(%run_scoped3A : memref<!tpu.dma_semaphore, #tpu.memory_space<semaphore_mem>>) src(%arg4 : memref<632x128xf32, #tpu.memory_space<hbm>>) dst(%dma_wait3A_15 : memref<632x128xf32, #tpu.memory_space<vmem_shared>>)
      tpu.yield
    }) : () -> ()
    "tpu.region"() ({
      %run_scoped3A = tpu.sem_alloc : memref<!tpu.dma_semaphore, #tpu.memory_space<semaphore_mem>>
      tpu.enqueue_dma source(%arg3 : memref<128x128xf32, #tpu.memory_space<hbm>>) target(%arg7 : memref<128x128xf32, #tpu.memory_space<vmem>>) target_semaphore(%run_scoped3A : memref<!tpu.dma_semaphore, #tpu.memory_space<semaphore_mem>>)
      tpu.wait_dma2 semaphore(%run_scoped3A : memref<!tpu.dma_semaphore, #tpu.memory_space<semaphore_mem>>) src(%arg3 : memref<128x128xf32, #tpu.memory_space<hbm>>) dst(%arg7 : memref<128x128xf32, #tpu.memory_space<vmem>>)
      tpu.yield
    }) : () -> ()
    %barrier3A = arith.constant 0 : index
    tpu.barrier barrier_id(%barrier3A)
    %mul3A_3 = arith.constant 80 : i32
    %mul3A_4 = arith.muli %add3A, %mul3A_3 : i32
    %scan3A = arith.constant 0 : i32
    %scan3A_5 = arith.constant 40 : i32
    %scan3A_6 = arith.addi %scan3A, %scan3A_5 : i32
    %scan3A_7 = arith.constant 1 : i32
    scf.for %scan3A_14 = %scan3A to %scan3A_6 step %scan3A_7  : i32 {
      %mul3A_15 = arith.constant 1 : i32
      %mul3A_16 = arith.muli %scan3A_14, %mul3A_15 : i32
      %add3A_17 = arith.constant 0 : i32
      %add3A_18 = arith.addi %add3A_17, %mul3A_16 : i32
      %mul3A_19 = arith.constant 2 : i32
      %mul3A_20 = arith.muli %add3A_18, %mul3A_19 : i32
      %add3A_21 = arith.addi %mul3A_4, %mul3A_20 : i32
      "tpu.region"() ({
        %run_scoped3A_23 = tpu.sem_alloc : memref<!tpu.dma_semaphore, #tpu.memory_space<semaphore_mem>>
        %dma_start3A = arith.constant 0 : i32
        %dma_start3A_24 = tpu.memref_slice %arg2[%add3A_21, %dma_start3A] : memref<2560x128xi32, #tpu.memory_space<hbm>> -> memref<2x128xi32, #tpu.memory_space<hbm>>
        %dma_start3A_25 = arith.constant 0 : i32
        %dma_start3A_26 = tpu.memref_slice %arg2[%add3A_21, %dma_start3A_25] : memref<2560x128xi32, #tpu.memory_space<hbm>> -> memref<2x128xi32, #tpu.memory_space<hbm>>
        tpu.enqueue_dma source(%dma_start3A_26 : memref<2x128xi32, #tpu.memory_space<hbm>>) target(%arg6 : memref<2x128xi32, #tpu.memory_space<vmem>>) target_semaphore(%run_scoped3A_23 : memref<!tpu.dma_semaphore, #tpu.memory_space<semaphore_mem>>)
        %dma_wait3A = arith.constant 0 : i32
        %dma_wait3A_27 = tpu.memref_slice %arg2[%add3A_21, %dma_wait3A] : memref<2560x128xi32, #tpu.memory_space<hbm>> -> memref<2x128xi32, #tpu.memory_space<hbm>>
        %dma_wait3A_28 = arith.constant 0 : i32
        %dma_wait3A_29 = tpu.memref_slice %arg2[%add3A_21, %dma_wait3A_28] : memref<2560x128xi32, #tpu.memory_space<hbm>> -> memref<2x128xi32, #tpu.memory_space<hbm>>
        tpu.wait_dma2 semaphore(%run_scoped3A_23 : memref<!tpu.dma_semaphore, #tpu.memory_space<semaphore_mem>>) src(%dma_wait3A_29 : memref<2x128xi32, #tpu.memory_space<hbm>>) dst(%arg6 : memref<2x128xi32, #tpu.memory_space<vmem>>)
        tpu.yield
      }) : () -> ()
      %run_scoped3A = arith.constant 0 : i32
      "tpu.region"() ({
        %run_scoped3A_23 = tpu.sem_alloc : memref<!tpu.dma_semaphore, #tpu.memory_space<semaphore_mem>>
        %dma_start3A = arith.constant 0 : i32
        %dma_start3A_24 = tpu.memref_slice %arg6[%run_scoped3A, %dma_start3A] : memref<2x128xi32, #tpu.memory_space<vmem>> -> memref<1x128xi32, #tpu.memory_space<vmem>>
        %dma_start3A_25 = tpu.memref_squeeze %dma_start3A_24 : memref<1x128xi32, #tpu.memory_space<vmem>> -> memref<128xi32, #tpu.memory_space<vmem>>
        %dma_start3A_26 = arith.constant 0 : i32
        %dma_start3A_27 = arith.constant 0 : i32
        %dma_start3A_28 = tpu.memref_slice %arg8[%dma_start3A_26, %dma_start3A_27] : memref<10112x128xf32, #tpu.memory_space<vmem_shared>> -> memref<10112x128xf32, #tpu.memory_space<vmem_shared>>
        tpu.enqueue_indirect_dma source(%arg7 : memref<128x128xf32, #tpu.memory_space<vmem>>) target(%dma_start3A_28 : memref<10112x128xf32, #tpu.memory_space<vmem_shared>>) offsets(%dma_start3A_25 : memref<128xi32, #tpu.memory_space<vmem>>) semaphore(%run_scoped3A_23 : memref<!tpu.dma_semaphore, #tpu.memory_space<semaphore_mem>>) {add = true}
        %dma_wait3A = arith.constant 0 : i32
        %dma_wait3A_29 = tpu.memref_slice %arg6[%run_scoped3A, %dma_wait3A] : memref<2x128xi32, #tpu.memory_space<vmem>> -> memref<1x128xi32, #tpu.memory_space<vmem>>
        %dma_wait3A_30 = tpu.memref_squeeze %dma_wait3A_29 : memref<1x128xi32, #tpu.memory_space<vmem>> -> memref<128xi32, #tpu.memory_space<vmem>>
        %dma_wait3A_31 = arith.constant 0 : i32
        %dma_wait3A_32 = arith.constant 0 : i32
        %dma_wait3A_33 = tpu.memref_slice %arg8[%dma_wait3A_31, %dma_wait3A_32] : memref<10112x128xf32, #tpu.memory_space<vmem_shared>> -> memref<10112x128xf32, #tpu.memory_space<vmem_shared>>
        tpu.wait_indirect_dma semaphore(%run_scoped3A_23 : memref<!tpu.dma_semaphore, #tpu.memory_space<semaphore_mem>>) src(%arg7 : memref<128x128xf32, #tpu.memory_space<vmem>>) dst(%dma_wait3A_33 : memref<10112x128xf32, #tpu.memory_space<vmem_shared>>)
        tpu.yield
      }) : () -> ()
      %run_scoped3A_22 = arith.constant 1 : i32
      "tpu.region"() ({
        %run_scoped3A_23 = tpu.sem_alloc : memref<!tpu.dma_semaphore, #tpu.memory_space<semaphore_mem>>
        %dma_start3A = arith.constant 0 : i32
        %dma_start3A_24 = tpu.memref_slice %arg6[%run_scoped3A_22, %dma_start3A] : memref<2x128xi32, #tpu.memory_space<vmem>> -> memref<1x128xi32, #tpu.memory_space<vmem>>
        %dma_start3A_25 = tpu.memref_squeeze %dma_start3A_24 : memref<1x128xi32, #tpu.memory_space<vmem>> -> memref<128xi32, #tpu.memory_space<vmem>>
        %dma_start3A_26 = arith.constant 0 : i32
        %dma_start3A_27 = arith.constant 0 : i32
        %dma_start3A_28 = tpu.memref_slice %arg8[%dma_start3A_26, %dma_start3A_27] : memref<10112x128xf32, #tpu.memory_space<vmem_shared>> -> memref<10112x128xf32, #tpu.memory_space<vmem_shared>>
        tpu.enqueue_indirect_dma source(%arg7 : memref<128x128xf32, #tpu.memory_space<vmem>>) target(%dma_start3A_28 : memref<10112x128xf32, #tpu.memory_space<vmem_shared>>) offsets(%dma_start3A_25 : memref<128xi32, #tpu.memory_space<vmem>>) semaphore(%run_scoped3A_23 : memref<!tpu.dma_semaphore, #tpu.memory_space<semaphore_mem>>) {add = true}
        %dma_wait3A = arith.constant 0 : i32
        %dma_wait3A_29 = tpu.memref_slice %arg6[%run_scoped3A_22, %dma_wait3A] : memref<2x128xi32, #tpu.memory_space<vmem>> -> memref<1x128xi32, #tpu.memory_space<vmem>>
        %dma_wait3A_30 = tpu.memref_squeeze %dma_wait3A_29 : memref<1x128xi32, #tpu.memory_space<vmem>> -> memref<128xi32, #tpu.memory_space<vmem>>
        %dma_wait3A_31 = arith.constant 0 : i32
        %dma_wait3A_32 = arith.constant 0 : i32
        %dma_wait3A_33 = tpu.memref_slice %arg8[%dma_wait3A_31, %dma_wait3A_32] : memref<10112x128xf32, #tpu.memory_space<vmem_shared>> -> memref<10112x128xf32, #tpu.memory_space<vmem_shared>>
        tpu.wait_indirect_dma semaphore(%run_scoped3A_23 : memref<!tpu.dma_semaphore, #tpu.memory_space<semaphore_mem>>) src(%arg7 : memref<128x128xf32, #tpu.memory_space<vmem>>) dst(%dma_wait3A_33 : memref<10112x128xf32, #tpu.memory_space<vmem_shared>>)
        tpu.yield
      }) : () -> ()
    }
    %scan3A_8 = arith.constant 40 : i32
    %barrier3A_9 = arith.constant 0 : index
    tpu.barrier barrier_id(%barrier3A_9)
    %mul3A_10 = arith.constant 632 : i32
    %mul3A_11 = arith.muli %arg1, %mul3A_10 : i32
    %mul3A_12 = arith.constant 632 : i32
    %mul3A_13 = arith.muli %arg1, %mul3A_12 : i32
    "tpu.region"() ({
      %run_scoped3A = tpu.sem_alloc : memref<!tpu.dma_semaphore, #tpu.memory_space<semaphore_mem>>
      %dma_start3A = arith.constant 0 : i32
      %dma_start3A_14 = tpu.memref_slice %arg5[%arg0, %mul3A_13, %dma_start3A] : memref<2x10112x128xf32, #tpu.memory_space<hbm>> -> memref<1x632x128xf32, #tpu.memory_space<hbm>>
      %dma_start3A_15 = tpu.memref_squeeze %dma_start3A_14 : memref<1x632x128xf32, #tpu.memory_space<hbm>> -> memref<632x128xf32, #tpu.memory_space<hbm>>
      %dma_start3A_16 = arith.constant 0 : i32
      %dma_start3A_17 = tpu.memref_slice %arg8[%mul3A_11, %dma_start3A_16] : memref<10112x128xf32, #tpu.memory_space<vmem_shared>> -> memref<632x128xf32, #tpu.memory_space<vmem_shared>>
      tpu.enqueue_dma source(%dma_start3A_17 : memref<632x128xf32, #tpu.memory_space<vmem_shared>>) target(%dma_start3A_15 : memref<632x128xf32, #tpu.memory_space<hbm>>) target_semaphore(%run_scoped3A : memref<!tpu.dma_semaphore, #tpu.memory_space<semaphore_mem>>)
      %dma_wait3A = arith.constant 0 : i32
      %dma_wait3A_18 = tpu.memref_slice %arg5[%arg0, %mul3A_13, %dma_wait3A] : memref<2x10112x128xf32, #tpu.memory_space<hbm>> -> memref<1x632x128xf32, #tpu.memory_space<hbm>>
      %dma_wait3A_19 = tpu.memref_squeeze %dma_wait3A_18 : memref<1x632x128xf32, #tpu.memory_space<hbm>> -> memref<632x128xf32, #tpu.memory_space<hbm>>
      %dma_wait3A_20 = arith.constant 0 : i32
      %dma_wait3A_21 = tpu.memref_slice %arg8[%mul3A_11, %dma_wait3A_20] : memref<10112x128xf32, #tpu.memory_space<vmem_shared>> -> memref<632x128xf32, #tpu.memory_space<vmem_shared>>
      tpu.wait_dma2 semaphore(%run_scoped3A : memref<!tpu.dma_semaphore, #tpu.memory_space<semaphore_mem>>) src(%dma_wait3A_21 : memref<632x128xf32, #tpu.memory_space<vmem_shared>>) dst(%dma_wait3A_19 : memref<632x128xf32, #tpu.memory_space<hbm>>)
      tpu.yield
    }) : () -> ()
    return
  }
}

module attributes {stable_mosaic.version = 14 : i64} {
  func.func @body(%arg0: i32, %arg1: memref<2000x128xf32, #tpu.memory_space<vmem>>, %arg2: memref<128x128xf32, #tpu.memory_space<vmem>>, %arg3: memref<128x128xf32, #tpu.memory_space<vmem>>, %arg4: memref<1x128xf32, #tpu.memory_space<vmem>>, %arg5: memref<2000x128xf32, #tpu.memory_space<vmem>>, %arg6: memref<2000x128xf32, #tpu.memory_space<vmem>>) attributes {dimension_semantics = [#tpu.dimension_semantics<arbitrary>], iteration_bounds = array<i64: 5>, scalar_prefetch = 0 : i64, scratch_operands = 0 : i64, tpu.core_type = #tpu.core_type<tc>, window_params = [{transform_indices = @transform_0, window_bounds = array<i64: 2000, 128>}, {pipeline_mode = #tpu.pipeline_mode<synchronous>, transform_indices = @transform_1, window_bounds = array<i64: 128, 128>}, {pipeline_mode = #tpu.pipeline_mode<synchronous>, transform_indices = @transform_2, window_bounds = array<i64: 128, 128>}, {pipeline_mode = #tpu.pipeline_mode<synchronous>, transform_indices = @transform_3, window_bounds = array<i64: 1, 128>}, {transform_indices = @transform_4, window_bounds = array<i64: 2000, 128>}, {transform_indices = @transform_5, window_bounds = array<i64: 2000, 128>}]} {
    %get3A = arith.constant 0 : index
    %get3A_0 = arith.constant 0 : index
    %get3A_1 = vector.load %arg1[%get3A, %get3A_0] : memref<2000x128xf32, #tpu.memory_space<vmem>>, vector<2000x128xf32>
    %get3A_2 = arith.constant 0 : index
    %get3A_3 = arith.constant 0 : index
    %get3A_4 = vector.load %arg2[%get3A_2, %get3A_3] : memref<128x128xf32, #tpu.memory_space<vmem>>, vector<128x128xf32>
    %dot_general3A = arith.constant dense<0.000000e+00> : vector<2000x128xf32>
    %dot_general3A_5 = tpu.matmul %get3A_1, %get3A_4, %dot_general3A {dimension_numbers = #tpu.dot_dimension_numbers<[1], [0], [0], [1], [0, 0, 1, 1], [], []>, transpose_lhs_hint = false} : vector<2000x128xf32>, vector<128x128xf32>, vector<2000x128xf32> -> vector<2000x128xf32>
    %swap3A = arith.constant 0 : index
    %swap3A_6 = arith.constant 0 : index
    %swap3A_7 = vector.load %arg5[%swap3A, %swap3A_6] : memref<2000x128xf32, #tpu.memory_space<vmem>>, vector<2000x128xf32>
    tpu.vector_store %arg5[%swap3A, %swap3A_6], %dot_general3A_5 {strides = array<i32>} : memref<2000x128xf32, #tpu.memory_space<vmem>>, vector<2000x128xf32>,
    %get3A_8 = arith.constant 0 : index
    %get3A_9 = arith.constant 0 : index
    %get3A_10 = vector.load %arg3[%get3A_8, %get3A_9] : memref<128x128xf32, #tpu.memory_space<vmem>>, vector<128x128xf32>
    %dot_general3A_11 = arith.constant dense<0.000000e+00> : vector<2000x128xf32>
    %dot_general3A_12 = tpu.matmul %get3A_1, %get3A_10, %dot_general3A_11 {dimension_numbers = #tpu.dot_dimension_numbers<[1], [0], [0], [1], [0, 0, 1, 1], [], []>, transpose_lhs_hint = false} : vector<2000x128xf32>, vector<128x128xf32>, vector<2000x128xf32> -> vector<2000x128xf32>
    %get3A_13 = arith.constant 0 : index
    %get3A_14 = arith.constant 0 : index
    %get3A_15 = vector.load %arg4[%get3A_13, %get3A_14] : memref<1x128xf32, #tpu.memory_space<vmem>>, vector<1x128xf32>
    %add3A = vector.broadcast %get3A_15 : vector<1x128xf32> to vector<2000x128xf32>
    %add3A_16 = arith.addf %dot_general3A_12, %add3A : vector<2000x128xf32>
    %swap3A_17 = arith.constant 0 : index
    %swap3A_18 = arith.constant 0 : index
    %swap3A_19 = vector.load %arg6[%swap3A_17, %swap3A_18] : memref<2000x128xf32, #tpu.memory_space<vmem>>, vector<2000x128xf32>
    tpu.vector_store %arg6[%swap3A_17, %swap3A_18], %add3A_16 {strides = array<i32>} : memref<2000x128xf32, #tpu.memory_space<vmem>>, vector<2000x128xf32>,
    return
  }
  func.func @transform_0(%arg0: i32) -> (i32, i32) {
    %c0_i32 = arith.constant 0 : i32
    %c0_i32_0 = arith.constant 0 : i32
    return %arg0, %c0_i32 : i32, i32
  }
  func.func @transform_1(%arg0: i32) -> (i32, i32) {
    %c0_i32 = arith.constant 0 : i32
    %c0_i32_0 = arith.constant 0 : i32
    %c0_i32_1 = arith.constant 0 : i32
    return %c0_i32, %c0_i32_0 : i32, i32
  }
  func.func @transform_2(%arg0: i32) -> (i32, i32) {
    %c0_i32 = arith.constant 0 : i32
    %c0_i32_0 = arith.constant 0 : i32
    %c0_i32_1 = arith.constant 0 : i32
    return %c0_i32, %c0_i32_0 : i32, i32
  }
  func.func @transform_3(%arg0: i32) -> (i32, i32) {
    %c0_i32 = arith.constant 0 : i32
    %c0_i32_0 = arith.constant 0 : i32
    %c0_i32_1 = arith.constant 0 : i32
    return %c0_i32, %c0_i32_0 : i32, i32
  }
  func.func @transform_4(%arg0: i32) -> (i32, i32) {
    %c0_i32 = arith.constant 0 : i32
    %c0_i32_0 = arith.constant 0 : i32
    return %arg0, %c0_i32 : i32, i32
  }
  func.func @transform_5(%arg0: i32) -> (i32, i32) {
    %c0_i32 = arith.constant 0 : i32
    %c0_i32_0 = arith.constant 0 : i32
    return %arg0, %c0_i32 : i32, i32
  }
}

module attributes {stable_mosaic.version = 14 : i64} {
  func.func @body(%arg0: i32, %arg1: memref<2000x128xf32, #tpu.memory_space<vmem>>, %arg2: memref<2000x128xf32, #tpu.memory_space<vmem>>, %arg3: memref<2000x128xf32, #tpu.memory_space<vmem>>, %arg4: memref<2000x128xf32, #tpu.memory_space<vmem>>, %arg5: memref<2000x128xf32, #tpu.memory_space<vmem>>, %arg6: memref<128x128xf32, #tpu.memory_space<vmem>>, %arg7: memref<128x128xf32, #tpu.memory_space<vmem>>, %arg8: memref<1x128xf32, #tpu.memory_space<vmem>>, %arg9: memref<2000x128xf32, #tpu.memory_space<vmem>>, %arg10: memref<2000x128xf32, #tpu.memory_space<vmem>>) attributes {dimension_semantics = [#tpu.dimension_semantics<arbitrary>], iteration_bounds = array<i64: 5>, scalar_prefetch = 0 : i64, scratch_operands = 0 : i64, tpu.core_type = #tpu.core_type<tc>, window_params = [{transform_indices = @transform_0, window_bounds = array<i64: 2000, 128>}, {transform_indices = @transform_1, window_bounds = array<i64: 2000, 128>}, {transform_indices = @transform_2, window_bounds = array<i64: 2000, 128>}, {transform_indices = @transform_3, window_bounds = array<i64: 2000, 128>}, {transform_indices = @transform_4, window_bounds = array<i64: 2000, 128>}, {pipeline_mode = #tpu.pipeline_mode<synchronous>, transform_indices = @transform_5, window_bounds = array<i64: 128, 128>}, {pipeline_mode = #tpu.pipeline_mode<synchronous>, transform_indices = @transform_6, window_bounds = array<i64: 128, 128>}, {pipeline_mode = #tpu.pipeline_mode<synchronous>, transform_indices = @transform_7, window_bounds = array<i64: 1, 128>}, {transform_indices = @transform_8, window_bounds = array<i64: 2000, 128>}, {transform_indices = @transform_9, window_bounds = array<i64: 2000, 128>}]} {
    %get3A = arith.constant 0 : index
    %get3A_0 = arith.constant 0 : index
    %get3A_1 = vector.load %arg3[%get3A, %get3A_0] : memref<2000x128xf32, #tpu.memory_space<vmem>>, vector<2000x128xf32>
    %get3A_2 = arith.constant 0 : index
    %get3A_3 = arith.constant 0 : index
    %get3A_4 = vector.load %arg4[%get3A_2, %get3A_3] : memref<2000x128xf32, #tpu.memory_space<vmem>>, vector<2000x128xf32>
    %add3A = arith.addf %get3A_1, %get3A_4 : vector<2000x128xf32>
    %slice3A = vector.extract_strided_slice %add3A {offsets = [0, 0], sizes = [2000, 1], strides = [1, 1]} : vector<2000x128xf32> to vector<2000x1xf32>
    %max3A = arith.constant 1.000000e+00 : f32
    %max3A_5 = vector.broadcast %max3A : f32 to vector<2000x1xf32>
    %max3A_6 = arith.maximumf %slice3A, %max3A_5 : vector<2000x1xf32>
    %div3A = arith.constant 1.000000e+00 : f32
    %div3A_7 = vector.broadcast %div3A : f32 to vector<2000x1xf32>
    %div3A_8 = arith.divf %div3A_7, %max3A_6 : vector<2000x1xf32>
    %get3A_9 = arith.constant 0 : index
    %get3A_10 = arith.constant 0 : index
    %get3A_11 = vector.load %arg1[%get3A_9, %get3A_10] : memref<2000x128xf32, #tpu.memory_space<vmem>>, vector<2000x128xf32>
    %get3A_12 = arith.constant 0 : index
    %get3A_13 = arith.constant 0 : index
    %get3A_14 = vector.load %arg2[%get3A_12, %get3A_13] : memref<2000x128xf32, #tpu.memory_space<vmem>>, vector<2000x128xf32>
    %add3A_15 = arith.addf %get3A_11, %get3A_14 : vector<2000x128xf32>
    %mul3A = vector.broadcast %div3A_8 : vector<2000x1xf32> to vector<2000x128xf32>
    %mul3A_16 = arith.mulf %add3A_15, %mul3A : vector<2000x128xf32>
    %get3A_17 = arith.constant 0 : index
    %get3A_18 = arith.constant 0 : index
    %get3A_19 = vector.load %arg5[%get3A_17, %get3A_18] : memref<2000x128xf32, #tpu.memory_space<vmem>>, vector<2000x128xf32>
    %add3A_20 = arith.addf %mul3A_16, %get3A_19 : vector<2000x128xf32>
    %max3A_21 = arith.constant 0.000000e+00 : f32
    %max3A_22 = vector.broadcast %max3A_21 : f32 to vector<2000x128xf32>
    %max3A_23 = arith.maximumf %add3A_20, %max3A_22 : vector<2000x128xf32>
    %get3A_24 = arith.constant 0 : index
    %get3A_25 = arith.constant 0 : index
    %get3A_26 = vector.load %arg6[%get3A_24, %get3A_25] : memref<128x128xf32, #tpu.memory_space<vmem>>, vector<128x128xf32>
    %dot_general3A = arith.constant dense<0.000000e+00> : vector<2000x128xf32>
    %dot_general3A_27 = tpu.matmul %max3A_23, %get3A_26, %dot_general3A {dimension_numbers = #tpu.dot_dimension_numbers<[1], [0], [0], [1], [0, 0, 1, 1], [], []>, transpose_lhs_hint = false} : vector<2000x128xf32>, vector<128x128xf32>, vector<2000x128xf32> -> vector<2000x128xf32>
    %swap3A = arith.constant 0 : index
    %swap3A_28 = arith.constant 0 : index
    %swap3A_29 = vector.load %arg9[%swap3A, %swap3A_28] : memref<2000x128xf32, #tpu.memory_space<vmem>>, vector<2000x128xf32>
    tpu.vector_store %arg9[%swap3A, %swap3A_28], %dot_general3A_27 {strides = array<i32>} : memref<2000x128xf32, #tpu.memory_space<vmem>>, vector<2000x128xf32>,
    %get3A_30 = arith.constant 0 : index
    %get3A_31 = arith.constant 0 : index
    %get3A_32 = vector.load %arg7[%get3A_30, %get3A_31] : memref<128x128xf32, #tpu.memory_space<vmem>>, vector<128x128xf32>
    %dot_general3A_33 = arith.constant dense<0.000000e+00> : vector<2000x128xf32>
    %dot_general3A_34 = tpu.matmul %max3A_23, %get3A_32, %dot_general3A_33 {dimension_numbers = #tpu.dot_dimension_numbers<[1], [0], [0], [1], [0, 0, 1, 1], [], []>, transpose_lhs_hint = false} : vector<2000x128xf32>, vector<128x128xf32>, vector<2000x128xf32> -> vector<2000x128xf32>
    %get3A_35 = arith.constant 0 : index
    %get3A_36 = arith.constant 0 : index
    %get3A_37 = vector.load %arg8[%get3A_35, %get3A_36] : memref<1x128xf32, #tpu.memory_space<vmem>>, vector<1x128xf32>
    %add3A_38 = vector.broadcast %get3A_37 : vector<1x128xf32> to vector<2000x128xf32>
    %add3A_39 = arith.addf %dot_general3A_34, %add3A_38 : vector<2000x128xf32>
    %swap3A_40 = arith.constant 0 : index
    %swap3A_41 = arith.constant 0 : index
    %swap3A_42 = vector.load %arg10[%swap3A_40, %swap3A_41] : memref<2000x128xf32, #tpu.memory_space<vmem>>, vector<2000x128xf32>
    tpu.vector_store %arg10[%swap3A_40, %swap3A_41], %add3A_39 {strides = array<i32>} : memref<2000x128xf32, #tpu.memory_space<vmem>>, vector<2000x128xf32>,
    return
  }
  func.func @transform_0(%arg0: i32) -> (i32, i32) {
    %c0_i32 = arith.constant 0 : i32
    %c0_i32_0 = arith.constant 0 : i32
    return %arg0, %c0_i32 : i32, i32
  }
  func.func @transform_1(%arg0: i32) -> (i32, i32) {
    %c0_i32 = arith.constant 0 : i32
    %c0_i32_0 = arith.constant 0 : i32
    return %arg0, %c0_i32 : i32, i32
  }
  func.func @transform_2(%arg0: i32) -> (i32, i32) {
    %c0_i32 = arith.constant 0 : i32
    %c0_i32_0 = arith.constant 0 : i32
    return %arg0, %c0_i32 : i32, i32
  }
  func.func @transform_3(%arg0: i32) -> (i32, i32) {
    %c0_i32 = arith.constant 0 : i32
    %c0_i32_0 = arith.constant 0 : i32
    return %arg0, %c0_i32 : i32, i32
  }
  func.func @transform_4(%arg0: i32) -> (i32, i32) {
    %c0_i32 = arith.constant 0 : i32
    %c0_i32_0 = arith.constant 0 : i32
    return %arg0, %c0_i32 : i32, i32
  }
  func.func @transform_5(%arg0: i32) -> (i32, i32) {
    %c0_i32 = arith.constant 0 : i32
    %c0_i32_0 = arith.constant 0 : i32
    %c0_i32_1 = arith.constant 0 : i32
    return %c0_i32, %c0_i32_0 : i32, i32
  }
  func.func @transform_6(%arg0: i32) -> (i32, i32) {
    %c0_i32 = arith.constant 0 : i32
    %c0_i32_0 = arith.constant 0 : i32
    %c0_i32_1 = arith.constant 0 : i32
    return %c0_i32, %c0_i32_0 : i32, i32
  }
  func.func @transform_7(%arg0: i32) -> (i32, i32) {
    %c0_i32 = arith.constant 0 : i32
    %c0_i32_0 = arith.constant 0 : i32
    %c0_i32_1 = arith.constant 0 : i32
    return %c0_i32, %c0_i32_0 : i32, i32
  }
  func.func @transform_8(%arg0: i32) -> (i32, i32) {
    %c0_i32 = arith.constant 0 : i32
    %c0_i32_0 = arith.constant 0 : i32
    return %arg0, %c0_i32 : i32, i32
  }
  func.func @transform_9(%arg0: i32) -> (i32, i32) {
    %c0_i32 = arith.constant 0 : i32
    %c0_i32_0 = arith.constant 0 : i32
    return %arg0, %c0_i32 : i32, i32
  }
}

module attributes {stable_mosaic.version = 14 : i64} {
  func.func @body(%arg0: i32, %arg1: memref<2000x128xf32, #tpu.memory_space<vmem>>, %arg2: memref<2000x128xf32, #tpu.memory_space<vmem>>, %arg3: memref<2000x128xf32, #tpu.memory_space<vmem>>, %arg4: memref<2000x128xf32, #tpu.memory_space<vmem>>, %arg5: memref<2000x128xf32, #tpu.memory_space<vmem>>, %arg6: memref<2000x128xf32, #tpu.memory_space<vmem>>) attributes {dimension_semantics = [#tpu.dimension_semantics<arbitrary>], iteration_bounds = array<i64: 5>, scalar_prefetch = 0 : i64, scratch_operands = 0 : i64, tpu.core_type = #tpu.core_type<tc>, window_params = [{transform_indices = @transform_0, window_bounds = array<i64: 2000, 128>}, {transform_indices = @transform_1, window_bounds = array<i64: 2000, 128>}, {transform_indices = @transform_2, window_bounds = array<i64: 2000, 128>}, {transform_indices = @transform_3, window_bounds = array<i64: 2000, 128>}, {transform_indices = @transform_4, window_bounds = array<i64: 2000, 128>}, {transform_indices = @transform_5, window_bounds = array<i64: 2000, 128>}]} {
    %get3A = arith.constant 0 : index
    %get3A_0 = arith.constant 0 : index
    %get3A_1 = vector.load %arg3[%get3A, %get3A_0] : memref<2000x128xf32, #tpu.memory_space<vmem>>, vector<2000x128xf32>
    %get3A_2 = arith.constant 0 : index
    %get3A_3 = arith.constant 0 : index
    %get3A_4 = vector.load %arg4[%get3A_2, %get3A_3] : memref<2000x128xf32, #tpu.memory_space<vmem>>, vector<2000x128xf32>
    %add3A = arith.addf %get3A_1, %get3A_4 : vector<2000x128xf32>
    %slice3A = vector.extract_strided_slice %add3A {offsets = [0, 0], sizes = [2000, 1], strides = [1, 1]} : vector<2000x128xf32> to vector<2000x1xf32>
    %max3A = arith.constant 1.000000e+00 : f32
    %max3A_5 = vector.broadcast %max3A : f32 to vector<2000x1xf32>
    %max3A_6 = arith.maximumf %slice3A, %max3A_5 : vector<2000x1xf32>
    %div3A = arith.constant 1.000000e+00 : f32
    %div3A_7 = vector.broadcast %div3A : f32 to vector<2000x1xf32>
    %div3A_8 = arith.divf %div3A_7, %max3A_6 : vector<2000x1xf32>
    %get3A_9 = arith.constant 0 : index
    %get3A_10 = arith.constant 0 : index
    %get3A_11 = vector.load %arg1[%get3A_9, %get3A_10] : memref<2000x128xf32, #tpu.memory_space<vmem>>, vector<2000x128xf32>
    %get3A_12 = arith.constant 0 : index
    %get3A_13 = arith.constant 0 : index
    %get3A_14 = vector.load %arg2[%get3A_12, %get3A_13] : memref<2000x128xf32, #tpu.memory_space<vmem>>, vector<2000x128xf32>
    %add3A_15 = arith.addf %get3A_11, %get3A_14 : vector<2000x128xf32>
    %mul3A = vector.broadcast %div3A_8 : vector<2000x1xf32> to vector<2000x128xf32>
    %mul3A_16 = arith.mulf %add3A_15, %mul3A : vector<2000x128xf32>
    %get3A_17 = arith.constant 0 : index
    %get3A_18 = arith.constant 0 : index
    %get3A_19 = vector.load %arg5[%get3A_17, %get3A_18] : memref<2000x128xf32, #tpu.memory_space<vmem>>, vector<2000x128xf32>
    %add3A_20 = arith.addf %mul3A_16, %get3A_19 : vector<2000x128xf32>
    %swap3A = arith.constant 0 : index
    %swap3A_21 = arith.constant 0 : index
    %swap3A_22 = vector.load %arg6[%swap3A, %swap3A_21] : memref<2000x128xf32, #tpu.memory_space<vmem>>, vector<2000x128xf32>
    tpu.vector_store %arg6[%swap3A, %swap3A_21], %add3A_20 {strides = array<i32>} : memref<2000x128xf32, #tpu.memory_space<vmem>>, vector<2000x128xf32>,
    return
  }
  func.func @transform_0(%arg0: i32) -> (i32, i32) {
    %c0_i32 = arith.constant 0 : i32
    %c0_i32_0 = arith.constant 0 : i32
    return %arg0, %c0_i32 : i32, i32
  }
  func.func @transform_1(%arg0: i32) -> (i32, i32) {
    %c0_i32 = arith.constant 0 : i32
    %c0_i32_0 = arith.constant 0 : i32
    return %arg0, %c0_i32 : i32, i32
  }
  func.func @transform_2(%arg0: i32) -> (i32, i32) {
    %c0_i32 = arith.constant 0 : i32
    %c0_i32_0 = arith.constant 0 : i32
    return %arg0, %c0_i32 : i32, i32
  }
  func.func @transform_3(%arg0: i32) -> (i32, i32) {
    %c0_i32 = arith.constant 0 : i32
    %c0_i32_0 = arith.constant 0 : i32
    return %arg0, %c0_i32 : i32, i32
  }
  func.func @transform_4(%arg0: i32) -> (i32, i32) {
    %c0_i32 = arith.constant 0 : i32
    %c0_i32_0 = arith.constant 0 : i32
    return %arg0, %c0_i32 : i32, i32
  }
  func.func @transform_5(%arg0: i32) -> (i32, i32) {
    %c0_i32 = arith.constant 0 : i32
    %c0_i32_0 = arith.constant 0 : i32
    return %arg0, %c0_i32 : i32, i32
  }
}

</mosaic_0001>

<sc_bundles>
// kernel: kernel.10.cloned.1.call-start
scs
__scs_entry_jumppad:
0x0: {  	(pc) =	sbr.rel $0x88, $3  }
0x1: {  	(tag) =	ssettag $0x0;
	lr =	simm.s32 $0x1  }
0x2: {  	[smem:$0x3F96] =	sst lr;
	_ =	strace $0xD0000000  }
0x3: {  	_ = 	snop  }
0x4: {  	_ = 	snop  }
0x5: {  	_ = 	snop  }
0x6: {  	_ = 	snop  }
0x7: {  	_ = 	snop  }
__scs_overlays_trampoline_lowered:
0x8: {  	[smem:$0x3FA5] =	sst s0  }
0x9: {  	[smem:$0x3FA6] =	sst s1  }
0xa: {  	[smem:$0x3FA7] =	sst s2  }
0xb: {  	[smem:$0x3FA8] =	sst s3  }
0xc: {  	[smem:$0x3FA9] =	sst s4  }
0xd: {  	[smem:$0x3FAA] =	sst s5  }
0xe: {  	[smem:$0x3FAB] =	sst s6  }
0xf: {  	[smem:$0x3FAC] =	sst s7  }
0x10: {  	[smem:$0x3FAD] =	sst s8  }
0x11: {  	[smem:$0x3FAE] =	sst s9;
	s0 =	simm.s32 @!p0 $0x0  }
0x12: {  	s1 =	sld [smem:$0x3F94];
	s0 =	simm.s32 @p0 $0x1  }
0x13: {  	[smem:$0x3FAF] =	sst s0;
	s0 =	simm.s32 @!p1 $0x0  }
0x14: {  	s2 =	sld [smem:$0x3F93];
	s0 =	simm.s32 @p1 $0x1  }
0x15: {  	[smem:$0x3FB0] =	sst s0;
	s0 =	simm.s32 @!p2 $0x0  }
0x16: {  	s3 =	sld [smem:$0x3FDB];
	s0 =	simm.s32 @p2 $0x1  }
0x17: {  	s4 =	simm.s32 $0x1BF5;
	[smem:$0x3FB2] =	sst s0  }
0x18: {  	s0 =	sld [smem:$0x3F95];
	_ =	swait.ge [sflag:s4], $0x0  }
0x19: {  	s7 =	sld [smem:$0x3F96]  }
0x1a: {  	s8 =	sadd.s32 $0xFFFFE003, lr  }
0x1b: {  	s9 =	sadd.s32 $0xFFFFFEF7, lr;
	s5 =	simm.s32 $0xFFFFFFFF;
	p2 =	slt.u32 s8, $0xFFFFF086  }
0x1c: {  	p1 =	slt.u32 s9, $0xF7A;
	s5 =	simm.s32 @!p2 $0x0  }
0x1d: {  	s5 =	simm.s32 @p1 $0x1;
	p0 =	seq.s32 s7, s2  }
0x1e: {  	s7 =	smul.u32 @!p0 $0xF7A, s2;
	p2 =	seq.s32 @!p0 s5, $0x0  }
0x1f: {  	s9 =	smul.u32 $0xF7A, s1;
	s8 =	simm.s32 @!p0 $0x1BF5;
	p2 =	por !p2, p0  }
0x20: {  	[sflag:s8] =	ssyncset.s32 @!p0 $0xFFFFF086;
	s6 =	sadd.s32 @!p0 s3, s7;
	s7 =	simm.s32 @!p0 $0x108  }
0x21: {  	s3 =	sadd.s32 s3, s9;
	s6 =	sadd.s32 @!p0 $0x88, s6;
	s7 =	simm.s32 @p2 $0x1082  }
0x22: {  	[simem:s7], [sflag:s8] =	dma.local @!p0 [hbm:s6], $0xF7A  }
0x23: {  	s9 =	sor.u32 $0xD0000000, s2;
	s6 =	simm.s32 $0x108;
	_ =	swait.ge @!p0 [sflag:s8], $0x0  }
0x24: {  	s3 =	sadd.s32 $0x88, s3;
	s6 =	simm.s32 @!p1 $0x1082;
	[sflag:s4] =	ssyncset.s32 $0xFFFFF086  }
0x25: {  	[simem:s6], [sflag:s4] =	dma.local [hbm:s3], $0xF7A  }
0x26: {  	[smem:$0x3F96] =	sst s1;
	(tag) =	ssettag s2;
	_ =	strace s9  }
0x27: {  	s1 =	sld [smem:$0x3FA6]  }
0x28: {  	s2 =	sld [smem:$0x3FA7]  }
0x29: {  	s4 =	sld [smem:$0x3FA9]  }
0x2a: {  	p0 =	seq.s32 s5, $0x0;
	s5 =	sld [smem:$0x3FAA]  }
0x2b: {  	s6 =	sld [smem:$0x3FAB]  }
0x2c: {  	s7 =	sld [smem:$0x3FAC]  }
0x2d: {  	s3 =	simm.s32 $0x108;
	s8 =	sld [smem:$0x3FAD]  }
0x2e: {  	s3 =	simm.s32 @!p0 $0x1082;
	s9 =	sld [smem:$0x3FAE]  }
0x2f: {  	lr =	sadd.s32 s0, s3;
	s0 =	sld [smem:$0x3FA5]  }
0x30: {  	s3 =	sld [smem:$0x3FA8]  }
0x31: {  	[smem:$0x3FB1] =	sst s10  }
0x32: {  	s10 =	sld [smem:$0x3FAF];
	_ =	sdelay $0x3  }
0x33: {  	p0 =	seq.s32 s10, $0x1;
	s10 =	sld [smem:$0x3FB1];
	_ =	sdelay $0x3  }
0x34: {  	[smem:$0x3FB1] =	sst s10  }
0x35: {  	s10 =	sld [smem:$0x3FB0];
	_ =	sdelay $0x3  }
0x36: {  	p1 =	seq.s32 s10, $0x1;
	s10 =	sld [smem:$0x3FB1];
	_ =	sdelay $0x3  }
0x37: {  	[smem:$0x3FB1] =	sst s10  }
0x38: {  	s10 =	sld [smem:$0x3FB2]  }
0x39: {  	_ = 	snop;
	(pc) =	sbr.ind lr, $3  }
0x3a: {  	_ = 	snop  }
0x3b: {  	_ = 	snop  }
0x3c: {  	p2 =	seq.s32 s10, $0x1;
	s10 =	sld [smem:$0x3FB1]  }
0x3d: {  	_ =	shalt  }
0x3e: {  	_ =	shalt  }
0x3f: {  	_ =	shalt  }
0x40: {  	_ =	shalt  }
0x41: {  	_ =	shalt  }
0x42: {  	_ =	shalt  }
0x43: {  	_ =	shalt  }
0x44: {  	_ =	shalt  }
0x45: {  	_ =	shalt  }
0x46: {  	_ =	shalt  }
0x47: {  	_ =	shalt  }
0x48: {  	_ =	shalt  }
0x49: {  	_ =	shalt  }
0x4a: {  	_ =	shalt  }
0x4b: {  	_ =	shalt  }
0x4c: {  	_ =	shalt  }
0x4d: {  	_ =	shalt  }
0x4e: {  	_ =	shalt  }
0x4f: {  	_ =	shalt  }
0x50: {  	_ =	shalt  }
0x51: {  	_ =	shalt  }
0x52: {  	_ =	shalt  }
0x53: {  	_ =	shalt  }
0x54: {  	_ =	shalt  }
0x55: {  	_ =	shalt  }
0x56: {  	_ =	shalt  }
0x57: {  	_ =	shalt  }
0x58: {  	_ =	shalt  }
0x59: {  	_ =	shalt  }
0x5a: {  	_ =	shalt  }
0x5b: {  	_ =	shalt  }
0x5c: {  	_ =	shalt  }
0x5d: {  	_ =	shalt  }
0x5e: {  	_ =	shalt  }
0x5f: {  	_ =	shalt  }
0x60: {  	_ =	shalt  }
0x61: {  	_ =	shalt  }
0x62: {  	_ =	shalt  }
0x63: {  	_ =	shalt  }
0x64: {  	_ =	shalt  }
0x65: {  	_ =	shalt  }
0x66: {  	_ =	shalt  }
0x67: {  	_ =	shalt  }
0x68: {  	_ =	shalt  }
0x69: {  	_ =	shalt  }
0x6a: {  	_ =	shalt  }
0x6b: {  	_ =	shalt  }
0x6c: {  	_ =	shalt  }
0x6d: {  	_ =	shalt  }
0x6e: {  	_ =	shalt  }
0x6f: {  	_ =	shalt  }
0x70: {  	_ =	shalt  }
0x71: {  	_ =	shalt  }
0x72: {  	_ =	shalt  }
0x73: {  	_ =	shalt  }
0x74: {  	_ =	shalt  }
0x75: {  	_ =	shalt  }
0x76: {  	_ =	shalt  }
0x77: {  	_ =	shalt  }
0x78: {  	_ =	shalt  }
0x79: {  	_ =	shalt  }
0x7a: {  	_ =	shalt  }
0x7b: {  	_ =	shalt  }
0x7c: {  	_ =	shalt  }
0x7d: {  	_ =	shalt  }
0x7e: {  	_ =	shalt  }
0x7f: {  	_ =	shalt  }
0x80: {  	_ =	shalt  }
0x81: {  	_ =	shalt  }
0x82: {  	_ =	shalt  }
0x83: {  	_ =	shalt  }
0x84: {  	_ =	shalt  }
0x85: {  	_ =	shalt  }
0x86: {  	_ =	shalt  }
0x87: {  	_ =	shalt  }
.Lfunc_end0:
.L_simem_size_0:
called_computation_lowered:
.L_overlay_start_0:
0x88: {  	s2 =	sld [smem:$0x3FD9]  }
0x89: {  	s3 =	sld [smem:$0x3FFE];
	_ =	sdelay $0x1  }
0x8a: {  	s1 =	srdreg.scid  }
0x8b: {  	s0 =	sand.u32 $0x1, s1  }
0x8c: {  	s17 =	sshll.u32 s0, $0xA;
	s2 =	sadd.s32 s3, s2  }
0x8d: {  	s2 =	sadd.s32 s2, s17  }
0x8e: {  	[smem:$0x3FBD] =	sst s2  }
0x8f: {  	_ = 	snop  }
0x90: {  	(tm) =	ssettm $0x1  }
0x91: {  	s18 =	sld [smem:$0x3FFB];
	_ =	sdelay $0x3  }
0x92: {  	_ =	strace s18  }
0x93: {  	s2 =	sld [smem:$0x3FFC];
	_ =	sdelay $0x3  }
0x94: {  	_ =	strace s2  }
0x95: {  	s2 =	sld [smem:$0x3FFD];
	_ =	sdelay $0x3  }
0x96: {  	_ =	strace s2  }
0x97: {  	_ =	strace $0x8FFFFFFF  }
0x98: {  	s19 =	sld [smem:$0x3FDB];
	_ =	sdelay $0x1  }
0x99: {  	s20 =	simm.s32 $_scs_section_size  }
0x9a: {  	s4 =	simm.s32 $_size__tile_overlayer_lowered;
	s5 =	simm.s32 $_tile_overlayer_lowered  }
0x9b: {  	s6 =	simm.s32 $0x1BFF;
	s21 =	sshll.u32 s5, $0x1;
	s3 =	sadd.s32 s20, s19  }
0x9c: {  	s22 =	simm.s32 $0x0;
	s4 =	sshll.u32 s4, $0x1;
	s5 =	sadd.s32 s21, s3  }
0x9d: {  	[timem:s22], [sflag:s6] =	dma.local [hbm:s5], s4  }
0x9e: {  	_ =	swait.ge [sflag:s6], s4  }
0x9f: {  	s4 =	ssub.s32 $0x0, s4;
	[sflag:s6] =	ssyncset.done $0x0  }
0xa0: {  	[sflag:s6] =	ssyncadd.s32 s4;
	_ =	sdelay $0x1  }
0xa1: {  	s23 =	simm.s32 $0x1B8B  }
0xa2: {  	_ =	swait.ge [sflag:s23], $0x1  }
0xa3: {  	[sflag:s23] =	ssyncset.done $0x0  }
0xa4: {  	[sflag:s23] =	ssyncadd.s32 $0xFFFFFFFF  }
0xa5: {  	s4 =	sld [smem:$0x0]  }
0xa6: {  	s5 =	sand.u32 $0xFFFFFFFE, s1  }
0xa7: {  	p0 =	sne.s32 s1, s5  }
0xa8: {  	s5 =	sshll.u32 @p0 s5, $0xE  }
0xa9: {  	s5 =	sadd.s32 @p0 $0x11B8D, s5;
	s6 =	sshll.u32 @p0 s4, $0x11  }
0xaa: {  	s5 =	sor.u32 @p0 s6, s5  }
0xab: {  	[sflag:s5] =	ssyncadd.remote.s32 @p0 $0x1;
	_ =	sdelay $0x1  }
0xac: {  	s5 =	simm.s32 @p0 $0x1B8D  }
0xad: {  	_ =	swait.eq @p0 [sflag:s5], $0x1  }
0xae: {  	[sflag:s5] =	ssyncadd.s32 @p0 $0xFFFFFFFF  }
0xaf: {  	s6 =	sshll.u32 @!p0 s1, $0xE  }
0xb0: {  	s6 =	sor.u32 @!p0 $0x4000, s6;
	s5 =	simm.s32 @!p0 $0x1B8D  }
0xb1: {  	s4 =	sshll.u32 @!p0 s4, $0x11;
	s6 =	sadd.s32 @!p0 $0x11B8D, s6;
	_ =	swait.eq @!p0 [sflag:s5], $0x1  }
0xb2: {  	s4 =	sor.u32 @!p0 s4, s6;
	[sflag:s5] =	ssyncadd.s32 @!p0 $0xFFFFFFFF  }
0xb3: {  	s25 =	simm.s32 $0x1B8E;
	s24 =	sld [smem:$0x3FFE];
	[sflag:s4] =	ssyncadd.remote.s32 @!p0 $0x1  }
0xb4: {  	s26 =	simm.s32 $execute0_lowered;
	[smem:$0x3FD2] =	sst s25  }
0xb5: {  	s5 =	sshll.u32 s26, $0x1;
	_ =	strace $0x80000049;
	[dreg:$0x1] =	wrdreg $0xFFFFFFFF  }
0xb6: {  	s28 =	simm.s32 $_size_execute0_lowered;
	s3 =	sadd.s32 s3, s5;
	[dreg:$0x0] =	wrdreg $0x0  }
0xb7: {  	s5 =	sshll.u32 s28, $0x1;
	[dreg:$0x2] =	wrdreg s3  }
0xb8: {  	[dreg:$0x3] =	wrdreg s5  }
0xb9: {  	[dreg:$0x4] =	wrdreg $0xC0  }
0xba: {  	_ =	task [dreg:s22], $0x5FFFF  }
0xbb: {  	[dreg:$0x1] =	wrdreg $0xFFFFFFFF  }
0xbc: {  	[dreg:$0x0] =	wrdreg $0x60  }
0xbd: {  	[dreg:$0x2] =	wrdreg s24  }
0xbe: {  	[dreg:$0x3] =	wrdreg $0x41000  }
0xbf: {  	[dreg:$0x4] =	wrdreg $0x9  }
0xc0: {  	_ =	task.clear_ibuf [dreg:s22], $0x5FFFF;
	_ =	strace $0x90000049  }
0xc1: {  	s29 =	simm.s32 $0x9;
	_ =	strace $0x8000004B  }
0xc2: {  	_ =	swait.ge [sflag:s29], $0x1  }
0xc3: {  	[sflag:s29] =	ssyncadd.s32 $0xFFFFFFFF  }
0xc4: {  	_ =	strace $0x9000004B  }
0xc5: {  	_ =	sfence  }
0xc6: {  	s30 =	sld [smem:$0x0];
	_ =	sdelay $0x2  }
0xc7: {  	s31 =	sshll.u32 s1, $0xD;
	s1 =	sshrl.u32 s1, $0x2  }
0xc8: {  	s4 =	sand.u32 $0x4000, s31;
	s1 =	sadd.s32 s1, s30  }
0xc9: {  	s0 =	sor.u32 s4, s0;
	s1 =	sshll.u32 s1, $0x11  }
0xca: {  	s0 =	sor.u32 s1, s0  }
0xcb: {  	s0 =	sadd.s32 $0x8F2B, s0  }
0xcc: {  	[sflag:s0] =	ssyncadd.remote.s32 $0x1  }
0xcd: {  	_ =	sfence.sel $0xFFFF  }
0xce: {  	[dreg:$0x0] =	wrdreg $0xFFFFFFFF;
	(pc) =	sbr.abs _section_cstart, $3  }
0xcf: {  	[dreg:$0x1] =	wrdreg $0xFFFFFFFF  }
0xd0: {  	_ =	task.clear_ibuf [dreg:s22], $0x2FFFF;
	_ =	strace $0x9FFFFFFF  }
0xd1: {  	(tm) =	ssettm $0x7FFFFFFF  }
tec
execute0_lowered:
.L_overlay_start_1:
0x0: {  	(tag) =	ssettag $0x1  }
0x1: {  	s7 =	rddreg [dreg:$0x0]  }
0x2: {  	s1 =	rddreg [dreg:$0x1]  }
0x3: {  	s2 =	srdreg.scid;
	s0 =	rddreg [dreg:$0x2];
	s3 =	simm.s32 $0x0  }
0x4: {  	s14 =	simm.s32 $0x80;
	s8 =	sand.u32 $0x1, s2;
	s2 =	stileid.u32  }
0x5: {  	s15 =	simm.s32 $0x0;
	[smem:$0x7FF] =	sst s3;
	s6 =	smul.u32 $0x13C000, s8  }
0x6: {  	s4 =	sadd.s32 $0x4800, s7;
	s5 =	sadd.s32 $0x91200, s7;
	s9 =	smul.u32 $0x13C00, s2  }
0x7: {  	_ =	strace $0x8000004A;
	s10 =	ssub.s32 $0x2, s8;
	s11 =	smul.u32 $0x4F000, s2  }
0x8: {  	s30 =	smul.u32 $0x5000, s2;
	s31 =	sshll.u32 s2, $0x6;
	s28 =	sshrl.u32 s10, $0x1  }
0x9: {  	s13 =	smul.u32 $0x2800, s8;
	s6 =	sadd.s32 s9, s6;
	s10 =	ssub.s32 s10, s28  }
0xa: {  	s29 =	sshrl.u32 s11, $0x2;
	s9 =	sshrl.u32 s6, $0x3;
	s6 =	sadd.s32 $0x3FA00, s7  }
0xb: {  	s12 =	sadd.s32 s29, s1;
	s9 =	sadd.s32 s9, s7;
	s7 =	sor.u32 $0x1C01, s31  }
0xc: {  	s11 =	sshrl.u32 s12, $0x3;
	s12 =	simm.s32 $0x1;
	s8 =	sadd.s32 $0x91A00, s9  }
0xd: {  	s9 =	smax.u32 s10, $0x1;
	s10 =	sadd.s32 s13, s30;
	s13 =	simm.s32 $0x100  }
.LBB2_1:
0xe: {  	[spmem:s11], [sflag:s7] =	dma.local [hbm:s6], $0x2780  }
0xf: {  	_ =	swait.ge [sflag:s12], $0x2780  }
0x10: {  	[sflag:s12] =	ssyncset.done $0x0  }
0x11: {  	s16 =	sadd.s32 $0x0, s10;
	[sflag:s12] =	ssyncadd.s32 $0xFFFFD880  }
0x12: {  	[tilespmem:s13], [sflag:$0x1] =	stream.linear.gather [hbm4b:s5+s3], $0x4000, $0x38;
	[tilespmem:$0x17D00] =	vst v63  }
0x13: {  	s17 =	sand.u32 $0x300, s3;
	s16 =	sand.u32 $0xFFC00, s16;
	_ =	swait.ge [sflag:s12], $0x4000  }
0x14: {  	s16 =	sor.u32 s17, s16;
	[sflag:s12] =	ssyncset.done $0x0  }
0x15: {  	s16 =	sshrl.u32 s16, $0x3;
	[sflag:s12] =	ssyncadd.s32 $0xFFFFC000  }
0x16: {  	s16 =	sadd.s32 s4, s16;
	[bflag:$0x0] =	sbarrier.arrive $0xFFFF  }
0x17: {  	[tilespmem:s3], [sflag:$0x1] =	stream.linear.gather [hbm4b:s16+s3], $0x100, $0x38;
	[tilespmem:$0x17D00] =	vst v63  }
0x18: {  	_ =	swait.ge [sflag:s12], $0x100  }
0x19: {  	[sflag:s12] =	ssyncset.done $0x0  }
0x1a: {  	[sflag:s12] =	ssyncadd.s32 $0xFFFFFF00  }
0x1b: {  	[spmem:s1] =	stream.indirect.scatter.add.f32 [tilespmem:s13], [sflag:$0x1], $0x80, s3, s14, $0xb8;
	[tilespmem:$0x17D00] =	vst v63  }
0x1c: {  	_ =	swait.ge [sflag:s12], $0x4000  }
0x1d: {  	[sflag:s12] =	ssyncset.done $0x0  }
0x1e: {  	s30 =	simm.s32 $0x100;
	s31 =	sadd.s32 $0x100, s10;
	[sflag:s12] =	ssyncadd.s32 $0xFFFFC000  }
0x1f: {  	[spmem:s1] =	stream.indirect.scatter.add.f32 [tilespmem:s13], [sflag:$0x1], $0x80, s14, s14, $0xb8;
	[tilespmem:$0x17D00] =	vst v63  }
0x20: {  	s18 =	sand.u32 $0x300, s30;
	s17 =	sand.u32 $0xFFC00, s31;
	_ =	swait.ge [sflag:s12], $0x4000  }
0x21: {  	s17 =	sor.u32 s18, s17;
	s16 =	simm.s32 $0x200;
	[sflag:s12] =	ssyncset.done $0x0  }
.LBB2_2:
0x22: {  	s17 =	sshrl.u32 s17, $0x3  }
0x23: {  	[sflag:s12] =	ssyncadd.s32 $0xFFFFC000;
	s18 =	smov.u32 s16;
	s19 =	sadd.s32 $0x100, s16  }
0x24: {  	p0 =	sne.s32 s16, $0x2700;
	s16 =	sadd.s32 s4, s17  }
0x25: {  	[tilespmem:s3], [sflag:$0x1] =	stream.linear.gather [hbm4b:s16+s3], $0x100, $0x38;
	[tilespmem:$0x17D00] =	vst v63  }
0x26: {  	_ =	swait.ge [sflag:s12], $0x100  }
0x27: {  	[sflag:s12] =	ssyncset.done $0x0  }
0x28: {  	[sflag:s12] =	ssyncadd.s32 $0xFFFFFF00  }
0x29: {  	[spmem:s1] =	stream.indirect.scatter.add.f32 [tilespmem:s13], [sflag:$0x1], $0x80, s3, s14, $0xb8;
	[tilespmem:$0x17D00] =	vst v63  }
0x2a: {  	_ =	swait.ge [sflag:s12], $0x4000  }
.Ltmp0:
0x2b: {  	[sflag:s12] =	ssyncset.done $0x0;
	(pc) =	sbr.rel @p0 .LBB2_2-.Ltmp0, $4  }
0x2c: {  	s16 =	sadd.s32 s18, s10;
	[sflag:s12] =	ssyncadd.s32 $0xFFFFC000  }
0x2d: {  	[spmem:s1] =	stream.indirect.scatter.add.f32 [tilespmem:s13], [sflag:$0x1], $0x80, s14, s14, $0xb8;
	[tilespmem:$0x17D00] =	vst v63  }
0x2e: {  	s17 =	sand.u32 $0x300, s18;
	s16 =	sand.u32 $0xFFC00, s16;
	_ =	swait.ge [sflag:s12], $0x4000  }
0x2f: {  	s17 =	sor.u32 s17, s16;
	s16 =	smov.u32 s19;
	[sflag:s12] =	ssyncset.done $0x0  }
0x30: {  	s16 =	sshrl.u32 s17, $0x3  }
0x31: {  	[sflag:s12] =	ssyncadd.s32 $0xFFFFC000;
	s16 =	sadd.s32 s4, s16  }
0x32: {  	[tilespmem:s3], [sflag:$0x1] =	stream.linear.gather [hbm4b:s16+s3], $0x100, $0x38;
	[tilespmem:$0x17D00] =	vst v63  }
0x33: {  	_ =	swait.ge [sflag:s12], $0x100  }
0x34: {  	[sflag:s12] =	ssyncset.done $0x0  }
0x35: {  	[sflag:s12] =	ssyncadd.s32 $0xFFFFFF00  }
0x36: {  	[spmem:s1] =	stream.indirect.scatter.add.f32 [tilespmem:s13], [sflag:$0x1], $0x80, s3, s14, $0xb8;
	[tilespmem:$0x17D00] =	vst v63  }
0x37: {  	_ =	swait.ge [sflag:s12], $0x4000  }
0x38: {  	[sflag:s12] =	ssyncset.done $0x0  }
0x39: {  	[sflag:s12] =	ssyncadd.s32 $0xFFFFC000  }
0x3a: {  	[spmem:s1] =	stream.indirect.scatter.add.f32 [tilespmem:s13], [sflag:$0x1], $0x80, s14, s14, $0xb8;
	[tilespmem:$0x17D00] =	vst v63  }
0x3b: {  	_ =	swait.ge [sflag:s12], $0x4000  }
0x3c: {  	s15 =	sadd.s32 $0x1, s15;
	[sflag:s12] =	ssyncset.done $0x0  }
0x3d: {  	p0 =	sne.s32 s15, s9;
	[sflag:s12] =	ssyncadd.s32 $0xFFFFC000  }
.Ltmp1:
0x3e: {  	[bflag:$0x0] =	sbarrier.arrive $0xFFFF;
	(pc) =	sbr.rel @p0 .LBB2_1-.Ltmp1, $4  }
0x3f: {  	[hbm:s8], [sflag:s7] =	dma.local [spmem:s11], $0x2780  }
0x40: {  	_ =	swait.ge [sflag:s12], $0x2780  }
0x41: {  	[sflag:s12] =	ssyncset.done $0x0  }
0x42: {  	[sflag:s12] =	ssyncadd.s32 $0xFFFFD880  }
0x43: {  	_ =	sfence.sel $0x180000  }
0x44: {  	[bflag:$0x0] =	sbarrier.arrive $0xFFFF  }
0x45: {  	p0 =	sne.s32 s2, $0x0;
	_ =	strace $0x9000004A  }
0x46: {  	s0 =	sadd.s32 @!p0 $0x100000, s0;
	[bflag:$0x2] =	sbarrier.arrive $0xFFFF  }
0x47: {  	[sflag:s0] =	ssyncadd.tile.s32 @!p0 $0x1;
	_ =	shalt  }
.Lfunc_end2:
_tile_overlayer_lowered:
.L_overlay_start_2:
0x48: {  	(tag) =	ssettag $0x2  }
0x49: {  	s0 =	rddreg [dreg:$0x0];
	s2 =	stileid.u32  }
0x4a: {  	s1 =	rddreg [dreg:$0x1];
	p0 =	sne.s32 s2, $0x0  }
0x4b: {  	s3 =	rddreg [dreg:$0x2];
	[bflag:$0x3] =	sbarrier.arrive $0xFFFF;
	s2 =	simm.s32 @!p0 $0x1C01  }
0x4c: {  	[timem:s3], [sflag:s2] =	dma.local @!p0 [hbm:s0], s1  }
0x4d: {  	s0 =	simm.s32 @!p0 $0x1  }
0x4e: {  	_ =	swait.ge @!p0 [sflag:s0], s1  }
0x4f: {  	s1 =	ssub.s32 @!p0 $0x0, s1;
	[sflag:s0] =	ssyncset.done @!p0 $0x0  }
0x50: {  	[sflag:s0] =	ssyncadd.s32 @!p0 s1  }
0x51: {  	[bflag:$0x3] =	sbarrier.arrive $0xFFFF  }
0x52: {  	_ =	shalt  }

// kernel: kernel.13.cloned.1.call-start
scs
__scs_entry_jumppad:
0x0: {  	(pc) =	sbr.rel $0x88, $3  }
0x1: {  	(tag) =	ssettag $0x0;
	lr =	simm.s32 $0x1  }
0x2: {  	[smem:$0x3F96] =	sst lr;
	_ =	strace $0xD0000000  }
0x3: {  	_ = 	snop  }
0x4: {  	_ = 	snop  }
0x5: {  	_ = 	snop  }
0x6: {  	_ = 	snop  }
0x7: {  	_ = 	snop  }
__scs_overlays_trampoline_lowered:
0x8: {  	[smem:$0x3FA5] =	sst s0  }
0x9: {  	[smem:$0x3FA6] =	sst s1  }
0xa: {  	[smem:$0x3FA7] =	sst s2  }
0xb: {  	[smem:$0x3FA8] =	sst s3  }
0xc: {  	[smem:$0x3FA9] =	sst s4  }
0xd: {  	[smem:$0x3FAA] =	sst s5  }
0xe: {  	[smem:$0x3FAB] =	sst s6  }
0xf: {  	[smem:$0x3FAC] =	sst s7  }
0x10: {  	[smem:$0x3FAD] =	sst s8  }
0x11: {  	[smem:$0x3FAE] =	sst s9;
	s0 =	simm.s32 @!p0 $0x0  }
0x12: {  	s1 =	sld [smem:$0x3F94];
	s0 =	simm.s32 @p0 $0x1  }
0x13: {  	[smem:$0x3FAF] =	sst s0;
	s0 =	simm.s32 @!p1 $0x0  }
0x14: {  	s2 =	sld [smem:$0x3F93];
	s0 =	simm.s32 @p1 $0x1  }
0x15: {  	[smem:$0x3FB0] =	sst s0;
	s0 =	simm.s32 @!p2 $0x0  }
0x16: {  	s3 =	sld [smem:$0x3FDB];
	s0 =	simm.s32 @p2 $0x1  }
0x17: {  	s4 =	simm.s32 $0x1BF5;
	[smem:$0x3FB2] =	sst s0  }
0x18: {  	s0 =	sld [smem:$0x3F95];
	_ =	swait.ge [sflag:s4], $0x0  }
0x19: {  	s7 =	sld [smem:$0x3F96]  }
0x1a: {  	s8 =	sadd.s32 $0xFFFFE003, lr  }
0x1b: {  	s9 =	sadd.s32 $0xFFFFFEF7, lr;
	s5 =	simm.s32 $0xFFFFFFFF;
	p2 =	slt.u32 s8, $0xFFFFF086  }
0x1c: {  	p1 =	slt.u32 s9, $0xF7A;
	s5 =	simm.s32 @!p2 $0x0  }
0x1d: {  	s5 =	simm.s32 @p1 $0x1;
	p0 =	seq.s32 s7, s2  }
0x1e: {  	s7 =	smul.u32 @!p0 $0xF7A, s2;
	p2 =	seq.s32 @!p0 s5, $0x0  }
0x1f: {  	s9 =	smul.u32 $0xF7A, s1;
	s8 =	simm.s32 @!p0 $0x1BF5;
	p2 =	por !p2, p0  }
0x20: {  	[sflag:s8] =	ssyncset.s32 @!p0 $0xFFFFF086;
	s6 =	sadd.s32 @!p0 s3, s7;
	s7 =	simm.s32 @!p0 $0x108  }
0x21: {  	s3 =	sadd.s32 s3, s9;
	s6 =	sadd.s32 @!p0 $0x88, s6;
	s7 =	simm.s32 @p2 $0x1082  }
0x22: {  	[simem:s7], [sflag:s8] =	dma.local @!p0 [hbm:s6], $0xF7A  }
0x23: {  	s9 =	sor.u32 $0xD0000000, s2;
	s6 =	simm.s32 $0x108;
	_ =	swait.ge @!p0 [sflag:s8], $0x0  }
0x24: {  	s3 =	sadd.s32 $0x88, s3;
	s6 =	simm.s32 @!p1 $0x1082;
	[sflag:s4] =	ssyncset.s32 $0xFFFFF086  }
0x25: {  	[simem:s6], [sflag:s4] =	dma.local [hbm:s3], $0xF7A  }
0x26: {  	[smem:$0x3F96] =	sst s1;
	(tag) =	ssettag s2;
	_ =	strace s9  }
0x27: {  	s1 =	sld [smem:$0x3FA6]  }
0x28: {  	s2 =	sld [smem:$0x3FA7]  }
0x29: {  	s4 =	sld [smem:$0x3FA9]  }
0x2a: {  	p0 =	seq.s32 s5, $0x0;
	s5 =	sld [smem:$0x3FAA]  }
0x2b: {  	s6 =	sld [smem:$0x3FAB]  }
0x2c: {  	s7 =	sld [smem:$0x3FAC]  }
0x2d: {  	s3 =	simm.s32 $0x108;
	s8 =	sld [smem:$0x3FAD]  }
0x2e: {  	s3 =	simm.s32 @!p0 $0x1082;
	s9 =	sld [smem:$0x3FAE]  }
0x2f: {  	lr =	sadd.s32 s0, s3;
	s0 =	sld [smem:$0x3FA5]  }
0x30: {  	s3 =	sld [smem:$0x3FA8]  }
0x31: {  	[smem:$0x3FB1] =	sst s10  }
0x32: {  	s10 =	sld [smem:$0x3FAF];
	_ =	sdelay $0x3  }
0x33: {  	p0 =	seq.s32 s10, $0x1;
	s10 =	sld [smem:$0x3FB1];
	_ =	sdelay $0x3  }
0x34: {  	[smem:$0x3FB1] =	sst s10  }
0x35: {  	s10 =	sld [smem:$0x3FB0];
	_ =	sdelay $0x3  }
0x36: {  	p1 =	seq.s32 s10, $0x1;
	s10 =	sld [smem:$0x3FB1];
	_ =	sdelay $0x3  }
0x37: {  	[smem:$0x3FB1] =	sst s10  }
0x38: {  	s10 =	sld [smem:$0x3FB2]  }
0x39: {  	_ = 	snop;
	(pc) =	sbr.ind lr, $3  }
0x3a: {  	_ = 	snop  }
0x3b: {  	_ = 	snop  }
0x3c: {  	p2 =	seq.s32 s10, $0x1;
	s10 =	sld [smem:$0x3FB1]  }
0x3d: {  	_ =	shalt  }
0x3e: {  	_ =	shalt  }
0x3f: {  	_ =	shalt  }
0x40: {  	_ =	shalt  }
0x41: {  	_ =	shalt  }
0x42: {  	_ =	shalt  }
0x43: {  	_ =	shalt  }
0x44: {  	_ =	shalt  }
0x45: {  	_ =	shalt  }
0x46: {  	_ =	shalt  }
0x47: {  	_ =	shalt  }
0x48: {  	_ =	shalt  }
0x49: {  	_ =	shalt  }
0x4a: {  	_ =	shalt  }
0x4b: {  	_ =	shalt  }
0x4c: {  	_ =	shalt  }
0x4d: {  	_ =	shalt  }
0x4e: {  	_ =	shalt  }
0x4f: {  	_ =	shalt  }
0x50: {  	_ =	shalt  }
0x51: {  	_ =	shalt  }
0x52: {  	_ =	shalt  }
0x53: {  	_ =	shalt  }
0x54: {  	_ =	shalt  }
0x55: {  	_ =	shalt  }
0x56: {  	_ =	shalt  }
0x57: {  	_ =	shalt  }
0x58: {  	_ =	shalt  }
0x59: {  	_ =	shalt  }
0x5a: {  	_ =	shalt  }
0x5b: {  	_ =	shalt  }
0x5c: {  	_ =	shalt  }
0x5d: {  	_ =	shalt  }
0x5e: {  	_ =	shalt  }
0x5f: {  	_ =	shalt  }
0x60: {  	_ =	shalt  }
0x61: {  	_ =	shalt  }
0x62: {  	_ =	shalt  }
0x63: {  	_ =	shalt  }
0x64: {  	_ =	shalt  }
0x65: {  	_ =	shalt  }
0x66: {  	_ =	shalt  }
0x67: {  	_ =	shalt  }
0x68: {  	_ =	shalt  }
0x69: {  	_ =	shalt  }
0x6a: {  	_ =	shalt  }
0x6b: {  	_ =	shalt  }
0x6c: {  	_ =	shalt  }
0x6d: {  	_ =	shalt  }
0x6e: {  	_ =	shalt  }
0x6f: {  	_ =	shalt  }
0x70: {  	_ =	shalt  }
0x71: {  	_ =	shalt  }
0x72: {  	_ =	shalt  }
0x73: {  	_ =	shalt  }
0x74: {  	_ =	shalt  }
0x75: {  	_ =	shalt  }
0x76: {  	_ =	shalt  }
0x77: {  	_ =	shalt  }
0x78: {  	_ =	shalt  }
0x79: {  	_ =	shalt  }
0x7a: {  	_ =	shalt  }
0x7b: {  	_ =	shalt  }
0x7c: {  	_ =	shalt  }
0x7d: {  	_ =	shalt  }
0x7e: {  	_ =	shalt  }
0x7f: {  	_ =	shalt  }
0x80: {  	_ =	shalt  }
0x81: {  	_ =	shalt  }
0x82: {  	_ =	shalt  }
0x83: {  	_ =	shalt  }
0x84: {  	_ =	shalt  }
0x85: {  	_ =	shalt  }
0x86: {  	_ =	shalt  }
0x87: {  	_ =	shalt  }
.Lfunc_end0:
.L_simem_size_0:
called_computation.1_lowered:
.L_overlay_start_0:
0x88: {  	s2 =	sld [smem:$0x3FD9]  }
0x89: {  	s3 =	sld [smem:$0x3FFE];
	_ =	sdelay $0x1  }
0x8a: {  	s1 =	srdreg.scid  }
0x8b: {  	s0 =	sand.u32 $0x1, s1  }
0x8c: {  	s17 =	sshll.u32 s0, $0xA;
	s2 =	sadd.s32 s3, s2  }
0x8d: {  	s2 =	sadd.s32 s2, s17  }
0x8e: {  	[smem:$0x3FBD] =	sst s2  }
0x8f: {  	_ = 	snop  }
0x90: {  	s2 =	sld [smem:$0x3FD0];
	(tm) =	ssettm $0x1  }
0x91: {  	s18 =	sld [smem:$0x3FFB];
	_ =	sdelay $0x3  }
0x92: {  	_ =	strace s18  }
0x93: {  	s3 =	sld [smem:$0x3FFC];
	_ =	sdelay $0x3  }
0x94: {  	_ =	strace s3  }
0x95: {  	s3 =	sld [smem:$0x3FFD];
	_ =	sdelay $0x3  }
0x96: {  	_ =	strace s3  }
0x97: {  	_ =	strace $0x8FFFFFFF  }
0x98: {  	s19 =	sld [smem:$0x3FDB];
	_ =	sdelay $0x1  }
0x99: {  	s4 =	simm.s32 $_scs_section_size  }
0x9a: {  	s5 =	simm.s32 $_size__tile_overlayer_lowered;
	s6 =	simm.s32 $_tile_overlayer_lowered  }
0x9b: {  	s22 =	simm.s32 $0x1BFF;
	s21 =	sshll.u32 s6, $0x1;
	s3 =	sadd.s32 s4, s19  }
0x9c: {  	s7 =	simm.s32 $0x0;
	s20 =	sshll.u32 s5, $0x1;
	s5 =	sadd.s32 s21, s3  }
0x9d: {  	[timem:s7], [sflag:s22] =	dma.local [hbm:s5], s20  }
0x9e: {  	_ =	swait.ge [sflag:s22], s20  }
0x9f: {  	s4 =	ssub.s32 $0x0, s20;
	[sflag:s22] =	ssyncset.done $0x0  }
0xa0: {  	[sflag:s22] =	ssyncadd.s32 s4;
	_ =	sdelay $0x1  }
0xa1: {  	s23 =	simm.s32 $0x1B8B  }
0xa2: {  	_ =	swait.ge [sflag:s23], $0x1  }
0xa3: {  	[sflag:s23] =	ssyncset.done $0x0  }
0xa4: {  	s25 =	simm.s32 $0x1B8E;
	s24 =	sld [smem:$0x3FFE];
	[sflag:s23] =	ssyncadd.s32 $0xFFFFFFFF  }
0xa5: {  	s26 =	simm.s32 $execute0_lowered;
	[smem:$0x3FD2] =	sst s25  }
0xa6: {  	s5 =	sshll.u32 s26, $0x1;
	_ =	strace $0x80000046;
	[dreg:$0x1] =	wrdreg $0xFFFFFFFF  }
0xa7: {  	s28 =	simm.s32 $_size_execute0_lowered;
	s3 =	sadd.s32 s3, s5;
	[dreg:$0x0] =	wrdreg $0x0  }
0xa8: {  	s5 =	sshll.u32 s28, $0x1;
	[dreg:$0x2] =	wrdreg s3  }
0xa9: {  	[dreg:$0x3] =	wrdreg s5  }
0xaa: {  	[dreg:$0x4] =	wrdreg $0xC0  }
0xab: {  	_ =	task [dreg:s7], $0x5FFFF  }
0xac: {  	[dreg:$0x1] =	wrdreg $0xFFFFFFFF  }
0xad: {  	[dreg:$0x0] =	wrdreg $0x60  }
0xae: {  	[dreg:$0x2] =	wrdreg s2  }
0xaf: {  	[dreg:$0x3] =	wrdreg s24  }
0xb0: {  	[dreg:$0x4] =	wrdreg $0x90000  }
0xb1: {  	[dreg:$0x5] =	wrdreg $0xA  }
0xb2: {  	_ =	task.clear_ibuf [dreg:s7], $0x6FFFF;
	_ =	strace $0x90000046  }
0xb3: {  	s29 =	simm.s32 $0xA;
	_ =	strace $0x80000048  }
0xb4: {  	_ =	swait.ge [sflag:s29], $0x1  }
0xb5: {  	[sflag:s29] =	ssyncadd.s32 $0xFFFFFFFF  }
0xb6: {  	_ =	strace $0x90000048  }
0xb7: {  	_ =	sfence  }
0xb8: {  	s30 =	sld [smem:$0x0];
	_ =	sdelay $0x2  }
0xb9: {  	s31 =	sshll.u32 s1, $0xD;
	s1 =	sshrl.u32 s1, $0x2  }
0xba: {  	s3 =	sand.u32 $0x4000, s31;
	s1 =	sadd.s32 s1, s30  }
0xbb: {  	s0 =	sor.u32 s3, s0;
	s1 =	sshll.u32 s1, $0x11  }
0xbc: {  	s0 =	sor.u32 s1, s0  }
0xbd: {  	s0 =	sadd.s32 $0x8F2B, s0  }
0xbe: {  	[sflag:s0] =	ssyncadd.remote.s32 $0x1  }
0xbf: {  	_ =	sfence.sel $0xFFFF  }
0xc0: {  	[dreg:$0x0] =	wrdreg $0xFFFFFFFF;
	(pc) =	sbr.abs _section_cstart, $3  }
0xc1: {  	[dreg:$0x1] =	wrdreg $0xFFFFFFFF  }
0xc2: {  	_ =	task.clear_ibuf [dreg:s7], $0x2FFFF;
	_ =	strace $0x9FFFFFFF  }
0xc3: {  	(tm) =	ssettm $0x7FFFFFFF  }
tec
execute0_lowered:
.L_overlay_start_1:
0x0: {  	(tag) =	ssettag $0x1  }
0x1: {  	s2 =	rddreg [dreg:$0x0]  }
0x2: {  	s0 =	srdreg.scid;
	s6 =	rddreg [dreg:$0x1]  }
0x3: {  	s9 =	stileid.u32;
	s3 =	rddreg [dreg:$0x2]  }
0x4: {  	s4 =	simm.s32 $0x0;
	s14 =	simm.s32 $0x100;
	s15 =	simm.s32 $0x880  }
0x5: {  	s17 =	simm.s32 $0x180;
	s18 =	simm.s32 $0x900;
	[smem:$0x7FF] =	sst s4  }
0x6: {  	s19 =	simm.s32 $0x200;
	_ =	strace $0x80000047;
	[dreg:$0x6] =	wrdreg s14  }
0x7: {  	s20 =	simm.s32 $0x980;
	s21 =	simm.s32 $0x280;
	[dreg:$0x7] =	wrdreg s15  }
0x8: {  	s22 =	simm.s32 $0xA00;
	s23 =	simm.s32 $0x300;
	[dreg:$0x8] =	wrdreg s17  }
0x9: {  	s24 =	simm.s32 $0xA80;
	s25 =	simm.s32 $0x380;
	[dreg:$0x9] =	wrdreg s18  }
0xa: {  	s26 =	simm.s32 $0xB00;
	s28 =	simm.s32 $0x680;
	[dreg:$0xa] =	wrdreg s19  }
0xb: {  	s29 =	simm.s32 $0xE00;
	s30 =	simm.s32 $0x700;
	[dreg:$0xb] =	wrdreg s20  }
0xc: {  	s31 =	simm.s32 $0xE80;
	s1 =	smul.u32 $0x5000, s9;
	[dreg:$0xc] =	wrdreg s21  }
0xd: {  	s0 =	sand.u32 $0x1, s0;
	s8 =	smul.u32 $0x13C00, s9;
	[dreg:$0xd] =	wrdreg s22  }
0xe: {  	s11 =	smul.u32 $0x4F000, s9;
	s16 =	sshll.u32 s9, $0x6;
	[dreg:$0xe] =	wrdreg s23  }
0xf: {  	s9 =	simm.s32 $0x0;
	s5 =	smul.u32 $0x2800, s0;
	[dreg:$0xf] =	wrdreg s24  }
0x10: {  	s7 =	smul.u32 $0x13C000, s0;
	s0 =	ssub.s32 $0x2, s0;
	[dreg:$0x10] =	wrdreg s25  }
0x11: {  	s14 =	simm.s32 $0x5000;
	s15 =	simm.s32 $0x1;
	[dreg:$0x11] =	wrdreg s26  }
0x12: {  	s17 =	simm.s32 $0x400;
	s18 =	simm.s32 $0xB80;
	s19 =	simm.s32 $0x480  }
0x13: {  	s20 =	simm.s32 $0xC00;
	s21 =	simm.s32 $0x500;
	s22 =	simm.s32 $0xC80  }
0x14: {  	s23 =	simm.s32 $0x580;
	s24 =	simm.s32 $0xD00;
	s25 =	simm.s32 $0x600  }
0x15: {  	s26 =	simm.s32 $0xD80;
	s10 =	sshrl.u32 s0, $0x1;
	s13 =	sshrl.u32 s11, $0x2  }
0x16: {  	s11 =	simm.s32 $0x800;
	s1 =	sadd.s32 s5, s1;
	s7 =	sadd.s32 s8, s7  }
0x17: {  	s8 =	sadd.s32 $0x3FA00, s6;
	s0 =	ssub.s32 s0, s10;
	s10 =	simm.s32 $0x3  }
0x18: {  	s1 =	sshrl.u32 s1, $0x3;
	s5 =	sshrl.u32 s7, $0x3;
	[dreg:$0x12] =	wrdreg s8  }
0x19: {  	s7 =	sor.u32 $0x1C03, s16;
	s0 =	smax.u32 s0, $0x1;
	s16 =	simm.s32 $0x2  }
0x1a: {  	s1 =	sadd.s32 s1, s6;
	s5 =	sadd.s32 s5, s6;
	[dreg:$0x15] =	wrdreg s0  }
0x1b: {  	s6 =	sadd.s32 s13, s3;
	[dreg:$0x13] =	wrdreg s7;
	s12 =	sadd.s32 $0x4800, s1  }
0x1c: {  	s13 =	simm.s32 $0x1000;
	s1 =	sadd.s32 $0xE800, s1;
	[dreg:$0x4] =	wrdreg s12  }
0x1d: {  	s0 =	simm.s32 $0xF00;
	s5 =	sadd.s32 $0x42200, s5;
	[dreg:$0x5] =	wrdreg s1  }
0x1e: {  	s8 =	sshrl.u32 s6, $0x3;
	[dreg:$0x14] =	wrdreg s5;
	s12 =	simm.s32 $0x80  }
0x1f: {  	s1 =	simm.s32 $0x780;
	s5 =	simm.s32 $0xF80;
	[dreg:$0x16] =	wrdreg s8  }
.LBB2_1:
0x20: {  	[dreg:$0x17] =	wrdreg s9  }
0x21: {  	s6 =	rddreg [dreg:$0x12]  }
0x22: {  	[spmem:s8], [sflag:s7] =	dma.local [hbm:s6], $0x2780  }
0x23: {  	_ =	swait.ge [sflag:s10], $0x2780  }
0x24: {  	[sflag:s10] =	ssyncset.done $0x0  }
0x25: {  	[sflag:s10] =	ssyncadd.s32 $0xFFFFD880  }
0x26: {  	[bflag:$0x0] =	sbarrier.arrive $0xFFFF  }
0x27: {  	s8 =	rddreg [dreg:$0x5]  }
0x28: {  	s6 =	sadd.s32 $0x0, s8  }
0x29: {  	[tilespmem:s4], [sflag:$0x3] =	stream.linear.gather [hbm4b:s6+s4], $0x800, $0x38;
	[tilespmem:$0x1CC00] =	vst v63  }
0x2a: {  	_ =	swait.ge [sflag:s10], $0x800  }
0x2b: {  	s9 =	rddreg [dreg:$0x4];
	[sflag:s10] =	ssyncset.done $0x0  }
0x2c: {  	[sflag:s10] =	ssyncadd.s32 $0xFFFFF800;
	s6 =	sadd.s32 $0x0, s9  }
0x2d: {  	[tilespmem:s11], [sflag:$0x3] =	stream.linear.gather [hbm4b:s6+s4], $0x800, $0x38;
	[tilespmem:$0x1CC00] =	vst v63  }
0x2e: {  	_ =	swait.ge [sflag:s10], $0x800  }
0x2f: {  	[sflag:s10] =	ssyncset.done $0x0  }
0x30: {  	[sflag:s10] =	ssyncadd.s32 $0xFFFFF800  }
0x31: {  	[tilespmem:s13], [sflag:$0x1] =	stream.indirect.gather [hbm4b:s2+s12], $0x80, s4, s12, $0xb8;
	[tilespmem:$0x1CC00] =	vst v63  }
0x32: {  	_ = 	snop  }
0x33: {  	[tilespmem:s14], [sflag:$0x2] =	stream.indirect.gather [hbm4b:s2+s12], $0x80, s12, s12, $0xb8;
	[tilespmem:$0x1CC00] =	vst v63  }
0x34: {  	_ =	swait.ge [sflag:s15], $0x4000  }
0x35: {  	[sflag:s15] =	ssyncset.done $0x0  }
0x36: {  	[sflag:s15] =	ssyncadd.s32 $0xFFFFC000  }
0x37: {  	[spmem:s3] =	stream.indirect.scatter.add.f32 [tilespmem:s13], [sflag:$0x3], $0x80, s11, s12, $0xb8;
	[tilespmem:$0x1CC00] =	vst v63  }
0x38: {  	_ =	swait.ge [sflag:s10], $0x4000  }
0x39: {  	[sflag:s10] =	ssyncset.done $0x0  }
0x3a: {  	s7 =	rddreg [dreg:$0x6];
	[sflag:s10] =	ssyncadd.s32 $0xFFFFC000  }
0x3b: {  	[tilespmem:s13], [sflag:$0x1] =	stream.indirect.gather [hbm4b:s2+s12], $0x80, s7, s12, $0xb8;
	[tilespmem:$0x1CC00] =	vst v63  }
0x3c: {  	_ =	swait.ge [sflag:s16], $0x4000  }
0x3d: {  	[sflag:s16] =	ssyncset.done $0x0  }
0x3e: {  	s8 =	rddreg [dreg:$0x7];
	[sflag:s16] =	ssyncadd.s32 $0xFFFFC000  }
0x3f: {  	[spmem:s3] =	stream.indirect.scatter.add.f32 [tilespmem:s14], [sflag:$0x3], $0x80, s8, s12, $0xb8;
	[tilespmem:$0x1CC00] =	vst v63  }
0x40: {  	_ =	swait.ge [sflag:s10], $0x4000  }
0x41: {  	[sflag:s10] =	ssyncset.done $0x0  }
0x42: {  	s9 =	rddreg [dreg:$0x8];
	[sflag:s10] =	ssyncadd.s32 $0xFFFFC000  }
0x43: {  	[tilespmem:s14], [sflag:$0x2] =	stream.indirect.gather [hbm4b:s2+s12], $0x80, s9, s12, $0xb8;
	[tilespmem:$0x1CC00] =	vst v63  }
0x44: {  	_ =	swait.ge [sflag:s15], $0x4000  }
0x45: {  	[sflag:s15] =	ssyncset.done $0x0  }
0x46: {  	s7 =	rddreg [dreg:$0x9];
	[sflag:s15] =	ssyncadd.s32 $0xFFFFC000  }
0x47: {  	[spmem:s3] =	stream.indirect.scatter.add.f32 [tilespmem:s13], [sflag:$0x3], $0x80, s7, s12, $0xb8;
	[tilespmem:$0x1CC00] =	vst v63  }
0x48: {  	_ =	swait.ge [sflag:s10], $0x4000  }
0x49: {  	[sflag:s10] =	ssyncset.done $0x0  }
0x4a: {  	s8 =	rddreg [dreg:$0xa];
	[sflag:s10] =	ssyncadd.s32 $0xFFFFC000  }
0x4b: {  	[tilespmem:s13], [sflag:$0x1] =	stream.indirect.gather [hbm4b:s2+s12], $0x80, s8, s12, $0xb8;
	[tilespmem:$0x1CC00] =	vst v63  }
0x4c: {  	_ =	swait.ge [sflag:s16], $0x4000  }
0x4d: {  	[sflag:s16] =	ssyncset.done $0x0  }
0x4e: {  	s9 =	rddreg [dreg:$0xb];
	[sflag:s16] =	ssyncadd.s32 $0xFFFFC000  }
0x4f: {  	[spmem:s3] =	stream.indirect.scatter.add.f32 [tilespmem:s14], [sflag:$0x3], $0x80, s9, s12, $0xb8;
	[tilespmem:$0x1CC00] =	vst v63  }
0x50: {  	_ =	swait.ge [sflag:s10], $0x4000  }
0x51: {  	[sflag:s10] =	ssyncset.done $0x0  }
0x52: {  	s7 =	rddreg [dreg:$0xc];
	[sflag:s10] =	ssyncadd.s32 $0xFFFFC000  }
0x53: {  	[tilespmem:s14], [sflag:$0x2] =	stream.indirect.gather [hbm4b:s2+s12], $0x80, s7, s12, $0xb8;
	[tilespmem:$0x1CC00] =	vst v63  }
0x54: {  	_ =	swait.ge [sflag:s15], $0x4000  }
0x55: {  	[sflag:s15] =	ssyncset.done $0x0  }
0x56: {  	s8 =	rddreg [dreg:$0xd];
	[sflag:s15] =	ssyncadd.s32 $0xFFFFC000  }
0x57: {  	[spmem:s3] =	stream.indirect.scatter.add.f32 [tilespmem:s13], [sflag:$0x3], $0x80, s8, s12, $0xb8;
	[tilespmem:$0x1CC00] =	vst v63  }
0x58: {  	_ =	swait.ge [sflag:s10], $0x4000  }
0x59: {  	[sflag:s10] =	ssyncset.done $0x0  }
0x5a: {  	s9 =	rddreg [dreg:$0xe];
	[sflag:s10] =	ssyncadd.s32 $0xFFFFC000  }
0x5b: {  	[tilespmem:s13], [sflag:$0x1] =	stream.indirect.gather [hbm4b:s2+s12], $0x80, s9, s12, $0xb8;
	[tilespmem:$0x1CC00] =	vst v63  }
0x5c: {  	_ =	swait.ge [sflag:s16], $0x4000  }
0x5d: {  	[sflag:s16] =	ssyncset.done $0x0  }
0x5e: {  	s7 =	rddreg [dreg:$0xf];
	[sflag:s16] =	ssyncadd.s32 $0xFFFFC000  }
0x5f: {  	[spmem:s3] =	stream.indirect.scatter.add.f32 [tilespmem:s14], [sflag:$0x3], $0x80, s7, s12, $0xb8;
	[tilespmem:$0x1CC00] =	vst v63  }
0x60: {  	_ =	swait.ge [sflag:s10], $0x4000  }
0x61: {  	[sflag:s10] =	ssyncset.done $0x0  }
0x62: {  	s8 =	rddreg [dreg:$0x10];
	[sflag:s10] =	ssyncadd.s32 $0xFFFFC000  }
0x63: {  	[tilespmem:s14], [sflag:$0x2] =	stream.indirect.gather [hbm4b:s2+s12], $0x80, s8, s12, $0xb8;
	[tilespmem:$0x1CC00] =	vst v63  }
0x64: {  	_ =	swait.ge [sflag:s15], $0x4000  }
0x65: {  	[sflag:s15] =	ssyncset.done $0x0  }
0x66: {  	s9 =	rddreg [dreg:$0x11];
	[sflag:s15] =	ssyncadd.s32 $0xFFFFC000  }
0x67: {  	[spmem:s3] =	stream.indirect.scatter.add.f32 [tilespmem:s13], [sflag:$0x3], $0x80, s9, s12, $0xb8;
	[tilespmem:$0x1CC00] =	vst v63  }
0x68: {  	_ =	swait.ge [sflag:s10], $0x4000  }
0x69: {  	[sflag:s10] =	ssyncset.done $0x0  }
0x6a: {  	[sflag:s10] =	ssyncadd.s32 $0xFFFFC000  }
0x6b: {  	[tilespmem:s13], [sflag:$0x1] =	stream.indirect.gather [hbm4b:s2+s12], $0x80, s17, s12, $0xb8;
	[tilespmem:$0x1CC00] =	vst v63  }
0x6c: {  	_ =	swait.ge [sflag:s16], $0x4000  }
0x6d: {  	[sflag:s16] =	ssyncset.done $0x0  }
0x6e: {  	[sflag:s16] =	ssyncadd.s32 $0xFFFFC000  }
0x6f: {  	[spmem:s3] =	stream.indirect.scatter.add.f32 [tilespmem:s14], [sflag:$0x3], $0x80, s18, s12, $0xb8;
	[tilespmem:$0x1CC00] =	vst v63  }
0x70: {  	_ =	swait.ge [sflag:s10], $0x4000  }
0x71: {  	[sflag:s10] =	ssyncset.done $0x0  }
0x72: {  	[sflag:s10] =	ssyncadd.s32 $0xFFFFC000  }
0x73: {  	[tilespmem:s14], [sflag:$0x2] =	stream.indirect.gather [hbm4b:s2+s12], $0x80, s19, s12, $0xb8;
	[tilespmem:$0x1CC00] =	vst v63  }
0x74: {  	_ =	swait.ge [sflag:s15], $0x4000  }
0x75: {  	[sflag:s15] =	ssyncset.done $0x0  }
0x76: {  	[sflag:s15] =	ssyncadd.s32 $0xFFFFC000  }
0x77: {  	[spmem:s3] =	stream.indirect.scatter.add.f32 [tilespmem:s13], [sflag:$0x3], $0x80, s20, s12, $0xb8;
	[tilespmem:$0x1CC00] =	vst v63  }
0x78: {  	_ =	swait.ge [sflag:s10], $0x4000  }
0x79: {  	[sflag:s10] =	ssyncset.done $0x0  }
0x7a: {  	[sflag:s10] =	ssyncadd.s32 $0xFFFFC000  }
0x7b: {  	[tilespmem:s13], [sflag:$0x1] =	stream.indirect.gather [hbm4b:s2+s12], $0x80, s21, s12, $0xb8;
	[tilespmem:$0x1CC00] =	vst v63  }
0x7c: {  	_ =	swait.ge [sflag:s16], $0x4000  }
0x7d: {  	[sflag:s16] =	ssyncset.done $0x0  }
0x7e: {  	[sflag:s16] =	ssyncadd.s32 $0xFFFFC000  }
0x7f: {  	[spmem:s3] =	stream.indirect.scatter.add.f32 [tilespmem:s14], [sflag:$0x3], $0x80, s22, s12, $0xb8;
	[tilespmem:$0x1CC00] =	vst v63  }
0x80: {  	_ =	swait.ge [sflag:s10], $0x4000  }
0x81: {  	[sflag:s10] =	ssyncset.done $0x0  }
0x82: {  	[sflag:s10] =	ssyncadd.s32 $0xFFFFC000  }
0x83: {  	[tilespmem:s14], [sflag:$0x2] =	stream.indirect.gather [hbm4b:s2+s12], $0x80, s23, s12, $0xb8;
	[tilespmem:$0x1CC00] =	vst v63  }
0x84: {  	_ =	swait.ge [sflag:s15], $0x4000  }
0x85: {  	[sflag:s15] =	ssyncset.done $0x0  }
0x86: {  	[sflag:s15] =	ssyncadd.s32 $0xFFFFC000  }
0x87: {  	[spmem:s3] =	stream.indirect.scatter.add.f32 [tilespmem:s13], [sflag:$0x3], $0x80, s24, s12, $0xb8;
	[tilespmem:$0x1CC00] =	vst v63  }
0x88: {  	_ =	swait.ge [sflag:s10], $0x4000  }
0x89: {  	[sflag:s10] =	ssyncset.done $0x0  }
0x8a: {  	[sflag:s10] =	ssyncadd.s32 $0xFFFFC000  }
0x8b: {  	[tilespmem:s13], [sflag:$0x1] =	stream.indirect.gather [hbm4b:s2+s12], $0x80, s25, s12, $0xb8;
	[tilespmem:$0x1CC00] =	vst v63  }
0x8c: {  	_ =	swait.ge [sflag:s16], $0x4000  }
0x8d: {  	[sflag:s16] =	ssyncset.done $0x0  }
0x8e: {  	[sflag:s16] =	ssyncadd.s32 $0xFFFFC000  }
0x8f: {  	[spmem:s3] =	stream.indirect.scatter.add.f32 [tilespmem:s14], [sflag:$0x3], $0x80, s26, s12, $0xb8;
	[tilespmem:$0x1CC00] =	vst v63  }
0x90: {  	_ =	swait.ge [sflag:s10], $0x4000  }
0x91: {  	[sflag:s10] =	ssyncset.done $0x0  }
0x92: {  	[sflag:s10] =	ssyncadd.s32 $0xFFFFC000  }
0x93: {  	[tilespmem:s14], [sflag:$0x2] =	stream.indirect.gather [hbm4b:s2+s12], $0x80, s28, s12, $0xb8;
	[tilespmem:$0x1CC00] =	vst v63  }
0x94: {  	_ =	swait.ge [sflag:s15], $0x4000  }
0x95: {  	[sflag:s15] =	ssyncset.done $0x0  }
0x96: {  	[sflag:s15] =	ssyncadd.s32 $0xFFFFC000  }
0x97: {  	[spmem:s3] =	stream.indirect.scatter.add.f32 [tilespmem:s13], [sflag:$0x3], $0x80, s29, s12, $0xb8;
	[tilespmem:$0x1CC00] =	vst v63  }
0x98: {  	_ =	swait.ge [sflag:s10], $0x4000  }
0x99: {  	[sflag:s10] =	ssyncset.done $0x0  }
0x9a: {  	[sflag:s10] =	ssyncadd.s32 $0xFFFFC000  }
0x9b: {  	[tilespmem:s13], [sflag:$0x1] =	stream.indirect.gather [hbm4b:s2+s12], $0x80, s30, s12, $0xb8;
	[tilespmem:$0x1CC00] =	vst v63  }
0x9c: {  	_ =	swait.ge [sflag:s16], $0x4000  }
0x9d: {  	[sflag:s16] =	ssyncset.done $0x0  }
0x9e: {  	[sflag:s16] =	ssyncadd.s32 $0xFFFFC000  }
0x9f: {  	[spmem:s3] =	stream.indirect.scatter.add.f32 [tilespmem:s14], [sflag:$0x3], $0x80, s31, s12, $0xb8;
	[tilespmem:$0x1CC00] =	vst v63  }
0xa0: {  	_ =	swait.ge [sflag:s10], $0x4000  }
0xa1: {  	[sflag:s10] =	ssyncset.done $0x0  }
0xa2: {  	[sflag:s10] =	ssyncadd.s32 $0xFFFFC000  }
0xa3: {  	[tilespmem:s14], [sflag:$0x2] =	stream.indirect.gather [hbm4b:s2+s12], $0x80, s1, s12, $0xb8;
	[tilespmem:$0x1CC00] =	vst v63  }
0xa4: {  	_ =	swait.ge [sflag:s15], $0x4000  }
0xa5: {  	[sflag:s15] =	ssyncset.done $0x0  }
0xa6: {  	[sflag:s15] =	ssyncadd.s32 $0xFFFFC000  }
0xa7: {  	[spmem:s3] =	stream.indirect.scatter.add.f32 [tilespmem:s13], [sflag:$0x3], $0x80, s0, s12, $0xb8;
	[tilespmem:$0x1CC00] =	vst v63  }
0xa8: {  	_ =	swait.ge [sflag:s10], $0x4000  }
0xa9: {  	[sflag:s10] =	ssyncset.done $0x0  }
0xaa: {  	[sflag:s10] =	ssyncadd.s32 $0xFFFFC000  }
0xab: {  	_ =	swait.ge [sflag:s16], $0x4000  }
0xac: {  	[sflag:s16] =	ssyncset.done $0x0  }
0xad: {  	[sflag:s16] =	ssyncadd.s32 $0xFFFFC000  }
0xae: {  	[spmem:s3] =	stream.indirect.scatter.add.f32 [tilespmem:s14], [sflag:$0x3], $0x80, s5, s12, $0xb8;
	[tilespmem:$0x1CC00] =	vst v63  }
0xaf: {  	s6 =	simm.s32 $0x200;
	_ =	swait.ge [sflag:s10], $0x4000  }
0xb0: {  	s8 =	simm.s32 $0x100;
	s9 =	rddreg [dreg:$0x5];
	[sflag:s10] =	ssyncset.done $0x0  }
.LBB2_2:
0xb1: {  	[sflag:s10] =	ssyncadd.s32 $0xFFFFC000;
	s9 =	sadd.s32 s8, s9  }
0xb2: {  	[tilespmem:s4], [sflag:$0x3] =	stream.linear.gather [hbm4b:s9+s4], $0x800, $0x38;
	[tilespmem:$0x1CC00] =	vst v63  }
0xb3: {  	_ =	swait.ge [sflag:s10], $0x800  }
0xb4: {  	s9 =	rddreg [dreg:$0x4];
	[sflag:s10] =	ssyncset.done $0x0  }
0xb5: {  	[sflag:s10] =	ssyncadd.s32 $0xFFFFF800;
	s9 =	sadd.s32 s8, s9  }
0xb6: {  	[tilespmem:s11], [sflag:$0x3] =	stream.linear.gather [hbm4b:s9+s4], $0x800, $0x38;
	[tilespmem:$0x1CC00] =	vst v63  }
0xb7: {  	_ =	swait.ge [sflag:s10], $0x800  }
0xb8: {  	[sflag:s10] =	ssyncset.done $0x0  }
0xb9: {  	[sflag:s10] =	ssyncadd.s32 $0xFFFFF800  }
0xba: {  	[tilespmem:s13], [sflag:$0x1] =	stream.indirect.gather [hbm4b:s2+s12], $0x80, s4, s12, $0xb8;
	[tilespmem:$0x1CC00] =	vst v63  }
0xbb: {  	_ = 	snop  }
0xbc: {  	[tilespmem:s14], [sflag:$0x2] =	stream.indirect.gather [hbm4b:s2+s12], $0x80, s12, s12, $0xb8;
	[tilespmem:$0x1CC00] =	vst v63  }
0xbd: {  	_ =	swait.ge [sflag:s15], $0x4000  }
0xbe: {  	[sflag:s15] =	ssyncset.done $0x0  }
0xbf: {  	[sflag:s15] =	ssyncadd.s32 $0xFFFFC000  }
0xc0: {  	[spmem:s3] =	stream.indirect.scatter.add.f32 [tilespmem:s13], [sflag:$0x3], $0x80, s11, s12, $0xb8;
	[tilespmem:$0x1CC00] =	vst v63  }
0xc1: {  	_ =	swait.ge [sflag:s10], $0x4000  }
0xc2: {  	[sflag:s10] =	ssyncset.done $0x0  }
0xc3: {  	s9 =	rddreg [dreg:$0x6];
	[sflag:s10] =	ssyncadd.s32 $0xFFFFC000  }
0xc4: {  	[tilespmem:s13], [sflag:$0x1] =	stream.indirect.gather [hbm4b:s2+s12], $0x80, s9, s12, $0xb8;
	[tilespmem:$0x1CC00] =	vst v63  }
0xc5: {  	_ =	swait.ge [sflag:s16], $0x4000  }
0xc6: {  	[sflag:s16] =	ssyncset.done $0x0  }
0xc7: {  	s9 =	rddreg [dreg:$0x7];
	[sflag:s16] =	ssyncadd.s32 $0xFFFFC000  }
0xc8: {  	[spmem:s3] =	stream.indirect.scatter.add.f32 [tilespmem:s14], [sflag:$0x3], $0x80, s9, s12, $0xb8;
	[tilespmem:$0x1CC00] =	vst v63  }
0xc9: {  	_ =	swait.ge [sflag:s10], $0x4000  }
0xca: {  	[sflag:s10] =	ssyncset.done $0x0  }
0xcb: {  	s9 =	rddreg [dreg:$0x8];
	[sflag:s10] =	ssyncadd.s32 $0xFFFFC000  }
0xcc: {  	[tilespmem:s14], [sflag:$0x2] =	stream.indirect.gather [hbm4b:s2+s12], $0x80, s9, s12, $0xb8;
	[tilespmem:$0x1CC00] =	vst v63  }
0xcd: {  	_ =	swait.ge [sflag:s15], $0x4000  }
0xce: {  	[sflag:s15] =	ssyncset.done $0x0  }
0xcf: {  	s9 =	rddreg [dreg:$0x9];
	[sflag:s15] =	ssyncadd.s32 $0xFFFFC000  }
0xd0: {  	[spmem:s3] =	stream.indirect.scatter.add.f32 [tilespmem:s13], [sflag:$0x3], $0x80, s9, s12, $0xb8;
	[tilespmem:$0x1CC00] =	vst v63  }
0xd1: {  	_ =	swait.ge [sflag:s10], $0x4000  }
0xd2: {  	[sflag:s10] =	ssyncset.done $0x0  }
0xd3: {  	s9 =	rddreg [dreg:$0xa];
	[sflag:s10] =	ssyncadd.s32 $0xFFFFC000  }
0xd4: {  	[tilespmem:s13], [sflag:$0x1] =	stream.indirect.gather [hbm4b:s2+s12], $0x80, s9, s12, $0xb8;
	[tilespmem:$0x1CC00] =	vst v63  }
0xd5: {  	_ =	swait.ge [sflag:s16], $0x4000  }
0xd6: {  	[sflag:s16] =	ssyncset.done $0x0  }
0xd7: {  	s9 =	rddreg [dreg:$0xb];
	[sflag:s16] =	ssyncadd.s32 $0xFFFFC000  }
0xd8: {  	[spmem:s3] =	stream.indirect.scatter.add.f32 [tilespmem:s14], [sflag:$0x3], $0x80, s9, s12, $0xb8;
	[tilespmem:$0x1CC00] =	vst v63  }
0xd9: {  	_ =	swait.ge [sflag:s10], $0x4000  }
0xda: {  	[sflag:s10] =	ssyncset.done $0x0  }
0xdb: {  	s9 =	rddreg [dreg:$0xc];
	[sflag:s10] =	ssyncadd.s32 $0xFFFFC000  }
0xdc: {  	[tilespmem:s14], [sflag:$0x2] =	stream.indirect.gather [hbm4b:s2+s12], $0x80, s9, s12, $0xb8;
	[tilespmem:$0x1CC00] =	vst v63  }
0xdd: {  	_ =	swait.ge [sflag:s15], $0x4000  }
0xde: {  	[sflag:s15] =	ssyncset.done $0x0  }
0xdf: {  	s9 =	rddreg [dreg:$0xd];
	[sflag:s15] =	ssyncadd.s32 $0xFFFFC000  }
0xe0: {  	[spmem:s3] =	stream.indirect.scatter.add.f32 [tilespmem:s13], [sflag:$0x3], $0x80, s9, s12, $0xb8;
	[tilespmem:$0x1CC00] =	vst v63  }
0xe1: {  	_ =	swait.ge [sflag:s10], $0x4000  }
0xe2: {  	[sflag:s10] =	ssyncset.done $0x0  }
0xe3: {  	s9 =	rddreg [dreg:$0xe];
	[sflag:s10] =	ssyncadd.s32 $0xFFFFC000  }
0xe4: {  	[tilespmem:s13], [sflag:$0x1] =	stream.indirect.gather [hbm4b:s2+s12], $0x80, s9, s12, $0xb8;
	[tilespmem:$0x1CC00] =	vst v63  }
0xe5: {  	_ =	swait.ge [sflag:s16], $0x4000  }
0xe6: {  	[sflag:s16] =	ssyncset.done $0x0  }
0xe7: {  	s9 =	rddreg [dreg:$0xf];
	[sflag:s16] =	ssyncadd.s32 $0xFFFFC000  }
0xe8: {  	[spmem:s3] =	stream.indirect.scatter.add.f32 [tilespmem:s14], [sflag:$0x3], $0x80, s9, s12, $0xb8;
	[tilespmem:$0x1CC00] =	vst v63  }
0xe9: {  	_ =	swait.ge [sflag:s10], $0x4000  }
0xea: {  	[sflag:s10] =	ssyncset.done $0x0  }
0xeb: {  	s9 =	rddreg [dreg:$0x10];
	[sflag:s10] =	ssyncadd.s32 $0xFFFFC000  }
0xec: {  	[tilespmem:s14], [sflag:$0x2] =	stream.indirect.gather [hbm4b:s2+s12], $0x80, s9, s12, $0xb8;
	[tilespmem:$0x1CC00] =	vst v63  }
0xed: {  	_ =	swait.ge [sflag:s15], $0x4000  }
0xee: {  	[sflag:s15] =	ssyncset.done $0x0  }
0xef: {  	s9 =	rddreg [dreg:$0x11];
	[sflag:s15] =	ssyncadd.s32 $0xFFFFC000  }
0xf0: {  	[spmem:s3] =	stream.indirect.scatter.add.f32 [tilespmem:s13], [sflag:$0x3], $0x80, s9, s12, $0xb8;
	[tilespmem:$0x1CC00] =	vst v63  }
0xf1: {  	_ =	swait.ge [sflag:s10], $0x4000  }
0xf2: {  	[sflag:s10] =	ssyncset.done $0x0  }
0xf3: {  	[sflag:s10] =	ssyncadd.s32 $0xFFFFC000  }
0xf4: {  	[tilespmem:s13], [sflag:$0x1] =	stream.indirect.gather [hbm4b:s2+s12], $0x80, s17, s12, $0xb8;
	[tilespmem:$0x1CC00] =	vst v63  }
0xf5: {  	_ =	swait.ge [sflag:s16], $0x4000  }
0xf6: {  	[sflag:s16] =	ssyncset.done $0x0  }
0xf7: {  	[sflag:s16] =	ssyncadd.s32 $0xFFFFC000  }
0xf8: {  	[spmem:s3] =	stream.indirect.scatter.add.f32 [tilespmem:s14], [sflag:$0x3], $0x80, s18, s12, $0xb8;
	[tilespmem:$0x1CC00] =	vst v63  }
0xf9: {  	_ =	swait.ge [sflag:s10], $0x4000  }
0xfa: {  	[sflag:s10] =	ssyncset.done $0x0  }
0xfb: {  	[sflag:s10] =	ssyncadd.s32 $0xFFFFC000  }
0xfc: {  	[tilespmem:s14], [sflag:$0x2] =	stream.indirect.gather [hbm4b:s2+s12], $0x80, s19, s12, $0xb8;
	[tilespmem:$0x1CC00] =	vst v63  }
0xfd: {  	_ =	swait.ge [sflag:s15], $0x4000  }
0xfe: {  	[sflag:s15] =	ssyncset.done $0x0  }
0xff: {  	[sflag:s15] =	ssyncadd.s32 $0xFFFFC000  }
0x100: {  	[spmem:s3] =	stream.indirect.scatter.add.f32 [tilespmem:s13], [sflag:$0x3], $0x80, s20, s12, $0xb8;
	[tilespmem:$0x1CC00] =	vst v63  }
0x101: {  	_ =	swait.ge [sflag:s10], $0x4000  }
0x102: {  	[sflag:s10] =	ssyncset.done $0x0  }
0x103: {  	[sflag:s10] =	ssyncadd.s32 $0xFFFFC000  }
0x104: {  	[tilespmem:s13], [sflag:$0x1] =	stream.indirect.gather [hbm4b:s2+s12], $0x80, s21, s12, $0xb8;
	[tilespmem:$0x1CC00] =	vst v63  }
0x105: {  	_ =	swait.ge [sflag:s16], $0x4000  }
0x106: {  	[sflag:s16] =	ssyncset.done $0x0  }
0x107: {  	[sflag:s16] =	ssyncadd.s32 $0xFFFFC000  }
0x108: {  	[spmem:s3] =	stream.indirect.scatter.add.f32 [tilespmem:s14], [sflag:$0x3], $0x80, s22, s12, $0xb8;
	[tilespmem:$0x1CC00] =	vst v63  }
0x109: {  	_ =	swait.ge [sflag:s10], $0x4000  }
0x10a: {  	[sflag:s10] =	ssyncset.done $0x0  }
0x10b: {  	[sflag:s10] =	ssyncadd.s32 $0xFFFFC000  }
0x10c: {  	[tilespmem:s14], [sflag:$0x2] =	stream.indirect.gather [hbm4b:s2+s12], $0x80, s23, s12, $0xb8;
	[tilespmem:$0x1CC00] =	vst v63  }
0x10d: {  	_ =	swait.ge [sflag:s15], $0x4000  }
0x10e: {  	[sflag:s15] =	ssyncset.done $0x0  }
0x10f: {  	[sflag:s15] =	ssyncadd.s32 $0xFFFFC000  }
0x110: {  	[spmem:s3] =	stream.indirect.scatter.add.f32 [tilespmem:s13], [sflag:$0x3], $0x80, s24, s12, $0xb8;
	[tilespmem:$0x1CC00] =	vst v63  }
0x111: {  	_ =	swait.ge [sflag:s10], $0x4000  }
0x112: {  	[sflag:s10] =	ssyncset.done $0x0  }
0x113: {  	[sflag:s10] =	ssyncadd.s32 $0xFFFFC000  }
0x114: {  	[tilespmem:s13], [sflag:$0x1] =	stream.indirect.gather [hbm4b:s2+s12], $0x80, s25, s12, $0xb8;
	[tilespmem:$0x1CC00] =	vst v63  }
0x115: {  	_ =	swait.ge [sflag:s16], $0x4000  }
0x116: {  	[sflag:s16] =	ssyncset.done $0x0  }
0x117: {  	[sflag:s16] =	ssyncadd.s32 $0xFFFFC000  }
0x118: {  	[spmem:s3] =	stream.indirect.scatter.add.f32 [tilespmem:s14], [sflag:$0x3], $0x80, s26, s12, $0xb8;
	[tilespmem:$0x1CC00] =	vst v63  }
0x119: {  	_ =	swait.ge [sflag:s10], $0x4000  }
0x11a: {  	[sflag:s10] =	ssyncset.done $0x0  }
0x11b: {  	[sflag:s10] =	ssyncadd.s32 $0xFFFFC000  }
0x11c: {  	[tilespmem:s14], [sflag:$0x2] =	stream.indirect.gather [hbm4b:s2+s12], $0x80, s28, s12, $0xb8;
	[tilespmem:$0x1CC00] =	vst v63  }
0x11d: {  	_ =	swait.ge [sflag:s15], $0x4000  }
0x11e: {  	[sflag:s15] =	ssyncset.done $0x0  }
0x11f: {  	[sflag:s15] =	ssyncadd.s32 $0xFFFFC000  }
0x120: {  	[spmem:s3] =	stream.indirect.scatter.add.f32 [tilespmem:s13], [sflag:$0x3], $0x80, s29, s12, $0xb8;
	[tilespmem:$0x1CC00] =	vst v63  }
0x121: {  	_ =	swait.ge [sflag:s10], $0x4000  }
0x122: {  	[sflag:s10] =	ssyncset.done $0x0  }
0x123: {  	[sflag:s10] =	ssyncadd.s32 $0xFFFFC000  }
0x124: {  	[tilespmem:s13], [sflag:$0x1] =	stream.indirect.gather [hbm4b:s2+s12], $0x80, s30, s12, $0xb8;
	[tilespmem:$0x1CC00] =	vst v63  }
0x125: {  	_ =	swait.ge [sflag:s16], $0x4000  }
0x126: {  	[sflag:s16] =	ssyncset.done $0x0  }
0x127: {  	[sflag:s16] =	ssyncadd.s32 $0xFFFFC000  }
0x128: {  	[spmem:s3] =	stream.indirect.scatter.add.f32 [tilespmem:s14], [sflag:$0x3], $0x80, s31, s12, $0xb8;
	[tilespmem:$0x1CC00] =	vst v63  }
0x129: {  	_ =	swait.ge [sflag:s10], $0x4000  }
0x12a: {  	[sflag:s10] =	ssyncset.done $0x0  }
0x12b: {  	[sflag:s10] =	ssyncadd.s32 $0xFFFFC000  }
0x12c: {  	[tilespmem:s14], [sflag:$0x2] =	stream.indirect.gather [hbm4b:s2+s12], $0x80, s1, s12, $0xb8;
	[tilespmem:$0x1CC00] =	vst v63  }
0x12d: {  	_ =	swait.ge [sflag:s15], $0x4000  }
0x12e: {  	[sflag:s15] =	ssyncset.done $0x0  }
0x12f: {  	[sflag:s15] =	ssyncadd.s32 $0xFFFFC000  }
0x130: {  	[spmem:s3] =	stream.indirect.scatter.add.f32 [tilespmem:s13], [sflag:$0x3], $0x80, s0, s12, $0xb8;
	[tilespmem:$0x1CC00] =	vst v63  }
0x131: {  	_ =	swait.ge [sflag:s10], $0x4000  }
0x132: {  	[sflag:s10] =	ssyncset.done $0x0  }
0x133: {  	[sflag:s10] =	ssyncadd.s32 $0xFFFFC000  }
0x134: {  	p0 =	sne.s32 s6, $0x400;
	_ =	swait.ge [sflag:s16], $0x4000  }
.Ltmp0:
0x135: {  	[sflag:s16] =	ssyncset.done $0x0;
	(pc) =	sbr.rel @p0 .LBB2_2-.Ltmp0, $4  }
0x136: {  	[sflag:s16] =	ssyncadd.s32 $0xFFFFC000  }
0x137: {  	[spmem:s3] =	stream.indirect.scatter.add.f32 [tilespmem:s14], [sflag:$0x3], $0x80, s5, s12, $0xb8;
	[tilespmem:$0x1CC00] =	vst v63  }
0x138: {  	s7 =	smov.u32 s6;
	s6 =	sadd.s32 $0x100, s6;
	_ =	swait.ge [sflag:s10], $0x4000  }
0x139: {  	s8 =	smov.u32 s7;
	s9 =	rddreg [dreg:$0x5];
	[sflag:s10] =	ssyncset.done $0x0  }
0x13a: {  	[sflag:s10] =	ssyncadd.s32 $0xFFFFC000;
	s6 =	sadd.s32 s8, s9  }
0x13b: {  	[tilespmem:s4], [sflag:$0x3] =	stream.linear.gather [hbm4b:s6+s4], $0x800, $0x38;
	[tilespmem:$0x1CC00] =	vst v63  }
0x13c: {  	_ =	swait.ge [sflag:s10], $0x800  }
0x13d: {  	s7 =	rddreg [dreg:$0x4];
	[sflag:s10] =	ssyncset.done $0x0  }
0x13e: {  	s6 =	sadd.s32 s8, s7;
	[sflag:s10] =	ssyncadd.s32 $0xFFFFF800  }
0x13f: {  	[tilespmem:s11], [sflag:$0x3] =	stream.linear.gather [hbm4b:s6+s4], $0x800, $0x38;
	[tilespmem:$0x1CC00] =	vst v63  }
0x140: {  	_ =	swait.ge [sflag:s10], $0x800  }
0x141: {  	[sflag:s10] =	ssyncset.done $0x0  }
0x142: {  	[sflag:s10] =	ssyncadd.s32 $0xFFFFF800  }
0x143: {  	[tilespmem:s13], [sflag:$0x1] =	stream.indirect.gather [hbm4b:s2+s12], $0x80, s4, s12, $0xb8;
	[tilespmem:$0x1CC00] =	vst v63  }
0x144: {  	_ = 	snop  }
0x145: {  	[tilespmem:s14], [sflag:$0x2] =	stream.indirect.gather [hbm4b:s2+s12], $0x80, s12, s12, $0xb8;
	[tilespmem:$0x1CC00] =	vst v63  }
0x146: {  	_ =	swait.ge [sflag:s15], $0x4000  }
0x147: {  	[sflag:s15] =	ssyncset.done $0x0  }
0x148: {  	[sflag:s15] =	ssyncadd.s32 $0xFFFFC000  }
0x149: {  	[spmem:s3] =	stream.indirect.scatter.add.f32 [tilespmem:s13], [sflag:$0x3], $0x80, s11, s12, $0xb8;
	[tilespmem:$0x1CC00] =	vst v63  }
0x14a: {  	_ =	swait.ge [sflag:s10], $0x4000  }
0x14b: {  	[sflag:s10] =	ssyncset.done $0x0  }
0x14c: {  	s9 =	rddreg [dreg:$0x6];
	[sflag:s10] =	ssyncadd.s32 $0xFFFFC000  }
0x14d: {  	[tilespmem:s13], [sflag:$0x1] =	stream.indirect.gather [hbm4b:s2+s12], $0x80, s9, s12, $0xb8;
	[tilespmem:$0x1CC00] =	vst v63  }
0x14e: {  	_ =	swait.ge [sflag:s16], $0x4000  }
0x14f: {  	[sflag:s16] =	ssyncset.done $0x0  }
0x150: {  	s7 =	rddreg [dreg:$0x7];
	[sflag:s16] =	ssyncadd.s32 $0xFFFFC000  }
0x151: {  	[spmem:s3] =	stream.indirect.scatter.add.f32 [tilespmem:s14], [sflag:$0x3], $0x80, s7, s12, $0xb8;
	[tilespmem:$0x1CC00] =	vst v63  }
0x152: {  	_ =	swait.ge [sflag:s10], $0x4000  }
0x153: {  	[sflag:s10] =	ssyncset.done $0x0  }
0x154: {  	s8 =	rddreg [dreg:$0x8];
	[sflag:s10] =	ssyncadd.s32 $0xFFFFC000  }
0x155: {  	[tilespmem:s14], [sflag:$0x2] =	stream.indirect.gather [hbm4b:s2+s12], $0x80, s8, s12, $0xb8;
	[tilespmem:$0x1CC00] =	vst v63  }
0x156: {  	_ =	swait.ge [sflag:s15], $0x4000  }
0x157: {  	[sflag:s15] =	ssyncset.done $0x0  }
0x158: {  	s9 =	rddreg [dreg:$0x9];
	[sflag:s15] =	ssyncadd.s32 $0xFFFFC000  }
0x159: {  	[spmem:s3] =	stream.indirect.scatter.add.f32 [tilespmem:s13], [sflag:$0x3], $0x80, s9, s12, $0xb8;
	[tilespmem:$0x1CC00] =	vst v63  }
0x15a: {  	_ =	swait.ge [sflag:s10], $0x4000  }
0x15b: {  	[sflag:s10] =	ssyncset.done $0x0  }
0x15c: {  	s7 =	rddreg [dreg:$0xa];
	[sflag:s10] =	ssyncadd.s32 $0xFFFFC000  }
0x15d: {  	[tilespmem:s13], [sflag:$0x1] =	stream.indirect.gather [hbm4b:s2+s12], $0x80, s7, s12, $0xb8;
	[tilespmem:$0x1CC00] =	vst v63  }
0x15e: {  	_ =	swait.ge [sflag:s16], $0x4000  }
0x15f: {  	[sflag:s16] =	ssyncset.done $0x0  }
0x160: {  	s8 =	rddreg [dreg:$0xb];
	[sflag:s16] =	ssyncadd.s32 $0xFFFFC000  }
0x161: {  	[spmem:s3] =	stream.indirect.scatter.add.f32 [tilespmem:s14], [sflag:$0x3], $0x80, s8, s12, $0xb8;
	[tilespmem:$0x1CC00] =	vst v63  }
0x162: {  	_ =	swait.ge [sflag:s10], $0x4000  }
0x163: {  	[sflag:s10] =	ssyncset.done $0x0  }
0x164: {  	s9 =	rddreg [dreg:$0xc];
	[sflag:s10] =	ssyncadd.s32 $0xFFFFC000  }
0x165: {  	[tilespmem:s14], [sflag:$0x2] =	stream.indirect.gather [hbm4b:s2+s12], $0x80, s9, s12, $0xb8;
	[tilespmem:$0x1CC00] =	vst v63  }
0x166: {  	_ =	swait.ge [sflag:s15], $0x4000  }
0x167: {  	[sflag:s15] =	ssyncset.done $0x0  }
0x168: {  	s7 =	rddreg [dreg:$0xd];
	[sflag:s15] =	ssyncadd.s32 $0xFFFFC000  }
0x169: {  	[spmem:s3] =	stream.indirect.scatter.add.f32 [tilespmem:s13], [sflag:$0x3], $0x80, s7, s12, $0xb8;
	[tilespmem:$0x1CC00] =	vst v63  }
0x16a: {  	_ =	swait.ge [sflag:s10], $0x4000  }
0x16b: {  	[sflag:s10] =	ssyncset.done $0x0  }
0x16c: {  	s8 =	rddreg [dreg:$0xe];
	[sflag:s10] =	ssyncadd.s32 $0xFFFFC000  }
0x16d: {  	[tilespmem:s13], [sflag:$0x1] =	stream.indirect.gather [hbm4b:s2+s12], $0x80, s8, s12, $0xb8;
	[tilespmem:$0x1CC00] =	vst v63  }
0x16e: {  	_ =	swait.ge [sflag:s16], $0x4000  }
0x16f: {  	[sflag:s16] =	ssyncset.done $0x0  }
0x170: {  	s9 =	rddreg [dreg:$0xf];
	[sflag:s16] =	ssyncadd.s32 $0xFFFFC000  }
0x171: {  	[spmem:s3] =	stream.indirect.scatter.add.f32 [tilespmem:s14], [sflag:$0x3], $0x80, s9, s12, $0xb8;
	[tilespmem:$0x1CC00] =	vst v63  }
0x172: {  	_ =	swait.ge [sflag:s10], $0x4000  }
0x173: {  	[sflag:s10] =	ssyncset.done $0x0  }
0x174: {  	s7 =	rddreg [dreg:$0x10];
	[sflag:s10] =	ssyncadd.s32 $0xFFFFC000  }
0x175: {  	[tilespmem:s14], [sflag:$0x2] =	stream.indirect.gather [hbm4b:s2+s12], $0x80, s7, s12, $0xb8;
	[tilespmem:$0x1CC00] =	vst v63  }
0x176: {  	_ =	swait.ge [sflag:s15], $0x4000  }
0x177: {  	[sflag:s15] =	ssyncset.done $0x0  }
0x178: {  	s8 =	rddreg [dreg:$0x11];
	[sflag:s15] =	ssyncadd.s32 $0xFFFFC000  }
0x179: {  	[spmem:s3] =	stream.indirect.scatter.add.f32 [tilespmem:s13], [sflag:$0x3], $0x80, s8, s12, $0xb8;
	[tilespmem:$0x1CC00] =	vst v63  }
0x17a: {  	_ =	swait.ge [sflag:s10], $0x4000  }
0x17b: {  	[sflag:s10] =	ssyncset.done $0x0  }
0x17c: {  	[sflag:s10] =	ssyncadd.s32 $0xFFFFC000  }
0x17d: {  	[tilespmem:s13], [sflag:$0x1] =	stream.indirect.gather [hbm4b:s2+s12], $0x80, s17, s12, $0xb8;
	[tilespmem:$0x1CC00] =	vst v63  }
0x17e: {  	_ =	swait.ge [sflag:s16], $0x4000  }
0x17f: {  	[sflag:s16] =	ssyncset.done $0x0  }
0x180: {  	[sflag:s16] =	ssyncadd.s32 $0xFFFFC000  }
0x181: {  	[spmem:s3] =	stream.indirect.scatter.add.f32 [tilespmem:s14], [sflag:$0x3], $0x80, s18, s12, $0xb8;
	[tilespmem:$0x1CC00] =	vst v63  }
0x182: {  	_ =	swait.ge [sflag:s10], $0x4000  }
0x183: {  	[sflag:s10] =	ssyncset.done $0x0  }
0x184: {  	[sflag:s10] =	ssyncadd.s32 $0xFFFFC000  }
0x185: {  	[tilespmem:s14], [sflag:$0x2] =	stream.indirect.gather [hbm4b:s2+s12], $0x80, s19, s12, $0xb8;
	[tilespmem:$0x1CC00] =	vst v63  }
0x186: {  	_ =	swait.ge [sflag:s15], $0x4000  }
0x187: {  	[sflag:s15] =	ssyncset.done $0x0  }
0x188: {  	[sflag:s15] =	ssyncadd.s32 $0xFFFFC000  }
0x189: {  	[spmem:s3] =	stream.indirect.scatter.add.f32 [tilespmem:s13], [sflag:$0x3], $0x80, s20, s12, $0xb8;
	[tilespmem:$0x1CC00] =	vst v63  }
0x18a: {  	_ =	swait.ge [sflag:s10], $0x4000  }
0x18b: {  	[sflag:s10] =	ssyncset.done $0x0  }
0x18c: {  	[sflag:s10] =	ssyncadd.s32 $0xFFFFC000  }
0x18d: {  	[tilespmem:s13], [sflag:$0x1] =	stream.indirect.gather [hbm4b:s2+s12], $0x80, s21, s12, $0xb8;
	[tilespmem:$0x1CC00] =	vst v63  }
0x18e: {  	_ =	swait.ge [sflag:s16], $0x4000  }
0x18f: {  	[sflag:s16] =	ssyncset.done $0x0  }
0x190: {  	[sflag:s16] =	ssyncadd.s32 $0xFFFFC000  }
0x191: {  	[spmem:s3] =	stream.indirect.scatter.add.f32 [tilespmem:s14], [sflag:$0x3], $0x80, s22, s12, $0xb8;
	[tilespmem:$0x1CC00] =	vst v63  }
0x192: {  	_ =	swait.ge [sflag:s10], $0x4000  }
0x193: {  	[sflag:s10] =	ssyncset.done $0x0  }
0x194: {  	[sflag:s10] =	ssyncadd.s32 $0xFFFFC000  }
0x195: {  	[tilespmem:s14], [sflag:$0x2] =	stream.indirect.gather [hbm4b:s2+s12], $0x80, s23, s12, $0xb8;
	[tilespmem:$0x1CC00] =	vst v63  }
0x196: {  	_ =	swait.ge [sflag:s15], $0x4000  }
0x197: {  	[sflag:s15] =	ssyncset.done $0x0  }
0x198: {  	[sflag:s15] =	ssyncadd.s32 $0xFFFFC000  }
0x199: {  	[spmem:s3] =	stream.indirect.scatter.add.f32 [tilespmem:s13], [sflag:$0x3], $0x80, s24, s12, $0xb8;
	[tilespmem:$0x1CC00] =	vst v63  }
0x19a: {  	_ =	swait.ge [sflag:s10], $0x4000  }
0x19b: {  	[sflag:s10] =	ssyncset.done $0x0  }
0x19c: {  	[sflag:s10] =	ssyncadd.s32 $0xFFFFC000  }
0x19d: {  	[tilespmem:s13], [sflag:$0x1] =	stream.indirect.gather [hbm4b:s2+s12], $0x80, s25, s12, $0xb8;
	[tilespmem:$0x1CC00] =	vst v63  }
0x19e: {  	_ =	swait.ge [sflag:s16], $0x4000  }
0x19f: {  	[sflag:s16] =	ssyncset.done $0x0  }
0x1a0: {  	[sflag:s16] =	ssyncadd.s32 $0xFFFFC000  }
0x1a1: {  	[spmem:s3] =	stream.indirect.scatter.add.f32 [tilespmem:s14], [sflag:$0x3], $0x80, s26, s12, $0xb8;
	[tilespmem:$0x1CC00] =	vst v63  }
0x1a2: {  	_ =	swait.ge [sflag:s10], $0x4000  }
0x1a3: {  	[sflag:s10] =	ssyncset.done $0x0  }
0x1a4: {  	[sflag:s10] =	ssyncadd.s32 $0xFFFFC000  }
0x1a5: {  	[tilespmem:s14], [sflag:$0x2] =	stream.indirect.gather [hbm4b:s2+s12], $0x80, s28, s12, $0xb8;
	[tilespmem:$0x1CC00] =	vst v63  }
0x1a6: {  	_ =	swait.ge [sflag:s15], $0x4000  }
0x1a7: {  	[sflag:s15] =	ssyncset.done $0x0  }
0x1a8: {  	[sflag:s15] =	ssyncadd.s32 $0xFFFFC000  }
0x1a9: {  	[spmem:s3] =	stream.indirect.scatter.add.f32 [tilespmem:s13], [sflag:$0x3], $0x80, s29, s12, $0xb8;
	[tilespmem:$0x1CC00] =	vst v63  }
0x1aa: {  	_ =	swait.ge [sflag:s10], $0x4000  }
0x1ab: {  	[sflag:s10] =	ssyncset.done $0x0  }
0x1ac: {  	[sflag:s10] =	ssyncadd.s32 $0xFFFFC000  }
0x1ad: {  	[tilespmem:s13], [sflag:$0x1] =	stream.indirect.gather [hbm4b:s2+s12], $0x80, s30, s12, $0xb8;
	[tilespmem:$0x1CC00] =	vst v63  }
0x1ae: {  	_ =	swait.ge [sflag:s16], $0x4000  }
0x1af: {  	[sflag:s16] =	ssyncset.done $0x0  }
0x1b0: {  	[sflag:s16] =	ssyncadd.s32 $0xFFFFC000  }
0x1b1: {  	[spmem:s3] =	stream.indirect.scatter.add.f32 [tilespmem:s14], [sflag:$0x3], $0x80, s31, s12, $0xb8;
	[tilespmem:$0x1CC00] =	vst v63  }
0x1b2: {  	_ =	swait.ge [sflag:s10], $0x4000  }
0x1b3: {  	[sflag:s10] =	ssyncset.done $0x0  }
0x1b4: {  	[sflag:s10] =	ssyncadd.s32 $0xFFFFC000  }
0x1b5: {  	[tilespmem:s14], [sflag:$0x2] =	stream.indirect.gather [hbm4b:s2+s12], $0x80, s1, s12, $0xb8;
	[tilespmem:$0x1CC00] =	vst v63  }
0x1b6: {  	_ =	swait.ge [sflag:s15], $0x4000  }
0x1b7: {  	[sflag:s15] =	ssyncset.done $0x0  }
0x1b8: {  	[sflag:s15] =	ssyncadd.s32 $0xFFFFC000  }
0x1b9: {  	[spmem:s3] =	stream.indirect.scatter.add.f32 [tilespmem:s13], [sflag:$0x3], $0x80, s0, s12, $0xb8;
	[tilespmem:$0x1CC00] =	vst v63  }
0x1ba: {  	_ =	swait.ge [sflag:s10], $0x4000  }
0x1bb: {  	[sflag:s10] =	ssyncset.done $0x0  }
0x1bc: {  	[sflag:s10] =	ssyncadd.s32 $0xFFFFC000  }
0x1bd: {  	_ =	swait.ge [sflag:s16], $0x4000  }
0x1be: {  	[sflag:s16] =	ssyncset.done $0x0  }
0x1bf: {  	[sflag:s16] =	ssyncadd.s32 $0xFFFFC000  }
0x1c0: {  	[spmem:s3] =	stream.indirect.scatter.add.f32 [tilespmem:s14], [sflag:$0x3], $0x80, s5, s12, $0xb8;
	[tilespmem:$0x1CC00] =	vst v63  }
0x1c1: {  	_ =	swait.ge [sflag:s10], $0x4000  }
0x1c2: {  	[sflag:s10] =	ssyncset.done $0x0  }
0x1c3: {  	[sflag:s10] =	ssyncadd.s32 $0xFFFFC000  }
0x1c4: {  	[bflag:$0x0] =	sbarrier.arrive $0xFFFF  }
0x1c5: {  	s7 =	rddreg [dreg:$0x13]  }
0x1c6: {  	s9 =	rddreg [dreg:$0x14]  }
0x1c7: {  	s8 =	rddreg [dreg:$0x16]  }
0x1c8: {  	[hbm:s9], [sflag:s7] =	dma.local [spmem:s8], $0x2780  }
0x1c9: {  	_ =	swait.ge [sflag:s10], $0x2780  }
0x1ca: {  	s6 =	rddreg [dreg:$0x17]  }
0x1cb: {  	s9 =	sadd.s32 $0x1, s6;
	s6 =	rddreg [dreg:$0x15]  }
0x1cc: {  	p0 =	sne.s32 s9, s6  }
.Ltmp1:
0x1cd: {  	_ = 	snop;
	(pc) =	sbr.rel @p0 .LBB2_1-.Ltmp1, $3  }
0x1ce: {  	_ =	sdelay $0x1  }
0x1cf: {  	[sflag:s10] =	ssyncset.done $0x0  }
0x1d0: {  	[sflag:s10] =	ssyncadd.s32 $0xFFFFD880  }
0x1d1: {  	_ =	sfence.sel $0x180000  }
0x1d2: {  	[bflag:$0x0] =	sbarrier.arrive $0xFFFF  }
0x1d3: {  	_ =	strace $0x90000047  }
0x1d4: {  	s0 =	stileid.u32;
	[bflag:$0x2] =	sbarrier.arrive $0xFFFF  }
0x1d5: {  	p0 =	sne.s32 s0, $0x0;
	s0 =	rddreg [dreg:$0x3]  }
0x1d6: {  	s0 =	sadd.s32 @!p0 $0x100000, s0  }
0x1d7: {  	[sflag:s0] =	ssyncadd.tile.s32 @!p0 $0x1;
	_ =	shalt  }
.Lfunc_end2:
_tile_overlayer_lowered:
.L_overlay_start_2:
0x1d8: {  	(tag) =	ssettag $0x2  }
0x1d9: {  	s0 =	rddreg [dreg:$0x0];
	s2 =	stileid.u32  }
0x1da: {  	s1 =	rddreg [dreg:$0x1];
	p0 =	sne.s32 s2, $0x0  }
0x1db: {  	s3 =	rddreg [dreg:$0x2];
	[bflag:$0x3] =	sbarrier.arrive $0xFFFF;
	s2 =	simm.s32 @!p0 $0x1C03  }
0x1dc: {  	[timem:s3], [sflag:s2] =	dma.local @!p0 [hbm:s0], s1  }
0x1dd: {  	s0 =	simm.s32 @!p0 $0x3  }
0x1de: {  	_ =	swait.ge @!p0 [sflag:s0], s1  }
0x1df: {  	s1 =	ssub.s32 @!p0 $0x0, s1;
	[sflag:s0] =	ssyncset.done @!p0 $0x0  }
0x1e0: {  	[sflag:s0] =	ssyncadd.s32 @!p0 s1  }
0x1e1: {  	[bflag:$0x3] =	sbarrier.arrive $0xFFFF  }
0x1e2: {  	_ =	shalt  }

// kernel: kernel.16.cloned.1.call-start
scs
__scs_entry_jumppad:
0x0: {  	(pc) =	sbr.rel $0x88, $3  }
0x1: {  	(tag) =	ssettag $0x0;
	lr =	simm.s32 $0x1  }
0x2: {  	[smem:$0x3F96] =	sst lr;
	_ =	strace $0xD0000000  }
0x3: {  	_ = 	snop  }
0x4: {  	_ = 	snop  }
0x5: {  	_ = 	snop  }
0x6: {  	_ = 	snop  }
0x7: {  	_ = 	snop  }
__scs_overlays_trampoline_lowered:
0x8: {  	[smem:$0x3FA5] =	sst s0  }
0x9: {  	[smem:$0x3FA6] =	sst s1  }
0xa: {  	[smem:$0x3FA7] =	sst s2  }
0xb: {  	[smem:$0x3FA8] =	sst s3  }
0xc: {  	[smem:$0x3FA9] =	sst s4  }
0xd: {  	[smem:$0x3FAA] =	sst s5  }
0xe: {  	[smem:$0x3FAB] =	sst s6  }
0xf: {  	[smem:$0x3FAC] =	sst s7  }
0x10: {  	[smem:$0x3FAD] =	sst s8  }
0x11: {  	[smem:$0x3FAE] =	sst s9;
	s0 =	simm.s32 @!p0 $0x0  }
0x12: {  	s1 =	sld [smem:$0x3F94];
	s0 =	simm.s32 @p0 $0x1  }
0x13: {  	[smem:$0x3FAF] =	sst s0;
	s0 =	simm.s32 @!p1 $0x0  }
0x14: {  	s2 =	sld [smem:$0x3F93];
	s0 =	simm.s32 @p1 $0x1  }
0x15: {  	[smem:$0x3FB0] =	sst s0;
	s0 =	simm.s32 @!p2 $0x0  }
0x16: {  	s3 =	sld [smem:$0x3FDB];
	s0 =	simm.s32 @p2 $0x1  }
0x17: {  	s4 =	simm.s32 $0x1BF5;
	[smem:$0x3FB2] =	sst s0  }
0x18: {  	s0 =	sld [smem:$0x3F95];
	_ =	swait.ge [sflag:s4], $0x0  }
0x19: {  	s7 =	sld [smem:$0x3F96]  }
0x1a: {  	s8 =	sadd.s32 $0xFFFFE003, lr  }
0x1b: {  	s9 =	sadd.s32 $0xFFFFFEF7, lr;
	s5 =	simm.s32 $0xFFFFFFFF;
	p2 =	slt.u32 s8, $0xFFFFF086  }
0x1c: {  	p1 =	slt.u32 s9, $0xF7A;
	s5 =	simm.s32 @!p2 $0x0  }
0x1d: {  	s5 =	simm.s32 @p1 $0x1;
	p0 =	seq.s32 s7, s2  }
0x1e: {  	s7 =	smul.u32 @!p0 $0xF7A, s2;
	p2 =	seq.s32 @!p0 s5, $0x0  }
0x1f: {  	s9 =	smul.u32 $0xF7A, s1;
	s8 =	simm.s32 @!p0 $0x1BF5;
	p2 =	por !p2, p0  }
0x20: {  	[sflag:s8] =	ssyncset.s32 @!p0 $0xFFFFF086;
	s6 =	sadd.s32 @!p0 s3, s7;
	s7 =	simm.s32 @!p0 $0x108  }
0x21: {  	s3 =	sadd.s32 s3, s9;
	s6 =	sadd.s32 @!p0 $0x88, s6;
	s7 =	simm.s32 @p2 $0x1082  }
0x22: {  	[simem:s7], [sflag:s8] =	dma.local @!p0 [hbm:s6], $0xF7A  }
0x23: {  	s9 =	sor.u32 $0xD0000000, s2;
	s6 =	simm.s32 $0x108;
	_ =	swait.ge @!p0 [sflag:s8], $0x0  }
0x24: {  	s3 =	sadd.s32 $0x88, s3;
	s6 =	simm.s32 @!p1 $0x1082;
	[sflag:s4] =	ssyncset.s32 $0xFFFFF086  }
0x25: {  	[simem:s6], [sflag:s4] =	dma.local [hbm:s3], $0xF7A  }
0x26: {  	[smem:$0x3F96] =	sst s1;
	(tag) =	ssettag s2;
	_ =	strace s9  }
0x27: {  	s1 =	sld [smem:$0x3FA6]  }
0x28: {  	s2 =	sld [smem:$0x3FA7]  }
0x29: {  	s4 =	sld [smem:$0x3FA9]  }
0x2a: {  	p0 =	seq.s32 s5, $0x0;
	s5 =	sld [smem:$0x3FAA]  }
0x2b: {  	s6 =	sld [smem:$0x3FAB]  }
0x2c: {  	s7 =	sld [smem:$0x3FAC]  }
0x2d: {  	s3 =	simm.s32 $0x108;
	s8 =	sld [smem:$0x3FAD]  }
0x2e: {  	s3 =	simm.s32 @!p0 $0x1082;
	s9 =	sld [smem:$0x3FAE]  }
0x2f: {  	lr =	sadd.s32 s0, s3;
	s0 =	sld [smem:$0x3FA5]  }
0x30: {  	s3 =	sld [smem:$0x3FA8]  }
0x31: {  	[smem:$0x3FB1] =	sst s10  }
0x32: {  	s10 =	sld [smem:$0x3FAF];
	_ =	sdelay $0x3  }
0x33: {  	p0 =	seq.s32 s10, $0x1;
	s10 =	sld [smem:$0x3FB1];
	_ =	sdelay $0x3  }
0x34: {  	[smem:$0x3FB1] =	sst s10  }
0x35: {  	s10 =	sld [smem:$0x3FB0];
	_ =	sdelay $0x3  }
0x36: {  	p1 =	seq.s32 s10, $0x1;
	s10 =	sld [smem:$0x3FB1];
	_ =	sdelay $0x3  }
0x37: {  	[smem:$0x3FB1] =	sst s10  }
0x38: {  	s10 =	sld [smem:$0x3FB2]  }
0x39: {  	_ = 	snop;
	(pc) =	sbr.ind lr, $3  }
0x3a: {  	_ = 	snop  }
0x3b: {  	_ = 	snop  }
0x3c: {  	p2 =	seq.s32 s10, $0x1;
	s10 =	sld [smem:$0x3FB1]  }
0x3d: {  	_ =	shalt  }
0x3e: {  	_ =	shalt  }
0x3f: {  	_ =	shalt  }
0x40: {  	_ =	shalt  }
0x41: {  	_ =	shalt  }
0x42: {  	_ =	shalt  }
0x43: {  	_ =	shalt  }
0x44: {  	_ =	shalt  }
0x45: {  	_ =	shalt  }
0x46: {  	_ =	shalt  }
0x47: {  	_ =	shalt  }
0x48: {  	_ =	shalt  }
0x49: {  	_ =	shalt  }
0x4a: {  	_ =	shalt  }
0x4b: {  	_ =	shalt  }
0x4c: {  	_ =	shalt  }
0x4d: {  	_ =	shalt  }
0x4e: {  	_ =	shalt  }
0x4f: {  	_ =	shalt  }
0x50: {  	_ =	shalt  }
0x51: {  	_ =	shalt  }
0x52: {  	_ =	shalt  }
0x53: {  	_ =	shalt  }
0x54: {  	_ =	shalt  }
0x55: {  	_ =	shalt  }
0x56: {  	_ =	shalt  }
0x57: {  	_ =	shalt  }
0x58: {  	_ =	shalt  }
0x59: {  	_ =	shalt  }
0x5a: {  	_ =	shalt  }
0x5b: {  	_ =	shalt  }
0x5c: {  	_ =	shalt  }
0x5d: {  	_ =	shalt  }
0x5e: {  	_ =	shalt  }
0x5f: {  	_ =	shalt  }
0x60: {  	_ =	shalt  }
0x61: {  	_ =	shalt  }
0x62: {  	_ =	shalt  }
0x63: {  	_ =	shalt  }
0x64: {  	_ =	shalt  }
0x65: {  	_ =	shalt  }
0x66: {  	_ =	shalt  }
0x67: {  	_ =	shalt  }
0x68: {  	_ =	shalt  }
0x69: {  	_ =	shalt  }
0x6a: {  	_ =	shalt  }
0x6b: {  	_ =	shalt  }
0x6c: {  	_ =	shalt  }
0x6d: {  	_ =	shalt  }
0x6e: {  	_ =	shalt  }
0x6f: {  	_ =	shalt  }
0x70: {  	_ =	shalt  }
0x71: {  	_ =	shalt  }
0x72: {  	_ =	shalt  }
0x73: {  	_ =	shalt  }
0x74: {  	_ =	shalt  }
0x75: {  	_ =	shalt  }
0x76: {  	_ =	shalt  }
0x77: {  	_ =	shalt  }
0x78: {  	_ =	shalt  }
0x79: {  	_ =	shalt  }
0x7a: {  	_ =	shalt  }
0x7b: {  	_ =	shalt  }
0x7c: {  	_ =	shalt  }
0x7d: {  	_ =	shalt  }
0x7e: {  	_ =	shalt  }
0x7f: {  	_ =	shalt  }
0x80: {  	_ =	shalt  }
0x81: {  	_ =	shalt  }
0x82: {  	_ =	shalt  }
0x83: {  	_ =	shalt  }
0x84: {  	_ =	shalt  }
0x85: {  	_ =	shalt  }
0x86: {  	_ =	shalt  }
0x87: {  	_ =	shalt  }
.Lfunc_end0:
.L_simem_size_0:
called_computation.2_lowered:
.L_overlay_start_0:
0x88: {  	s2 =	sld [smem:$0x3FD9]  }
0x89: {  	s3 =	sld [smem:$0x3FFE];
	_ =	sdelay $0x1  }
0x8a: {  	s1 =	srdreg.scid  }
0x8b: {  	s0 =	sand.u32 $0x1, s1  }
0x8c: {  	s16 =	sshll.u32 s0, $0xA;
	s2 =	sadd.s32 s3, s2  }
0x8d: {  	s2 =	sadd.s32 s2, s16  }
0x8e: {  	[smem:$0x3FBD] =	sst s2  }
0x8f: {  	_ = 	snop  }
0x90: {  	(tm) =	ssettm $0x1  }
0x91: {  	s17 =	sld [smem:$0x3FFB];
	_ =	sdelay $0x3  }
0x92: {  	_ =	strace s17  }
0x93: {  	s2 =	sld [smem:$0x3FFC];
	_ =	sdelay $0x3  }
0x94: {  	_ =	strace s2  }
0x95: {  	s2 =	sld [smem:$0x3FFD];
	_ =	sdelay $0x3  }
0x96: {  	_ =	strace s2  }
0x97: {  	_ =	strace $0x8FFFFFFF  }
0x98: {  	s18 =	sld [smem:$0x3FDB];
	_ =	sdelay $0x1  }
0x99: {  	s19 =	simm.s32 $_scs_section_size  }
0x9a: {  	s4 =	simm.s32 $_size__tile_overlayer_lowered;
	s5 =	simm.s32 $_tile_overlayer_lowered  }
0x9b: {  	s22 =	simm.s32 $0x1BFF;
	s21 =	sshll.u32 s5, $0x1;
	s2 =	sadd.s32 s19, s18  }
0x9c: {  	s6 =	simm.s32 $0x0;
	s20 =	sshll.u32 s4, $0x1;
	s4 =	sadd.s32 s21, s2  }
0x9d: {  	[timem:s6], [sflag:s22] =	dma.local [hbm:s4], s20  }
0x9e: {  	_ =	swait.ge [sflag:s22], s20  }
0x9f: {  	s3 =	ssub.s32 $0x0, s20;
	[sflag:s22] =	ssyncset.done $0x0  }
0xa0: {  	[sflag:s22] =	ssyncadd.s32 s3;
	_ =	sdelay $0x1  }
0xa1: {  	s23 =	simm.s32 $0x1B8B  }
0xa2: {  	_ =	swait.ge [sflag:s23], $0x1  }
0xa3: {  	[sflag:s23] =	ssyncset.done $0x0  }
0xa4: {  	s25 =	simm.s32 $0x1B8E;
	s24 =	sld [smem:$0x3FFE];
	[sflag:s23] =	ssyncadd.s32 $0xFFFFFFFF  }
0xa5: {  	s26 =	simm.s32 $execute0_lowered;
	[smem:$0x3FD2] =	sst s25  }
0xa6: {  	s4 =	sshll.u32 s26, $0x1;
	_ =	strace $0x8000004C;
	[dreg:$0x1] =	wrdreg $0xFFFFFFFF  }
0xa7: {  	s28 =	simm.s32 $_size_execute0_lowered;
	s2 =	sadd.s32 s2, s4;
	[dreg:$0x0] =	wrdreg $0x0  }
0xa8: {  	s4 =	sshll.u32 s28, $0x1;
	[dreg:$0x2] =	wrdreg s2  }
0xa9: {  	[dreg:$0x3] =	wrdreg s4  }
0xaa: {  	[dreg:$0x4] =	wrdreg $0xC0  }
0xab: {  	_ =	task [dreg:s6], $0x5FFFF  }
0xac: {  	[dreg:$0x1] =	wrdreg $0xFFFFFFFF  }
0xad: {  	[dreg:$0x0] =	wrdreg $0x60  }
0xae: {  	[dreg:$0x2] =	wrdreg s24  }
0xaf: {  	[dreg:$0x3] =	wrdreg $0x90000  }
0xb0: {  	[dreg:$0x4] =	wrdreg $0x9  }
0xb1: {  	_ =	task.clear_ibuf [dreg:s6], $0x5FFFF;
	_ =	strace $0x9000004C  }
0xb2: {  	s29 =	simm.s32 $0x9;
	_ =	strace $0x8000004E  }
0xb3: {  	_ =	swait.ge [sflag:s29], $0x1  }
0xb4: {  	[sflag:s29] =	ssyncadd.s32 $0xFFFFFFFF  }
0xb5: {  	_ =	strace $0x9000004E  }
0xb6: {  	_ =	sfence  }
0xb7: {  	s30 =	sld [smem:$0x0];
	_ =	sdelay $0x2  }
0xb8: {  	s31 =	sshll.u32 s1, $0xD;
	s1 =	sshrl.u32 s1, $0x2  }
0xb9: {  	s3 =	sand.u32 $0x4000, s31;
	s1 =	sadd.s32 s1, s30  }
0xba: {  	s0 =	sor.u32 s3, s0;
	s1 =	sshll.u32 s1, $0x11  }
0xbb: {  	s0 =	sor.u32 s1, s0  }
0xbc: {  	s0 =	sadd.s32 $0x8F2B, s0  }
0xbd: {  	[sflag:s0] =	ssyncadd.remote.s32 $0x1  }
0xbe: {  	_ =	sfence.sel $0xFFFF  }
0xbf: {  	[dreg:$0x0] =	wrdreg $0xFFFFFFFF;
	(pc) =	sbr.abs _section_cstart, $3  }
0xc0: {  	[dreg:$0x1] =	wrdreg $0xFFFFFFFF  }
0xc1: {  	_ =	task.clear_ibuf [dreg:s6], $0x2FFFF;
	_ =	strace $0x9FFFFFFF  }
0xc2: {  	(tm) =	ssettm $0x7FFFFFFF  }
0xc3: {  	_ =	shalt  }
tec
execute0_lowered:
.L_overlay_start_1:
0x0: {  	(tag) =	ssettag $0x1  }
0x1: {  	s0 =	srdreg.scid;
	s5 =	rddreg [dreg:$0x0]  }
0x2: {  	s9 =	stileid.u32;
	s2 =	rddreg [dreg:$0x1];
	s3 =	simm.s32 $0x0  }
0x3: {  	s14 =	simm.s32 $0x100;
	s15 =	simm.s32 $0x880;
	s17 =	simm.s32 $0x180  }
0x4: {  	s18 =	simm.s32 $0x900;
	[smem:$0x7FF] =	sst s3;
	s10 =	sadd.s32 $0x3FA00, s5  }
0x5: {  	s19 =	simm.s32 $0x200;
	_ =	strace $0x8000004D;
	[dreg:$0x11] =	wrdreg s10  }
0x6: {  	s20 =	simm.s32 $0x980;
	s21 =	simm.s32 $0x280;
	[dreg:$0x5] =	wrdreg s14  }
0x7: {  	s22 =	simm.s32 $0xA00;
	s23 =	simm.s32 $0x300;
	[dreg:$0x6] =	wrdreg s15  }
0x8: {  	s24 =	simm.s32 $0xA80;
	s25 =	simm.s32 $0x380;
	[dreg:$0x7] =	wrdreg s17  }
0x9: {  	s26 =	simm.s32 $0xB00;
	s28 =	simm.s32 $0x680;
	[dreg:$0x8] =	wrdreg s18  }
0xa: {  	s29 =	simm.s32 $0xE00;
	s30 =	simm.s32 $0x700;
	[dreg:$0x9] =	wrdreg s19  }
0xb: {  	s31 =	simm.s32 $0xE80;
	s1 =	smul.u32 $0x5000, s9;
	[dreg:$0xa] =	wrdreg s20  }
0xc: {  	s0 =	sand.u32 $0x1, s0;
	s7 =	smul.u32 $0x13C00, s9;
	[dreg:$0xb] =	wrdreg s21  }
0xd: {  	s12 =	smul.u32 $0x4F000, s9;
	s16 =	sshll.u32 s9, $0x6;
	[dreg:$0xc] =	wrdreg s22  }
0xe: {  	s9 =	simm.s32 $0x0;
	s4 =	smul.u32 $0x2800, s0;
	[dreg:$0xd] =	wrdreg s23  }
0xf: {  	s6 =	smul.u32 $0x13C000, s0;
	s0 =	ssub.s32 $0x2, s0;
	[dreg:$0xe] =	wrdreg s24  }
0x10: {  	s10 =	simm.s32 $0x3;
	s14 =	simm.s32 $0x5000;
	[dreg:$0xf] =	wrdreg s25  }
0x11: {  	s15 =	simm.s32 $0x1;
	[dreg:$0x10] =	wrdreg s26;
	s17 =	simm.s32 $0x400  }
0x12: {  	s18 =	simm.s32 $0xB80;
	s19 =	simm.s32 $0x480;
	s20 =	simm.s32 $0xC00  }
0x13: {  	s21 =	simm.s32 $0x500;
	s22 =	simm.s32 $0xC80;
	s23 =	simm.s32 $0x580  }
0x14: {  	s24 =	simm.s32 $0xD00;
	s25 =	simm.s32 $0x600;
	s26 =	simm.s32 $0xD80  }
0x15: {  	s11 =	sshrl.u32 s0, $0x1;
	s13 =	sshrl.u32 s12, $0x2;
	s12 =	simm.s32 $0x80  }
0x16: {  	s1 =	sadd.s32 s4, s1;
	s6 =	sadd.s32 s7, s6;
	s4 =	sadd.s32 $0x18800, s5  }
0x17: {  	s0 =	ssub.s32 s0, s11;
	s7 =	sor.u32 $0x1C03, s16;
	s11 =	simm.s32 $0x800  }
0x18: {  	s16 =	simm.s32 $0x2;
	s1 =	sshrl.u32 s1, $0x3;
	s6 =	sshrl.u32 s6, $0x3  }
0x19: {  	s0 =	smax.u32 s0, $0x1;
	[dreg:$0x12] =	wrdreg s7;
	s1 =	sadd.s32 s1, s5  }
0x1a: {  	s5 =	sadd.s32 s6, s5;
	[dreg:$0x14] =	wrdreg s0;
	s8 =	sadd.s32 $0x4800, s1  }
0x1b: {  	s6 =	sadd.s32 s13, s2;
	s1 =	sadd.s32 $0xE800, s1;
	[dreg:$0x3] =	wrdreg s8  }
0x1c: {  	s13 =	simm.s32 $0x1000;
	s5 =	sadd.s32 $0x90600, s5;
	[dreg:$0x4] =	wrdreg s1  }
0x1d: {  	s0 =	simm.s32 $0xF00;
	[dreg:$0x13] =	wrdreg s5;
	s8 =	sshrl.u32 s6, $0x3  }
0x1e: {  	s1 =	simm.s32 $0x780;
	s5 =	simm.s32 $0xF80;
	[dreg:$0x15] =	wrdreg s8  }
.LBB2_1:
0x1f: {  	[dreg:$0x16] =	wrdreg s9  }
0x20: {  	s6 =	rddreg [dreg:$0x11]  }
0x21: {  	[spmem:s8], [sflag:s7] =	dma.local [hbm:s6], $0x2780  }
0x22: {  	_ =	swait.ge [sflag:s10], $0x2780  }
0x23: {  	[sflag:s10] =	ssyncset.done $0x0  }
0x24: {  	[sflag:s10] =	ssyncadd.s32 $0xFFFFD880  }
0x25: {  	[bflag:$0x0] =	sbarrier.arrive $0xFFFF  }
0x26: {  	s8 =	rddreg [dreg:$0x4]  }
0x27: {  	s6 =	sadd.s32 $0x0, s8  }
0x28: {  	[tilespmem:s3], [sflag:$0x3] =	stream.linear.gather [hbm4b:s6+s3], $0x800, $0x38;
	[tilespmem:$0x1CC00] =	vst v63  }
0x29: {  	_ =	swait.ge [sflag:s10], $0x800  }
0x2a: {  	s9 =	rddreg [dreg:$0x3];
	[sflag:s10] =	ssyncset.done $0x0  }
0x2b: {  	[sflag:s10] =	ssyncadd.s32 $0xFFFFF800;
	s6 =	sadd.s32 $0x0, s9  }
0x2c: {  	[tilespmem:s11], [sflag:$0x3] =	stream.linear.gather [hbm4b:s6+s3], $0x800, $0x38;
	[tilespmem:$0x1CC00] =	vst v63  }
0x2d: {  	_ =	swait.ge [sflag:s10], $0x800  }
0x2e: {  	[sflag:s10] =	ssyncset.done $0x0  }
0x2f: {  	[sflag:s10] =	ssyncadd.s32 $0xFFFFF800  }
0x30: {  	[tilespmem:s13], [sflag:$0x1] =	stream.indirect.gather [hbm4b:s4+s12], $0x80, s3, s12, $0xb8;
	[tilespmem:$0x1CC00] =	vst v63  }
0x31: {  	_ = 	snop  }
0x32: {  	[tilespmem:s14], [sflag:$0x2] =	stream.indirect.gather [hbm4b:s4+s12], $0x80, s12, s12, $0xb8;
	[tilespmem:$0x1CC00] =	vst v63  }
0x33: {  	_ =	swait.ge [sflag:s15], $0x4000  }
0x34: {  	[sflag:s15] =	ssyncset.done $0x0  }
0x35: {  	[sflag:s15] =	ssyncadd.s32 $0xFFFFC000  }
0x36: {  	[spmem:s2] =	stream.indirect.scatter.add.f32 [tilespmem:s13], [sflag:$0x3], $0x80, s11, s12, $0xb8;
	[tilespmem:$0x1CC00] =	vst v63  }
0x37: {  	_ =	swait.ge [sflag:s10], $0x4000  }
0x38: {  	[sflag:s10] =	ssyncset.done $0x0  }
0x39: {  	s7 =	rddreg [dreg:$0x5];
	[sflag:s10] =	ssyncadd.s32 $0xFFFFC000  }
0x3a: {  	[tilespmem:s13], [sflag:$0x1] =	stream.indirect.gather [hbm4b:s4+s12], $0x80, s7, s12, $0xb8;
	[tilespmem:$0x1CC00] =	vst v63  }
0x3b: {  	_ =	swait.ge [sflag:s16], $0x4000  }
0x3c: {  	[sflag:s16] =	ssyncset.done $0x0  }
0x3d: {  	s8 =	rddreg [dreg:$0x6];
	[sflag:s16] =	ssyncadd.s32 $0xFFFFC000  }
0x3e: {  	[spmem:s2] =	stream.indirect.scatter.add.f32 [tilespmem:s14], [sflag:$0x3], $0x80, s8, s12, $0xb8;
	[tilespmem:$0x1CC00] =	vst v63  }
0x3f: {  	_ =	swait.ge [sflag:s10], $0x4000  }
0x40: {  	[sflag:s10] =	ssyncset.done $0x0  }
0x41: {  	s9 =	rddreg [dreg:$0x7];
	[sflag:s10] =	ssyncadd.s32 $0xFFFFC000  }
0x42: {  	[tilespmem:s14], [sflag:$0x2] =	stream.indirect.gather [hbm4b:s4+s12], $0x80, s9, s12, $0xb8;
	[tilespmem:$0x1CC00] =	vst v63  }
0x43: {  	_ =	swait.ge [sflag:s15], $0x4000  }
0x44: {  	[sflag:s15] =	ssyncset.done $0x0  }
0x45: {  	s7 =	rddreg [dreg:$0x8];
	[sflag:s15] =	ssyncadd.s32 $0xFFFFC000  }
0x46: {  	[spmem:s2] =	stream.indirect.scatter.add.f32 [tilespmem:s13], [sflag:$0x3], $0x80, s7, s12, $0xb8;
	[tilespmem:$0x1CC00] =	vst v63  }
0x47: {  	_ =	swait.ge [sflag:s10], $0x4000  }
0x48: {  	[sflag:s10] =	ssyncset.done $0x0  }
0x49: {  	s8 =	rddreg [dreg:$0x9];
	[sflag:s10] =	ssyncadd.s32 $0xFFFFC000  }
0x4a: {  	[tilespmem:s13], [sflag:$0x1] =	stream.indirect.gather [hbm4b:s4+s12], $0x80, s8, s12, $0xb8;
	[tilespmem:$0x1CC00] =	vst v63  }
0x4b: {  	_ =	swait.ge [sflag:s16], $0x4000  }
0x4c: {  	[sflag:s16] =	ssyncset.done $0x0  }
0x4d: {  	s9 =	rddreg [dreg:$0xa];
	[sflag:s16] =	ssyncadd.s32 $0xFFFFC000  }
0x4e: {  	[spmem:s2] =	stream.indirect.scatter.add.f32 [tilespmem:s14], [sflag:$0x3], $0x80, s9, s12, $0xb8;
	[tilespmem:$0x1CC00] =	vst v63  }
0x4f: {  	_ =	swait.ge [sflag:s10], $0x4000  }
0x50: {  	[sflag:s10] =	ssyncset.done $0x0  }
0x51: {  	s7 =	rddreg [dreg:$0xb];
	[sflag:s10] =	ssyncadd.s32 $0xFFFFC000  }
0x52: {  	[tilespmem:s14], [sflag:$0x2] =	stream.indirect.gather [hbm4b:s4+s12], $0x80, s7, s12, $0xb8;
	[tilespmem:$0x1CC00] =	vst v63  }
0x53: {  	_ =	swait.ge [sflag:s15], $0x4000  }
0x54: {  	[sflag:s15] =	ssyncset.done $0x0  }
0x55: {  	s8 =	rddreg [dreg:$0xc];
	[sflag:s15] =	ssyncadd.s32 $0xFFFFC000  }
0x56: {  	[spmem:s2] =	stream.indirect.scatter.add.f32 [tilespmem:s13], [sflag:$0x3], $0x80, s8, s12, $0xb8;
	[tilespmem:$0x1CC00] =	vst v63  }
0x57: {  	_ =	swait.ge [sflag:s10], $0x4000  }
0x58: {  	[sflag:s10] =	ssyncset.done $0x0  }
0x59: {  	s9 =	rddreg [dreg:$0xd];
	[sflag:s10] =	ssyncadd.s32 $0xFFFFC000  }
0x5a: {  	[tilespmem:s13], [sflag:$0x1] =	stream.indirect.gather [hbm4b:s4+s12], $0x80, s9, s12, $0xb8;
	[tilespmem:$0x1CC00] =	vst v63  }
0x5b: {  	_ =	swait.ge [sflag:s16], $0x4000  }
0x5c: {  	[sflag:s16] =	ssyncset.done $0x0  }
0x5d: {  	s7 =	rddreg [dreg:$0xe];
	[sflag:s16] =	ssyncadd.s32 $0xFFFFC000  }
0x5e: {  	[spmem:s2] =	stream.indirect.scatter.add.f32 [tilespmem:s14], [sflag:$0x3], $0x80, s7, s12, $0xb8;
	[tilespmem:$0x1CC00] =	vst v63  }
0x5f: {  	_ =	swait.ge [sflag:s10], $0x4000  }
0x60: {  	[sflag:s10] =	ssyncset.done $0x0  }
0x61: {  	s8 =	rddreg [dreg:$0xf];
	[sflag:s10] =	ssyncadd.s32 $0xFFFFC000  }
0x62: {  	[tilespmem:s14], [sflag:$0x2] =	stream.indirect.gather [hbm4b:s4+s12], $0x80, s8, s12, $0xb8;
	[tilespmem:$0x1CC00] =	vst v63  }
0x63: {  	_ =	swait.ge [sflag:s15], $0x4000  }
0x64: {  	[sflag:s15] =	ssyncset.done $0x0  }
0x65: {  	s9 =	rddreg [dreg:$0x10];
	[sflag:s15] =	ssyncadd.s32 $0xFFFFC000  }
0x66: {  	[spmem:s2] =	stream.indirect.scatter.add.f32 [tilespmem:s13], [sflag:$0x3], $0x80, s9, s12, $0xb8;
	[tilespmem:$0x1CC00] =	vst v63  }
0x67: {  	_ =	swait.ge [sflag:s10], $0x4000  }
0x68: {  	[sflag:s10] =	ssyncset.done $0x0  }
0x69: {  	[sflag:s10] =	ssyncadd.s32 $0xFFFFC000  }
0x6a: {  	[tilespmem:s13], [sflag:$0x1] =	stream.indirect.gather [hbm4b:s4+s12], $0x80, s17, s12, $0xb8;
	[tilespmem:$0x1CC00] =	vst v63  }
0x6b: {  	_ =	swait.ge [sflag:s16], $0x4000  }
0x6c: {  	[sflag:s16] =	ssyncset.done $0x0  }
0x6d: {  	[sflag:s16] =	ssyncadd.s32 $0xFFFFC000  }
0x6e: {  	[spmem:s2] =	stream.indirect.scatter.add.f32 [tilespmem:s14], [sflag:$0x3], $0x80, s18, s12, $0xb8;
	[tilespmem:$0x1CC00] =	vst v63  }
0x6f: {  	_ =	swait.ge [sflag:s10], $0x4000  }
0x70: {  	[sflag:s10] =	ssyncset.done $0x0  }
0x71: {  	[sflag:s10] =	ssyncadd.s32 $0xFFFFC000  }
0x72: {  	[tilespmem:s14], [sflag:$0x2] =	stream.indirect.gather [hbm4b:s4+s12], $0x80, s19, s12, $0xb8;
	[tilespmem:$0x1CC00] =	vst v63  }
0x73: {  	_ =	swait.ge [sflag:s15], $0x4000  }
0x74: {  	[sflag:s15] =	ssyncset.done $0x0  }
0x75: {  	[sflag:s15] =	ssyncadd.s32 $0xFFFFC000  }
0x76: {  	[spmem:s2] =	stream.indirect.scatter.add.f32 [tilespmem:s13], [sflag:$0x3], $0x80, s20, s12, $0xb8;
	[tilespmem:$0x1CC00] =	vst v63  }
0x77: {  	_ =	swait.ge [sflag:s10], $0x4000  }
0x78: {  	[sflag:s10] =	ssyncset.done $0x0  }
0x79: {  	[sflag:s10] =	ssyncadd.s32 $0xFFFFC000  }
0x7a: {  	[tilespmem:s13], [sflag:$0x1] =	stream.indirect.gather [hbm4b:s4+s12], $0x80, s21, s12, $0xb8;
	[tilespmem:$0x1CC00] =	vst v63  }
0x7b: {  	_ =	swait.ge [sflag:s16], $0x4000  }
0x7c: {  	[sflag:s16] =	ssyncset.done $0x0  }
0x7d: {  	[sflag:s16] =	ssyncadd.s32 $0xFFFFC000  }
0x7e: {  	[spmem:s2] =	stream.indirect.scatter.add.f32 [tilespmem:s14], [sflag:$0x3], $0x80, s22, s12, $0xb8;
	[tilespmem:$0x1CC00] =	vst v63  }
0x7f: {  	_ =	swait.ge [sflag:s10], $0x4000  }
0x80: {  	[sflag:s10] =	ssyncset.done $0x0  }
0x81: {  	[sflag:s10] =	ssyncadd.s32 $0xFFFFC000  }
0x82: {  	[tilespmem:s14], [sflag:$0x2] =	stream.indirect.gather [hbm4b:s4+s12], $0x80, s23, s12, $0xb8;
	[tilespmem:$0x1CC00] =	vst v63  }
0x83: {  	_ =	swait.ge [sflag:s15], $0x4000  }
0x84: {  	[sflag:s15] =	ssyncset.done $0x0  }
0x85: {  	[sflag:s15] =	ssyncadd.s32 $0xFFFFC000  }
0x86: {  	[spmem:s2] =	stream.indirect.scatter.add.f32 [tilespmem:s13], [sflag:$0x3], $0x80, s24, s12, $0xb8;
	[tilespmem:$0x1CC00] =	vst v63  }
0x87: {  	_ =	swait.ge [sflag:s10], $0x4000  }
0x88: {  	[sflag:s10] =	ssyncset.done $0x0  }
0x89: {  	[sflag:s10] =	ssyncadd.s32 $0xFFFFC000  }
0x8a: {  	[tilespmem:s13], [sflag:$0x1] =	stream.indirect.gather [hbm4b:s4+s12], $0x80, s25, s12, $0xb8;
	[tilespmem:$0x1CC00] =	vst v63  }
0x8b: {  	_ =	swait.ge [sflag:s16], $0x4000  }
0x8c: {  	[sflag:s16] =	ssyncset.done $0x0  }
0x8d: {  	[sflag:s16] =	ssyncadd.s32 $0xFFFFC000  }
0x8e: {  	[spmem:s2] =	stream.indirect.scatter.add.f32 [tilespmem:s14], [sflag:$0x3], $0x80, s26, s12, $0xb8;
	[tilespmem:$0x1CC00] =	vst v63  }
0x8f: {  	_ =	swait.ge [sflag:s10], $0x4000  }
0x90: {  	[sflag:s10] =	ssyncset.done $0x0  }
0x91: {  	[sflag:s10] =	ssyncadd.s32 $0xFFFFC000  }
0x92: {  	[tilespmem:s14], [sflag:$0x2] =	stream.indirect.gather [hbm4b:s4+s12], $0x80, s28, s12, $0xb8;
	[tilespmem:$0x1CC00] =	vst v63  }
0x93: {  	_ =	swait.ge [sflag:s15], $0x4000  }
0x94: {  	[sflag:s15] =	ssyncset.done $0x0  }
0x95: {  	[sflag:s15] =	ssyncadd.s32 $0xFFFFC000  }
0x96: {  	[spmem:s2] =	stream.indirect.scatter.add.f32 [tilespmem:s13], [sflag:$0x3], $0x80, s29, s12, $0xb8;
	[tilespmem:$0x1CC00] =	vst v63  }
0x97: {  	_ =	swait.ge [sflag:s10], $0x4000  }
0x98: {  	[sflag:s10] =	ssyncset.done $0x0  }
0x99: {  	[sflag:s10] =	ssyncadd.s32 $0xFFFFC000  }
0x9a: {  	[tilespmem:s13], [sflag:$0x1] =	stream.indirect.gather [hbm4b:s4+s12], $0x80, s30, s12, $0xb8;
	[tilespmem:$0x1CC00] =	vst v63  }
0x9b: {  	_ =	swait.ge [sflag:s16], $0x4000  }
0x9c: {  	[sflag:s16] =	ssyncset.done $0x0  }
0x9d: {  	[sflag:s16] =	ssyncadd.s32 $0xFFFFC000  }
0x9e: {  	[spmem:s2] =	stream.indirect.scatter.add.f32 [tilespmem:s14], [sflag:$0x3], $0x80, s31, s12, $0xb8;
	[tilespmem:$0x1CC00] =	vst v63  }
0x9f: {  	_ =	swait.ge [sflag:s10], $0x4000  }
0xa0: {  	[sflag:s10] =	ssyncset.done $0x0  }
0xa1: {  	[sflag:s10] =	ssyncadd.s32 $0xFFFFC000  }
0xa2: {  	[tilespmem:s14], [sflag:$0x2] =	stream.indirect.gather [hbm4b:s4+s12], $0x80, s1, s12, $0xb8;
	[tilespmem:$0x1CC00] =	vst v63  }
0xa3: {  	_ =	swait.ge [sflag:s15], $0x4000  }
0xa4: {  	[sflag:s15] =	ssyncset.done $0x0  }
0xa5: {  	[sflag:s15] =	ssyncadd.s32 $0xFFFFC000  }
0xa6: {  	[spmem:s2] =	stream.indirect.scatter.add.f32 [tilespmem:s13], [sflag:$0x3], $0x80, s0, s12, $0xb8;
	[tilespmem:$0x1CC00] =	vst v63  }
0xa7: {  	_ =	swait.ge [sflag:s10], $0x4000  }
0xa8: {  	[sflag:s10] =	ssyncset.done $0x0  }
0xa9: {  	[sflag:s10] =	ssyncadd.s32 $0xFFFFC000  }
0xaa: {  	_ =	swait.ge [sflag:s16], $0x4000  }
0xab: {  	[sflag:s16] =	ssyncset.done $0x0  }
0xac: {  	[sflag:s16] =	ssyncadd.s32 $0xFFFFC000  }
0xad: {  	[spmem:s2] =	stream.indirect.scatter.add.f32 [tilespmem:s14], [sflag:$0x3], $0x80, s5, s12, $0xb8;
	[tilespmem:$0x1CC00] =	vst v63  }
0xae: {  	s6 =	simm.s32 $0x200;
	_ =	swait.ge [sflag:s10], $0x4000  }
0xaf: {  	s8 =	simm.s32 $0x100;
	s9 =	rddreg [dreg:$0x4];
	[sflag:s10] =	ssyncset.done $0x0  }
.LBB2_2:
0xb0: {  	[sflag:s10] =	ssyncadd.s32 $0xFFFFC000;
	s9 =	sadd.s32 s8, s9  }
0xb1: {  	[tilespmem:s3], [sflag:$0x3] =	stream.linear.gather [hbm4b:s9+s3], $0x800, $0x38;
	[tilespmem:$0x1CC00] =	vst v63  }
0xb2: {  	_ =	swait.ge [sflag:s10], $0x800  }
0xb3: {  	s9 =	rddreg [dreg:$0x3];
	[sflag:s10] =	ssyncset.done $0x0  }
0xb4: {  	[sflag:s10] =	ssyncadd.s32 $0xFFFFF800;
	s9 =	sadd.s32 s8, s9  }
0xb5: {  	[tilespmem:s11], [sflag:$0x3] =	stream.linear.gather [hbm4b:s9+s3], $0x800, $0x38;
	[tilespmem:$0x1CC00] =	vst v63  }
0xb6: {  	_ =	swait.ge [sflag:s10], $0x800  }
0xb7: {  	[sflag:s10] =	ssyncset.done $0x0  }
0xb8: {  	[sflag:s10] =	ssyncadd.s32 $0xFFFFF800  }
0xb9: {  	[tilespmem:s13], [sflag:$0x1] =	stream.indirect.gather [hbm4b:s4+s12], $0x80, s3, s12, $0xb8;
	[tilespmem:$0x1CC00] =	vst v63  }
0xba: {  	_ = 	snop  }
0xbb: {  	[tilespmem:s14], [sflag:$0x2] =	stream.indirect.gather [hbm4b:s4+s12], $0x80, s12, s12, $0xb8;
	[tilespmem:$0x1CC00] =	vst v63  }
0xbc: {  	_ =	swait.ge [sflag:s15], $0x4000  }
0xbd: {  	[sflag:s15] =	ssyncset.done $0x0  }
0xbe: {  	[sflag:s15] =	ssyncadd.s32 $0xFFFFC000  }
0xbf: {  	[spmem:s2] =	stream.indirect.scatter.add.f32 [tilespmem:s13], [sflag:$0x3], $0x80, s11, s12, $0xb8;
	[tilespmem:$0x1CC00] =	vst v63  }
0xc0: {  	_ =	swait.ge [sflag:s10], $0x4000  }
0xc1: {  	[sflag:s10] =	ssyncset.done $0x0  }
0xc2: {  	s9 =	rddreg [dreg:$0x5];
	[sflag:s10] =	ssyncadd.s32 $0xFFFFC000  }
0xc3: {  	[tilespmem:s13], [sflag:$0x1] =	stream.indirect.gather [hbm4b:s4+s12], $0x80, s9, s12, $0xb8;
	[tilespmem:$0x1CC00] =	vst v63  }
0xc4: {  	_ =	swait.ge [sflag:s16], $0x4000  }
0xc5: {  	[sflag:s16] =	ssyncset.done $0x0  }
0xc6: {  	s9 =	rddreg [dreg:$0x6];
	[sflag:s16] =	ssyncadd.s32 $0xFFFFC000  }
0xc7: {  	[spmem:s2] =	stream.indirect.scatter.add.f32 [tilespmem:s14], [sflag:$0x3], $0x80, s9, s12, $0xb8;
	[tilespmem:$0x1CC00] =	vst v63  }
0xc8: {  	_ =	swait.ge [sflag:s10], $0x4000  }
0xc9: {  	[sflag:s10] =	ssyncset.done $0x0  }
0xca: {  	s9 =	rddreg [dreg:$0x7];
	[sflag:s10] =	ssyncadd.s32 $0xFFFFC000  }
0xcb: {  	[tilespmem:s14], [sflag:$0x2] =	stream.indirect.gather [hbm4b:s4+s12], $0x80, s9, s12, $0xb8;
	[tilespmem:$0x1CC00] =	vst v63  }
0xcc: {  	_ =	swait.ge [sflag:s15], $0x4000  }
0xcd: {  	[sflag:s15] =	ssyncset.done $0x0  }
0xce: {  	s9 =	rddreg [dreg:$0x8];
	[sflag:s15] =	ssyncadd.s32 $0xFFFFC000  }
0xcf: {  	[spmem:s2] =	stream.indirect.scatter.add.f32 [tilespmem:s13], [sflag:$0x3], $0x80, s9, s12, $0xb8;
	[tilespmem:$0x1CC00] =	vst v63  }
0xd0: {  	_ =	swait.ge [sflag:s10], $0x4000  }
0xd1: {  	[sflag:s10] =	ssyncset.done $0x0  }
0xd2: {  	s9 =	rddreg [dreg:$0x9];
	[sflag:s10] =	ssyncadd.s32 $0xFFFFC000  }
0xd3: {  	[tilespmem:s13], [sflag:$0x1] =	stream.indirect.gather [hbm4b:s4+s12], $0x80, s9, s12, $0xb8;
	[tilespmem:$0x1CC00] =	vst v63  }
0xd4: {  	_ =	swait.ge [sflag:s16], $0x4000  }
0xd5: {  	[sflag:s16] =	ssyncset.done $0x0  }
0xd6: {  	s9 =	rddreg [dreg:$0xa];
	[sflag:s16] =	ssyncadd.s32 $0xFFFFC000  }
0xd7: {  	[spmem:s2] =	stream.indirect.scatter.add.f32 [tilespmem:s14], [sflag:$0x3], $0x80, s9, s12, $0xb8;
	[tilespmem:$0x1CC00] =	vst v63  }
0xd8: {  	_ =	swait.ge [sflag:s10], $0x4000  }
0xd9: {  	[sflag:s10] =	ssyncset.done $0x0  }
0xda: {  	s9 =	rddreg [dreg:$0xb];
	[sflag:s10] =	ssyncadd.s32 $0xFFFFC000  }
0xdb: {  	[tilespmem:s14], [sflag:$0x2] =	stream.indirect.gather [hbm4b:s4+s12], $0x80, s9, s12, $0xb8;
	[tilespmem:$0x1CC00] =	vst v63  }
0xdc: {  	_ =	swait.ge [sflag:s15], $0x4000  }
0xdd: {  	[sflag:s15] =	ssyncset.done $0x0  }
0xde: {  	s9 =	rddreg [dreg:$0xc];
	[sflag:s15] =	ssyncadd.s32 $0xFFFFC000  }
0xdf: {  	[spmem:s2] =	stream.indirect.scatter.add.f32 [tilespmem:s13], [sflag:$0x3], $0x80, s9, s12, $0xb8;
	[tilespmem:$0x1CC00] =	vst v63  }
0xe0: {  	_ =	swait.ge [sflag:s10], $0x4000  }
0xe1: {  	[sflag:s10] =	ssyncset.done $0x0  }
0xe2: {  	s9 =	rddreg [dreg:$0xd];
	[sflag:s10] =	ssyncadd.s32 $0xFFFFC000  }
0xe3: {  	[tilespmem:s13], [sflag:$0x1] =	stream.indirect.gather [hbm4b:s4+s12], $0x80, s9, s12, $0xb8;
	[tilespmem:$0x1CC00] =	vst v63  }
0xe4: {  	_ =	swait.ge [sflag:s16], $0x4000  }
0xe5: {  	[sflag:s16] =	ssyncset.done $0x0  }
0xe6: {  	s9 =	rddreg [dreg:$0xe];
	[sflag:s16] =	ssyncadd.s32 $0xFFFFC000  }
0xe7: {  	[spmem:s2] =	stream.indirect.scatter.add.f32 [tilespmem:s14], [sflag:$0x3], $0x80, s9, s12, $0xb8;
	[tilespmem:$0x1CC00] =	vst v63  }
0xe8: {  	_ =	swait.ge [sflag:s10], $0x4000  }
0xe9: {  	[sflag:s10] =	ssyncset.done $0x0  }
0xea: {  	s9 =	rddreg [dreg:$0xf];
	[sflag:s10] =	ssyncadd.s32 $0xFFFFC000  }
0xeb: {  	[tilespmem:s14], [sflag:$0x2] =	stream.indirect.gather [hbm4b:s4+s12], $0x80, s9, s12, $0xb8;
	[tilespmem:$0x1CC00] =	vst v63  }
0xec: {  	_ =	swait.ge [sflag:s15], $0x4000  }
0xed: {  	[sflag:s15] =	ssyncset.done $0x0  }
0xee: {  	s9 =	rddreg [dreg:$0x10];
	[sflag:s15] =	ssyncadd.s32 $0xFFFFC000  }
0xef: {  	[spmem:s2] =	stream.indirect.scatter.add.f32 [tilespmem:s13], [sflag:$0x3], $0x80, s9, s12, $0xb8;
	[tilespmem:$0x1CC00] =	vst v63  }
0xf0: {  	_ =	swait.ge [sflag:s10], $0x4000  }
0xf1: {  	[sflag:s10] =	ssyncset.done $0x0  }
0xf2: {  	[sflag:s10] =	ssyncadd.s32 $0xFFFFC000  }
0xf3: {  	[tilespmem:s13], [sflag:$0x1] =	stream.indirect.gather [hbm4b:s4+s12], $0x80, s17, s12, $0xb8;
	[tilespmem:$0x1CC00] =	vst v63  }
0xf4: {  	_ =	swait.ge [sflag:s16], $0x4000  }
0xf5: {  	[sflag:s16] =	ssyncset.done $0x0  }
0xf6: {  	[sflag:s16] =	ssyncadd.s32 $0xFFFFC000  }
0xf7: {  	[spmem:s2] =	stream.indirect.scatter.add.f32 [tilespmem:s14], [sflag:$0x3], $0x80, s18, s12, $0xb8;
	[tilespmem:$0x1CC00] =	vst v63  }
0xf8: {  	_ =	swait.ge [sflag:s10], $0x4000  }
0xf9: {  	[sflag:s10] =	ssyncset.done $0x0  }
0xfa: {  	[sflag:s10] =	ssyncadd.s32 $0xFFFFC000  }
0xfb: {  	[tilespmem:s14], [sflag:$0x2] =	stream.indirect.gather [hbm4b:s4+s12], $0x80, s19, s12, $0xb8;
	[tilespmem:$0x1CC00] =	vst v63  }
0xfc: {  	_ =	swait.ge [sflag:s15], $0x4000  }
0xfd: {  	[sflag:s15] =	ssyncset.done $0x0  }
0xfe: {  	[sflag:s15] =	ssyncadd.s32 $0xFFFFC000  }
0xff: {  	[spmem:s2] =	stream.indirect.scatter.add.f32 [tilespmem:s13], [sflag:$0x3], $0x80, s20, s12, $0xb8;
	[tilespmem:$0x1CC00] =	vst v63  }
0x100: {  	_ =	swait.ge [sflag:s10], $0x4000  }
0x101: {  	[sflag:s10] =	ssyncset.done $0x0  }
0x102: {  	[sflag:s10] =	ssyncadd.s32 $0xFFFFC000  }
0x103: {  	[tilespmem:s13], [sflag:$0x1] =	stream.indirect.gather [hbm4b:s4+s12], $0x80, s21, s12, $0xb8;
	[tilespmem:$0x1CC00] =	vst v63  }
0x104: {  	_ =	swait.ge [sflag:s16], $0x4000  }
0x105: {  	[sflag:s16] =	ssyncset.done $0x0  }
0x106: {  	[sflag:s16] =	ssyncadd.s32 $0xFFFFC000  }
0x107: {  	[spmem:s2] =	stream.indirect.scatter.add.f32 [tilespmem:s14], [sflag:$0x3], $0x80, s22, s12, $0xb8;
	[tilespmem:$0x1CC00] =	vst v63  }
0x108: {  	_ =	swait.ge [sflag:s10], $0x4000  }
0x109: {  	[sflag:s10] =	ssyncset.done $0x0  }
0x10a: {  	[sflag:s10] =	ssyncadd.s32 $0xFFFFC000  }
0x10b: {  	[tilespmem:s14], [sflag:$0x2] =	stream.indirect.gather [hbm4b:s4+s12], $0x80, s23, s12, $0xb8;
	[tilespmem:$0x1CC00] =	vst v63  }
0x10c: {  	_ =	swait.ge [sflag:s15], $0x4000  }
0x10d: {  	[sflag:s15] =	ssyncset.done $0x0  }
0x10e: {  	[sflag:s15] =	ssyncadd.s32 $0xFFFFC000  }
0x10f: {  	[spmem:s2] =	stream.indirect.scatter.add.f32 [tilespmem:s13], [sflag:$0x3], $0x80, s24, s12, $0xb8;
	[tilespmem:$0x1CC00] =	vst v63  }
0x110: {  	_ =	swait.ge [sflag:s10], $0x4000  }
0x111: {  	[sflag:s10] =	ssyncset.done $0x0  }
0x112: {  	[sflag:s10] =	ssyncadd.s32 $0xFFFFC000  }
0x113: {  	[tilespmem:s13], [sflag:$0x1] =	stream.indirect.gather [hbm4b:s4+s12], $0x80, s25, s12, $0xb8;
	[tilespmem:$0x1CC00] =	vst v63  }
0x114: {  	_ =	swait.ge [sflag:s16], $0x4000  }
0x115: {  	[sflag:s16] =	ssyncset.done $0x0  }
0x116: {  	[sflag:s16] =	ssyncadd.s32 $0xFFFFC000  }
0x117: {  	[spmem:s2] =	stream.indirect.scatter.add.f32 [tilespmem:s14], [sflag:$0x3], $0x80, s26, s12, $0xb8;
	[tilespmem:$0x1CC00] =	vst v63  }
0x118: {  	_ =	swait.ge [sflag:s10], $0x4000  }
0x119: {  	[sflag:s10] =	ssyncset.done $0x0  }
0x11a: {  	[sflag:s10] =	ssyncadd.s32 $0xFFFFC000  }
0x11b: {  	[tilespmem:s14], [sflag:$0x2] =	stream.indirect.gather [hbm4b:s4+s12], $0x80, s28, s12, $0xb8;
	[tilespmem:$0x1CC00] =	vst v63  }
0x11c: {  	_ =	swait.ge [sflag:s15], $0x4000  }
0x11d: {  	[sflag:s15] =	ssyncset.done $0x0  }
0x11e: {  	[sflag:s15] =	ssyncadd.s32 $0xFFFFC000  }
0x11f: {  	[spmem:s2] =	stream.indirect.scatter.add.f32 [tilespmem:s13], [sflag:$0x3], $0x80, s29, s12, $0xb8;
	[tilespmem:$0x1CC00] =	vst v63  }
0x120: {  	_ =	swait.ge [sflag:s10], $0x4000  }
0x121: {  	[sflag:s10] =	ssyncset.done $0x0  }
0x122: {  	[sflag:s10] =	ssyncadd.s32 $0xFFFFC000  }
0x123: {  	[tilespmem:s13], [sflag:$0x1] =	stream.indirect.gather [hbm4b:s4+s12], $0x80, s30, s12, $0xb8;
	[tilespmem:$0x1CC00] =	vst v63  }
0x124: {  	_ =	swait.ge [sflag:s16], $0x4000  }
0x125: {  	[sflag:s16] =	ssyncset.done $0x0  }
0x126: {  	[sflag:s16] =	ssyncadd.s32 $0xFFFFC000  }
0x127: {  	[spmem:s2] =	stream.indirect.scatter.add.f32 [tilespmem:s14], [sflag:$0x3], $0x80, s31, s12, $0xb8;
	[tilespmem:$0x1CC00] =	vst v63  }
0x128: {  	_ =	swait.ge [sflag:s10], $0x4000  }
0x129: {  	[sflag:s10] =	ssyncset.done $0x0  }
0x12a: {  	[sflag:s10] =	ssyncadd.s32 $0xFFFFC000  }
0x12b: {  	[tilespmem:s14], [sflag:$0x2] =	stream.indirect.gather [hbm4b:s4+s12], $0x80, s1, s12, $0xb8;
	[tilespmem:$0x1CC00] =	vst v63  }
0x12c: {  	_ =	swait.ge [sflag:s15], $0x4000  }
0x12d: {  	[sflag:s15] =	ssyncset.done $0x0  }
0x12e: {  	[sflag:s15] =	ssyncadd.s32 $0xFFFFC000  }
0x12f: {  	[spmem:s2] =	stream.indirect.scatter.add.f32 [tilespmem:s13], [sflag:$0x3], $0x80, s0, s12, $0xb8;
	[tilespmem:$0x1CC00] =	vst v63  }
0x130: {  	_ =	swait.ge [sflag:s10], $0x4000  }
0x131: {  	[sflag:s10] =	ssyncset.done $0x0  }
0x132: {  	[sflag:s10] =	ssyncadd.s32 $0xFFFFC000  }
0x133: {  	p0 =	sne.s32 s6, $0x400;
	_ =	swait.ge [sflag:s16], $0x4000  }
.Ltmp0:
0x134: {  	[sflag:s16] =	ssyncset.done $0x0;
	(pc) =	sbr.rel @p0 .LBB2_2-.Ltmp0, $4  }
0x135: {  	[sflag:s16] =	ssyncadd.s32 $0xFFFFC000  }
0x136: {  	[spmem:s2] =	stream.indirect.scatter.add.f32 [tilespmem:s14], [sflag:$0x3], $0x80, s5, s12, $0xb8;
	[tilespmem:$0x1CC00] =	vst v63  }
0x137: {  	s7 =	smov.u32 s6;
	s6 =	sadd.s32 $0x100, s6;
	_ =	swait.ge [sflag:s10], $0x4000  }
0x138: {  	s8 =	smov.u32 s7;
	s9 =	rddreg [dreg:$0x4];
	[sflag:s10] =	ssyncset.done $0x0  }
0x139: {  	[sflag:s10] =	ssyncadd.s32 $0xFFFFC000;
	s6 =	sadd.s32 s8, s9  }
0x13a: {  	[tilespmem:s3], [sflag:$0x3] =	stream.linear.gather [hbm4b:s6+s3], $0x800, $0x38;
	[tilespmem:$0x1CC00] =	vst v63  }
0x13b: {  	_ =	swait.ge [sflag:s10], $0x800  }
0x13c: {  	s7 =	rddreg [dreg:$0x3];
	[sflag:s10] =	ssyncset.done $0x0  }
0x13d: {  	s6 =	sadd.s32 s8, s7;
	[sflag:s10] =	ssyncadd.s32 $0xFFFFF800  }
0x13e: {  	[tilespmem:s11], [sflag:$0x3] =	stream.linear.gather [hbm4b:s6+s3], $0x800, $0x38;
	[tilespmem:$0x1CC00] =	vst v63  }
0x13f: {  	_ =	swait.ge [sflag:s10], $0x800  }
0x140: {  	[sflag:s10] =	ssyncset.done $0x0  }
0x141: {  	[sflag:s10] =	ssyncadd.s32 $0xFFFFF800  }
0x142: {  	[tilespmem:s13], [sflag:$0x1] =	stream.indirect.gather [hbm4b:s4+s12], $0x80, s3, s12, $0xb8;
	[tilespmem:$0x1CC00] =	vst v63  }
0x143: {  	_ = 	snop  }
0x144: {  	[tilespmem:s14], [sflag:$0x2] =	stream.indirect.gather [hbm4b:s4+s12], $0x80, s12, s12, $0xb8;
	[tilespmem:$0x1CC00] =	vst v63  }
0x145: {  	_ =	swait.ge [sflag:s15], $0x4000  }
0x146: {  	[sflag:s15] =	ssyncset.done $0x0  }
0x147: {  	[sflag:s15] =	ssyncadd.s32 $0xFFFFC000  }
0x148: {  	[spmem:s2] =	stream.indirect.scatter.add.f32 [tilespmem:s13], [sflag:$0x3], $0x80, s11, s12, $0xb8;
	[tilespmem:$0x1CC00] =	vst v63  }
0x149: {  	_ =	swait.ge [sflag:s10], $0x4000  }
0x14a: {  	[sflag:s10] =	ssyncset.done $0x0  }
0x14b: {  	s9 =	rddreg [dreg:$0x5];
	[sflag:s10] =	ssyncadd.s32 $0xFFFFC000  }
0x14c: {  	[tilespmem:s13], [sflag:$0x1] =	stream.indirect.gather [hbm4b:s4+s12], $0x80, s9, s12, $0xb8;
	[tilespmem:$0x1CC00] =	vst v63  }
0x14d: {  	_ =	swait.ge [sflag:s16], $0x4000  }
0x14e: {  	[sflag:s16] =	ssyncset.done $0x0  }
0x14f: {  	s7 =	rddreg [dreg:$0x6];
	[sflag:s16] =	ssyncadd.s32 $0xFFFFC000  }
0x150: {  	[spmem:s2] =	stream.indirect.scatter.add.f32 [tilespmem:s14], [sflag:$0x3], $0x80, s7, s12, $0xb8;
	[tilespmem:$0x1CC00] =	vst v63  }
0x151: {  	_ =	swait.ge [sflag:s10], $0x4000  }
0x152: {  	[sflag:s10] =	ssyncset.done $0x0  }
0x153: {  	s8 =	rddreg [dreg:$0x7];
	[sflag:s10] =	ssyncadd.s32 $0xFFFFC000  }
0x154: {  	[tilespmem:s14], [sflag:$0x2] =	stream.indirect.gather [hbm4b:s4+s12], $0x80, s8, s12, $0xb8;
	[tilespmem:$0x1CC00] =	vst v63  }
0x155: {  	_ =	swait.ge [sflag:s15], $0x4000  }
0x156: {  	[sflag:s15] =	ssyncset.done $0x0  }
0x157: {  	s9 =	rddreg [dreg:$0x8];
	[sflag:s15] =	ssyncadd.s32 $0xFFFFC000  }
0x158: {  	[spmem:s2] =	stream.indirect.scatter.add.f32 [tilespmem:s13], [sflag:$0x3], $0x80, s9, s12, $0xb8;
	[tilespmem:$0x1CC00] =	vst v63  }
0x159: {  	_ =	swait.ge [sflag:s10], $0x4000  }
0x15a: {  	[sflag:s10] =	ssyncset.done $0x0  }
0x15b: {  	s7 =	rddreg [dreg:$0x9];
	[sflag:s10] =	ssyncadd.s32 $0xFFFFC000  }
0x15c: {  	[tilespmem:s13], [sflag:$0x1] =	stream.indirect.gather [hbm4b:s4+s12], $0x80, s7, s12, $0xb8;
	[tilespmem:$0x1CC00] =	vst v63  }
0x15d: {  	_ =	swait.ge [sflag:s16], $0x4000  }
0x15e: {  	[sflag:s16] =	ssyncset.done $0x0  }
0x15f: {  	s8 =	rddreg [dreg:$0xa];
	[sflag:s16] =	ssyncadd.s32 $0xFFFFC000  }
0x160: {  	[spmem:s2] =	stream.indirect.scatter.add.f32 [tilespmem:s14], [sflag:$0x3], $0x80, s8, s12, $0xb8;
	[tilespmem:$0x1CC00] =	vst v63  }
0x161: {  	_ =	swait.ge [sflag:s10], $0x4000  }
0x162: {  	[sflag:s10] =	ssyncset.done $0x0  }
0x163: {  	s9 =	rddreg [dreg:$0xb];
	[sflag:s10] =	ssyncadd.s32 $0xFFFFC000  }
0x164: {  	[tilespmem:s14], [sflag:$0x2] =	stream.indirect.gather [hbm4b:s4+s12], $0x80, s9, s12, $0xb8;
	[tilespmem:$0x1CC00] =	vst v63  }
0x165: {  	_ =	swait.ge [sflag:s15], $0x4000  }
0x166: {  	[sflag:s15] =	ssyncset.done $0x0  }
0x167: {  	s7 =	rddreg [dreg:$0xc];
	[sflag:s15] =	ssyncadd.s32 $0xFFFFC000  }
0x168: {  	[spmem:s2] =	stream.indirect.scatter.add.f32 [tilespmem:s13], [sflag:$0x3], $0x80, s7, s12, $0xb8;
	[tilespmem:$0x1CC00] =	vst v63  }
0x169: {  	_ =	swait.ge [sflag:s10], $0x4000  }
0x16a: {  	[sflag:s10] =	ssyncset.done $0x0  }
0x16b: {  	s8 =	rddreg [dreg:$0xd];
	[sflag:s10] =	ssyncadd.s32 $0xFFFFC000  }
0x16c: {  	[tilespmem:s13], [sflag:$0x1] =	stream.indirect.gather [hbm4b:s4+s12], $0x80, s8, s12, $0xb8;
	[tilespmem:$0x1CC00] =	vst v63  }
0x16d: {  	_ =	swait.ge [sflag:s16], $0x4000  }
0x16e: {  	[sflag:s16] =	ssyncset.done $0x0  }
0x16f: {  	s9 =	rddreg [dreg:$0xe];
	[sflag:s16] =	ssyncadd.s32 $0xFFFFC000  }
0x170: {  	[spmem:s2] =	stream.indirect.scatter.add.f32 [tilespmem:s14], [sflag:$0x3], $0x80, s9, s12, $0xb8;
	[tilespmem:$0x1CC00] =	vst v63  }
0x171: {  	_ =	swait.ge [sflag:s10], $0x4000  }
0x172: {  	[sflag:s10] =	ssyncset.done $0x0  }
0x173: {  	s7 =	rddreg [dreg:$0xf];
	[sflag:s10] =	ssyncadd.s32 $0xFFFFC000  }
0x174: {  	[tilespmem:s14], [sflag:$0x2] =	stream.indirect.gather [hbm4b:s4+s12], $0x80, s7, s12, $0xb8;
	[tilespmem:$0x1CC00] =	vst v63  }
0x175: {  	_ =	swait.ge [sflag:s15], $0x4000  }
0x176: {  	[sflag:s15] =	ssyncset.done $0x0  }
0x177: {  	s8 =	rddreg [dreg:$0x10];
	[sflag:s15] =	ssyncadd.s32 $0xFFFFC000  }
0x178: {  	[spmem:s2] =	stream.indirect.scatter.add.f32 [tilespmem:s13], [sflag:$0x3], $0x80, s8, s12, $0xb8;
	[tilespmem:$0x1CC00] =	vst v63  }
0x179: {  	_ =	swait.ge [sflag:s10], $0x4000  }
0x17a: {  	[sflag:s10] =	ssyncset.done $0x0  }
0x17b: {  	[sflag:s10] =	ssyncadd.s32 $0xFFFFC000  }
0x17c: {  	[tilespmem:s13], [sflag:$0x1] =	stream.indirect.gather [hbm4b:s4+s12], $0x80, s17, s12, $0xb8;
	[tilespmem:$0x1CC00] =	vst v63  }
0x17d: {  	_ =	swait.ge [sflag:s16], $0x4000  }
0x17e: {  	[sflag:s16] =	ssyncset.done $0x0  }
0x17f: {  	[sflag:s16] =	ssyncadd.s32 $0xFFFFC000  }
0x180: {  	[spmem:s2] =	stream.indirect.scatter.add.f32 [tilespmem:s14], [sflag:$0x3], $0x80, s18, s12, $0xb8;
	[tilespmem:$0x1CC00] =	vst v63  }
0x181: {  	_ =	swait.ge [sflag:s10], $0x4000  }
0x182: {  	[sflag:s10] =	ssyncset.done $0x0  }
0x183: {  	[sflag:s10] =	ssyncadd.s32 $0xFFFFC000  }
0x184: {  	[tilespmem:s14], [sflag:$0x2] =	stream.indirect.gather [hbm4b:s4+s12], $0x80, s19, s12, $0xb8;
	[tilespmem:$0x1CC00] =	vst v63  }
0x185: {  	_ =	swait.ge [sflag:s15], $0x4000  }
0x186: {  	[sflag:s15] =	ssyncset.done $0x0  }
0x187: {  	[sflag:s15] =	ssyncadd.s32 $0xFFFFC000  }
0x188: {  	[spmem:s2] =	stream.indirect.scatter.add.f32 [tilespmem:s13], [sflag:$0x3], $0x80, s20, s12, $0xb8;
	[tilespmem:$0x1CC00] =	vst v63  }
0x189: {  	_ =	swait.ge [sflag:s10], $0x4000  }
0x18a: {  	[sflag:s10] =	ssyncset.done $0x0  }
0x18b: {  	[sflag:s10] =	ssyncadd.s32 $0xFFFFC000  }
0x18c: {  	[tilespmem:s13], [sflag:$0x1] =	stream.indirect.gather [hbm4b:s4+s12], $0x80, s21, s12, $0xb8;
	[tilespmem:$0x1CC00] =	vst v63  }
0x18d: {  	_ =	swait.ge [sflag:s16], $0x4000  }
0x18e: {  	[sflag:s16] =	ssyncset.done $0x0  }
0x18f: {  	[sflag:s16] =	ssyncadd.s32 $0xFFFFC000  }
0x190: {  	[spmem:s2] =	stream.indirect.scatter.add.f32 [tilespmem:s14], [sflag:$0x3], $0x80, s22, s12, $0xb8;
	[tilespmem:$0x1CC00] =	vst v63  }
0x191: {  	_ =	swait.ge [sflag:s10], $0x4000  }
0x192: {  	[sflag:s10] =	ssyncset.done $0x0  }
0x193: {  	[sflag:s10] =	ssyncadd.s32 $0xFFFFC000  }
0x194: {  	[tilespmem:s14], [sflag:$0x2] =	stream.indirect.gather [hbm4b:s4+s12], $0x80, s23, s12, $0xb8;
	[tilespmem:$0x1CC00] =	vst v63  }
0x195: {  	_ =	swait.ge [sflag:s15], $0x4000  }
0x196: {  	[sflag:s15] =	ssyncset.done $0x0  }
0x197: {  	[sflag:s15] =	ssyncadd.s32 $0xFFFFC000  }
0x198: {  	[spmem:s2] =	stream.indirect.scatter.add.f32 [tilespmem:s13], [sflag:$0x3], $0x80, s24, s12, $0xb8;
	[tilespmem:$0x1CC00] =	vst v63  }
0x199: {  	_ =	swait.ge [sflag:s10], $0x4000  }
0x19a: {  	[sflag:s10] =	ssyncset.done $0x0  }
0x19b: {  	[sflag:s10] =	ssyncadd.s32 $0xFFFFC000  }
0x19c: {  	[tilespmem:s13], [sflag:$0x1] =	stream.indirect.gather [hbm4b:s4+s12], $0x80, s25, s12, $0xb8;
	[tilespmem:$0x1CC00] =	vst v63  }
0x19d: {  	_ =	swait.ge [sflag:s16], $0x4000  }
0x19e: {  	[sflag:s16] =	ssyncset.done $0x0  }
0x19f: {  	[sflag:s16] =	ssyncadd.s32 $0xFFFFC000  }
0x1a0: {  	[spmem:s2] =	stream.indirect.scatter.add.f32 [tilespmem:s14], [sflag:$0x3], $0x80, s26, s12, $0xb8;
	[tilespmem:$0x1CC00] =	vst v63  }
0x1a1: {  	_ =	swait.ge [sflag:s10], $0x4000  }
0x1a2: {  	[sflag:s10] =	ssyncset.done $0x0  }
0x1a3: {  	[sflag:s10] =	ssyncadd.s32 $0xFFFFC000  }
0x1a4: {  	[tilespmem:s14], [sflag:$0x2] =	stream.indirect.gather [hbm4b:s4+s12], $0x80, s28, s12, $0xb8;
	[tilespmem:$0x1CC00] =	vst v63  }
0x1a5: {  	_ =	swait.ge [sflag:s15], $0x4000  }
0x1a6: {  	[sflag:s15] =	ssyncset.done $0x0  }
0x1a7: {  	[sflag:s15] =	ssyncadd.s32 $0xFFFFC000  }
0x1a8: {  	[spmem:s2] =	stream.indirect.scatter.add.f32 [tilespmem:s13], [sflag:$0x3], $0x80, s29, s12, $0xb8;
	[tilespmem:$0x1CC00] =	vst v63  }
0x1a9: {  	_ =	swait.ge [sflag:s10], $0x4000  }
0x1aa: {  	[sflag:s10] =	ssyncset.done $0x0  }
0x1ab: {  	[sflag:s10] =	ssyncadd.s32 $0xFFFFC000  }
0x1ac: {  	[tilespmem:s13], [sflag:$0x1] =	stream.indirect.gather [hbm4b:s4+s12], $0x80, s30, s12, $0xb8;
	[tilespmem:$0x1CC00] =	vst v63  }
0x1ad: {  	_ =	swait.ge [sflag:s16], $0x4000  }
0x1ae: {  	[sflag:s16] =	ssyncset.done $0x0  }
0x1af: {  	[sflag:s16] =	ssyncadd.s32 $0xFFFFC000  }
0x1b0: {  	[spmem:s2] =	stream.indirect.scatter.add.f32 [tilespmem:s14], [sflag:$0x3], $0x80, s31, s12, $0xb8;
	[tilespmem:$0x1CC00] =	vst v63  }
0x1b1: {  	_ =	swait.ge [sflag:s10], $0x4000  }
0x1b2: {  	[sflag:s10] =	ssyncset.done $0x0  }
0x1b3: {  	[sflag:s10] =	ssyncadd.s32 $0xFFFFC000  }
0x1b4: {  	[tilespmem:s14], [sflag:$0x2] =	stream.indirect.gather [hbm4b:s4+s12], $0x80, s1, s12, $0xb8;
	[tilespmem:$0x1CC00] =	vst v63  }
0x1b5: {  	_ =	swait.ge [sflag:s15], $0x4000  }
0x1b6: {  	[sflag:s15] =	ssyncset.done $0x0  }
0x1b7: {  	[sflag:s15] =	ssyncadd.s32 $0xFFFFC000  }
0x1b8: {  	[spmem:s2] =	stream.indirect.scatter.add.f32 [tilespmem:s13], [sflag:$0x3], $0x80, s0, s12, $0xb8;
	[tilespmem:$0x1CC00] =	vst v63  }
0x1b9: {  	_ =	swait.ge [sflag:s10], $0x4000  }
0x1ba: {  	[sflag:s10] =	ssyncset.done $0x0  }
0x1bb: {  	[sflag:s10] =	ssyncadd.s32 $0xFFFFC000  }
0x1bc: {  	_ =	swait.ge [sflag:s16], $0x4000  }
0x1bd: {  	[sflag:s16] =	ssyncset.done $0x0  }
0x1be: {  	[sflag:s16] =	ssyncadd.s32 $0xFFFFC000  }
0x1bf: {  	[spmem:s2] =	stream.indirect.scatter.add.f32 [tilespmem:s14], [sflag:$0x3], $0x80, s5, s12, $0xb8;
	[tilespmem:$0x1CC00] =	vst v63  }
0x1c0: {  	_ =	swait.ge [sflag:s10], $0x4000  }
0x1c1: {  	[sflag:s10] =	ssyncset.done $0x0  }
0x1c2: {  	[sflag:s10] =	ssyncadd.s32 $0xFFFFC000  }
0x1c3: {  	[bflag:$0x0] =	sbarrier.arrive $0xFFFF  }
0x1c4: {  	s7 =	rddreg [dreg:$0x12]  }
0x1c5: {  	s9 =	rddreg [dreg:$0x13]  }
0x1c6: {  	s8 =	rddreg [dreg:$0x15]  }
0x1c7: {  	[hbm:s9], [sflag:s7] =	dma.local [spmem:s8], $0x2780  }
0x1c8: {  	_ =	swait.ge [sflag:s10], $0x2780  }
0x1c9: {  	s6 =	rddreg [dreg:$0x16]  }
0x1ca: {  	s9 =	sadd.s32 $0x1, s6;
	s6 =	rddreg [dreg:$0x14]  }
0x1cb: {  	p0 =	sne.s32 s9, s6  }
.Ltmp1:
0x1cc: {  	_ = 	snop;
	(pc) =	sbr.rel @p0 .LBB2_1-.Ltmp1, $3  }
0x1cd: {  	_ =	sdelay $0x1  }
0x1ce: {  	[sflag:s10] =	ssyncset.done $0x0  }
0x1cf: {  	[sflag:s10] =	ssyncadd.s32 $0xFFFFD880  }
0x1d0: {  	_ =	sfence.sel $0x180000  }
0x1d1: {  	[bflag:$0x0] =	sbarrier.arrive $0xFFFF  }
0x1d2: {  	_ =	strace $0x9000004D  }
0x1d3: {  	s0 =	stileid.u32;
	[bflag:$0x2] =	sbarrier.arrive $0xFFFF  }
0x1d4: {  	p0 =	sne.s32 s0, $0x0;
	s0 =	rddreg [dreg:$0x2]  }
0x1d5: {  	s0 =	sadd.s32 @!p0 $0x100000, s0  }
0x1d6: {  	[sflag:s0] =	ssyncadd.tile.s32 @!p0 $0x1;
	_ =	shalt  }
.Lfunc_end2:
_tile_overlayer_lowered:
.L_overlay_start_2:
0x1d7: {  	(tag) =	ssettag $0x2  }
0x1d8: {  	s0 =	rddreg [dreg:$0x0];
	s2 =	stileid.u32  }
0x1d9: {  	s1 =	rddreg [dreg:$0x1];
	p0 =	sne.s32 s2, $0x0  }
0x1da: {  	s3 =	rddreg [dreg:$0x2];
	[bflag:$0x3] =	sbarrier.arrive $0xFFFF;
	s2 =	simm.s32 @!p0 $0x1C03  }
0x1db: {  	[timem:s3], [sflag:s2] =	dma.local @!p0 [hbm:s0], s1  }
0x1dc: {  	s0 =	simm.s32 @!p0 $0x3  }
0x1dd: {  	_ =	swait.ge @!p0 [sflag:s0], s1  }
0x1de: {  	s1 =	ssub.s32 @!p0 $0x0, s1;
	[sflag:s0] =	ssyncset.done @!p0 $0x0  }
0x1df: {  	[sflag:s0] =	ssyncadd.s32 @!p0 s1  }
0x1e0: {  	[bflag:$0x3] =	sbarrier.arrive $0xFFFF  }
0x1e1: {  	_ =	shalt  }

// kernel: kernel.19.cloned.1.call-start
scs
__scs_entry_jumppad:
0x0: {  	(pc) =	sbr.rel $0x88, $3  }
0x1: {  	(tag) =	ssettag $0x0;
	lr =	simm.s32 $0x1  }
0x2: {  	[smem:$0x3F96] =	sst lr;
	_ =	strace $0xD0000000  }
0x3: {  	_ = 	snop  }
0x4: {  	_ = 	snop  }
0x5: {  	_ = 	snop  }
0x6: {  	_ = 	snop  }
0x7: {  	_ = 	snop  }
__scs_overlays_trampoline_lowered:
0x8: {  	[smem:$0x3FA5] =	sst s0  }
0x9: {  	[smem:$0x3FA6] =	sst s1  }
0xa: {  	[smem:$0x3FA7] =	sst s2  }
0xb: {  	[smem:$0x3FA8] =	sst s3  }
0xc: {  	[smem:$0x3FA9] =	sst s4  }
0xd: {  	[smem:$0x3FAA] =	sst s5  }
0xe: {  	[smem:$0x3FAB] =	sst s6  }
0xf: {  	[smem:$0x3FAC] =	sst s7  }
0x10: {  	[smem:$0x3FAD] =	sst s8  }
0x11: {  	[smem:$0x3FAE] =	sst s9;
	s0 =	simm.s32 @!p0 $0x0  }
0x12: {  	s1 =	sld [smem:$0x3F94];
	s0 =	simm.s32 @p0 $0x1  }
0x13: {  	[smem:$0x3FAF] =	sst s0;
	s0 =	simm.s32 @!p1 $0x0  }
0x14: {  	s2 =	sld [smem:$0x3F93];
	s0 =	simm.s32 @p1 $0x1  }
0x15: {  	[smem:$0x3FB0] =	sst s0;
	s0 =	simm.s32 @!p2 $0x0  }
0x16: {  	s3 =	sld [smem:$0x3FDB];
	s0 =	simm.s32 @p2 $0x1  }
0x17: {  	s4 =	simm.s32 $0x1BF5;
	[smem:$0x3FB2] =	sst s0  }
0x18: {  	s0 =	sld [smem:$0x3F95];
	_ =	swait.ge [sflag:s4], $0x0  }
0x19: {  	s7 =	sld [smem:$0x3F96]  }
0x1a: {  	s8 =	sadd.s32 $0xFFFFE003, lr  }
0x1b: {  	s9 =	sadd.s32 $0xFFFFFEF7, lr;
	s5 =	simm.s32 $0xFFFFFFFF;
	p2 =	slt.u32 s8, $0xFFFFF086  }
0x1c: {  	p1 =	slt.u32 s9, $0xF7A;
	s5 =	simm.s32 @!p2 $0x0  }
0x1d: {  	s5 =	simm.s32 @p1 $0x1;
	p0 =	seq.s32 s7, s2  }
0x1e: {  	s7 =	smul.u32 @!p0 $0xF7A, s2;
	p2 =	seq.s32 @!p0 s5, $0x0  }
0x1f: {  	s9 =	smul.u32 $0xF7A, s1;
	s8 =	simm.s32 @!p0 $0x1BF5;
	p2 =	por !p2, p0  }
0x20: {  	[sflag:s8] =	ssyncset.s32 @!p0 $0xFFFFF086;
	s6 =	sadd.s32 @!p0 s3, s7;
	s7 =	simm.s32 @!p0 $0x108  }
0x21: {  	s3 =	sadd.s32 s3, s9;
	s6 =	sadd.s32 @!p0 $0x88, s6;
	s7 =	simm.s32 @p2 $0x1082  }
0x22: {  	[simem:s7], [sflag:s8] =	dma.local @!p0 [hbm:s6], $0xF7A  }
0x23: {  	s9 =	sor.u32 $0xD0000000, s2;
	s6 =	simm.s32 $0x108;
	_ =	swait.ge @!p0 [sflag:s8], $0x0  }
0x24: {  	s3 =	sadd.s32 $0x88, s3;
	s6 =	simm.s32 @!p1 $0x1082;
	[sflag:s4] =	ssyncset.s32 $0xFFFFF086  }
0x25: {  	[simem:s6], [sflag:s4] =	dma.local [hbm:s3], $0xF7A  }
0x26: {  	[smem:$0x3F96] =	sst s1;
	(tag) =	ssettag s2;
	_ =	strace s9  }
0x27: {  	s1 =	sld [smem:$0x3FA6]  }
0x28: {  	s2 =	sld [smem:$0x3FA7]  }
0x29: {  	s4 =	sld [smem:$0x3FA9]  }
0x2a: {  	p0 =	seq.s32 s5, $0x0;
	s5 =	sld [smem:$0x3FAA]  }
0x2b: {  	s6 =	sld [smem:$0x3FAB]  }
0x2c: {  	s7 =	sld [smem:$0x3FAC]  }
0x2d: {  	s3 =	simm.s32 $0x108;
	s8 =	sld [smem:$0x3FAD]  }
0x2e: {  	s3 =	simm.s32 @!p0 $0x1082;
	s9 =	sld [smem:$0x3FAE]  }
0x2f: {  	lr =	sadd.s32 s0, s3;
	s0 =	sld [smem:$0x3FA5]  }
0x30: {  	s3 =	sld [smem:$0x3FA8]  }
0x31: {  	[smem:$0x3FB1] =	sst s10  }
0x32: {  	s10 =	sld [smem:$0x3FAF];
	_ =	sdelay $0x3  }
0x33: {  	p0 =	seq.s32 s10, $0x1;
	s10 =	sld [smem:$0x3FB1];
	_ =	sdelay $0x3  }
0x34: {  	[smem:$0x3FB1] =	sst s10  }
0x35: {  	s10 =	sld [smem:$0x3FB0];
	_ =	sdelay $0x3  }
0x36: {  	p1 =	seq.s32 s10, $0x1;
	s10 =	sld [smem:$0x3FB1];
	_ =	sdelay $0x3  }
0x37: {  	[smem:$0x3FB1] =	sst s10  }
0x38: {  	s10 =	sld [smem:$0x3FB2]  }
0x39: {  	_ = 	snop;
	(pc) =	sbr.ind lr, $3  }
0x3a: {  	_ = 	snop  }
0x3b: {  	_ = 	snop  }
0x3c: {  	p2 =	seq.s32 s10, $0x1;
	s10 =	sld [smem:$0x3FB1]  }
0x3d: {  	_ =	shalt  }
0x3e: {  	_ =	shalt  }
0x3f: {  	_ =	shalt  }
0x40: {  	_ =	shalt  }
0x41: {  	_ =	shalt  }
0x42: {  	_ =	shalt  }
0x43: {  	_ =	shalt  }
0x44: {  	_ =	shalt  }
0x45: {  	_ =	shalt  }
0x46: {  	_ =	shalt  }
0x47: {  	_ =	shalt  }
0x48: {  	_ =	shalt  }
0x49: {  	_ =	shalt  }
0x4a: {  	_ =	shalt  }
0x4b: {  	_ =	shalt  }
0x4c: {  	_ =	shalt  }
0x4d: {  	_ =	shalt  }
0x4e: {  	_ =	shalt  }
0x4f: {  	_ =	shalt  }
0x50: {  	_ =	shalt  }
0x51: {  	_ =	shalt  }
0x52: {  	_ =	shalt  }
0x53: {  	_ =	shalt  }
0x54: {  	_ =	shalt  }
0x55: {  	_ =	shalt  }
0x56: {  	_ =	shalt  }
0x57: {  	_ =	shalt  }
0x58: {  	_ =	shalt  }
0x59: {  	_ =	shalt  }
0x5a: {  	_ =	shalt  }
0x5b: {  	_ =	shalt  }
0x5c: {  	_ =	shalt  }
0x5d: {  	_ =	shalt  }
0x5e: {  	_ =	shalt  }
0x5f: {  	_ =	shalt  }
0x60: {  	_ =	shalt  }
0x61: {  	_ =	shalt  }
0x62: {  	_ =	shalt  }
0x63: {  	_ =	shalt  }
0x64: {  	_ =	shalt  }
0x65: {  	_ =	shalt  }
0x66: {  	_ =	shalt  }
0x67: {  	_ =	shalt  }
0x68: {  	_ =	shalt  }
0x69: {  	_ =	shalt  }
0x6a: {  	_ =	shalt  }
0x6b: {  	_ =	shalt  }
0x6c: {  	_ =	shalt  }
0x6d: {  	_ =	shalt  }
0x6e: {  	_ =	shalt  }
0x6f: {  	_ =	shalt  }
0x70: {  	_ =	shalt  }
0x71: {  	_ =	shalt  }
0x72: {  	_ =	shalt  }
0x73: {  	_ =	shalt  }
0x74: {  	_ =	shalt  }
0x75: {  	_ =	shalt  }
0x76: {  	_ =	shalt  }
0x77: {  	_ =	shalt  }
0x78: {  	_ =	shalt  }
0x79: {  	_ =	shalt  }
0x7a: {  	_ =	shalt  }
0x7b: {  	_ =	shalt  }
0x7c: {  	_ =	shalt  }
0x7d: {  	_ =	shalt  }
0x7e: {  	_ =	shalt  }
0x7f: {  	_ =	shalt  }
0x80: {  	_ =	shalt  }
0x81: {  	_ =	shalt  }
0x82: {  	_ =	shalt  }
0x83: {  	_ =	shalt  }
0x84: {  	_ =	shalt  }
0x85: {  	_ =	shalt  }
0x86: {  	_ =	shalt  }
0x87: {  	_ =	shalt  }
.Lfunc_end0:
.L_simem_size_0:
called_computation.3_lowered:
.L_overlay_start_0:
0x88: {  	s2 =	sld [smem:$0x3FD9]  }
0x89: {  	s3 =	sld [smem:$0x3FFE];
	_ =	sdelay $0x1  }
0x8a: {  	s1 =	srdreg.scid  }
0x8b: {  	s0 =	sand.u32 $0x1, s1  }
0x8c: {  	s16 =	sshll.u32 s0, $0xA;
	s2 =	sadd.s32 s3, s2  }
0x8d: {  	s2 =	sadd.s32 s2, s16  }
0x8e: {  	[smem:$0x3FBD] =	sst s2  }
0x8f: {  	_ = 	snop  }
0x90: {  	(tm) =	ssettm $0x1  }
0x91: {  	s17 =	sld [smem:$0x3FFB];
	_ =	sdelay $0x3  }
0x92: {  	_ =	strace s17  }
0x93: {  	s2 =	sld [smem:$0x3FFC];
	_ =	sdelay $0x3  }
0x94: {  	_ =	strace s2  }
0x95: {  	s2 =	sld [smem:$0x3FFD];
	_ =	sdelay $0x3  }
0x96: {  	_ =	strace s2  }
0x97: {  	_ =	strace $0x8FFFFFFF  }
0x98: {  	s18 =	sld [smem:$0x3FDB];
	_ =	sdelay $0x1  }
0x99: {  	s19 =	simm.s32 $_scs_section_size  }
0x9a: {  	s4 =	simm.s32 $_size__tile_overlayer_lowered;
	s5 =	simm.s32 $_tile_overlayer_lowered  }
0x9b: {  	s22 =	simm.s32 $0x1BFF;
	s21 =	sshll.u32 s5, $0x1;
	s2 =	sadd.s32 s19, s18  }
0x9c: {  	s6 =	simm.s32 $0x0;
	s20 =	sshll.u32 s4, $0x1;
	s4 =	sadd.s32 s21, s2  }
0x9d: {  	[timem:s6], [sflag:s22] =	dma.local [hbm:s4], s20  }
0x9e: {  	_ =	swait.ge [sflag:s22], s20  }
0x9f: {  	s3 =	ssub.s32 $0x0, s20;
	[sflag:s22] =	ssyncset.done $0x0  }
0xa0: {  	[sflag:s22] =	ssyncadd.s32 s3;
	_ =	sdelay $0x1  }
0xa1: {  	s23 =	simm.s32 $0x1B8B  }
0xa2: {  	_ =	swait.ge [sflag:s23], $0x1  }
0xa3: {  	[sflag:s23] =	ssyncset.done $0x0  }
0xa4: {  	s25 =	simm.s32 $0x1B8E;
	s24 =	sld [smem:$0x3FFE];
	[sflag:s23] =	ssyncadd.s32 $0xFFFFFFFF  }
0xa5: {  	s26 =	simm.s32 $execute0_lowered;
	[smem:$0x3FD2] =	sst s25  }
0xa6: {  	s4 =	sshll.u32 s26, $0x1;
	_ =	strace $0x8000004F;
	[dreg:$0x1] =	wrdreg $0xFFFFFFFF  }
0xa7: {  	s28 =	simm.s32 $_size_execute0_lowered;
	s2 =	sadd.s32 s2, s4;
	[dreg:$0x0] =	wrdreg $0x0  }
0xa8: {  	s4 =	sshll.u32 s28, $0x1;
	[dreg:$0x2] =	wrdreg s2  }
0xa9: {  	[dreg:$0x3] =	wrdreg s4  }
0xaa: {  	[dreg:$0x4] =	wrdreg $0xC0  }
0xab: {  	_ =	task [dreg:s6], $0x5FFFF  }
0xac: {  	[dreg:$0x1] =	wrdreg $0xFFFFFFFF  }
0xad: {  	[dreg:$0x0] =	wrdreg $0x60  }
0xae: {  	[dreg:$0x2] =	wrdreg s24  }
0xaf: {  	[dreg:$0x3] =	wrdreg $0x90000  }
0xb0: {  	[dreg:$0x4] =	wrdreg $0x9  }
0xb1: {  	_ =	task.clear_ibuf [dreg:s6], $0x5FFFF;
	_ =	strace $0x9000004F  }
0xb2: {  	s29 =	simm.s32 $0x9;
	_ =	strace $0x80000051  }
0xb3: {  	_ =	swait.ge [sflag:s29], $0x1  }
0xb4: {  	[sflag:s29] =	ssyncadd.s32 $0xFFFFFFFF  }
0xb5: {  	_ =	strace $0x90000051  }
0xb6: {  	_ =	sfence  }
0xb7: {  	s30 =	sld [smem:$0x0];
	_ =	sdelay $0x2  }
0xb8: {  	s31 =	sshll.u32 s1, $0xD;
	s1 =	sshrl.u32 s1, $0x2  }
0xb9: {  	s3 =	sand.u32 $0x4000, s31;
	s1 =	sadd.s32 s1, s30  }
0xba: {  	s0 =	sor.u32 s3, s0;
	s1 =	sshll.u32 s1, $0x11  }
0xbb: {  	s0 =	sor.u32 s1, s0  }
0xbc: {  	s0 =	sadd.s32 $0x8F2B, s0  }
0xbd: {  	[sflag:s0] =	ssyncadd.remote.s32 $0x1  }
0xbe: {  	_ =	sfence.sel $0xFFFF  }
0xbf: {  	[dreg:$0x0] =	wrdreg $0xFFFFFFFF;
	(pc) =	sbr.abs _section_cstart, $3  }
0xc0: {  	[dreg:$0x1] =	wrdreg $0xFFFFFFFF  }
0xc1: {  	_ =	task.clear_ibuf [dreg:s6], $0x2FFFF;
	_ =	strace $0x9FFFFFFF  }
0xc2: {  	(tm) =	ssettm $0x7FFFFFFF  }
0xc3: {  	_ =	shalt  }
tec
execute0_lowered:
.L_overlay_start_1:
0x0: {  	(tag) =	ssettag $0x1  }
0x1: {  	s0 =	srdreg.scid;
	s5 =	rddreg [dreg:$0x0]  }
0x2: {  	s9 =	stileid.u32;
	s2 =	rddreg [dreg:$0x1];
	s3 =	simm.s32 $0x0  }
0x3: {  	s14 =	simm.s32 $0x100;
	s15 =	simm.s32 $0x880;
	s17 =	simm.s32 $0x180  }
0x4: {  	s18 =	simm.s32 $0x900;
	[smem:$0x7FF] =	sst s3;
	s10 =	sadd.s32 $0x3FA00, s5  }
0x5: {  	s19 =	simm.s32 $0x200;
	_ =	strace $0x80000050;
	[dreg:$0x11] =	wrdreg s10  }
0x6: {  	s20 =	simm.s32 $0x980;
	s21 =	simm.s32 $0x280;
	[dreg:$0x5] =	wrdreg s14  }
0x7: {  	s22 =	simm.s32 $0xA00;
	s23 =	simm.s32 $0x300;
	[dreg:$0x6] =	wrdreg s15  }
0x8: {  	s24 =	simm.s32 $0xA80;
	s25 =	simm.s32 $0x380;
	[dreg:$0x7] =	wrdreg s17  }
0x9: {  	s26 =	simm.s32 $0xB00;
	s28 =	simm.s32 $0x680;
	[dreg:$0x8] =	wrdreg s18  }
0xa: {  	s29 =	simm.s32 $0xE00;
	s30 =	simm.s32 $0x700;
	[dreg:$0x9] =	wrdreg s19  }
0xb: {  	s31 =	simm.s32 $0xE80;
	s1 =	smul.u32 $0x5000, s9;
	[dreg:$0xa] =	wrdreg s20  }
0xc: {  	s0 =	sand.u32 $0x1, s0;
	s7 =	smul.u32 $0x13C00, s9;
	[dreg:$0xb] =	wrdreg s21  }
0xd: {  	s12 =	smul.u32 $0x4F000, s9;
	s16 =	sshll.u32 s9, $0x6;
	[dreg:$0xc] =	wrdreg s22  }
0xe: {  	s9 =	simm.s32 $0x0;
	s4 =	smul.u32 $0x2800, s0;
	[dreg:$0xd] =	wrdreg s23  }
0xf: {  	s6 =	smul.u32 $0x13C000, s0;
	s0 =	ssub.s32 $0x2, s0;
	[dreg:$0xe] =	wrdreg s24  }
0x10: {  	s10 =	simm.s32 $0x3;
	s14 =	simm.s32 $0x5000;
	[dreg:$0xf] =	wrdreg s25  }
0x11: {  	s15 =	simm.s32 $0x1;
	[dreg:$0x10] =	wrdreg s26;
	s17 =	simm.s32 $0x400  }
0x12: {  	s18 =	simm.s32 $0xB80;
	s19 =	simm.s32 $0x480;
	s20 =	simm.s32 $0xC00  }
0x13: {  	s21 =	simm.s32 $0x500;
	s22 =	simm.s32 $0xC80;
	s23 =	simm.s32 $0x580  }
0x14: {  	s24 =	simm.s32 $0xD00;
	s25 =	simm.s32 $0x600;
	s26 =	simm.s32 $0xD80  }
0x15: {  	s11 =	sshrl.u32 s0, $0x1;
	s13 =	sshrl.u32 s12, $0x2;
	s12 =	simm.s32 $0x80  }
0x16: {  	s1 =	sadd.s32 s4, s1;
	s6 =	sadd.s32 s7, s6;
	s4 =	sadd.s32 $0x18800, s5  }
0x17: {  	s0 =	ssub.s32 s0, s11;
	s7 =	sor.u32 $0x1C03, s16;
	s11 =	simm.s32 $0x800  }
0x18: {  	s16 =	simm.s32 $0x2;
	s1 =	sshrl.u32 s1, $0x3;
	s6 =	sshrl.u32 s6, $0x3  }
0x19: {  	s0 =	smax.u32 s0, $0x1;
	[dreg:$0x12] =	wrdreg s7;
	s1 =	sadd.s32 s1, s5  }
0x1a: {  	s5 =	sadd.s32 s6, s5;
	[dreg:$0x14] =	wrdreg s0;
	s8 =	sadd.s32 $0x4800, s1  }
0x1b: {  	s6 =	sadd.s32 s13, s2;
	s1 =	sadd.s32 $0xE800, s1;
	[dreg:$0x3] =	wrdreg s8  }
0x1c: {  	s13 =	simm.s32 $0x1000;
	s5 =	sadd.s32 $0x90600, s5;
	[dreg:$0x4] =	wrdreg s1  }
0x1d: {  	s0 =	simm.s32 $0xF00;
	[dreg:$0x13] =	wrdreg s5;
	s8 =	sshrl.u32 s6, $0x3  }
0x1e: {  	s1 =	simm.s32 $0x780;
	s5 =	simm.s32 $0xF80;
	[dreg:$0x15] =	wrdreg s8  }
.LBB2_1:
0x1f: {  	[dreg:$0x16] =	wrdreg s9  }
0x20: {  	s6 =	rddreg [dreg:$0x11]  }
0x21: {  	[spmem:s8], [sflag:s7] =	dma.local [hbm:s6], $0x2780  }
0x22: {  	_ =	swait.ge [sflag:s10], $0x2780  }
0x23: {  	[sflag:s10] =	ssyncset.done $0x0  }
0x24: {  	[sflag:s10] =	ssyncadd.s32 $0xFFFFD880  }
0x25: {  	[bflag:$0x0] =	sbarrier.arrive $0xFFFF  }
0x26: {  	s8 =	rddreg [dreg:$0x4]  }
0x27: {  	s6 =	sadd.s32 $0x0, s8  }
0x28: {  	[tilespmem:s3], [sflag:$0x3] =	stream.linear.gather [hbm4b:s6+s3], $0x800, $0x38;
	[tilespmem:$0x1CC00] =	vst v63  }
0x29: {  	_ =	swait.ge [sflag:s10], $0x800  }
0x2a: {  	s9 =	rddreg [dreg:$0x3];
	[sflag:s10] =	ssyncset.done $0x0  }
0x2b: {  	[sflag:s10] =	ssyncadd.s32 $0xFFFFF800;
	s6 =	sadd.s32 $0x0, s9  }
0x2c: {  	[tilespmem:s11], [sflag:$0x3] =	stream.linear.gather [hbm4b:s6+s3], $0x800, $0x38;
	[tilespmem:$0x1CC00] =	vst v63  }
0x2d: {  	_ =	swait.ge [sflag:s10], $0x800  }
0x2e: {  	[sflag:s10] =	ssyncset.done $0x0  }
0x2f: {  	[sflag:s10] =	ssyncadd.s32 $0xFFFFF800  }
0x30: {  	[tilespmem:s13], [sflag:$0x1] =	stream.indirect.gather [hbm4b:s4+s12], $0x80, s3, s12, $0xb8;
	[tilespmem:$0x1CC00] =	vst v63  }
0x31: {  	_ = 	snop  }
0x32: {  	[tilespmem:s14], [sflag:$0x2] =	stream.indirect.gather [hbm4b:s4+s12], $0x80, s12, s12, $0xb8;
	[tilespmem:$0x1CC00] =	vst v63  }
0x33: {  	_ =	swait.ge [sflag:s15], $0x4000  }
0x34: {  	[sflag:s15] =	ssyncset.done $0x0  }
0x35: {  	[sflag:s15] =	ssyncadd.s32 $0xFFFFC000  }
0x36: {  	[spmem:s2] =	stream.indirect.scatter.add.f32 [tilespmem:s13], [sflag:$0x3], $0x80, s11, s12, $0xb8;
	[tilespmem:$0x1CC00] =	vst v63  }
0x37: {  	_ =	swait.ge [sflag:s10], $0x4000  }
0x38: {  	[sflag:s10] =	ssyncset.done $0x0  }
0x39: {  	s7 =	rddreg [dreg:$0x5];
	[sflag:s10] =	ssyncadd.s32 $0xFFFFC000  }
0x3a: {  	[tilespmem:s13], [sflag:$0x1] =	stream.indirect.gather [hbm4b:s4+s12], $0x80, s7, s12, $0xb8;
	[tilespmem:$0x1CC00] =	vst v63  }
0x3b: {  	_ =	swait.ge [sflag:s16], $0x4000  }
0x3c: {  	[sflag:s16] =	ssyncset.done $0x0  }
0x3d: {  	s8 =	rddreg [dreg:$0x6];
	[sflag:s16] =	ssyncadd.s32 $0xFFFFC000  }
0x3e: {  	[spmem:s2] =	stream.indirect.scatter.add.f32 [tilespmem:s14], [sflag:$0x3], $0x80, s8, s12, $0xb8;
	[tilespmem:$0x1CC00] =	vst v63  }
0x3f: {  	_ =	swait.ge [sflag:s10], $0x4000  }
0x40: {  	[sflag:s10] =	ssyncset.done $0x0  }
0x41: {  	s9 =	rddreg [dreg:$0x7];
	[sflag:s10] =	ssyncadd.s32 $0xFFFFC000  }
0x42: {  	[tilespmem:s14], [sflag:$0x2] =	stream.indirect.gather [hbm4b:s4+s12], $0x80, s9, s12, $0xb8;
	[tilespmem:$0x1CC00] =	vst v63  }
0x43: {  	_ =	swait.ge [sflag:s15], $0x4000  }
0x44: {  	[sflag:s15] =	ssyncset.done $0x0  }
0x45: {  	s7 =	rddreg [dreg:$0x8];
	[sflag:s15] =	ssyncadd.s32 $0xFFFFC000  }
0x46: {  	[spmem:s2] =	stream.indirect.scatter.add.f32 [tilespmem:s13], [sflag:$0x3], $0x80, s7, s12, $0xb8;
	[tilespmem:$0x1CC00] =	vst v63  }
0x47: {  	_ =	swait.ge [sflag:s10], $0x4000  }
0x48: {  	[sflag:s10] =	ssyncset.done $0x0  }
0x49: {  	s8 =	rddreg [dreg:$0x9];
	[sflag:s10] =	ssyncadd.s32 $0xFFFFC000  }
0x4a: {  	[tilespmem:s13], [sflag:$0x1] =	stream.indirect.gather [hbm4b:s4+s12], $0x80, s8, s12, $0xb8;
	[tilespmem:$0x1CC00] =	vst v63  }
0x4b: {  	_ =	swait.ge [sflag:s16], $0x4000  }
0x4c: {  	[sflag:s16] =	ssyncset.done $0x0  }
0x4d: {  	s9 =	rddreg [dreg:$0xa];
	[sflag:s16] =	ssyncadd.s32 $0xFFFFC000  }
0x4e: {  	[spmem:s2] =	stream.indirect.scatter.add.f32 [tilespmem:s14], [sflag:$0x3], $0x80, s9, s12, $0xb8;
	[tilespmem:$0x1CC00] =	vst v63  }
0x4f: {  	_ =	swait.ge [sflag:s10], $0x4000  }
0x50: {  	[sflag:s10] =	ssyncset.done $0x0  }
0x51: {  	s7 =	rddreg [dreg:$0xb];
	[sflag:s10] =	ssyncadd.s32 $0xFFFFC000  }
0x52: {  	[tilespmem:s14], [sflag:$0x2] =	stream.indirect.gather [hbm4b:s4+s12], $0x80, s7, s12, $0xb8;
	[tilespmem:$0x1CC00] =	vst v63  }
0x53: {  	_ =	swait.ge [sflag:s15], $0x4000  }
0x54: {  	[sflag:s15] =	ssyncset.done $0x0  }
0x55: {  	s8 =	rddreg [dreg:$0xc];
	[sflag:s15] =	ssyncadd.s32 $0xFFFFC000  }
0x56: {  	[spmem:s2] =	stream.indirect.scatter.add.f32 [tilespmem:s13], [sflag:$0x3], $0x80, s8, s12, $0xb8;
	[tilespmem:$0x1CC00] =	vst v63  }
0x57: {  	_ =	swait.ge [sflag:s10], $0x4000  }
0x58: {  	[sflag:s10] =	ssyncset.done $0x0  }
0x59: {  	s9 =	rddreg [dreg:$0xd];
	[sflag:s10] =	ssyncadd.s32 $0xFFFFC000  }
0x5a: {  	[tilespmem:s13], [sflag:$0x1] =	stream.indirect.gather [hbm4b:s4+s12], $0x80, s9, s12, $0xb8;
	[tilespmem:$0x1CC00] =	vst v63  }
0x5b: {  	_ =	swait.ge [sflag:s16], $0x4000  }
0x5c: {  	[sflag:s16] =	ssyncset.done $0x0  }
0x5d: {  	s7 =	rddreg [dreg:$0xe];
	[sflag:s16] =	ssyncadd.s32 $0xFFFFC000  }
0x5e: {  	[spmem:s2] =	stream.indirect.scatter.add.f32 [tilespmem:s14], [sflag:$0x3], $0x80, s7, s12, $0xb8;
	[tilespmem:$0x1CC00] =	vst v63  }
0x5f: {  	_ =	swait.ge [sflag:s10], $0x4000  }
0x60: {  	[sflag:s10] =	ssyncset.done $0x0  }
0x61: {  	s8 =	rddreg [dreg:$0xf];
	[sflag:s10] =	ssyncadd.s32 $0xFFFFC000  }
0x62: {  	[tilespmem:s14], [sflag:$0x2] =	stream.indirect.gather [hbm4b:s4+s12], $0x80, s8, s12, $0xb8;
	[tilespmem:$0x1CC00] =	vst v63  }
0x63: {  	_ =	swait.ge [sflag:s15], $0x4000  }
0x64: {  	[sflag:s15] =	ssyncset.done $0x0  }
0x65: {  	s9 =	rddreg [dreg:$0x10];
	[sflag:s15] =	ssyncadd.s32 $0xFFFFC000  }
0x66: {  	[spmem:s2] =	stream.indirect.scatter.add.f32 [tilespmem:s13], [sflag:$0x3], $0x80, s9, s12, $0xb8;
	[tilespmem:$0x1CC00] =	vst v63  }
0x67: {  	_ =	swait.ge [sflag:s10], $0x4000  }
0x68: {  	[sflag:s10] =	ssyncset.done $0x0  }
0x69: {  	[sflag:s10] =	ssyncadd.s32 $0xFFFFC000  }
0x6a: {  	[tilespmem:s13], [sflag:$0x1] =	stream.indirect.gather [hbm4b:s4+s12], $0x80, s17, s12, $0xb8;
	[tilespmem:$0x1CC00] =	vst v63  }
0x6b: {  	_ =	swait.ge [sflag:s16], $0x4000  }
0x6c: {  	[sflag:s16] =	ssyncset.done $0x0  }
0x6d: {  	[sflag:s16] =	ssyncadd.s32 $0xFFFFC000  }
0x6e: {  	[spmem:s2] =	stream.indirect.scatter.add.f32 [tilespmem:s14], [sflag:$0x3], $0x80, s18, s12, $0xb8;
	[tilespmem:$0x1CC00] =	vst v63  }
0x6f: {  	_ =	swait.ge [sflag:s10], $0x4000  }
0x70: {  	[sflag:s10] =	ssyncset.done $0x0  }
0x71: {  	[sflag:s10] =	ssyncadd.s32 $0xFFFFC000  }
0x72: {  	[tilespmem:s14], [sflag:$0x2] =	stream.indirect.gather [hbm4b:s4+s12], $0x80, s19, s12, $0xb8;
	[tilespmem:$0x1CC00] =	vst v63  }
0x73: {  	_ =	swait.ge [sflag:s15], $0x4000  }
0x74: {  	[sflag:s15] =	ssyncset.done $0x0  }
0x75: {  	[sflag:s15] =	ssyncadd.s32 $0xFFFFC000  }
0x76: {  	[spmem:s2] =	stream.indirect.scatter.add.f32 [tilespmem:s13], [sflag:$0x3], $0x80, s20, s12, $0xb8;
	[tilespmem:$0x1CC00] =	vst v63  }
0x77: {  	_ =	swait.ge [sflag:s10], $0x4000  }
0x78: {  	[sflag:s10] =	ssyncset.done $0x0  }
0x79: {  	[sflag:s10] =	ssyncadd.s32 $0xFFFFC000  }
0x7a: {  	[tilespmem:s13], [sflag:$0x1] =	stream.indirect.gather [hbm4b:s4+s12], $0x80, s21, s12, $0xb8;
	[tilespmem:$0x1CC00] =	vst v63  }
0x7b: {  	_ =	swait.ge [sflag:s16], $0x4000  }
0x7c: {  	[sflag:s16] =	ssyncset.done $0x0  }
0x7d: {  	[sflag:s16] =	ssyncadd.s32 $0xFFFFC000  }
0x7e: {  	[spmem:s2] =	stream.indirect.scatter.add.f32 [tilespmem:s14], [sflag:$0x3], $0x80, s22, s12, $0xb8;
	[tilespmem:$0x1CC00] =	vst v63  }
0x7f: {  	_ =	swait.ge [sflag:s10], $0x4000  }
0x80: {  	[sflag:s10] =	ssyncset.done $0x0  }
0x81: {  	[sflag:s10] =	ssyncadd.s32 $0xFFFFC000  }
0x82: {  	[tilespmem:s14], [sflag:$0x2] =	stream.indirect.gather [hbm4b:s4+s12], $0x80, s23, s12, $0xb8;
	[tilespmem:$0x1CC00] =	vst v63  }
0x83: {  	_ =	swait.ge [sflag:s15], $0x4000  }
0x84: {  	[sflag:s15] =	ssyncset.done $0x0  }
0x85: {  	[sflag:s15] =	ssyncadd.s32 $0xFFFFC000  }
0x86: {  	[spmem:s2] =	stream.indirect.scatter.add.f32 [tilespmem:s13], [sflag:$0x3], $0x80, s24, s12, $0xb8;
	[tilespmem:$0x1CC00] =	vst v63  }
0x87: {  	_ =	swait.ge [sflag:s10], $0x4000  }
0x88: {  	[sflag:s10] =	ssyncset.done $0x0  }
0x89: {  	[sflag:s10] =	ssyncadd.s32 $0xFFFFC000  }
0x8a: {  	[tilespmem:s13], [sflag:$0x1] =	stream.indirect.gather [hbm4b:s4+s12], $0x80, s25, s12, $0xb8;
	[tilespmem:$0x1CC00] =	vst v63  }
0x8b: {  	_ =	swait.ge [sflag:s16], $0x4000  }
0x8c: {  	[sflag:s16] =	ssyncset.done $0x0  }
0x8d: {  	[sflag:s16] =	ssyncadd.s32 $0xFFFFC000  }
0x8e: {  	[spmem:s2] =	stream.indirect.scatter.add.f32 [tilespmem:s14], [sflag:$0x3], $0x80, s26, s12, $0xb8;
	[tilespmem:$0x1CC00] =	vst v63  }
0x8f: {  	_ =	swait.ge [sflag:s10], $0x4000  }
0x90: {  	[sflag:s10] =	ssyncset.done $0x0  }
0x91: {  	[sflag:s10] =	ssyncadd.s32 $0xFFFFC000  }
0x92: {  	[tilespmem:s14], [sflag:$0x2] =	stream.indirect.gather [hbm4b:s4+s12], $0x80, s28, s12, $0xb8;
	[tilespmem:$0x1CC00] =	vst v63  }
0x93: {  	_ =	swait.ge [sflag:s15], $0x4000  }
0x94: {  	[sflag:s15] =	ssyncset.done $0x0  }
0x95: {  	[sflag:s15] =	ssyncadd.s32 $0xFFFFC000  }
0x96: {  	[spmem:s2] =	stream.indirect.scatter.add.f32 [tilespmem:s13], [sflag:$0x3], $0x80, s29, s12, $0xb8;
	[tilespmem:$0x1CC00] =	vst v63  }
0x97: {  	_ =	swait.ge [sflag:s10], $0x4000  }
0x98: {  	[sflag:s10] =	ssyncset.done $0x0  }
0x99: {  	[sflag:s10] =	ssyncadd.s32 $0xFFFFC000  }
0x9a: {  	[tilespmem:s13], [sflag:$0x1] =	stream.indirect.gather [hbm4b:s4+s12], $0x80, s30, s12, $0xb8;
	[tilespmem:$0x1CC00] =	vst v63  }
0x9b: {  	_ =	swait.ge [sflag:s16], $0x4000  }
0x9c: {  	[sflag:s16] =	ssyncset.done $0x0  }
0x9d: {  	[sflag:s16] =	ssyncadd.s32 $0xFFFFC000  }
0x9e: {  	[spmem:s2] =	stream.indirect.scatter.add.f32 [tilespmem:s14], [sflag:$0x3], $0x80, s31, s12, $0xb8;
	[tilespmem:$0x1CC00] =	vst v63  }
0x9f: {  	_ =	swait.ge [sflag:s10], $0x4000  }
0xa0: {  	[sflag:s10] =	ssyncset.done $0x0  }
0xa1: {  	[sflag:s10] =	ssyncadd.s32 $0xFFFFC000  }
0xa2: {  	[tilespmem:s14], [sflag:$0x2] =	stream.indirect.gather [hbm4b:s4+s12], $0x80, s1, s12, $0xb8;
	[tilespmem:$0x1CC00] =	vst v63  }
0xa3: {  	_ =	swait.ge [sflag:s15], $0x4000  }
0xa4: {  	[sflag:s15] =	ssyncset.done $0x0  }
0xa5: {  	[sflag:s15] =	ssyncadd.s32 $0xFFFFC000  }
0xa6: {  	[spmem:s2] =	stream.indirect.scatter.add.f32 [tilespmem:s13], [sflag:$0x3], $0x80, s0, s12, $0xb8;
	[tilespmem:$0x1CC00] =	vst v63  }
0xa7: {  	_ =	swait.ge [sflag:s10], $0x4000  }
0xa8: {  	[sflag:s10] =	ssyncset.done $0x0  }
0xa9: {  	[sflag:s10] =	ssyncadd.s32 $0xFFFFC000  }
0xaa: {  	_ =	swait.ge [sflag:s16], $0x4000  }
0xab: {  	[sflag:s16] =	ssyncset.done $0x0  }
0xac: {  	[sflag:s16] =	ssyncadd.s32 $0xFFFFC000  }
0xad: {  	[spmem:s2] =	stream.indirect.scatter.add.f32 [tilespmem:s14], [sflag:$0x3], $0x80, s5, s12, $0xb8;
	[tilespmem:$0x1CC00] =	vst v63  }
0xae: {  	s6 =	simm.s32 $0x200;
	_ =	swait.ge [sflag:s10], $0x4000  }
0xaf: {  	s8 =	simm.s32 $0x100;
	s9 =	rddreg [dreg:$0x4];
	[sflag:s10] =	ssyncset.done $0x0  }
.LBB2_2:
0xb0: {  	[sflag:s10] =	ssyncadd.s32 $0xFFFFC000;
	s9 =	sadd.s32 s8, s9  }
0xb1: {  	[tilespmem:s3], [sflag:$0x3] =	stream.linear.gather [hbm4b:s9+s3], $0x800, $0x38;
	[tilespmem:$0x1CC00] =	vst v63  }
0xb2: {  	_ =	swait.ge [sflag:s10], $0x800  }
0xb3: {  	s9 =	rddreg [dreg:$0x3];
	[sflag:s10] =	ssyncset.done $0x0  }
0xb4: {  	[sflag:s10] =	ssyncadd.s32 $0xFFFFF800;
	s9 =	sadd.s32 s8, s9  }
0xb5: {  	[tilespmem:s11], [sflag:$0x3] =	stream.linear.gather [hbm4b:s9+s3], $0x800, $0x38;
	[tilespmem:$0x1CC00] =	vst v63  }
0xb6: {  	_ =	swait.ge [sflag:s10], $0x800  }
0xb7: {  	[sflag:s10] =	ssyncset.done $0x0  }
0xb8: {  	[sflag:s10] =	ssyncadd.s32 $0xFFFFF800  }
0xb9: {  	[tilespmem:s13], [sflag:$0x1] =	stream.indirect.gather [hbm4b:s4+s12], $0x80, s3, s12, $0xb8;
	[tilespmem:$0x1CC00] =	vst v63  }
0xba: {  	_ = 	snop  }
0xbb: {  	[tilespmem:s14], [sflag:$0x2] =	stream.indirect.gather [hbm4b:s4+s12], $0x80, s12, s12, $0xb8;
	[tilespmem:$0x1CC00] =	vst v63  }
0xbc: {  	_ =	swait.ge [sflag:s15], $0x4000  }
0xbd: {  	[sflag:s15] =	ssyncset.done $0x0  }
0xbe: {  	[sflag:s15] =	ssyncadd.s32 $0xFFFFC000  }
0xbf: {  	[spmem:s2] =	stream.indirect.scatter.add.f32 [tilespmem:s13], [sflag:$0x3], $0x80, s11, s12, $0xb8;
	[tilespmem:$0x1CC00] =	vst v63  }
0xc0: {  	_ =	swait.ge [sflag:s10], $0x4000  }
0xc1: {  	[sflag:s10] =	ssyncset.done $0x0  }
0xc2: {  	s9 =	rddreg [dreg:$0x5];
	[sflag:s10] =	ssyncadd.s32 $0xFFFFC000  }
0xc3: {  	[tilespmem:s13], [sflag:$0x1] =	stream.indirect.gather [hbm4b:s4+s12], $0x80, s9, s12, $0xb8;
	[tilespmem:$0x1CC00] =	vst v63  }
0xc4: {  	_ =	swait.ge [sflag:s16], $0x4000  }
0xc5: {  	[sflag:s16] =	ssyncset.done $0x0  }
0xc6: {  	s9 =	rddreg [dreg:$0x6];
	[sflag:s16] =	ssyncadd.s32 $0xFFFFC000  }
0xc7: {  	[spmem:s2] =	stream.indirect.scatter.add.f32 [tilespmem:s14], [sflag:$0x3], $0x80, s9, s12, $0xb8;
	[tilespmem:$0x1CC00] =	vst v63  }
0xc8: {  	_ =	swait.ge [sflag:s10], $0x4000  }
0xc9: {  	[sflag:s10] =	ssyncset.done $0x0  }
0xca: {  	s9 =	rddreg [dreg:$0x7];
	[sflag:s10] =	ssyncadd.s32 $0xFFFFC000  }
0xcb: {  	[tilespmem:s14], [sflag:$0x2] =	stream.indirect.gather [hbm4b:s4+s12], $0x80, s9, s12, $0xb8;
	[tilespmem:$0x1CC00] =	vst v63  }
0xcc: {  	_ =	swait.ge [sflag:s15], $0x4000  }
0xcd: {  	[sflag:s15] =	ssyncset.done $0x0  }
0xce: {  	s9 =	rddreg [dreg:$0x8];
	[sflag:s15] =	ssyncadd.s32 $0xFFFFC000  }
0xcf: {  	[spmem:s2] =	stream.indirect.scatter.add.f32 [tilespmem:s13], [sflag:$0x3], $0x80, s9, s12, $0xb8;
	[tilespmem:$0x1CC00] =	vst v63  }
0xd0: {  	_ =	swait.ge [sflag:s10], $0x4000  }
0xd1: {  	[sflag:s10] =	ssyncset.done $0x0  }
0xd2: {  	s9 =	rddreg [dreg:$0x9];
	[sflag:s10] =	ssyncadd.s32 $0xFFFFC000  }
0xd3: {  	[tilespmem:s13], [sflag:$0x1] =	stream.indirect.gather [hbm4b:s4+s12], $0x80, s9, s12, $0xb8;
	[tilespmem:$0x1CC00] =	vst v63  }
0xd4: {  	_ =	swait.ge [sflag:s16], $0x4000  }
0xd5: {  	[sflag:s16] =	ssyncset.done $0x0  }
0xd6: {  	s9 =	rddreg [dreg:$0xa];
	[sflag:s16] =	ssyncadd.s32 $0xFFFFC000  }
0xd7: {  	[spmem:s2] =	stream.indirect.scatter.add.f32 [tilespmem:s14], [sflag:$0x3], $0x80, s9, s12, $0xb8;
	[tilespmem:$0x1CC00] =	vst v63  }
0xd8: {  	_ =	swait.ge [sflag:s10], $0x4000  }
0xd9: {  	[sflag:s10] =	ssyncset.done $0x0  }
0xda: {  	s9 =	rddreg [dreg:$0xb];
	[sflag:s10] =	ssyncadd.s32 $0xFFFFC000  }
0xdb: {  	[tilespmem:s14], [sflag:$0x2] =	stream.indirect.gather [hbm4b:s4+s12], $0x80, s9, s12, $0xb8;
	[tilespmem:$0x1CC00] =	vst v63  }
0xdc: {  	_ =	swait.ge [sflag:s15], $0x4000  }
0xdd: {  	[sflag:s15] =	ssyncset.done $0x0  }
0xde: {  	s9 =	rddreg [dreg:$0xc];
	[sflag:s15] =	ssyncadd.s32 $0xFFFFC000  }
0xdf: {  	[spmem:s2] =	stream.indirect.scatter.add.f32 [tilespmem:s13], [sflag:$0x3], $0x80, s9, s12, $0xb8;
	[tilespmem:$0x1CC00] =	vst v63  }
0xe0: {  	_ =	swait.ge [sflag:s10], $0x4000  }
0xe1: {  	[sflag:s10] =	ssyncset.done $0x0  }
0xe2: {  	s9 =	rddreg [dreg:$0xd];
	[sflag:s10] =	ssyncadd.s32 $0xFFFFC000  }
0xe3: {  	[tilespmem:s13], [sflag:$0x1] =	stream.indirect.gather [hbm4b:s4+s12], $0x80, s9, s12, $0xb8;
	[tilespmem:$0x1CC00] =	vst v63  }
0xe4: {  	_ =	swait.ge [sflag:s16], $0x4000  }
0xe5: {  	[sflag:s16] =	ssyncset.done $0x0  }
0xe6: {  	s9 =	rddreg [dreg:$0xe];
	[sflag:s16] =	ssyncadd.s32 $0xFFFFC000  }
0xe7: {  	[spmem:s2] =	stream.indirect.scatter.add.f32 [tilespmem:s14], [sflag:$0x3], $0x80, s9, s12, $0xb8;
	[tilespmem:$0x1CC00] =	vst v63  }
0xe8: {  	_ =	swait.ge [sflag:s10], $0x4000  }
0xe9: {  	[sflag:s10] =	ssyncset.done $0x0  }
0xea: {  	s9 =	rddreg [dreg:$0xf];
	[sflag:s10] =	ssyncadd.s32 $0xFFFFC000  }
0xeb: {  	[tilespmem:s14], [sflag:$0x2] =	stream.indirect.gather [hbm4b:s4+s12], $0x80, s9, s12, $0xb8;
	[tilespmem:$0x1CC00] =	vst v63  }
0xec: {  	_ =	swait.ge [sflag:s15], $0x4000  }
0xed: {  	[sflag:s15] =	ssyncset.done $0x0  }
0xee: {  	s9 =	rddreg [dreg:$0x10];
	[sflag:s15] =	ssyncadd.s32 $0xFFFFC000  }
0xef: {  	[spmem:s2] =	stream.indirect.scatter.add.f32 [tilespmem:s13], [sflag:$0x3], $0x80, s9, s12, $0xb8;
	[tilespmem:$0x1CC00] =	vst v63  }
0xf0: {  	_ =	swait.ge [sflag:s10], $0x4000  }
0xf1: {  	[sflag:s10] =	ssyncset.done $0x0  }
0xf2: {  	[sflag:s10] =	ssyncadd.s32 $0xFFFFC000  }
0xf3: {  	[tilespmem:s13], [sflag:$0x1] =	stream.indirect.gather [hbm4b:s4+s12], $0x80, s17, s12, $0xb8;
	[tilespmem:$0x1CC00] =	vst v63  }
0xf4: {  	_ =	swait.ge [sflag:s16], $0x4000  }
0xf5: {  	[sflag:s16] =	ssyncset.done $0x0  }
0xf6: {  	[sflag:s16] =	ssyncadd.s32 $0xFFFFC000  }
0xf7: {  	[spmem:s2] =	stream.indirect.scatter.add.f32 [tilespmem:s14], [sflag:$0x3], $0x80, s18, s12, $0xb8;
	[tilespmem:$0x1CC00] =	vst v63  }
0xf8: {  	_ =	swait.ge [sflag:s10], $0x4000  }
0xf9: {  	[sflag:s10] =	ssyncset.done $0x0  }
0xfa: {  	[sflag:s10] =	ssyncadd.s32 $0xFFFFC000  }
0xfb: {  	[tilespmem:s14], [sflag:$0x2] =	stream.indirect.gather [hbm4b:s4+s12], $0x80, s19, s12, $0xb8;
	[tilespmem:$0x1CC00] =	vst v63  }
0xfc: {  	_ =	swait.ge [sflag:s15], $0x4000  }
0xfd: {  	[sflag:s15] =	ssyncset.done $0x0  }
0xfe: {  	[sflag:s15] =	ssyncadd.s32 $0xFFFFC000  }
0xff: {  	[spmem:s2] =	stream.indirect.scatter.add.f32 [tilespmem:s13], [sflag:$0x3], $0x80, s20, s12, $0xb8;
	[tilespmem:$0x1CC00] =	vst v63  }
0x100: {  	_ =	swait.ge [sflag:s10], $0x4000  }
0x101: {  	[sflag:s10] =	ssyncset.done $0x0  }
0x102: {  	[sflag:s10] =	ssyncadd.s32 $0xFFFFC000  }
0x103: {  	[tilespmem:s13], [sflag:$0x1] =	stream.indirect.gather [hbm4b:s4+s12], $0x80, s21, s12, $0xb8;
	[tilespmem:$0x1CC00] =	vst v63  }
0x104: {  	_ =	swait.ge [sflag:s16], $0x4000  }
0x105: {  	[sflag:s16] =	ssyncset.done $0x0  }
0x106: {  	[sflag:s16] =	ssyncadd.s32 $0xFFFFC000  }
0x107: {  	[spmem:s2] =	stream.indirect.scatter.add.f32 [tilespmem:s14], [sflag:$0x3], $0x80, s22, s12, $0xb8;
	[tilespmem:$0x1CC00] =	vst v63  }
0x108: {  	_ =	swait.ge [sflag:s10], $0x4000  }
0x109: {  	[sflag:s10] =	ssyncset.done $0x0  }
0x10a: {  	[sflag:s10] =	ssyncadd.s32 $0xFFFFC000  }
0x10b: {  	[tilespmem:s14], [sflag:$0x2] =	stream.indirect.gather [hbm4b:s4+s12], $0x80, s23, s12, $0xb8;
	[tilespmem:$0x1CC00] =	vst v63  }
0x10c: {  	_ =	swait.ge [sflag:s15], $0x4000  }
0x10d: {  	[sflag:s15] =	ssyncset.done $0x0  }
0x10e: {  	[sflag:s15] =	ssyncadd.s32 $0xFFFFC000  }
0x10f: {  	[spmem:s2] =	stream.indirect.scatter.add.f32 [tilespmem:s13], [sflag:$0x3], $0x80, s24, s12, $0xb8;
	[tilespmem:$0x1CC00] =	vst v63  }
0x110: {  	_ =	swait.ge [sflag:s10], $0x4000  }
0x111: {  	[sflag:s10] =	ssyncset.done $0x0  }
0x112: {  	[sflag:s10] =	ssyncadd.s32 $0xFFFFC000  }
0x113: {  	[tilespmem:s13], [sflag:$0x1] =	stream.indirect.gather [hbm4b:s4+s12], $0x80, s25, s12, $0xb8;
	[tilespmem:$0x1CC00] =	vst v63  }
0x114: {  	_ =	swait.ge [sflag:s16], $0x4000  }
0x115: {  	[sflag:s16] =	ssyncset.done $0x0  }
0x116: {  	[sflag:s16] =	ssyncadd.s32 $0xFFFFC000  }
0x117: {  	[spmem:s2] =	stream.indirect.scatter.add.f32 [tilespmem:s14], [sflag:$0x3], $0x80, s26, s12, $0xb8;
	[tilespmem:$0x1CC00] =	vst v63  }
0x118: {  	_ =	swait.ge [sflag:s10], $0x4000  }
0x119: {  	[sflag:s10] =	ssyncset.done $0x0  }
0x11a: {  	[sflag:s10] =	ssyncadd.s32 $0xFFFFC000  }
0x11b: {  	[tilespmem:s14], [sflag:$0x2] =	stream.indirect.gather [hbm4b:s4+s12], $0x80, s28, s12, $0xb8;
	[tilespmem:$0x1CC00] =	vst v63  }
0x11c: {  	_ =	swait.ge [sflag:s15], $0x4000  }
0x11d: {  	[sflag:s15] =	ssyncset.done $0x0  }
0x11e: {  	[sflag:s15] =	ssyncadd.s32 $0xFFFFC000  }
0x11f: {  	[spmem:s2] =	stream.indirect.scatter.add.f32 [tilespmem:s13], [sflag:$0x3], $0x80, s29, s12, $0xb8;
	[tilespmem:$0x1CC00] =	vst v63  }
0x120: {  	_ =	swait.ge [sflag:s10], $0x4000  }
0x121: {  	[sflag:s10] =	ssyncset.done $0x0  }
0x122: {  	[sflag:s10] =	ssyncadd.s32 $0xFFFFC000  }
0x123: {  	[tilespmem:s13], [sflag:$0x1] =	stream.indirect.gather [hbm4b:s4+s12], $0x80, s30, s12, $0xb8;
	[tilespmem:$0x1CC00] =	vst v63  }
0x124: {  	_ =	swait.ge [sflag:s16], $0x4000  }
0x125: {  	[sflag:s16] =	ssyncset.done $0x0  }
0x126: {  	[sflag:s16] =	ssyncadd.s32 $0xFFFFC000  }
0x127: {  	[spmem:s2] =	stream.indirect.scatter.add.f32 [tilespmem:s14], [sflag:$0x3], $0x80, s31, s12, $0xb8;
	[tilespmem:$0x1CC00] =	vst v63  }
0x128: {  	_ =	swait.ge [sflag:s10], $0x4000  }
0x129: {  	[sflag:s10] =	ssyncset.done $0x0  }
0x12a: {  	[sflag:s10] =	ssyncadd.s32 $0xFFFFC000  }
0x12b: {  	[tilespmem:s14], [sflag:$0x2] =	stream.indirect.gather [hbm4b:s4+s12], $0x80, s1, s12, $0xb8;
	[tilespmem:$0x1CC00] =	vst v63  }
0x12c: {  	_ =	swait.ge [sflag:s15], $0x4000  }
0x12d: {  	[sflag:s15] =	ssyncset.done $0x0  }
0x12e: {  	[sflag:s15] =	ssyncadd.s32 $0xFFFFC000  }
0x12f: {  	[spmem:s2] =	stream.indirect.scatter.add.f32 [tilespmem:s13], [sflag:$0x3], $0x80, s0, s12, $0xb8;
	[tilespmem:$0x1CC00] =	vst v63  }
0x130: {  	_ =	swait.ge [sflag:s10], $0x4000  }
0x131: {  	[sflag:s10] =	ssyncset.done $0x0  }
0x132: {  	[sflag:s10] =	ssyncadd.s32 $0xFFFFC000  }
0x133: {  	p0 =	sne.s32 s6, $0x400;
	_ =	swait.ge [sflag:s16], $0x4000  }
.Ltmp0:
0x134: {  	[sflag:s16] =	ssyncset.done $0x0;
	(pc) =	sbr.rel @p0 .LBB2_2-.Ltmp0, $4  }
0x135: {  	[sflag:s16] =	ssyncadd.s32 $0xFFFFC000  }
0x136: {  	[spmem:s2] =	stream.indirect.scatter.add.f32 [tilespmem:s14], [sflag:$0x3], $0x80, s5, s12, $0xb8;
	[tilespmem:$0x1CC00] =	vst v63  }
0x137: {  	s7 =	smov.u32 s6;
	s6 =	sadd.s32 $0x100, s6;
	_ =	swait.ge [sflag:s10], $0x4000  }
0x138: {  	s8 =	smov.u32 s7;
	s9 =	rddreg [dreg:$0x4];
	[sflag:s10] =	ssyncset.done $0x0  }
0x139: {  	[sflag:s10] =	ssyncadd.s32 $0xFFFFC000;
	s6 =	sadd.s32 s8, s9  }
0x13a: {  	[tilespmem:s3], [sflag:$0x3] =	stream.linear.gather [hbm4b:s6+s3], $0x800, $0x38;
	[tilespmem:$0x1CC00] =	vst v63  }
0x13b: {  	_ =	swait.ge [sflag:s10], $0x800  }
0x13c: {  	s7 =	rddreg [dreg:$0x3];
	[sflag:s10] =	ssyncset.done $0x0  }
0x13d: {  	s6 =	sadd.s32 s8, s7;
	[sflag:s10] =	ssyncadd.s32 $0xFFFFF800  }
0x13e: {  	[tilespmem:s11], [sflag:$0x3] =	stream.linear.gather [hbm4b:s6+s3], $0x800, $0x38;
	[tilespmem:$0x1CC00] =	vst v63  }
0x13f: {  	_ =	swait.ge [sflag:s10], $0x800  }
0x140: {  	[sflag:s10] =	ssyncset.done $0x0  }
0x141: {  	[sflag:s10] =	ssyncadd.s32 $0xFFFFF800  }
0x142: {  	[tilespmem:s13], [sflag:$0x1] =	stream.indirect.gather [hbm4b:s4+s12], $0x80, s3, s12, $0xb8;
	[tilespmem:$0x1CC00] =	vst v63  }
0x143: {  	_ = 	snop  }
0x144: {  	[tilespmem:s14], [sflag:$0x2] =	stream.indirect.gather [hbm4b:s4+s12], $0x80, s12, s12, $0xb8;
	[tilespmem:$0x1CC00] =	vst v63  }
0x145: {  	_ =	swait.ge [sflag:s15], $0x4000  }
0x146: {  	[sflag:s15] =	ssyncset.done $0x0  }
0x147: {  	[sflag:s15] =	ssyncadd.s32 $0xFFFFC000  }
0x148: {  	[spmem:s2] =	stream.indirect.scatter.add.f32 [tilespmem:s13], [sflag:$0x3], $0x80, s11, s12, $0xb8;
	[tilespmem:$0x1CC00] =	vst v63  }
0x149: {  	_ =	swait.ge [sflag:s10], $0x4000  }
0x14a: {  	[sflag:s10] =	ssyncset.done $0x0  }
0x14b: {  	s9 =	rddreg [dreg:$0x5];
	[sflag:s10] =	ssyncadd.s32 $0xFFFFC000  }
0x14c: {  	[tilespmem:s13], [sflag:$0x1] =	stream.indirect.gather [hbm4b:s4+s12], $0x80, s9, s12, $0xb8;
	[tilespmem:$0x1CC00] =	vst v63  }
0x14d: {  	_ =	swait.ge [sflag:s16], $0x4000  }
0x14e: {  	[sflag:s16] =	ssyncset.done $0x0  }
0x14f: {  	s7 =	rddreg [dreg:$0x6];
	[sflag:s16] =	ssyncadd.s32 $0xFFFFC000  }
0x150: {  	[spmem:s2] =	stream.indirect.scatter.add.f32 [tilespmem:s14], [sflag:$0x3], $0x80, s7, s12, $0xb8;
	[tilespmem:$0x1CC00] =	vst v63  }
0x151: {  	_ =	swait.ge [sflag:s10], $0x4000  }
0x152: {  	[sflag:s10] =	ssyncset.done $0x0  }
0x153: {  	s8 =	rddreg [dreg:$0x7];
	[sflag:s10] =	ssyncadd.s32 $0xFFFFC000  }
0x154: {  	[tilespmem:s14], [sflag:$0x2] =	stream.indirect.gather [hbm4b:s4+s12], $0x80, s8, s12, $0xb8;
	[tilespmem:$0x1CC00] =	vst v63  }
0x155: {  	_ =	swait.ge [sflag:s15], $0x4000  }
0x156: {  	[sflag:s15] =	ssyncset.done $0x0  }
0x157: {  	s9 =	rddreg [dreg:$0x8];
	[sflag:s15] =	ssyncadd.s32 $0xFFFFC000  }
0x158: {  	[spmem:s2] =	stream.indirect.scatter.add.f32 [tilespmem:s13], [sflag:$0x3], $0x80, s9, s12, $0xb8;
	[tilespmem:$0x1CC00] =	vst v63  }
0x159: {  	_ =	swait.ge [sflag:s10], $0x4000  }
0x15a: {  	[sflag:s10] =	ssyncset.done $0x0  }
0x15b: {  	s7 =	rddreg [dreg:$0x9];
	[sflag:s10] =	ssyncadd.s32 $0xFFFFC000  }
0x15c: {  	[tilespmem:s13], [sflag:$0x1] =	stream.indirect.gather [hbm4b:s4+s12], $0x80, s7, s12, $0xb8;
	[tilespmem:$0x1CC00] =	vst v63  }
0x15d: {  	_ =	swait.ge [sflag:s16], $0x4000  }
0x15e: {  	[sflag:s16] =	ssyncset.done $0x0  }
0x15f: {  	s8 =	rddreg [dreg:$0xa];
	[sflag:s16] =	ssyncadd.s32 $0xFFFFC000  }
0x160: {  	[spmem:s2] =	stream.indirect.scatter.add.f32 [tilespmem:s14], [sflag:$0x3], $0x80, s8, s12, $0xb8;
	[tilespmem:$0x1CC00] =	vst v63  }
0x161: {  	_ =	swait.ge [sflag:s10], $0x4000  }
0x162: {  	[sflag:s10] =	ssyncset.done $0x0  }
0x163: {  	s9 =	rddreg [dreg:$0xb];
	[sflag:s10] =	ssyncadd.s32 $0xFFFFC000  }
0x164: {  	[tilespmem:s14], [sflag:$0x2] =	stream.indirect.gather [hbm4b:s4+s12], $0x80, s9, s12, $0xb8;
	[tilespmem:$0x1CC00] =	vst v63  }
0x165: {  	_ =	swait.ge [sflag:s15], $0x4000  }
0x166: {  	[sflag:s15] =	ssyncset.done $0x0  }
0x167: {  	s7 =	rddreg [dreg:$0xc];
	[sflag:s15] =	ssyncadd.s32 $0xFFFFC000  }
0x168: {  	[spmem:s2] =	stream.indirect.scatter.add.f32 [tilespmem:s13], [sflag:$0x3], $0x80, s7, s12, $0xb8;
	[tilespmem:$0x1CC00] =	vst v63  }
0x169: {  	_ =	swait.ge [sflag:s10], $0x4000  }
0x16a: {  	[sflag:s10] =	ssyncset.done $0x0  }
0x16b: {  	s8 =	rddreg [dreg:$0xd];
	[sflag:s10] =	ssyncadd.s32 $0xFFFFC000  }
0x16c: {  	[tilespmem:s13], [sflag:$0x1] =	stream.indirect.gather [hbm4b:s4+s12], $0x80, s8, s12, $0xb8;
	[tilespmem:$0x1CC00] =	vst v63  }
0x16d: {  	_ =	swait.ge [sflag:s16], $0x4000  }
0x16e: {  	[sflag:s16] =	ssyncset.done $0x0  }
0x16f: {  	s9 =	rddreg [dreg:$0xe];
	[sflag:s16] =	ssyncadd.s32 $0xFFFFC000  }
0x170: {  	[spmem:s2] =	stream.indirect.scatter.add.f32 [tilespmem:s14], [sflag:$0x3], $0x80, s9, s12, $0xb8;
	[tilespmem:$0x1CC00] =	vst v63  }
0x171: {  	_ =	swait.ge [sflag:s10], $0x4000  }
0x172: {  	[sflag:s10] =	ssyncset.done $0x0  }
0x173: {  	s7 =	rddreg [dreg:$0xf];
	[sflag:s10] =	ssyncadd.s32 $0xFFFFC000  }
0x174: {  	[tilespmem:s14], [sflag:$0x2] =	stream.indirect.gather [hbm4b:s4+s12], $0x80, s7, s12, $0xb8;
	[tilespmem:$0x1CC00] =	vst v63  }
0x175: {  	_ =	swait.ge [sflag:s15], $0x4000  }
0x176: {  	[sflag:s15] =	ssyncset.done $0x0  }
0x177: {  	s8 =	rddreg [dreg:$0x10];
	[sflag:s15] =	ssyncadd.s32 $0xFFFFC000  }
0x178: {  	[spmem:s2] =	stream.indirect.scatter.add.f32 [tilespmem:s13], [sflag:$0x3], $0x80, s8, s12, $0xb8;
	[tilespmem:$0x1CC00] =	vst v63  }
0x179: {  	_ =	swait.ge [sflag:s10], $0x4000  }
0x17a: {  	[sflag:s10] =	ssyncset.done $0x0  }
0x17b: {  	[sflag:s10] =	ssyncadd.s32 $0xFFFFC000  }
0x17c: {  	[tilespmem:s13], [sflag:$0x1] =	stream.indirect.gather [hbm4b:s4+s12], $0x80, s17, s12, $0xb8;
	[tilespmem:$0x1CC00] =	vst v63  }
0x17d: {  	_ =	swait.ge [sflag:s16], $0x4000  }
0x17e: {  	[sflag:s16] =	ssyncset.done $0x0  }
0x17f: {  	[sflag:s16] =	ssyncadd.s32 $0xFFFFC000  }
0x180: {  	[spmem:s2] =	stream.indirect.scatter.add.f32 [tilespmem:s14], [sflag:$0x3], $0x80, s18, s12, $0xb8;
	[tilespmem:$0x1CC00] =	vst v63  }
0x181: {  	_ =	swait.ge [sflag:s10], $0x4000  }
0x182: {  	[sflag:s10] =	ssyncset.done $0x0  }
0x183: {  	[sflag:s10] =	ssyncadd.s32 $0xFFFFC000  }
0x184: {  	[tilespmem:s14], [sflag:$0x2] =	stream.indirect.gather [hbm4b:s4+s12], $0x80, s19, s12, $0xb8;
	[tilespmem:$0x1CC00] =	vst v63  }
0x185: {  	_ =	swait.ge [sflag:s15], $0x4000  }
0x186: {  	[sflag:s15] =	ssyncset.done $0x0  }
0x187: {  	[sflag:s15] =	ssyncadd.s32 $0xFFFFC000  }
0x188: {  	[spmem:s2] =	stream.indirect.scatter.add.f32 [tilespmem:s13], [sflag:$0x3], $0x80, s20, s12, $0xb8;
	[tilespmem:$0x1CC00] =	vst v63  }
0x189: {  	_ =	swait.ge [sflag:s10], $0x4000  }
0x18a: {  	[sflag:s10] =	ssyncset.done $0x0  }
0x18b: {  	[sflag:s10] =	ssyncadd.s32 $0xFFFFC000  }
0x18c: {  	[tilespmem:s13], [sflag:$0x1] =	stream.indirect.gather [hbm4b:s4+s12], $0x80, s21, s12, $0xb8;
	[tilespmem:$0x1CC00] =	vst v63  }
0x18d: {  	_ =	swait.ge [sflag:s16], $0x4000  }
0x18e: {  	[sflag:s16] =	ssyncset.done $0x0  }
0x18f: {  	[sflag:s16] =	ssyncadd.s32 $0xFFFFC000  }
0x190: {  	[spmem:s2] =	stream.indirect.scatter.add.f32 [tilespmem:s14], [sflag:$0x3], $0x80, s22, s12, $0xb8;
	[tilespmem:$0x1CC00] =	vst v63  }
0x191: {  	_ =	swait.ge [sflag:s10], $0x4000  }
0x192: {  	[sflag:s10] =	ssyncset.done $0x0  }
0x193: {  	[sflag:s10] =	ssyncadd.s32 $0xFFFFC000  }
0x194: {  	[tilespmem:s14], [sflag:$0x2] =	stream.indirect.gather [hbm4b:s4+s12], $0x80, s23, s12, $0xb8;
	[tilespmem:$0x1CC00] =	vst v63  }
0x195: {  	_ =	swait.ge [sflag:s15], $0x4000  }
0x196: {  	[sflag:s15] =	ssyncset.done $0x0  }
0x197: {  	[sflag:s15] =	ssyncadd.s32 $0xFFFFC000  }
0x198: {  	[spmem:s2] =	stream.indirect.scatter.add.f32 [tilespmem:s13], [sflag:$0x3], $0x80, s24, s12, $0xb8;
	[tilespmem:$0x1CC00] =	vst v63  }
0x199: {  	_ =	swait.ge [sflag:s10], $0x4000  }
0x19a: {  	[sflag:s10] =	ssyncset.done $0x0  }
0x19b: {  	[sflag:s10] =	ssyncadd.s32 $0xFFFFC000  }
0x19c: {  	[tilespmem:s13], [sflag:$0x1] =	stream.indirect.gather [hbm4b:s4+s12], $0x80, s25, s12, $0xb8;
	[tilespmem:$0x1CC00] =	vst v63  }
0x19d: {  	_ =	swait.ge [sflag:s16], $0x4000  }
0x19e: {  	[sflag:s16] =	ssyncset.done $0x0  }
0x19f: {  	[sflag:s16] =	ssyncadd.s32 $0xFFFFC000  }
0x1a0: {  	[spmem:s2] =	stream.indirect.scatter.add.f32 [tilespmem:s14], [sflag:$0x3], $0x80, s26, s12, $0xb8;
	[tilespmem:$0x1CC00] =	vst v63  }
0x1a1: {  	_ =	swait.ge [sflag:s10], $0x4000  }
0x1a2: {  	[sflag:s10] =	ssyncset.done $0x0  }
0x1a3: {  	[sflag:s10] =	ssyncadd.s32 $0xFFFFC000  }
0x1a4: {  	[tilespmem:s14], [sflag:$0x2] =	stream.indirect.gather [hbm4b:s4+s12], $0x80, s28, s12, $0xb8;
	[tilespmem:$0x1CC00] =	vst v63  }
0x1a5: {  	_ =	swait.ge [sflag:s15], $0x4000  }
0x1a6: {  	[sflag:s15] =	ssyncset.done $0x0  }
0x1a7: {  	[sflag:s15] =	ssyncadd.s32 $0xFFFFC000  }
0x1a8: {  	[spmem:s2] =	stream.indirect.scatter.add.f32 [tilespmem:s13], [sflag:$0x3], $0x80, s29, s12, $0xb8;
	[tilespmem:$0x1CC00] =	vst v63  }
0x1a9: {  	_ =	swait.ge [sflag:s10], $0x4000  }
0x1aa: {  	[sflag:s10] =	ssyncset.done $0x0  }
0x1ab: {  	[sflag:s10] =	ssyncadd.s32 $0xFFFFC000  }
0x1ac: {  	[tilespmem:s13], [sflag:$0x1] =	stream.indirect.gather [hbm4b:s4+s12], $0x80, s30, s12, $0xb8;
	[tilespmem:$0x1CC00] =	vst v63  }
0x1ad: {  	_ =	swait.ge [sflag:s16], $0x4000  }
0x1ae: {  	[sflag:s16] =	ssyncset.done $0x0  }
0x1af: {  	[sflag:s16] =	ssyncadd.s32 $0xFFFFC000  }
0x1b0: {  	[spmem:s2] =	stream.indirect.scatter.add.f32 [tilespmem:s14], [sflag:$0x3], $0x80, s31, s12, $0xb8;
	[tilespmem:$0x1CC00] =	vst v63  }
0x1b1: {  	_ =	swait.ge [sflag:s10], $0x4000  }
0x1b2: {  	[sflag:s10] =	ssyncset.done $0x0  }
0x1b3: {  	[sflag:s10] =	ssyncadd.s32 $0xFFFFC000  }
0x1b4: {  	[tilespmem:s14], [sflag:$0x2] =	stream.indirect.gather [hbm4b:s4+s12], $0x80, s1, s12, $0xb8;
	[tilespmem:$0x1CC00] =	vst v63  }
0x1b5: {  	_ =	swait.ge [sflag:s15], $0x4000  }
0x1b6: {  	[sflag:s15] =	ssyncset.done $0x0  }
0x1b7: {  	[sflag:s15] =	ssyncadd.s32 $0xFFFFC000  }
0x1b8: {  	[spmem:s2] =	stream.indirect.scatter.add.f32 [tilespmem:s13], [sflag:$0x3], $0x80, s0, s12, $0xb8;
	[tilespmem:$0x1CC00] =	vst v63  }
0x1b9: {  	_ =	swait.ge [sflag:s10], $0x4000  }
0x1ba: {  	[sflag:s10] =	ssyncset.done $0x0  }
0x1bb: {  	[sflag:s10] =	ssyncadd.s32 $0xFFFFC000  }
0x1bc: {  	_ =	swait.ge [sflag:s16], $0x4000  }
0x1bd: {  	[sflag:s16] =	ssyncset.done $0x0  }
0x1be: {  	[sflag:s16] =	ssyncadd.s32 $0xFFFFC000  }
0x1bf: {  	[spmem:s2] =	stream.indirect.scatter.add.f32 [tilespmem:s14], [sflag:$0x3], $0x80, s5, s12, $0xb8;
	[tilespmem:$0x1CC00] =	vst v63  }
0x1c0: {  	_ =	swait.ge [sflag:s10], $0x4000  }
0x1c1: {  	[sflag:s10] =	ssyncset.done $0x0  }
0x1c2: {  	[sflag:s10] =	ssyncadd.s32 $0xFFFFC000  }
0x1c3: {  	[bflag:$0x0] =	sbarrier.arrive $0xFFFF  }
0x1c4: {  	s7 =	rddreg [dreg:$0x12]  }
0x1c5: {  	s9 =	rddreg [dreg:$0x13]  }
0x1c6: {  	s8 =	rddreg [dreg:$0x15]  }
0x1c7: {  	[hbm:s9], [sflag:s7] =	dma.local [spmem:s8], $0x2780  }
0x1c8: {  	_ =	swait.ge [sflag:s10], $0x2780  }
0x1c9: {  	s6 =	rddreg [dreg:$0x16]  }
0x1ca: {  	s9 =	sadd.s32 $0x1, s6;
	s6 =	rddreg [dreg:$0x14]  }
0x1cb: {  	p0 =	sne.s32 s9, s6  }
.Ltmp1:
0x1cc: {  	_ = 	snop;
	(pc) =	sbr.rel @p0 .LBB2_1-.Ltmp1, $3  }
0x1cd: {  	_ =	sdelay $0x1  }
0x1ce: {  	[sflag:s10] =	ssyncset.done $0x0  }
0x1cf: {  	[sflag:s10] =	ssyncadd.s32 $0xFFFFD880  }
0x1d0: {  	_ =	sfence.sel $0x180000  }
0x1d1: {  	[bflag:$0x0] =	sbarrier.arrive $0xFFFF  }
0x1d2: {  	_ =	strace $0x90000050  }
0x1d3: {  	s0 =	stileid.u32;
	[bflag:$0x2] =	sbarrier.arrive $0xFFFF  }
0x1d4: {  	p0 =	sne.s32 s0, $0x0;
	s0 =	rddreg [dreg:$0x2]  }
0x1d5: {  	s0 =	sadd.s32 @!p0 $0x100000, s0  }
0x1d6: {  	[sflag:s0] =	ssyncadd.tile.s32 @!p0 $0x1;
	_ =	shalt  }
.Lfunc_end2:
_tile_overlayer_lowered:
.L_overlay_start_2:
0x1d7: {  	(tag) =	ssettag $0x2  }
0x1d8: {  	s0 =	rddreg [dreg:$0x0];
	s2 =	stileid.u32  }
0x1d9: {  	s1 =	rddreg [dreg:$0x1];
	p0 =	sne.s32 s2, $0x0  }
0x1da: {  	s3 =	rddreg [dreg:$0x2];
	[bflag:$0x3] =	sbarrier.arrive $0xFFFF;
	s2 =	simm.s32 @!p0 $0x1C03  }
0x1db: {  	[timem:s3], [sflag:s2] =	dma.local @!p0 [hbm:s0], s1  }
0x1dc: {  	s0 =	simm.s32 @!p0 $0x3  }
0x1dd: {  	_ =	swait.ge @!p0 [sflag:s0], s1  }
0x1de: {  	s1 =	ssub.s32 @!p0 $0x0, s1;
	[sflag:s0] =	ssyncset.done @!p0 $0x0  }
0x1df: {  	[sflag:s0] =	ssyncadd.s32 @!p0 s1  }
0x1e0: {  	[bflag:$0x3] =	sbarrier.arrive $0xFFFF  }
0x1e1: {  	_ =	shalt  }

</sc_bundles>
